<compile_context>
chip_gen: v7x
topology: tpu7x:2x2x1
jax: 0.10.2.dev20260603
libtpu: 0.0.44.dev20260713+nightly
codegen_flags: <defaults>
</compile_context>

<pallas_src>
import functools

import jax
import jax.numpy as jnp
from jax import lax
from jax.experimental import pallas as pl
from jax.experimental.pallas import tpu as pltpu
from jax.experimental.pallas import tpu_sc as plsc

NC, NS, L = 2, 16, 16
NW = NC * NS
B, S, C = 32, 8192, 128
N = B * S
CHUNK = 256
NBUF = 2
VPP = C // L

SC_UNITS = 24
N_SC = SC_UNITS * 8192
N_TC = N - N_SC
PW = N_SC // NW
NCHUNK = PW // CHUNK

RB = 2048
NB_ALL = N // RB
NB_SC = N_SC // RB
NB_TC = N_TC // RB


def _make_sc_kernel():
    mesh = plsc.VectorSubcoreMesh(
        core_axis_name="c", subcore_axis_name="s",
        num_cores=NC, num_subcores=NS)

    @functools.partial(
        pl.kernel,
        out_type=jax.ShapeDtypeStruct((N_SC,), jnp.float32),
        mesh=mesh,
        scratch_types=[
            [pltpu.VMEM((CHUNK * C,), jnp.float32) for _ in range(NBUF)],
            [pltpu.SemaphoreType.DMA for _ in range(NBUF)],
            pltpu.VMEM((PW,), jnp.float32),
        ],
        compiler_params=pltpu.CompilerParams(needs_layout_passes=False),
    )
    def uncertainty_kernel(x_hbm, out_hbm, bufs, sems, obuf):
        wid = lax.axis_index("s") * NC + lax.axis_index("c")
        base = wid * PW

        def in_copy(ci, b):
            return pltpu.make_async_copy(
                x_hbm.at[pl.ds((base + ci * CHUNK) * C, CHUNK * C)],
                bufs[b], sems[b])

        for b in range(NBUF):
            in_copy(b, b).start()

        lanes = lax.iota(jnp.int32, L)
        idx0 = jnp.zeros((L,), jnp.int32)
        idx1 = jnp.ones((L,), jnp.int32)
        idx_last = jnp.full((L,), L - 1, jnp.int32)

        def bcast(v, idx):
            return lax.gather(
                v, idx[:, None],
                lax.GatherDimensionNumbers(
                    offset_dims=(), collapsed_slice_dims=(0,),
                    start_index_map=(0,)),
                slice_sizes=(1,),
                mode=lax.GatherScatterMode.PROMISE_IN_BOUNDS)

        def compute_chunk(ci, buf):
            @plsc.parallel_loop(0, CHUNK, L)
            def point_loop(i0):
                e1v = jnp.zeros((L,), jnp.float32)
                e2v = jnp.zeros((L,), jnp.float32)
                sv = jnp.ones((L,), jnp.float32)
                for p in range(L):
                    i = i0 + p
                    es = [jnp.exp(buf[pl.ds(i * C + j * L, L)])
                          for j in range(VPP)]
                    a1 = jnp.maximum(es[0], es[1])
                    a2 = jnp.minimum(es[0], es[1])
                    acc = es[0] + es[1]
                    for e in es[2:]:
                        a2 = jnp.maximum(a2, jnp.minimum(a1, e))
                        a1 = jnp.maximum(a1, e)
                        acc = acc + e
                    ks, vv = plsc.sort_key_val(a1, a2, descending=True)
                    e1p = bcast(ks, idx0)
                    e2p = jnp.maximum(bcast(ks, idx1), bcast(vv, idx0))
                    sp = bcast(plsc.cumsum(acc), idx_last)
                    sel = lanes == p
                    e1v = jnp.where(sel, e1p, e1v)
                    e2v = jnp.where(sel, e2p, e2v)
                    sv = jnp.where(sel, sp, sv)
                obuf[pl.ds(ci * CHUNK + i0, L)] = (e2v - e1v) / sv

        @pl.loop(0, NCHUNK, step=NBUF)
        def chunk_loop(g):
            for b in range(NBUF):
                ci = g + b
                in_copy(ci, b).wait()
                compute_chunk(ci, bufs[b])

                @pl.when(ci + NBUF < NCHUNK)
                def _():
                    in_copy(ci + NBUF, b).start()

        pltpu.sync_copy(obuf, out_hbm.at[pl.ds(base, PW)])

    return uncertainty_kernel


_sc_call = _make_sc_kernel()


def _tc_body(x_ref, o_ref):
    x = x_ref[0]
    e = jnp.exp(x)
    s = jnp.sum(e, axis=1)
    m1 = jnp.max(e, axis=1)
    am = jnp.argmax(e, axis=1)
    iot = lax.broadcasted_iota(jnp.int32, (RB, C), 1)
    m2 = jnp.max(jnp.where(iot == am[:, None], -jnp.inf, e), axis=1)
    o_ref[0, 0, :] = (m2 - m1) / s


_tc_call = pl.pallas_call(
    _tc_body,
    out_shape=jax.ShapeDtypeStruct((NB_TC, 1, RB), jnp.float32),
    grid=(NB_TC,),
    in_specs=[pl.BlockSpec((1, RB, C), lambda j: (NB_SC + j, 0, 0))],
    out_specs=pl.BlockSpec((1, 1, RB), lambda j: (j, 0, 0)),
)


@jax.jit
def kernel(inputs):
    x = jnp.reshape(inputs, (N * C,))
    y_sc = _sc_call(x)
    y_tc = _tc_call(jnp.reshape(inputs, (NB_ALL, RB, C)))
    out = jnp.concatenate([y_sc, jnp.reshape(y_tc, (N_TC,))])
    return jnp.reshape(out, (B, S))

# --- scband reference (transcript-rebuilt; emitter-appended) ---
"""Pipeline reference for scband-classification-uncertainty-22943715295829 (READ-ONLY COPY).

The authoritative reference and input builder live on the scoring server;
editing this copy changes nothing except your own understanding.
"""

import jax, jax.numpy as jnp
import numpy as np


def setup_inputs(seed: int = 0) -> dict:
    key = jax.random.key(seed)
    inputs = jax.random.normal(key, (32, 8192, 128), dtype=jnp.float32)
    return {"inputs": inputs}


def reference(inputs):
    # from_logits=True and channels=128 > 1 -> softmax activation
    probs = jax.nn.softmax(inputs, axis=-1)
    # top-2 scores over the channel axis
    scores, _ = jax.lax.top_k(probs, 2)
    # uncertainty = second-highest prob - highest prob (<= 0)
    uncertainty = scores[..., 1] - scores[..., 0]
    return uncertainty

if __name__ == "__main__":
    import jax
    _d = setup_inputs()
    print(jax.jit(kernel)(*tuple(_d.values())))

</pallas_src>

<mosaic_0001>
#map = affine_map<(d0, d1) -> (0)>
module attributes {stable_mosaic.version = 14 : i64} {
  func.func @uncertainty_kernel(%arg0: i32, %arg1: i32, %arg2: memref<33554432xf32, #tpu.memory_space<hbm>>, %arg3: memref<196608xf32, #tpu.memory_space<hbm>>, %arg4: memref<32768xf32, #tpu.memory_space<vmem>>, %arg5: memref<32768xf32, #tpu.memory_space<vmem>>, %arg6: memref<!tpu.dma_semaphore, #tpu.memory_space<semaphore_mem>>, %arg7: memref<!tpu.dma_semaphore, #tpu.memory_space<semaphore_mem>>, %arg8: memref<6144xf32, #tpu.memory_space<vmem>>) attributes {dimension_semantics = [#tpu.dimension_semantics<core_parallel>, #tpu.dimension_semantics<subcore_parallel>], iteration_bounds = array<i64: 2, 16>, scalar_prefetch = 0 : i64, scratch_operands = 5 : i64, tpu.core_type = #tpu.core_type<sc_vector_subcore>, window_params = [{transform_indices = #map}, {transform_indices = #map}]} {
    %mul3A = arith.constant 2 : i32
    %mul3A_0 = arith.muli %arg1, %mul3A : i32
    %add3A = arith.addi %mul3A_0, %arg0 : i32
    %mul3A_1 = arith.constant 6144 : i32
    %mul3A_2 = arith.muli %add3A, %mul3A_1 : i32
    %add3A_3 = arith.constant 0 : i32
    %add3A_4 = arith.addi %mul3A_2, %add3A_3 : i32
    %mul3A_5 = arith.constant 128 : i32
    %mul3A_6 = arith.muli %add3A_4, %mul3A_5 : i32
    %dma_start3A = tpu.memref_slice %arg2[%mul3A_6] : memref<33554432xf32, #tpu.memory_space<hbm>> -> memref<32768xf32, #tpu.memory_space<hbm>>
    %dma_start3A_7 = tpu.memref_slice %arg2[%mul3A_6] : memref<33554432xf32, #tpu.memory_space<hbm>> -> memref<32768xf32, #tpu.memory_space<hbm>>
    tpu.enqueue_dma source(%dma_start3A_7 : memref<32768xf32, #tpu.memory_space<hbm>>) target(%arg4 : memref<32768xf32, #tpu.memory_space<vmem>>) target_semaphore(%arg6 : memref<!tpu.dma_semaphore, #tpu.memory_space<semaphore_mem>>)
    %add3A_8 = arith.constant 256 : i32
    %add3A_9 = arith.addi %mul3A_2, %add3A_8 : i32
    %mul3A_10 = arith.constant 128 : i32
    %mul3A_11 = arith.muli %add3A_9, %mul3A_10 : i32
    %dma_start3A_12 = tpu.memref_slice %arg2[%mul3A_11] : memref<33554432xf32, #tpu.memory_space<hbm>> -> memref<32768xf32, #tpu.memory_space<hbm>>
    %dma_start3A_13 = tpu.memref_slice %arg2[%mul3A_11] : memref<33554432xf32, #tpu.memory_space<hbm>> -> memref<32768xf32, #tpu.memory_space<hbm>>
    tpu.enqueue_dma source(%dma_start3A_13 : memref<32768xf32, #tpu.memory_space<hbm>>) target(%arg5 : memref<32768xf32, #tpu.memory_space<vmem>>) target_semaphore(%arg7 : memref<!tpu.dma_semaphore, #tpu.memory_space<semaphore_mem>>)
    %iota3A = tpu.iota {dimensions = array<i32: 0>} : vector<16xi32>
    %broadcast_in_dim3A = arith.constant 0 : i32
    %broadcast_in_dim3A_14 = vector.broadcast %broadcast_in_dim3A : i32 to vector<16xi32>
    %broadcast_in_dim3A_15 = arith.constant 1 : i32
    %broadcast_in_dim3A_16 = vector.broadcast %broadcast_in_dim3A_15 : i32 to vector<16xi32>
    %broadcast_in_dim3A_17 = arith.constant 15 : i32
    %broadcast_in_dim3A_18 = vector.broadcast %broadcast_in_dim3A_17 : i32 to vector<16xi32>
    %scan3A = arith.constant 0 : i32
    %scan3A_19 = arith.constant 12 : i32
    %scan3A_20 = arith.addi %scan3A, %scan3A_19 : i32
    %scan3A_21 = arith.constant 1 : i32
    scf.for %scan3A_23 = %scan3A to %scan3A_20 step %scan3A_21  : i32 {
      %mul3A_24 = arith.constant 2 : i32
      %mul3A_25 = arith.muli %scan3A_23, %mul3A_24 : i32
      %add3A_26 = arith.constant 0 : i32
      %add3A_27 = arith.addi %add3A_26, %mul3A_25 : i32
      %add3A_28 = arith.constant 0 : i32
      %add3A_29 = arith.addi %add3A_27, %add3A_28 : i32
      %mul3A_30 = arith.constant 256 : i32
      %mul3A_31 = arith.muli %add3A_29, %mul3A_30 : i32
      %add3A_32 = arith.addi %mul3A_2, %mul3A_31 : i32
      %mul3A_33 = arith.constant 128 : i32
      %mul3A_34 = arith.muli %add3A_32, %mul3A_33 : i32
      %dma_wait3A = tpu.memref_slice %arg2[%mul3A_34] : memref<33554432xf32, #tpu.memory_space<hbm>> -> memref<32768xf32, #tpu.memory_space<hbm>>
      %dma_wait3A_35 = tpu.memref_slice %arg2[%mul3A_34] : memref<33554432xf32, #tpu.memory_space<hbm>> -> memref<32768xf32, #tpu.memory_space<hbm>>
      tpu.wait_dma2 semaphore(%arg6 : memref<!tpu.dma_semaphore, #tpu.memory_space<semaphore_mem>>) src(%dma_wait3A_35 : memref<32768xf32, #tpu.memory_space<hbm>>) dst(%arg4 : memref<32768xf32, #tpu.memory_space<vmem>>)
      %parallel_loop3A = arith.constant 0 : i32
      %parallel_loop3A_36 = arith.constant 256 : i32
      %parallel_loop3A_37 = arith.constant 16 : i32
      scf.for %parallel_loop3A_61 = %parallel_loop3A to %parallel_loop3A_36 step %parallel_loop3A_37  : i32 {
        %parallel_loop3A_62 = arith.constant 0.000000e+00 : f32
        %parallel_loop3A_63 = vector.broadcast %parallel_loop3A_62 : f32 to vector<16xf32>
        %parallel_loop3A_64 = arith.constant 0.000000e+00 : f32
        %parallel_loop3A_65 = vector.broadcast %parallel_loop3A_64 : f32 to vector<16xf32>
        %parallel_loop3A_66 = arith.constant 1.000000e+00 : f32
        %parallel_loop3A_67 = vector.broadcast %parallel_loop3A_66 : f32 to vector<16xf32>
        %parallel_loop3A_68 = arith.constant 0 : i32
        %parallel_loop3A_69 = arith.addi %parallel_loop3A_61, %parallel_loop3A_68 : i32
        %parallel_loop3A_70 = arith.constant 128 : i32
        %parallel_loop3A_71 = arith.muli %parallel_loop3A_69, %parallel_loop3A_70 : i32
        %parallel_loop3A_72 = arith.constant 0 : i32
        %parallel_loop3A_73 = arith.addi %parallel_loop3A_71, %parallel_loop3A_72 : i32
        %parallel_loop3A_74 = arith.index_cast %parallel_loop3A_73 : i32 to index
        %parallel_loop3A_75 = tpu.vector_load %arg4[%parallel_loop3A_74] {strides = array<i32>} : memref<32768xf32, #tpu.memory_space<vmem>>, vector<16xf32>,
        %parallel_loop3A_76 = math.exp %parallel_loop3A_75 : vector<16xf32>
        %parallel_loop3A_77 = arith.constant 128 : i32
        %parallel_loop3A_78 = arith.muli %parallel_loop3A_69, %parallel_loop3A_77 : i32
        %parallel_loop3A_79 = arith.constant 16 : i32
        %parallel_loop3A_80 = arith.addi %parallel_loop3A_78, %parallel_loop3A_79 : i32
        %parallel_loop3A_81 = arith.index_cast %parallel_loop3A_80 : i32 to index
        %parallel_loop3A_82 = tpu.vector_load %arg4[%parallel_loop3A_81] {strides = array<i32>} : memref<32768xf32, #tpu.memory_space<vmem>>, vector<16xf32>,
        %parallel_loop3A_83 = math.exp %parallel_loop3A_82 : vector<16xf32>
        %parallel_loop3A_84 = arith.constant 128 : i32
        %parallel_loop3A_85 = arith.muli %parallel_loop3A_69, %parallel_loop3A_84 : i32
        %parallel_loop3A_86 = arith.constant 32 : i32
        %parallel_loop3A_87 = arith.addi %parallel_loop3A_85, %parallel_loop3A_86 : i32
        %parallel_loop3A_88 = arith.index_cast %parallel_loop3A_87 : i32 to index
        %parallel_loop3A_89 = tpu.vector_load %arg4[%parallel_loop3A_88] {strides = array<i32>} : memref<32768xf32, #tpu.memory_space<vmem>>, vector<16xf32>,
        %parallel_loop3A_90 = math.exp %parallel_loop3A_89 : vector<16xf32>
        %parallel_loop3A_91 = arith.constant 128 : i32
        %parallel_loop3A_92 = arith.muli %parallel_loop3A_69, %parallel_loop3A_91 : i32
        %parallel_loop3A_93 = arith.constant 48 : i32
        %parallel_loop3A_94 = arith.addi %parallel_loop3A_92, %parallel_loop3A_93 : i32
        %parallel_loop3A_95 = arith.index_cast %parallel_loop3A_94 : i32 to index
        %parallel_loop3A_96 = tpu.vector_load %arg4[%parallel_loop3A_95] {strides = array<i32>} : memref<32768xf32, #tpu.memory_space<vmem>>, vector<16xf32>,
        %parallel_loop3A_97 = math.exp %parallel_loop3A_96 : vector<16xf32>
        %parallel_loop3A_98 = arith.constant 128 : i32
        %parallel_loop3A_99 = arith.muli %parallel_loop3A_69, %parallel_loop3A_98 : i32
        %parallel_loop3A_100 = arith.constant 64 : i32
        %parallel_loop3A_101 = arith.addi %parallel_loop3A_99, %parallel_loop3A_100 : i32
        %parallel_loop3A_102 = arith.index_cast %parallel_loop3A_101 : i32 to index
        %parallel_loop3A_103 = tpu.vector_load %arg4[%parallel_loop3A_102] {strides = array<i32>} : memref<32768xf32, #tpu.memory_space<vmem>>, vector<16xf32>,
        %parallel_loop3A_104 = math.exp %parallel_loop3A_103 : vector<16xf32>
        %parallel_loop3A_105 = arith.constant 128 : i32
        %parallel_loop3A_106 = arith.muli %parallel_loop3A_69, %parallel_loop3A_105 : i32
        %parallel_loop3A_107 = arith.constant 80 : i32
        %parallel_loop3A_108 = arith.addi %parallel_loop3A_106, %parallel_loop3A_107 : i32
        %parallel_loop3A_109 = arith.index_cast %parallel_loop3A_108 : i32 to index
        %parallel_loop3A_110 = tpu.vector_load %arg4[%parallel_loop3A_109] {strides = array<i32>} : memref<32768xf32, #tpu.memory_space<vmem>>, vector<16xf32>,
        %parallel_loop3A_111 = math.exp %parallel_loop3A_110 : vector<16xf32>
        %parallel_loop3A_112 = arith.constant 128 : i32
        %parallel_loop3A_113 = arith.muli %parallel_loop3A_69, %parallel_loop3A_112 : i32
        %parallel_loop3A_114 = arith.constant 96 : i32
        %parallel_loop3A_115 = arith.addi %parallel_loop3A_113, %parallel_loop3A_114 : i32
        %parallel_loop3A_116 = arith.index_cast %parallel_loop3A_115 : i32 to index
        %parallel_loop3A_117 = tpu.vector_load %arg4[%parallel_loop3A_116] {strides = array<i32>} : memref<32768xf32, #tpu.memory_space<vmem>>, vector<16xf32>,
        %parallel_loop3A_118 = math.exp %parallel_loop3A_117 : vector<16xf32>
        %parallel_loop3A_119 = arith.constant 128 : i32
        %parallel_loop3A_120 = arith.muli %parallel_loop3A_69, %parallel_loop3A_119 : i32
        %parallel_loop3A_121 = arith.constant 112 : i32
        %parallel_loop3A_122 = arith.addi %parallel_loop3A_120, %parallel_loop3A_121 : i32
        %parallel_loop3A_123 = arith.index_cast %parallel_loop3A_122 : i32 to index
        %parallel_loop3A_124 = tpu.vector_load %arg4[%parallel_loop3A_123] {strides = array<i32>} : memref<32768xf32, #tpu.memory_space<vmem>>, vector<16xf32>,
        %parallel_loop3A_125 = math.exp %parallel_loop3A_124 : vector<16xf32>
        %parallel_loop3A_126 = arith.maximumf %parallel_loop3A_76, %parallel_loop3A_83 : vector<16xf32>
        %parallel_loop3A_127 = arith.minimumf %parallel_loop3A_76, %parallel_loop3A_83 : vector<16xf32>
        %parallel_loop3A_128 = arith.addf %parallel_loop3A_76, %parallel_loop3A_83 : vector<16xf32>
        %parallel_loop3A_129 = arith.minimumf %parallel_loop3A_126, %parallel_loop3A_90 : vector<16xf32>
        %parallel_loop3A_130 = arith.maximumf %parallel_loop3A_127, %parallel_loop3A_129 : vector<16xf32>
        %parallel_loop3A_131 = arith.maximumf %parallel_loop3A_126, %parallel_loop3A_90 : vector<16xf32>
        %parallel_loop3A_132 = arith.addf %parallel_loop3A_128, %parallel_loop3A_90 : vector<16xf32>
        %parallel_loop3A_133 = arith.minimumf %parallel_loop3A_131, %parallel_loop3A_97 : vector<16xf32>
        %parallel_loop3A_134 = arith.maximumf %parallel_loop3A_130, %parallel_loop3A_133 : vector<16xf32>
        %parallel_loop3A_135 = arith.maximumf %parallel_loop3A_131, %parallel_loop3A_97 : vector<16xf32>
        %parallel_loop3A_136 = arith.addf %parallel_loop3A_132, %parallel_loop3A_97 : vector<16xf32>
        %parallel_loop3A_137 = arith.minimumf %parallel_loop3A_135, %parallel_loop3A_104 : vector<16xf32>
        %parallel_loop3A_138 = arith.maximumf %parallel_loop3A_134, %parallel_loop3A_137 : vector<16xf32>
        %parallel_loop3A_139 = arith.maximumf %parallel_loop3A_135, %parallel_loop3A_104 : vector<16xf32>
        %parallel_loop3A_140 = arith.addf %parallel_loop3A_136, %parallel_loop3A_104 : vector<16xf32>
        %parallel_loop3A_141 = arith.minimumf %parallel_loop3A_139, %parallel_loop3A_111 : vector<16xf32>
        %parallel_loop3A_142 = arith.maximumf %parallel_loop3A_138, %parallel_loop3A_141 : vector<16xf32>
        %parallel_loop3A_143 = arith.maximumf %parallel_loop3A_139, %parallel_loop3A_111 : vector<16xf32>
        %parallel_loop3A_144 = arith.addf %parallel_loop3A_140, %parallel_loop3A_111 : vector<16xf32>
        %parallel_loop3A_145 = arith.minimumf %parallel_loop3A_143, %parallel_loop3A_118 : vector<16xf32>
        %parallel_loop3A_146 = arith.maximumf %parallel_loop3A_142, %parallel_loop3A_145 : vector<16xf32>
        %parallel_loop3A_147 = arith.maximumf %parallel_loop3A_143, %parallel_loop3A_118 : vector<16xf32>
        %parallel_loop3A_148 = arith.addf %parallel_loop3A_144, %parallel_loop3A_118 : vector<16xf32>
        %parallel_loop3A_149 = arith.minimumf %parallel_loop3A_147, %parallel_loop3A_125 : vector<16xf32>
        %parallel_loop3A_150 = arith.maximumf %parallel_loop3A_146, %parallel_loop3A_149 : vector<16xf32>
        %parallel_loop3A_151 = arith.maximumf %parallel_loop3A_147, %parallel_loop3A_125 : vector<16xf32>
        %parallel_loop3A_152 = arith.addf %parallel_loop3A_148, %parallel_loop3A_125 : vector<16xf32>
        %parallel_loop3A_153 = arith.constant dense<true> : vector<16xi1>
        %parallel_loop3A_154, %parallel_loop3A_155, %parallel_loop3A_156 = tpu.sort %parallel_loop3A_151, %parallel_loop3A_150 masked %parallel_loop3A_153 {descending = true} : (vector<16xf32>, vector<16xf32>, vector<16xi1>) -> (vector<16xi1>, vector<16xf32>, vector<16xf32>)
        %parallel_loop3A_157 = vector.shape_cast %broadcast_in_dim3A_14 : vector<16xi32> to vector<16x1xi32>
        %parallel_loop3A_158 = vector.shape_cast %parallel_loop3A_157 : vector<16x1xi32> to vector<16xi32>
        %parallel_loop3A_159 = tpu.dynamic_gather %parallel_loop3A_155[%parallel_loop3A_158] in [0] : vector<16xf32>, vector<16xi32> -> vector<16xf32>
        %parallel_loop3A_160 = vector.shape_cast %broadcast_in_dim3A_16 : vector<16xi32> to vector<16x1xi32>
        %parallel_loop3A_161 = vector.shape_cast %parallel_loop3A_160 : vector<16x1xi32> to vector<16xi32>
        %parallel_loop3A_162 = tpu.dynamic_gather %parallel_loop3A_155[%parallel_loop3A_161] in [0] : vector<16xf32>, vector<16xi32> -> vector<16xf32>
        %parallel_loop3A_163 = vector.shape_cast %broadcast_in_dim3A_14 : vector<16xi32> to vector<16x1xi32>
        %parallel_loop3A_164 = vector.shape_cast %parallel_loop3A_163 : vector<16x1xi32> to vector<16xi32>
        %parallel_loop3A_165 = tpu.dynamic_gather %parallel_loop3A_156[%parallel_loop3A_164] in [0] : vector<16xf32>, vector<16xi32> -> vector<16xf32>
        %parallel_loop3A_166 = arith.maximumf %parallel_loop3A_162, %parallel_loop3A_165 : vector<16xf32>
        %parallel_loop3A_167 = arith.constant true
        %parallel_loop3A_168 = vector.broadcast %parallel_loop3A_167 : i1 to vector<16xi1>
        %parallel_loop3A_169 = tpu.scan <sum>, %parallel_loop3A_152 masked %parallel_loop3A_168 : vector<16xf32>, vector<16xi1> -> vector<16xf32>
        %parallel_loop3A_170 = vector.shape_cast %broadcast_in_dim3A_18 : vector<16xi32> to vector<16x1xi32>
        %parallel_loop3A_171 = vector.shape_cast %parallel_loop3A_170 : vector<16x1xi32> to vector<16xi32>
        %parallel_loop3A_172 = tpu.dynamic_gather %parallel_loop3A_169[%parallel_loop3A_171] in [0] : vector<16xf32>, vector<16xi32> -> vector<16xf32>
        %parallel_loop3A_173 = arith.constant 0 : i32
        %parallel_loop3A_174 = vector.broadcast %parallel_loop3A_173 : i32 to vector<16xi32>
        %parallel_loop3A_175 = arith.cmpi eq, %iota3A, %parallel_loop3A_174 : vector<16xi32>
        %parallel_loop3A_176 = arith.select %parallel_loop3A_175, %parallel_loop3A_159, %parallel_loop3A_63 : vector<16xi1>, vector<16xf32>
        %parallel_loop3A_177 = arith.select %parallel_loop3A_175, %parallel_loop3A_166, %parallel_loop3A_65 : vector<16xi1>, vector<16xf32>
        %parallel_loop3A_178 = arith.select %parallel_loop3A_175, %parallel_loop3A_172, %parallel_loop3A_67 : vector<16xi1>, vector<16xf32>
        %parallel_loop3A_179 = arith.constant 1 : i32
        %parallel_loop3A_180 = arith.addi %parallel_loop3A_61, %parallel_loop3A_179 : i32
        %parallel_loop3A_181 = arith.constant 128 : i32
        %parallel_loop3A_182 = arith.muli %parallel_loop3A_180, %parallel_loop3A_181 : i32
        %parallel_loop3A_183 = arith.constant 0 : i32
        %parallel_loop3A_184 = arith.addi %parallel_loop3A_182, %parallel_loop3A_183 : i32
        %parallel_loop3A_185 = arith.index_cast %parallel_loop3A_184 : i32 to index
        %parallel_loop3A_186 = tpu.vector_load %arg4[%parallel_loop3A_185] {strides = array<i32>} : memref<32768xf32, #tpu.memory_space<vmem>>, vector<16xf32>,
        %parallel_loop3A_187 = math.exp %parallel_loop3A_186 : vector<16xf32>
        %parallel_loop3A_188 = arith.constant 128 : i32
        %parallel_loop3A_189 = arith.muli %parallel_loop3A_180, %parallel_loop3A_188 : i32
        %parallel_loop3A_190 = arith.constant 16 : i32
        %parallel_loop3A_191 = arith.addi %parallel_loop3A_189, %parallel_loop3A_190 : i32
        %parallel_loop3A_192 = arith.index_cast %parallel_loop3A_191 : i32 to index
        %parallel_loop3A_193 = tpu.vector_load %arg4[%parallel_loop3A_192] {strides = array<i32>} : memref<32768xf32, #tpu.memory_space<vmem>>, vector<16xf32>,
        %parallel_loop3A_194 = math.exp %parallel_loop3A_193 : vector<16xf32>
        %parallel_loop3A_195 = arith.constant 128 : i32
        %parallel_loop3A_196 = arith.muli %parallel_loop3A_180, %parallel_loop3A_195 : i32
        %parallel_loop3A_197 = arith.constant 32 : i32
        %parallel_loop3A_198 = arith.addi %parallel_loop3A_196, %parallel_loop3A_197 : i32
        %parallel_loop3A_199 = arith.index_cast %parallel_loop3A_198 : i32 to index
        %parallel_loop3A_200 = tpu.vector_load %arg4[%parallel_loop3A_199] {strides = array<i32>} : memref<32768xf32, #tpu.memory_space<vmem>>, vector<16xf32>,
        %parallel_loop3A_201 = math.exp %parallel_loop3A_200 : vector<16xf32>
        %parallel_loop3A_202 = arith.constant 128 : i32
        %parallel_loop3A_203 = arith.muli %parallel_loop3A_180, %parallel_loop3A_202 : i32
        %parallel_loop3A_204 = arith.constant 48 : i32
        %parallel_loop3A_205 = arith.addi %parallel_loop3A_203, %parallel_loop3A_204 : i32
        %parallel_loop3A_206 = arith.index_cast %parallel_loop3A_205 : i32 to index
        %parallel_loop3A_207 = tpu.vector_load %arg4[%parallel_loop3A_206] {strides = array<i32>} : memref<32768xf32, #tpu.memory_space<vmem>>, vector<16xf32>,
        %parallel_loop3A_208 = math.exp %parallel_loop3A_207 : vector<16xf32>
        %parallel_loop3A_209 = arith.constant 128 : i32
        %parallel_loop3A_210 = arith.muli %parallel_loop3A_180, %parallel_loop3A_209 : i32
        %parallel_loop3A_211 = arith.constant 64 : i32
        %parallel_loop3A_212 = arith.addi %parallel_loop3A_210, %parallel_loop3A_211 : i32
        %parallel_loop3A_213 = arith.index_cast %parallel_loop3A_212 : i32 to index
        %parallel_loop3A_214 = tpu.vector_load %arg4[%parallel_loop3A_213] {strides = array<i32>} : memref<32768xf32, #tpu.memory_space<vmem>>, vector<16xf32>,
        %parallel_loop3A_215 = math.exp %parallel_loop3A_214 : vector<16xf32>
        %parallel_loop3A_216 = arith.constant 128 : i32
        %parallel_loop3A_217 = arith.muli %parallel_loop3A_180, %parallel_loop3A_216 : i32
        %parallel_loop3A_218 = arith.constant 80 : i32
        %parallel_loop3A_219 = arith.addi %parallel_loop3A_217, %parallel_loop3A_218 : i32
        %parallel_loop3A_220 = arith.index_cast %parallel_loop3A_219 : i32 to index
        %parallel_loop3A_221 = tpu.vector_load %arg4[%parallel_loop3A_220] {strides = array<i32>} : memref<32768xf32, #tpu.memory_space<vmem>>, vector<16xf32>,
        %parallel_loop3A_222 = math.exp %parallel_loop3A_221 : vector<16xf32>
        %parallel_loop3A_223 = arith.constant 128 : i32
        %parallel_loop3A_224 = arith.muli %parallel_loop3A_180, %parallel_loop3A_223 : i32
        %parallel_loop3A_225 = arith.constant 96 : i32
        %parallel_loop3A_226 = arith.addi %parallel_loop3A_224, %parallel_loop3A_225 : i32
        %parallel_loop3A_227 = arith.index_cast %parallel_loop3A_226 : i32 to index
        %parallel_loop3A_228 = tpu.vector_load %arg4[%parallel_loop3A_227] {strides = array<i32>} : memref<32768xf32, #tpu.memory_space<vmem>>, vector<16xf32>,
        %parallel_loop3A_229 = math.exp %parallel_loop3A_228 : vector<16xf32>
        %parallel_loop3A_230 = arith.constant 128 : i32
        %parallel_loop3A_231 = arith.muli %parallel_loop3A_180, %parallel_loop3A_230 : i32
        %parallel_loop3A_232 = arith.constant 112 : i32
        %parallel_loop3A_233 = arith.addi %parallel_loop3A_231, %parallel_loop3A_232 : i32
        %parallel_loop3A_234 = arith.index_cast %parallel_loop3A_233 : i32 to index
        %parallel_loop3A_235 = tpu.vector_load %arg4[%parallel_loop3A_234] {strides = array<i32>} : memref<32768xf32, #tpu.memory_space<vmem>>, vector<16xf32>,
        %parallel_loop3A_236 = math.exp %parallel_loop3A_235 : vector<16xf32>
        %parallel_loop3A_237 = arith.maximumf %parallel_loop3A_187, %parallel_loop3A_194 : vector<16xf32>
        %parallel_loop3A_238 = arith.minimumf %parallel_loop3A_187, %parallel_loop3A_194 : vector<16xf32>
        %parallel_loop3A_239 = arith.addf %parallel_loop3A_187, %parallel_loop3A_194 : vector<16xf32>
        %parallel_loop3A_240 = arith.minimumf %parallel_loop3A_237, %parallel_loop3A_201 : vector<16xf32>
        %parallel_loop3A_241 = arith.maximumf %parallel_loop3A_238, %parallel_loop3A_240 : vector<16xf32>
        %parallel_loop3A_242 = arith.maximumf %parallel_loop3A_237, %parallel_loop3A_201 : vector<16xf32>
        %parallel_loop3A_243 = arith.addf %parallel_loop3A_239, %parallel_loop3A_201 : vector<16xf32>
        %parallel_loop3A_244 = arith.minimumf %parallel_loop3A_242, %parallel_loop3A_208 : vector<16xf32>
        %parallel_loop3A_245 = arith.maximumf %parallel_loop3A_241, %parallel_loop3A_244 : vector<16xf32>
        %parallel_loop3A_246 = arith.maximumf %parallel_loop3A_242, %parallel_loop3A_208 : vector<16xf32>
        %parallel_loop3A_247 = arith.addf %parallel_loop3A_243, %parallel_loop3A_208 : vector<16xf32>
        %parallel_loop3A_248 = arith.minimumf %parallel_loop3A_246, %parallel_loop3A_215 : vector<16xf32>
        %parallel_loop3A_249 = arith.maximumf %parallel_loop3A_245, %parallel_loop3A_248 : vector<16xf32>
        %parallel_loop3A_250 = arith.maximumf %parallel_loop3A_246, %parallel_loop3A_215 : vector<16xf32>
        %parallel_loop3A_251 = arith.addf %parallel_loop3A_247, %parallel_loop3A_215 : vector<16xf32>
        %parallel_loop3A_252 = arith.minimumf %parallel_loop3A_250, %parallel_loop3A_222 : vector<16xf32>
        %parallel_loop3A_253 = arith.maximumf %parallel_loop3A_249, %parallel_loop3A_252 : vector<16xf32>
        %parallel_loop3A_254 = arith.maximumf %parallel_loop3A_250, %parallel_loop3A_222 : vector<16xf32>
        %parallel_loop3A_255 = arith.addf %parallel_loop3A_251, %parallel_loop3A_222 : vector<16xf32>
        %parallel_loop3A_256 = arith.minimumf %parallel_loop3A_254, %parallel_loop3A_229 : vector<16xf32>
        %parallel_loop3A_257 = arith.maximumf %parallel_loop3A_253, %parallel_loop3A_256 : vector<16xf32>
        %parallel_loop3A_258 = arith.maximumf %parallel_loop3A_254, %parallel_loop3A_229 : vector<16xf32>
        %parallel_loop3A_259 = arith.addf %parallel_loop3A_255, %parallel_loop3A_229 : vector<16xf32>
        %parallel_loop3A_260 = arith.minimumf %parallel_loop3A_258, %parallel_loop3A_236 : vector<16xf32>
        %parallel_loop3A_261 = arith.maximumf %parallel_loop3A_257, %parallel_loop3A_260 : vector<16xf32>
        %parallel_loop3A_262 = arith.maximumf %parallel_loop3A_258, %parallel_loop3A_236 : vector<16xf32>
        %parallel_loop3A_263 = arith.addf %parallel_loop3A_259, %parallel_loop3A_236 : vector<16xf32>
        %parallel_loop3A_264 = arith.constant dense<true> : vector<16xi1>
        %parallel_loop3A_265, %parallel_loop3A_266, %parallel_loop3A_267 = tpu.sort %parallel_loop3A_262, %parallel_loop3A_261 masked %parallel_loop3A_264 {descending = true} : (vector<16xf32>, vector<16xf32>, vector<16xi1>) -> (vector<16xi1>, vector<16xf32>, vector<16xf32>)
        %parallel_loop3A_268 = vector.shape_cast %broadcast_in_dim3A_14 : vector<16xi32> to vector<16x1xi32>
        %parallel_loop3A_269 = vector.shape_cast %parallel_loop3A_268 : vector<16x1xi32> to vector<16xi32>
        %parallel_loop3A_270 = tpu.dynamic_gather %parallel_loop3A_266[%parallel_loop3A_269] in [0] : vector<16xf32>, vector<16xi32> -> vector<16xf32>
        %parallel_loop3A_271 = vector.shape_cast %broadcast_in_dim3A_16 : vector<16xi32> to vector<16x1xi32>
        %parallel_loop3A_272 = vector.shape_cast %parallel_loop3A_271 : vector<16x1xi32> to vector<16xi32>
        %parallel_loop3A_273 = tpu.dynamic_gather %parallel_loop3A_266[%parallel_loop3A_272] in [0] : vector<16xf32>, vector<16xi32> -> vector<16xf32>
        %parallel_loop3A_274 = vector.shape_cast %broadcast_in_dim3A_14 : vector<16xi32> to vector<16x1xi32>
        %parallel_loop3A_275 = vector.shape_cast %parallel_loop3A_274 : vector<16x1xi32> to vector<16xi32>
        %parallel_loop3A_276 = tpu.dynamic_gather %parallel_loop3A_267[%parallel_loop3A_275] in [0] : vector<16xf32>, vector<16xi32> -> vector<16xf32>
        %parallel_loop3A_277 = arith.maximumf %parallel_loop3A_273, %parallel_loop3A_276 : vector<16xf32>
        %parallel_loop3A_278 = arith.constant true
        %parallel_loop3A_279 = vector.broadcast %parallel_loop3A_278 : i1 to vector<16xi1>
        %parallel_loop3A_280 = tpu.scan <sum>, %parallel_loop3A_263 masked %parallel_loop3A_279 : vector<16xf32>, vector<16xi1> -> vector<16xf32>
        %parallel_loop3A_281 = vector.shape_cast %broadcast_in_dim3A_18 : vector<16xi32> to vector<16x1xi32>
        %parallel_loop3A_282 = vector.shape_cast %parallel_loop3A_281 : vector<16x1xi32> to vector<16xi32>
        %parallel_loop3A_283 = tpu.dynamic_gather %parallel_loop3A_280[%parallel_loop3A_282] in [0] : vector<16xf32>, vector<16xi32> -> vector<16xf32>
        %parallel_loop3A_284 = arith.constant 1 : i32
        %parallel_loop3A_285 = vector.broadcast %parallel_loop3A_284 : i32 to vector<16xi32>
        %parallel_loop3A_286 = arith.cmpi eq, %iota3A, %parallel_loop3A_285 : vector<16xi32>
        %parallel_loop3A_287 = arith.select %parallel_loop3A_286, %parallel_loop3A_270, %parallel_loop3A_176 : vector<16xi1>, vector<16xf32>
        %parallel_loop3A_288 = arith.select %parallel_loop3A_286, %parallel_loop3A_277, %parallel_loop3A_177 : vector<16xi1>, vector<16xf32>
        %parallel_loop3A_289 = arith.select %parallel_loop3A_286, %parallel_loop3A_283, %parallel_loop3A_178 : vector<16xi1>, vector<16xf32>
        %parallel_loop3A_290 = arith.constant 2 : i32
        %parallel_loop3A_291 = arith.addi %parallel_loop3A_61, %parallel_loop3A_290 : i32
        %parallel_loop3A_292 = arith.constant 128 : i32
        %parallel_loop3A_293 = arith.muli %parallel_loop3A_291, %parallel_loop3A_292 : i32
        %parallel_loop3A_294 = arith.constant 0 : i32
        %parallel_loop3A_295 = arith.addi %parallel_loop3A_293, %parallel_loop3A_294 : i32
        %parallel_loop3A_296 = arith.index_cast %parallel_loop3A_295 : i32 to index
        %parallel_loop3A_297 = tpu.vector_load %arg4[%parallel_loop3A_296] {strides = array<i32>} : memref<32768xf32, #tpu.memory_space<vmem>>, vector<16xf32>,
        %parallel_loop3A_298 = math.exp %parallel_loop3A_297 : vector<16xf32>
        %parallel_loop3A_299 = arith.constant 128 : i32
        %parallel_loop3A_300 = arith.muli %parallel_loop3A_291, %parallel_loop3A_299 : i32
        %parallel_loop3A_301 = arith.constant 16 : i32
        %parallel_loop3A_302 = arith.addi %parallel_loop3A_300, %parallel_loop3A_301 : i32
        %parallel_loop3A_303 = arith.index_cast %parallel_loop3A_302 : i32 to index
        %parallel_loop3A_304 = tpu.vector_load %arg4[%parallel_loop3A_303] {strides = array<i32>} : memref<32768xf32, #tpu.memory_space<vmem>>, vector<16xf32>,
        %parallel_loop3A_305 = math.exp %parallel_loop3A_304 : vector<16xf32>
        %parallel_loop3A_306 = arith.constant 128 : i32
        %parallel_loop3A_307 = arith.muli %parallel_loop3A_291, %parallel_loop3A_306 : i32
        %parallel_loop3A_308 = arith.constant 32 : i32
        %parallel_loop3A_309 = arith.addi %parallel_loop3A_307, %parallel_loop3A_308 : i32
        %parallel_loop3A_310 = arith.index_cast %parallel_loop3A_309 : i32 to index
        %parallel_loop3A_311 = tpu.vector_load %arg4[%parallel_loop3A_310] {strides = array<i32>} : memref<32768xf32, #tpu.memory_space<vmem>>, vector<16xf32>,
        %parallel_loop3A_312 = math.exp %parallel_loop3A_311 : vector<16xf32>
        %parallel_loop3A_313 = arith.constant 128 : i32
        %parallel_loop3A_314 = arith.muli %parallel_loop3A_291, %parallel_loop3A_313 : i32
        %parallel_loop3A_315 = arith.constant 48 : i32
        %parallel_loop3A_316 = arith.addi %parallel_loop3A_314, %parallel_loop3A_315 : i32
        %parallel_loop3A_317 = arith.index_cast %parallel_loop3A_316 : i32 to index
        %parallel_loop3A_318 = tpu.vector_load %arg4[%parallel_loop3A_317] {strides = array<i32>} : memref<32768xf32, #tpu.memory_space<vmem>>, vector<16xf32>,
        %parallel_loop3A_319 = math.exp %parallel_loop3A_318 : vector<16xf32>
        %parallel_loop3A_320 = arith.constant 128 : i32
        %parallel_loop3A_321 = arith.muli %parallel_loop3A_291, %parallel_loop3A_320 : i32
        %parallel_loop3A_322 = arith.constant 64 : i32
        %parallel_loop3A_323 = arith.addi %parallel_loop3A_321, %parallel_loop3A_322 : i32
        %parallel_loop3A_324 = arith.index_cast %parallel_loop3A_323 : i32 to index
        %parallel_loop3A_325 = tpu.vector_load %arg4[%parallel_loop3A_324] {strides = array<i32>} : memref<32768xf32, #tpu.memory_space<vmem>>, vector<16xf32>,
        %parallel_loop3A_326 = math.exp %parallel_loop3A_325 : vector<16xf32>
        %parallel_loop3A_327 = arith.constant 128 : i32
        %parallel_loop3A_328 = arith.muli %parallel_loop3A_291, %parallel_loop3A_327 : i32
        %parallel_loop3A_329 = arith.constant 80 : i32
        %parallel_loop3A_330 = arith.addi %parallel_loop3A_328, %parallel_loop3A_329 : i32
        %parallel_loop3A_331 = arith.index_cast %parallel_loop3A_330 : i32 to index
        %parallel_loop3A_332 = tpu.vector_load %arg4[%parallel_loop3A_331] {strides = array<i32>} : memref<32768xf32, #tpu.memory_space<vmem>>, vector<16xf32>,
        %parallel_loop3A_333 = math.exp %parallel_loop3A_332 : vector<16xf32>
        %parallel_loop3A_334 = arith.constant 128 : i32
        %parallel_loop3A_335 = arith.muli %parallel_loop3A_291, %parallel_loop3A_334 : i32
        %parallel_loop3A_336 = arith.constant 96 : i32
        %parallel_loop3A_337 = arith.addi %parallel_loop3A_335, %parallel_loop3A_336 : i32
        %parallel_loop3A_338 = arith.index_cast %parallel_loop3A_337 : i32 to index
        %parallel_loop3A_339 = tpu.vector_load %arg4[%parallel_loop3A_338] {strides = array<i32>} : memref<32768xf32, #tpu.memory_space<vmem>>, vector<16xf32>,
        %parallel_loop3A_340 = math.exp %parallel_loop3A_339 : vector<16xf32>
        %parallel_loop3A_341 = arith.constant 128 : i32
        %parallel_loop3A_342 = arith.muli %parallel_loop3A_291, %parallel_loop3A_341 : i32
        %parallel_loop3A_343 = arith.constant 112 : i32
        %parallel_loop3A_344 = arith.addi %parallel_loop3A_342, %parallel_loop3A_343 : i32
        %parallel_loop3A_345 = arith.index_cast %parallel_loop3A_344 : i32 to index
        %parallel_loop3A_346 = tpu.vector_load %arg4[%parallel_loop3A_345] {strides = array<i32>} : memref<32768xf32, #tpu.memory_space<vmem>>, vector<16xf32>,
        %parallel_loop3A_347 = math.exp %parallel_loop3A_346 : vector<16xf32>
        %parallel_loop3A_348 = arith.maximumf %parallel_loop3A_298, %parallel_loop3A_305 : vector<16xf32>
        %parallel_loop3A_349 = arith.minimumf %parallel_loop3A_298, %parallel_loop3A_305 : vector<16xf32>
        %parallel_loop3A_350 = arith.addf %parallel_loop3A_298, %parallel_loop3A_305 : vector<16xf32>
        %parallel_loop3A_351 = arith.minimumf %parallel_loop3A_348, %parallel_loop3A_312 : vector<16xf32>
        %parallel_loop3A_352 = arith.maximumf %parallel_loop3A_349, %parallel_loop3A_351 : vector<16xf32>
        %parallel_loop3A_353 = arith.maximumf %parallel_loop3A_348, %parallel_loop3A_312 : vector<16xf32>
        %parallel_loop3A_354 = arith.addf %parallel_loop3A_350, %parallel_loop3A_312 : vector<16xf32>
        %parallel_loop3A_355 = arith.minimumf %parallel_loop3A_353, %parallel_loop3A_319 : vector<16xf32>
        %parallel_loop3A_356 = arith.maximumf %parallel_loop3A_352, %parallel_loop3A_355 : vector<16xf32>
        %parallel_loop3A_357 = arith.maximumf %parallel_loop3A_353, %parallel_loop3A_319 : vector<16xf32>
        %parallel_loop3A_358 = arith.addf %parallel_loop3A_354, %parallel_loop3A_319 : vector<16xf32>
        %parallel_loop3A_359 = arith.minimumf %parallel_loop3A_357, %parallel_loop3A_326 : vector<16xf32>
        %parallel_loop3A_360 = arith.maximumf %parallel_loop3A_356, %parallel_loop3A_359 : vector<16xf32>
        %parallel_loop3A_361 = arith.maximumf %parallel_loop3A_357, %parallel_loop3A_326 : vector<16xf32>
        %parallel_loop3A_362 = arith.addf %parallel_loop3A_358, %parallel_loop3A_326 : vector<16xf32>
        %parallel_loop3A_363 = arith.minimumf %parallel_loop3A_361, %parallel_loop3A_333 : vector<16xf32>
        %parallel_loop3A_364 = arith.maximumf %parallel_loop3A_360, %parallel_loop3A_363 : vector<16xf32>
        %parallel_loop3A_365 = arith.maximumf %parallel_loop3A_361, %parallel_loop3A_333 : vector<16xf32>
        %parallel_loop3A_366 = arith.addf %parallel_loop3A_362, %parallel_loop3A_333 : vector<16xf32>
        %parallel_loop3A_367 = arith.minimumf %parallel_loop3A_365, %parallel_loop3A_340 : vector<16xf32>
        %parallel_loop3A_368 = arith.maximumf %parallel_loop3A_364, %parallel_loop3A_367 : vector<16xf32>
        %parallel_loop3A_369 = arith.maximumf %parallel_loop3A_365, %parallel_loop3A_340 : vector<16xf32>
        %parallel_loop3A_370 = arith.addf %parallel_loop3A_366, %parallel_loop3A_340 : vector<16xf32>
        %parallel_loop3A_371 = arith.minimumf %parallel_loop3A_369, %parallel_loop3A_347 : vector<16xf32>
        %parallel_loop3A_372 = arith.maximumf %parallel_loop3A_368, %parallel_loop3A_371 : vector<16xf32>
        %parallel_loop3A_373 = arith.maximumf %parallel_loop3A_369, %parallel_loop3A_347 : vector<16xf32>
        %parallel_loop3A_374 = arith.addf %parallel_loop3A_370, %parallel_loop3A_347 : vector<16xf32>
        %parallel_loop3A_375 = arith.constant dense<true> : vector<16xi1>
        %parallel_loop3A_376, %parallel_loop3A_377, %parallel_loop3A_378 = tpu.sort %parallel_loop3A_373, %parallel_loop3A_372 masked %parallel_loop3A_375 {descending = true} : (vector<16xf32>, vector<16xf32>, vector<16xi1>) -> (vector<16xi1>, vector<16xf32>, vector<16xf32>)
        %parallel_loop3A_379 = vector.shape_cast %broadcast_in_dim3A_14 : vector<16xi32> to vector<16x1xi32>
        %parallel_loop3A_380 = vector.shape_cast %parallel_loop3A_379 : vector<16x1xi32> to vector<16xi32>
        %parallel_loop3A_381 = tpu.dynamic_gather %parallel_loop3A_377[%parallel_loop3A_380] in [0] : vector<16xf32>, vector<16xi32> -> vector<16xf32>
        %parallel_loop3A_382 = vector.shape_cast %broadcast_in_dim3A_16 : vector<16xi32> to vector<16x1xi32>
        %parallel_loop3A_383 = vector.shape_cast %parallel_loop3A_382 : vector<16x1xi32> to vector<16xi32>
        %parallel_loop3A_384 = tpu.dynamic_gather %parallel_loop3A_377[%parallel_loop3A_383] in [0] : vector<16xf32>, vector<16xi32> -> vector<16xf32>
        %parallel_loop3A_385 = vector.shape_cast %broadcast_in_dim3A_14 : vector<16xi32> to vector<16x1xi32>
        %parallel_loop3A_386 = vector.shape_cast %parallel_loop3A_385 : vector<16x1xi32> to vector<16xi32>
        %parallel_loop3A_387 = tpu.dynamic_gather %parallel_loop3A_378[%parallel_loop3A_386] in [0] : vector<16xf32>, vector<16xi32> -> vector<16xf32>
        %parallel_loop3A_388 = arith.maximumf %parallel_loop3A_384, %parallel_loop3A_387 : vector<16xf32>
        %parallel_loop3A_389 = arith.constant true
        %parallel_loop3A_390 = vector.broadcast %parallel_loop3A_389 : i1 to vector<16xi1>
        %parallel_loop3A_391 = tpu.scan <sum>, %parallel_loop3A_374 masked %parallel_loop3A_390 : vector<16xf32>, vector<16xi1> -> vector<16xf32>
        %parallel_loop3A_392 = vector.shape_cast %broadcast_in_dim3A_18 : vector<16xi32> to vector<16x1xi32>
        %parallel_loop3A_393 = vector.shape_cast %parallel_loop3A_392 : vector<16x1xi32> to vector<16xi32>
        %parallel_loop3A_394 = tpu.dynamic_gather %parallel_loop3A_391[%parallel_loop3A_393] in [0] : vector<16xf32>, vector<16xi32> -> vector<16xf32>
        %parallel_loop3A_395 = arith.constant 2 : i32
        %parallel_loop3A_396 = vector.broadcast %parallel_loop3A_395 : i32 to vector<16xi32>
        %parallel_loop3A_397 = arith.cmpi eq, %iota3A, %parallel_loop3A_396 : vector<16xi32>
        %parallel_loop3A_398 = arith.select %parallel_loop3A_397, %parallel_loop3A_381, %parallel_loop3A_287 : vector<16xi1>, vector<16xf32>
        %parallel_loop3A_399 = arith.select %parallel_loop3A_397, %parallel_loop3A_388, %parallel_loop3A_288 : vector<16xi1>, vector<16xf32>
        %parallel_loop3A_400 = arith.select %parallel_loop3A_397, %parallel_loop3A_394, %parallel_loop3A_289 : vector<16xi1>, vector<16xf32>
        %parallel_loop3A_401 = arith.constant 3 : i32
        %parallel_loop3A_402 = arith.addi %parallel_loop3A_61, %parallel_loop3A_401 : i32
        %parallel_loop3A_403 = arith.constant 128 : i32
        %parallel_loop3A_404 = arith.muli %parallel_loop3A_402, %parallel_loop3A_403 : i32
        %parallel_loop3A_405 = arith.constant 0 : i32
        %parallel_loop3A_406 = arith.addi %parallel_loop3A_404, %parallel_loop3A_405 : i32
        %parallel_loop3A_407 = arith.index_cast %parallel_loop3A_406 : i32 to index
        %parallel_loop3A_408 = tpu.vector_load %arg4[%parallel_loop3A_407] {strides = array<i32>} : memref<32768xf32, #tpu.memory_space<vmem>>, vector<16xf32>,
        %parallel_loop3A_409 = math.exp %parallel_loop3A_408 : vector<16xf32>
        %parallel_loop3A_410 = arith.constant 128 : i32
        %parallel_loop3A_411 = arith.muli %parallel_loop3A_402, %parallel_loop3A_410 : i32
        %parallel_loop3A_412 = arith.constant 16 : i32
        %parallel_loop3A_413 = arith.addi %parallel_loop3A_411, %parallel_loop3A_412 : i32
        %parallel_loop3A_414 = arith.index_cast %parallel_loop3A_413 : i32 to index
        %parallel_loop3A_415 = tpu.vector_load %arg4[%parallel_loop3A_414] {strides = array<i32>} : memref<32768xf32, #tpu.memory_space<vmem>>, vector<16xf32>,
        %parallel_loop3A_416 = math.exp %parallel_loop3A_415 : vector<16xf32>
        %parallel_loop3A_417 = arith.constant 128 : i32
        %parallel_loop3A_418 = arith.muli %parallel_loop3A_402, %parallel_loop3A_417 : i32
        %parallel_loop3A_419 = arith.constant 32 : i32
        %parallel_loop3A_420 = arith.addi %parallel_loop3A_418, %parallel_loop3A_419 : i32
        %parallel_loop3A_421 = arith.index_cast %parallel_loop3A_420 : i32 to index
        %parallel_loop3A_422 = tpu.vector_load %arg4[%parallel_loop3A_421] {strides = array<i32>} : memref<32768xf32, #tpu.memory_space<vmem>>, vector<16xf32>,
        %parallel_loop3A_423 = math.exp %parallel_loop3A_422 : vector<16xf32>
        %parallel_loop3A_424 = arith.constant 128 : i32
        %parallel_loop3A_425 = arith.muli %parallel_loop3A_402, %parallel_loop3A_424 : i32
        %parallel_loop3A_426 = arith.constant 48 : i32
        %parallel_loop3A_427 = arith.addi %parallel_loop3A_425, %parallel_loop3A_426 : i32
        %parallel_loop3A_428 = arith.index_cast %parallel_loop3A_427 : i32 to index
        %parallel_loop3A_429 = tpu.vector_load %arg4[%parallel_loop3A_428] {strides = array<i32>} : memref<32768xf32, #tpu.memory_space<vmem>>, vector<16xf32>,
        %parallel_loop3A_430 = math.exp %parallel_loop3A_429 : vector<16xf32>
        %parallel_loop3A_431 = arith.constant 128 : i32
        %parallel_loop3A_432 = arith.muli %parallel_loop3A_402, %parallel_loop3A_431 : i32
        %parallel_loop3A_433 = arith.constant 64 : i32
        %parallel_loop3A_434 = arith.addi %parallel_loop3A_432, %parallel_loop3A_433 : i32
        %parallel_loop3A_435 = arith.index_cast %parallel_loop3A_434 : i32 to index
        %parallel_loop3A_436 = tpu.vector_load %arg4[%parallel_loop3A_435] {strides = array<i32>} : memref<32768xf32, #tpu.memory_space<vmem>>, vector<16xf32>,
        %parallel_loop3A_437 = math.exp %parallel_loop3A_436 : vector<16xf32>
        %parallel_loop3A_438 = arith.constant 128 : i32
        %parallel_loop3A_439 = arith.muli %parallel_loop3A_402, %parallel_loop3A_438 : i32
        %parallel_loop3A_440 = arith.constant 80 : i32
        %parallel_loop3A_441 = arith.addi %parallel_loop3A_439, %parallel_loop3A_440 : i32
        %parallel_loop3A_442 = arith.index_cast %parallel_loop3A_441 : i32 to index
        %parallel_loop3A_443 = tpu.vector_load %arg4[%parallel_loop3A_442] {strides = array<i32>} : memref<32768xf32, #tpu.memory_space<vmem>>, vector<16xf32>,
        %parallel_loop3A_444 = math.exp %parallel_loop3A_443 : vector<16xf32>
        %parallel_loop3A_445 = arith.constant 128 : i32
        %parallel_loop3A_446 = arith.muli %parallel_loop3A_402, %parallel_loop3A_445 : i32
        %parallel_loop3A_447 = arith.constant 96 : i32
        %parallel_loop3A_448 = arith.addi %parallel_loop3A_446, %parallel_loop3A_447 : i32
        %parallel_loop3A_449 = arith.index_cast %parallel_loop3A_448 : i32 to index
        %parallel_loop3A_450 = tpu.vector_load %arg4[%parallel_loop3A_449] {strides = array<i32>} : memref<32768xf32, #tpu.memory_space<vmem>>, vector<16xf32>,
        %parallel_loop3A_451 = math.exp %parallel_loop3A_450 : vector<16xf32>
        %parallel_loop3A_452 = arith.constant 128 : i32
        %parallel_loop3A_453 = arith.muli %parallel_loop3A_402, %parallel_loop3A_452 : i32
        %parallel_loop3A_454 = arith.constant 112 : i32
        %parallel_loop3A_455 = arith.addi %parallel_loop3A_453, %parallel_loop3A_454 : i32
        %parallel_loop3A_456 = arith.index_cast %parallel_loop3A_455 : i32 to index
        %parallel_loop3A_457 = tpu.vector_load %arg4[%parallel_loop3A_456] {strides = array<i32>} : memref<32768xf32, #tpu.memory_space<vmem>>, vector<16xf32>,
        %parallel_loop3A_458 = math.exp %parallel_loop3A_457 : vector<16xf32>
        %parallel_loop3A_459 = arith.maximumf %parallel_loop3A_409, %parallel_loop3A_416 : vector<16xf32>
        %parallel_loop3A_460 = arith.minimumf %parallel_loop3A_409, %parallel_loop3A_416 : vector<16xf32>
        %parallel_loop3A_461 = arith.addf %parallel_loop3A_409, %parallel_loop3A_416 : vector<16xf32>
        %parallel_loop3A_462 = arith.minimumf %parallel_loop3A_459, %parallel_loop3A_423 : vector<16xf32>
        %parallel_loop3A_463 = arith.maximumf %parallel_loop3A_460, %parallel_loop3A_462 : vector<16xf32>
        %parallel_loop3A_464 = arith.maximumf %parallel_loop3A_459, %parallel_loop3A_423 : vector<16xf32>
        %parallel_loop3A_465 = arith.addf %parallel_loop3A_461, %parallel_loop3A_423 : vector<16xf32>
        %parallel_loop3A_466 = arith.minimumf %parallel_loop3A_464, %parallel_loop3A_430 : vector<16xf32>
        %parallel_loop3A_467 = arith.maximumf %parallel_loop3A_463, %parallel_loop3A_466 : vector<16xf32>
        %parallel_loop3A_468 = arith.maximumf %parallel_loop3A_464, %parallel_loop3A_430 : vector<16xf32>
        %parallel_loop3A_469 = arith.addf %parallel_loop3A_465, %parallel_loop3A_430 : vector<16xf32>
        %parallel_loop3A_470 = arith.minimumf %parallel_loop3A_468, %parallel_loop3A_437 : vector<16xf32>
        %parallel_loop3A_471 = arith.maximumf %parallel_loop3A_467, %parallel_loop3A_470 : vector<16xf32>
        %parallel_loop3A_472 = arith.maximumf %parallel_loop3A_468, %parallel_loop3A_437 : vector<16xf32>
        %parallel_loop3A_473 = arith.addf %parallel_loop3A_469, %parallel_loop3A_437 : vector<16xf32>
        %parallel_loop3A_474 = arith.minimumf %parallel_loop3A_472, %parallel_loop3A_444 : vector<16xf32>
        %parallel_loop3A_475 = arith.maximumf %parallel_loop3A_471, %parallel_loop3A_474 : vector<16xf32>
        %parallel_loop3A_476 = arith.maximumf %parallel_loop3A_472, %parallel_loop3A_444 : vector<16xf32>
        %parallel_loop3A_477 = arith.addf %parallel_loop3A_473, %parallel_loop3A_444 : vector<16xf32>
        %parallel_loop3A_478 = arith.minimumf %parallel_loop3A_476, %parallel_loop3A_451 : vector<16xf32>
        %parallel_loop3A_479 = arith.maximumf %parallel_loop3A_475, %parallel_loop3A_478 : vector<16xf32>
        %parallel_loop3A_480 = arith.maximumf %parallel_loop3A_476, %parallel_loop3A_451 : vector<16xf32>
        %parallel_loop3A_481 = arith.addf %parallel_loop3A_477, %parallel_loop3A_451 : vector<16xf32>
        %parallel_loop3A_482 = arith.minimumf %parallel_loop3A_480, %parallel_loop3A_458 : vector<16xf32>
        %parallel_loop3A_483 = arith.maximumf %parallel_loop3A_479, %parallel_loop3A_482 : vector<16xf32>
        %parallel_loop3A_484 = arith.maximumf %parallel_loop3A_480, %parallel_loop3A_458 : vector<16xf32>
        %parallel_loop3A_485 = arith.addf %parallel_loop3A_481, %parallel_loop3A_458 : vector<16xf32>
        %parallel_loop3A_486 = arith.constant dense<true> : vector<16xi1>
        %parallel_loop3A_487, %parallel_loop3A_488, %parallel_loop3A_489 = tpu.sort %parallel_loop3A_484, %parallel_loop3A_483 masked %parallel_loop3A_486 {descending = true} : (vector<16xf32>, vector<16xf32>, vector<16xi1>) -> (vector<16xi1>, vector<16xf32>, vector<16xf32>)
        %parallel_loop3A_490 = vector.shape_cast %broadcast_in_dim3A_14 : vector<16xi32> to vector<16x1xi32>
        %parallel_loop3A_491 = vector.shape_cast %parallel_loop3A_490 : vector<16x1xi32> to vector<16xi32>
        %parallel_loop3A_492 = tpu.dynamic_gather %parallel_loop3A_488[%parallel_loop3A_491] in [0] : vector<16xf32>, vector<16xi32> -> vector<16xf32>
        %parallel_loop3A_493 = vector.shape_cast %broadcast_in_dim3A_16 : vector<16xi32> to vector<16x1xi32>
        %parallel_loop3A_494 = vector.shape_cast %parallel_loop3A_493 : vector<16x1xi32> to vector<16xi32>
        %parallel_loop3A_495 = tpu.dynamic_gather %parallel_loop3A_488[%parallel_loop3A_494] in [0] : vector<16xf32>, vector<16xi32> -> vector<16xf32>
        %parallel_loop3A_496 = vector.shape_cast %broadcast_in_dim3A_14 : vector<16xi32> to vector<16x1xi32>
        %parallel_loop3A_497 = vector.shape_cast %parallel_loop3A_496 : vector<16x1xi32> to vector<16xi32>
        %parallel_loop3A_498 = tpu.dynamic_gather %parallel_loop3A_489[%parallel_loop3A_497] in [0] : vector<16xf32>, vector<16xi32> -> vector<16xf32>
        %parallel_loop3A_499 = arith.maximumf %parallel_loop3A_495, %parallel_loop3A_498 : vector<16xf32>
        %parallel_loop3A_500 = arith.constant true
        %parallel_loop3A_501 = vector.broadcast %parallel_loop3A_500 : i1 to vector<16xi1>
        %parallel_loop3A_502 = tpu.scan <sum>, %parallel_loop3A_485 masked %parallel_loop3A_501 : vector<16xf32>, vector<16xi1> -> vector<16xf32>
        %parallel_loop3A_503 = vector.shape_cast %broadcast_in_dim3A_18 : vector<16xi32> to vector<16x1xi32>
        %parallel_loop3A_504 = vector.shape_cast %parallel_loop3A_503 : vector<16x1xi32> to vector<16xi32>
        %parallel_loop3A_505 = tpu.dynamic_gather %parallel_loop3A_502[%parallel_loop3A_504] in [0] : vector<16xf32>, vector<16xi32> -> vector<16xf32>
        %parallel_loop3A_506 = arith.constant 3 : i32
        %parallel_loop3A_507 = vector.broadcast %parallel_loop3A_506 : i32 to vector<16xi32>
        %parallel_loop3A_508 = arith.cmpi eq, %iota3A, %parallel_loop3A_507 : vector<16xi32>
        %parallel_loop3A_509 = arith.select %parallel_loop3A_508, %parallel_loop3A_492, %parallel_loop3A_398 : vector<16xi1>, vector<16xf32>
        %parallel_loop3A_510 = arith.select %parallel_loop3A_508, %parallel_loop3A_499, %parallel_loop3A_399 : vector<16xi1>, vector<16xf32>
        %parallel_loop3A_511 = arith.select %parallel_loop3A_508, %parallel_loop3A_505, %parallel_loop3A_400 : vector<16xi1>, vector<16xf32>
        %parallel_loop3A_512 = arith.constant 4 : i32
        %parallel_loop3A_513 = arith.addi %parallel_loop3A_61, %parallel_loop3A_512 : i32
        %parallel_loop3A_514 = arith.constant 128 : i32
        %parallel_loop3A_515 = arith.muli %parallel_loop3A_513, %parallel_loop3A_514 : i32
        %parallel_loop3A_516 = arith.constant 0 : i32
        %parallel_loop3A_517 = arith.addi %parallel_loop3A_515, %parallel_loop3A_516 : i32
        %parallel_loop3A_518 = arith.index_cast %parallel_loop3A_517 : i32 to index
        %parallel_loop3A_519 = tpu.vector_load %arg4[%parallel_loop3A_518] {strides = array<i32>} : memref<32768xf32, #tpu.memory_space<vmem>>, vector<16xf32>,
        %parallel_loop3A_520 = math.exp %parallel_loop3A_519 : vector<16xf32>
        %parallel_loop3A_521 = arith.constant 128 : i32
        %parallel_loop3A_522 = arith.muli %parallel_loop3A_513, %parallel_loop3A_521 : i32
        %parallel_loop3A_523 = arith.constant 16 : i32
        %parallel_loop3A_524 = arith.addi %parallel_loop3A_522, %parallel_loop3A_523 : i32
        %parallel_loop3A_525 = arith.index_cast %parallel_loop3A_524 : i32 to index
        %parallel_loop3A_526 = tpu.vector_load %arg4[%parallel_loop3A_525] {strides = array<i32>} : memref<32768xf32, #tpu.memory_space<vmem>>, vector<16xf32>,
        %parallel_loop3A_527 = math.exp %parallel_loop3A_526 : vector<16xf32>
        %parallel_loop3A_528 = arith.constant 128 : i32
        %parallel_loop3A_529 = arith.muli %parallel_loop3A_513, %parallel_loop3A_528 : i32
        %parallel_loop3A_530 = arith.constant 32 : i32
        %parallel_loop3A_531 = arith.addi %parallel_loop3A_529, %parallel_loop3A_530 : i32
        %parallel_loop3A_532 = arith.index_cast %parallel_loop3A_531 : i32 to index
        %parallel_loop3A_533 = tpu.vector_load %arg4[%parallel_loop3A_532] {strides = array<i32>} : memref<32768xf32, #tpu.memory_space<vmem>>, vector<16xf32>,
        %parallel_loop3A_534 = math.exp %parallel_loop3A_533 : vector<16xf32>
        %parallel_loop3A_535 = arith.constant 128 : i32
        %parallel_loop3A_536 = arith.muli %parallel_loop3A_513, %parallel_loop3A_535 : i32
        %parallel_loop3A_537 = arith.constant 48 : i32
        %parallel_loop3A_538 = arith.addi %parallel_loop3A_536, %parallel_loop3A_537 : i32
        %parallel_loop3A_539 = arith.index_cast %parallel_loop3A_538 : i32 to index
        %parallel_loop3A_540 = tpu.vector_load %arg4[%parallel_loop3A_539] {strides = array<i32>} : memref<32768xf32, #tpu.memory_space<vmem>>, vector<16xf32>,
        %parallel_loop3A_541 = math.exp %parallel_loop3A_540 : vector<16xf32>
        %parallel_loop3A_542 = arith.constant 128 : i32
        %parallel_loop3A_543 = arith.muli %parallel_loop3A_513, %parallel_loop3A_542 : i32
        %parallel_loop3A_544 = arith.constant 64 : i32
        %parallel_loop3A_545 = arith.addi %parallel_loop3A_543, %parallel_loop3A_544 : i32
        %parallel_loop3A_546 = arith.index_cast %parallel_loop3A_545 : i32 to index
        %parallel_loop3A_547 = tpu.vector_load %arg4[%parallel_loop3A_546] {strides = array<i32>} : memref<32768xf32, #tpu.memory_space<vmem>>, vector<16xf32>,
        %parallel_loop3A_548 = math.exp %parallel_loop3A_547 : vector<16xf32>
        %parallel_loop3A_549 = arith.constant 128 : i32
        %parallel_loop3A_550 = arith.muli %parallel_loop3A_513, %parallel_loop3A_549 : i32
        %parallel_loop3A_551 = arith.constant 80 : i32
        %parallel_loop3A_552 = arith.addi %parallel_loop3A_550, %parallel_loop3A_551 : i32
        %parallel_loop3A_553 = arith.index_cast %parallel_loop3A_552 : i32 to index
        %parallel_loop3A_554 = tpu.vector_load %arg4[%parallel_loop3A_553] {strides = array<i32>} : memref<32768xf32, #tpu.memory_space<vmem>>, vector<16xf32>,
        %parallel_loop3A_555 = math.exp %parallel_loop3A_554 : vector<16xf32>
        %parallel_loop3A_556 = arith.constant 128 : i32
        %parallel_loop3A_557 = arith.muli %parallel_loop3A_513, %parallel_loop3A_556 : i32
        %parallel_loop3A_558 = arith.constant 96 : i32
        %parallel_loop3A_559 = arith.addi %parallel_loop3A_557, %parallel_loop3A_558 : i32
        %parallel_loop3A_560 = arith.index_cast %parallel_loop3A_559 : i32 to index
        %parallel_loop3A_561 = tpu.vector_load %arg4[%parallel_loop3A_560] {strides = array<i32>} : memref<32768xf32, #tpu.memory_space<vmem>>, vector<16xf32>,
        %parallel_loop3A_562 = math.exp %parallel_loop3A_561 : vector<16xf32>
        %parallel_loop3A_563 = arith.constant 128 : i32
        %parallel_loop3A_564 = arith.muli %parallel_loop3A_513, %parallel_loop3A_563 : i32
        %parallel_loop3A_565 = arith.constant 112 : i32
        %parallel_loop3A_566 = arith.addi %parallel_loop3A_564, %parallel_loop3A_565 : i32
        %parallel_loop3A_567 = arith.index_cast %parallel_loop3A_566 : i32 to index
        %parallel_loop3A_568 = tpu.vector_load %arg4[%parallel_loop3A_567] {strides = array<i32>} : memref<32768xf32, #tpu.memory_space<vmem>>, vector<16xf32>,
        %parallel_loop3A_569 = math.exp %parallel_loop3A_568 : vector<16xf32>
        %parallel_loop3A_570 = arith.maximumf %parallel_loop3A_520, %parallel_loop3A_527 : vector<16xf32>
        %parallel_loop3A_571 = arith.minimumf %parallel_loop3A_520, %parallel_loop3A_527 : vector<16xf32>
        %parallel_loop3A_572 = arith.addf %parallel_loop3A_520, %parallel_loop3A_527 : vector<16xf32>
        %parallel_loop3A_573 = arith.minimumf %parallel_loop3A_570, %parallel_loop3A_534 : vector<16xf32>
        %parallel_loop3A_574 = arith.maximumf %parallel_loop3A_571, %parallel_loop3A_573 : vector<16xf32>
        %parallel_loop3A_575 = arith.maximumf %parallel_loop3A_570, %parallel_loop3A_534 : vector<16xf32>
        %parallel_loop3A_576 = arith.addf %parallel_loop3A_572, %parallel_loop3A_534 : vector<16xf32>
        %parallel_loop3A_577 = arith.minimumf %parallel_loop3A_575, %parallel_loop3A_541 : vector<16xf32>
        %parallel_loop3A_578 = arith.maximumf %parallel_loop3A_574, %parallel_loop3A_577 : vector<16xf32>
        %parallel_loop3A_579 = arith.maximumf %parallel_loop3A_575, %parallel_loop3A_541 : vector<16xf32>
        %parallel_loop3A_580 = arith.addf %parallel_loop3A_576, %parallel_loop3A_541 : vector<16xf32>
        %parallel_loop3A_581 = arith.minimumf %parallel_loop3A_579, %parallel_loop3A_548 : vector<16xf32>
        %parallel_loop3A_582 = arith.maximumf %parallel_loop3A_578, %parallel_loop3A_581 : vector<16xf32>
        %parallel_loop3A_583 = arith.maximumf %parallel_loop3A_579, %parallel_loop3A_548 : vector<16xf32>
        %parallel_loop3A_584 = arith.addf %parallel_loop3A_580, %parallel_loop3A_548 : vector<16xf32>
        %parallel_loop3A_585 = arith.minimumf %parallel_loop3A_583, %parallel_loop3A_555 : vector<16xf32>
        %parallel_loop3A_586 = arith.maximumf %parallel_loop3A_582, %parallel_loop3A_585 : vector<16xf32>
        %parallel_loop3A_587 = arith.maximumf %parallel_loop3A_583, %parallel_loop3A_555 : vector<16xf32>
        %parallel_loop3A_588 = arith.addf %parallel_loop3A_584, %parallel_loop3A_555 : vector<16xf32>
        %parallel_loop3A_589 = arith.minimumf %parallel_loop3A_587, %parallel_loop3A_562 : vector<16xf32>
        %parallel_loop3A_590 = arith.maximumf %parallel_loop3A_586, %parallel_loop3A_589 : vector<16xf32>
        %parallel_loop3A_591 = arith.maximumf %parallel_loop3A_587, %parallel_loop3A_562 : vector<16xf32>
        %parallel_loop3A_592 = arith.addf %parallel_loop3A_588, %parallel_loop3A_562 : vector<16xf32>
        %parallel_loop3A_593 = arith.minimumf %parallel_loop3A_591, %parallel_loop3A_569 : vector<16xf32>
        %parallel_loop3A_594 = arith.maximumf %parallel_loop3A_590, %parallel_loop3A_593 : vector<16xf32>
        %parallel_loop3A_595 = arith.maximumf %parallel_loop3A_591, %parallel_loop3A_569 : vector<16xf32>
        %parallel_loop3A_596 = arith.addf %parallel_loop3A_592, %parallel_loop3A_569 : vector<16xf32>
        %parallel_loop3A_597 = arith.constant dense<true> : vector<16xi1>
        %parallel_loop3A_598, %parallel_loop3A_599, %parallel_loop3A_600 = tpu.sort %parallel_loop3A_595, %parallel_loop3A_594 masked %parallel_loop3A_597 {descending = true} : (vector<16xf32>, vector<16xf32>, vector<16xi1>) -> (vector<16xi1>, vector<16xf32>, vector<16xf32>)
        %parallel_loop3A_601 = vector.shape_cast %broadcast_in_dim3A_14 : vector<16xi32> to vector<16x1xi32>
        %parallel_loop3A_602 = vector.shape_cast %parallel_loop3A_601 : vector<16x1xi32> to vector<16xi32>
        %parallel_loop3A_603 = tpu.dynamic_gather %parallel_loop3A_599[%parallel_loop3A_602] in [0] : vector<16xf32>, vector<16xi32> -> vector<16xf32>
        %parallel_loop3A_604 = vector.shape_cast %broadcast_in_dim3A_16 : vector<16xi32> to vector<16x1xi32>
        %parallel_loop3A_605 = vector.shape_cast %parallel_loop3A_604 : vector<16x1xi32> to vector<16xi32>
        %parallel_loop3A_606 = tpu.dynamic_gather %parallel_loop3A_599[%parallel_loop3A_605] in [0] : vector<16xf32>, vector<16xi32> -> vector<16xf32>
        %parallel_loop3A_607 = vector.shape_cast %broadcast_in_dim3A_14 : vector<16xi32> to vector<16x1xi32>
        %parallel_loop3A_608 = vector.shape_cast %parallel_loop3A_607 : vector<16x1xi32> to vector<16xi32>
        %parallel_loop3A_609 = tpu.dynamic_gather %parallel_loop3A_600[%parallel_loop3A_608] in [0] : vector<16xf32>, vector<16xi32> -> vector<16xf32>
        %parallel_loop3A_610 = arith.maximumf %parallel_loop3A_606, %parallel_loop3A_609 : vector<16xf32>
        %parallel_loop3A_611 = arith.constant true
        %parallel_loop3A_612 = vector.broadcast %parallel_loop3A_611 : i1 to vector<16xi1>
        %parallel_loop3A_613 = tpu.scan <sum>, %parallel_loop3A_596 masked %parallel_loop3A_612 : vector<16xf32>, vector<16xi1> -> vector<16xf32>
        %parallel_loop3A_614 = vector.shape_cast %broadcast_in_dim3A_18 : vector<16xi32> to vector<16x1xi32>
        %parallel_loop3A_615 = vector.shape_cast %parallel_loop3A_614 : vector<16x1xi32> to vector<16xi32>
        %parallel_loop3A_616 = tpu.dynamic_gather %parallel_loop3A_613[%parallel_loop3A_615] in [0] : vector<16xf32>, vector<16xi32> -> vector<16xf32>
        %parallel_loop3A_617 = arith.constant 4 : i32
        %parallel_loop3A_618 = vector.broadcast %parallel_loop3A_617 : i32 to vector<16xi32>
        %parallel_loop3A_619 = arith.cmpi eq, %iota3A, %parallel_loop3A_618 : vector<16xi32>
        %parallel_loop3A_620 = arith.select %parallel_loop3A_619, %parallel_loop3A_603, %parallel_loop3A_509 : vector<16xi1>, vector<16xf32>
        %parallel_loop3A_621 = arith.select %parallel_loop3A_619, %parallel_loop3A_610, %parallel_loop3A_510 : vector<16xi1>, vector<16xf32>
        %parallel_loop3A_622 = arith.select %parallel_loop3A_619, %parallel_loop3A_616, %parallel_loop3A_511 : vector<16xi1>, vector<16xf32>
        %parallel_loop3A_623 = arith.constant 5 : i32
        %parallel_loop3A_624 = arith.addi %parallel_loop3A_61, %parallel_loop3A_623 : i32
        %parallel_loop3A_625 = arith.constant 128 : i32
        %parallel_loop3A_626 = arith.muli %parallel_loop3A_624, %parallel_loop3A_625 : i32
        %parallel_loop3A_627 = arith.constant 0 : i32
        %parallel_loop3A_628 = arith.addi %parallel_loop3A_626, %parallel_loop3A_627 : i32
        %parallel_loop3A_629 = arith.index_cast %parallel_loop3A_628 : i32 to index
        %parallel_loop3A_630 = tpu.vector_load %arg4[%parallel_loop3A_629] {strides = array<i32>} : memref<32768xf32, #tpu.memory_space<vmem>>, vector<16xf32>,
        %parallel_loop3A_631 = math.exp %parallel_loop3A_630 : vector<16xf32>
        %parallel_loop3A_632 = arith.constant 128 : i32
        %parallel_loop3A_633 = arith.muli %parallel_loop3A_624, %parallel_loop3A_632 : i32
        %parallel_loop3A_634 = arith.constant 16 : i32
        %parallel_loop3A_635 = arith.addi %parallel_loop3A_633, %parallel_loop3A_634 : i32
        %parallel_loop3A_636 = arith.index_cast %parallel_loop3A_635 : i32 to index
        %parallel_loop3A_637 = tpu.vector_load %arg4[%parallel_loop3A_636] {strides = array<i32>} : memref<32768xf32, #tpu.memory_space<vmem>>, vector<16xf32>,
        %parallel_loop3A_638 = math.exp %parallel_loop3A_637 : vector<16xf32>
        %parallel_loop3A_639 = arith.constant 128 : i32
        %parallel_loop3A_640 = arith.muli %parallel_loop3A_624, %parallel_loop3A_639 : i32
        %parallel_loop3A_641 = arith.constant 32 : i32
        %parallel_loop3A_642 = arith.addi %parallel_loop3A_640, %parallel_loop3A_641 : i32
        %parallel_loop3A_643 = arith.index_cast %parallel_loop3A_642 : i32 to index
        %parallel_loop3A_644 = tpu.vector_load %arg4[%parallel_loop3A_643] {strides = array<i32>} : memref<32768xf32, #tpu.memory_space<vmem>>, vector<16xf32>,
        %parallel_loop3A_645 = math.exp %parallel_loop3A_644 : vector<16xf32>
        %parallel_loop3A_646 = arith.constant 128 : i32
        %parallel_loop3A_647 = arith.muli %parallel_loop3A_624, %parallel_loop3A_646 : i32
        %parallel_loop3A_648 = arith.constant 48 : i32
        %parallel_loop3A_649 = arith.addi %parallel_loop3A_647, %parallel_loop3A_648 : i32
        %parallel_loop3A_650 = arith.index_cast %parallel_loop3A_649 : i32 to index
        %parallel_loop3A_651 = tpu.vector_load %arg4[%parallel_loop3A_650] {strides = array<i32>} : memref<32768xf32, #tpu.memory_space<vmem>>, vector<16xf32>,
        %parallel_loop3A_652 = math.exp %parallel_loop3A_651 : vector<16xf32>
        %parallel_loop3A_653 = arith.constant 128 : i32
        %parallel_loop3A_654 = arith.muli %parallel_loop3A_624, %parallel_loop3A_653 : i32
        %parallel_loop3A_655 = arith.constant 64 : i32
        %parallel_loop3A_656 = arith.addi %parallel_loop3A_654, %parallel_loop3A_655 : i32
        %parallel_loop3A_657 = arith.index_cast %parallel_loop3A_656 : i32 to index
        %parallel_loop3A_658 = tpu.vector_load %arg4[%parallel_loop3A_657] {strides = array<i32>} : memref<32768xf32, #tpu.memory_space<vmem>>, vector<16xf32>,
        %parallel_loop3A_659 = math.exp %parallel_loop3A_658 : vector<16xf32>
        %parallel_loop3A_660 = arith.constant 128 : i32
        %parallel_loop3A_661 = arith.muli %parallel_loop3A_624, %parallel_loop3A_660 : i32
        %parallel_loop3A_662 = arith.constant 80 : i32
        %parallel_loop3A_663 = arith.addi %parallel_loop3A_661, %parallel_loop3A_662 : i32
        %parallel_loop3A_664 = arith.index_cast %parallel_loop3A_663 : i32 to index
        %parallel_loop3A_665 = tpu.vector_load %arg4[%parallel_loop3A_664] {strides = array<i32>} : memref<32768xf32, #tpu.memory_space<vmem>>, vector<16xf32>,
        %parallel_loop3A_666 = math.exp %parallel_loop3A_665 : vector<16xf32>
        %parallel_loop3A_667 = arith.constant 128 : i32
        %parallel_loop3A_668 = arith.muli %parallel_loop3A_624, %parallel_loop3A_667 : i32
        %parallel_loop3A_669 = arith.constant 96 : i32
        %parallel_loop3A_670 = arith.addi %parallel_loop3A_668, %parallel_loop3A_669 : i32
        %parallel_loop3A_671 = arith.index_cast %parallel_loop3A_670 : i32 to index
        %parallel_loop3A_672 = tpu.vector_load %arg4[%parallel_loop3A_671] {strides = array<i32>} : memref<32768xf32, #tpu.memory_space<vmem>>, vector<16xf32>,
        %parallel_loop3A_673 = math.exp %parallel_loop3A_672 : vector<16xf32>
        %parallel_loop3A_674 = arith.constant 128 : i32
        %parallel_loop3A_675 = arith.muli %parallel_loop3A_624, %parallel_loop3A_674 : i32
        %parallel_loop3A_676 = arith.constant 112 : i32
        %parallel_loop3A_677 = arith.addi %parallel_loop3A_675, %parallel_loop3A_676 : i32
        %parallel_loop3A_678 = arith.index_cast %parallel_loop3A_677 : i32 to index
        %parallel_loop3A_679 = tpu.vector_load %arg4[%parallel_loop3A_678] {strides = array<i32>} : memref<32768xf32, #tpu.memory_space<vmem>>, vector<16xf32>,
        %parallel_loop3A_680 = math.exp %parallel_loop3A_679 : vector<16xf32>
        %parallel_loop3A_681 = arith.maximumf %parallel_loop3A_631, %parallel_loop3A_638 : vector<16xf32>
        %parallel_loop3A_682 = arith.minimumf %parallel_loop3A_631, %parallel_loop3A_638 : vector<16xf32>
        %parallel_loop3A_683 = arith.addf %parallel_loop3A_631, %parallel_loop3A_638 : vector<16xf32>
        %parallel_loop3A_684 = arith.minimumf %parallel_loop3A_681, %parallel_loop3A_645 : vector<16xf32>
        %parallel_loop3A_685 = arith.maximumf %parallel_loop3A_682, %parallel_loop3A_684 : vector<16xf32>
        %parallel_loop3A_686 = arith.maximumf %parallel_loop3A_681, %parallel_loop3A_645 : vector<16xf32>
        %parallel_loop3A_687 = arith.addf %parallel_loop3A_683, %parallel_loop3A_645 : vector<16xf32>
        %parallel_loop3A_688 = arith.minimumf %parallel_loop3A_686, %parallel_loop3A_652 : vector<16xf32>
        %parallel_loop3A_689 = arith.maximumf %parallel_loop3A_685, %parallel_loop3A_688 : vector<16xf32>
        %parallel_loop3A_690 = arith.maximumf %parallel_loop3A_686, %parallel_loop3A_652 : vector<16xf32>
        %parallel_loop3A_691 = arith.addf %parallel_loop3A_687, %parallel_loop3A_652 : vector<16xf32>
        %parallel_loop3A_692 = arith.minimumf %parallel_loop3A_690, %parallel_loop3A_659 : vector<16xf32>
        %parallel_loop3A_693 = arith.maximumf %parallel_loop3A_689, %parallel_loop3A_692 : vector<16xf32>
        %parallel_loop3A_694 = arith.maximumf %parallel_loop3A_690, %parallel_loop3A_659 : vector<16xf32>
        %parallel_loop3A_695 = arith.addf %parallel_loop3A_691, %parallel_loop3A_659 : vector<16xf32>
        %parallel_loop3A_696 = arith.minimumf %parallel_loop3A_694, %parallel_loop3A_666 : vector<16xf32>
        %parallel_loop3A_697 = arith.maximumf %parallel_loop3A_693, %parallel_loop3A_696 : vector<16xf32>
        %parallel_loop3A_698 = arith.maximumf %parallel_loop3A_694, %parallel_loop3A_666 : vector<16xf32>
        %parallel_loop3A_699 = arith.addf %parallel_loop3A_695, %parallel_loop3A_666 : vector<16xf32>
        %parallel_loop3A_700 = arith.minimumf %parallel_loop3A_698, %parallel_loop3A_673 : vector<16xf32>
        %parallel_loop3A_701 = arith.maximumf %parallel_loop3A_697, %parallel_loop3A_700 : vector<16xf32>
        %parallel_loop3A_702 = arith.maximumf %parallel_loop3A_698, %parallel_loop3A_673 : vector<16xf32>
        %parallel_loop3A_703 = arith.addf %parallel_loop3A_699, %parallel_loop3A_673 : vector<16xf32>
        %parallel_loop3A_704 = arith.minimumf %parallel_loop3A_702, %parallel_loop3A_680 : vector<16xf32>
        %parallel_loop3A_705 = arith.maximumf %parallel_loop3A_701, %parallel_loop3A_704 : vector<16xf32>
        %parallel_loop3A_706 = arith.maximumf %parallel_loop3A_702, %parallel_loop3A_680 : vector<16xf32>
        %parallel_loop3A_707 = arith.addf %parallel_loop3A_703, %parallel_loop3A_680 : vector<16xf32>
        %parallel_loop3A_708 = arith.constant dense<true> : vector<16xi1>
        %parallel_loop3A_709, %parallel_loop3A_710, %parallel_loop3A_711 = tpu.sort %parallel_loop3A_706, %parallel_loop3A_705 masked %parallel_loop3A_708 {descending = true} : (vector<16xf32>, vector<16xf32>, vector<16xi1>) -> (vector<16xi1>, vector<16xf32>, vector<16xf32>)
        %parallel_loop3A_712 = vector.shape_cast %broadcast_in_dim3A_14 : vector<16xi32> to vector<16x1xi32>
        %parallel_loop3A_713 = vector.shape_cast %parallel_loop3A_712 : vector<16x1xi32> to vector<16xi32>
        %parallel_loop3A_714 = tpu.dynamic_gather %parallel_loop3A_710[%parallel_loop3A_713] in [0] : vector<16xf32>, vector<16xi32> -> vector<16xf32>
        %parallel_loop3A_715 = vector.shape_cast %broadcast_in_dim3A_16 : vector<16xi32> to vector<16x1xi32>
        %parallel_loop3A_716 = vector.shape_cast %parallel_loop3A_715 : vector<16x1xi32> to vector<16xi32>
        %parallel_loop3A_717 = tpu.dynamic_gather %parallel_loop3A_710[%parallel_loop3A_716] in [0] : vector<16xf32>, vector<16xi32> -> vector<16xf32>
        %parallel_loop3A_718 = vector.shape_cast %broadcast_in_dim3A_14 : vector<16xi32> to vector<16x1xi32>
        %parallel_loop3A_719 = vector.shape_cast %parallel_loop3A_718 : vector<16x1xi32> to vector<16xi32>
        %parallel_loop3A_720 = tpu.dynamic_gather %parallel_loop3A_711[%parallel_loop3A_719] in [0] : vector<16xf32>, vector<16xi32> -> vector<16xf32>
        %parallel_loop3A_721 = arith.maximumf %parallel_loop3A_717, %parallel_loop3A_720 : vector<16xf32>
        %parallel_loop3A_722 = arith.constant true
        %parallel_loop3A_723 = vector.broadcast %parallel_loop3A_722 : i1 to vector<16xi1>
        %parallel_loop3A_724 = tpu.scan <sum>, %parallel_loop3A_707 masked %parallel_loop3A_723 : vector<16xf32>, vector<16xi1> -> vector<16xf32>
        %parallel_loop3A_725 = vector.shape_cast %broadcast_in_dim3A_18 : vector<16xi32> to vector<16x1xi32>
        %parallel_loop3A_726 = vector.shape_cast %parallel_loop3A_725 : vector<16x1xi32> to vector<16xi32>
        %parallel_loop3A_727 = tpu.dynamic_gather %parallel_loop3A_724[%parallel_loop3A_726] in [0] : vector<16xf32>, vector<16xi32> -> vector<16xf32>
        %parallel_loop3A_728 = arith.constant 5 : i32
        %parallel_loop3A_729 = vector.broadcast %parallel_loop3A_728 : i32 to vector<16xi32>
        %parallel_loop3A_730 = arith.cmpi eq, %iota3A, %parallel_loop3A_729 : vector<16xi32>
        %parallel_loop3A_731 = arith.select %parallel_loop3A_730, %parallel_loop3A_714, %parallel_loop3A_620 : vector<16xi1>, vector<16xf32>
        %parallel_loop3A_732 = arith.select %parallel_loop3A_730, %parallel_loop3A_721, %parallel_loop3A_621 : vector<16xi1>, vector<16xf32>
        %parallel_loop3A_733 = arith.select %parallel_loop3A_730, %parallel_loop3A_727, %parallel_loop3A_622 : vector<16xi1>, vector<16xf32>
        %parallel_loop3A_734 = arith.constant 6 : i32
        %parallel_loop3A_735 = arith.addi %parallel_loop3A_61, %parallel_loop3A_734 : i32
        %parallel_loop3A_736 = arith.constant 128 : i32
        %parallel_loop3A_737 = arith.muli %parallel_loop3A_735, %parallel_loop3A_736 : i32
        %parallel_loop3A_738 = arith.constant 0 : i32
        %parallel_loop3A_739 = arith.addi %parallel_loop3A_737, %parallel_loop3A_738 : i32
        %parallel_loop3A_740 = arith.index_cast %parallel_loop3A_739 : i32 to index
        %parallel_loop3A_741 = tpu.vector_load %arg4[%parallel_loop3A_740] {strides = array<i32>} : memref<32768xf32, #tpu.memory_space<vmem>>, vector<16xf32>,
        %parallel_loop3A_742 = math.exp %parallel_loop3A_741 : vector<16xf32>
        %parallel_loop3A_743 = arith.constant 128 : i32
        %parallel_loop3A_744 = arith.muli %parallel_loop3A_735, %parallel_loop3A_743 : i32
        %parallel_loop3A_745 = arith.constant 16 : i32
        %parallel_loop3A_746 = arith.addi %parallel_loop3A_744, %parallel_loop3A_745 : i32
        %parallel_loop3A_747 = arith.index_cast %parallel_loop3A_746 : i32 to index
        %parallel_loop3A_748 = tpu.vector_load %arg4[%parallel_loop3A_747] {strides = array<i32>} : memref<32768xf32, #tpu.memory_space<vmem>>, vector<16xf32>,
        %parallel_loop3A_749 = math.exp %parallel_loop3A_748 : vector<16xf32>
        %parallel_loop3A_750 = arith.constant 128 : i32
        %parallel_loop3A_751 = arith.muli %parallel_loop3A_735, %parallel_loop3A_750 : i32
        %parallel_loop3A_752 = arith.constant 32 : i32
        %parallel_loop3A_753 = arith.addi %parallel_loop3A_751, %parallel_loop3A_752 : i32
        %parallel_loop3A_754 = arith.index_cast %parallel_loop3A_753 : i32 to index
        %parallel_loop3A_755 = tpu.vector_load %arg4[%parallel_loop3A_754] {strides = array<i32>} : memref<32768xf32, #tpu.memory_space<vmem>>, vector<16xf32>,
        %parallel_loop3A_756 = math.exp %parallel_loop3A_755 : vector<16xf32>
        %parallel_loop3A_757 = arith.constant 128 : i32
        %parallel_loop3A_758 = arith.muli %parallel_loop3A_735, %parallel_loop3A_757 : i32
        %parallel_loop3A_759 = arith.constant 48 : i32
        %parallel_loop3A_760 = arith.addi %parallel_loop3A_758, %parallel_loop3A_759 : i32
        %parallel_loop3A_761 = arith.index_cast %parallel_loop3A_760 : i32 to index
        %parallel_loop3A_762 = tpu.vector_load %arg4[%parallel_loop3A_761] {strides = array<i32>} : memref<32768xf32, #tpu.memory_space<vmem>>, vector<16xf32>,
        %parallel_loop3A_763 = math.exp %parallel_loop3A_762 : vector<16xf32>
        %parallel_loop3A_764 = arith.constant 128 : i32
        %parallel_loop3A_765 = arith.muli %parallel_loop3A_735, %parallel_loop3A_764 : i32
        %parallel_loop3A_766 = arith.constant 64 : i32
        %parallel_loop3A_767 = arith.addi %parallel_loop3A_765, %parallel_loop3A_766 : i32
        %parallel_loop3A_768 = arith.index_cast %parallel_loop3A_767 : i32 to index
        %parallel_loop3A_769 = tpu.vector_load %arg4[%parallel_loop3A_768] {strides = array<i32>} : memref<32768xf32, #tpu.memory_space<vmem>>, vector<16xf32>,
        %parallel_loop3A_770 = math.exp %parallel_loop3A_769 : vector<16xf32>
        %parallel_loop3A_771 = arith.constant 128 : i32
        %parallel_loop3A_772 = arith.muli %parallel_loop3A_735, %parallel_loop3A_771 : i32
        %parallel_loop3A_773 = arith.constant 80 : i32
        %parallel_loop3A_774 = arith.addi %parallel_loop3A_772, %parallel_loop3A_773 : i32
        %parallel_loop3A_775 = arith.index_cast %parallel_loop3A_774 : i32 to index
        %parallel_loop3A_776 = tpu.vector_load %arg4[%parallel_loop3A_775] {strides = array<i32>} : memref<32768xf32, #tpu.memory_space<vmem>>, vector<16xf32>,
        %parallel_loop3A_777 = math.exp %parallel_loop3A_776 : vector<16xf32>
        %parallel_loop3A_778 = arith.constant 128 : i32
        %parallel_loop3A_779 = arith.muli %parallel_loop3A_735, %parallel_loop3A_778 : i32
        %parallel_loop3A_780 = arith.constant 96 : i32
        %parallel_loop3A_781 = arith.addi %parallel_loop3A_779, %parallel_loop3A_780 : i32
        %parallel_loop3A_782 = arith.index_cast %parallel_loop3A_781 : i32 to index
        %parallel_loop3A_783 = tpu.vector_load %arg4[%parallel_loop3A_782] {strides = array<i32>} : memref<32768xf32, #tpu.memory_space<vmem>>, vector<16xf32>,
        %parallel_loop3A_784 = math.exp %parallel_loop3A_783 : vector<16xf32>
        %parallel_loop3A_785 = arith.constant 128 : i32
        %parallel_loop3A_786 = arith.muli %parallel_loop3A_735, %parallel_loop3A_785 : i32
        %parallel_loop3A_787 = arith.constant 112 : i32
        %parallel_loop3A_788 = arith.addi %parallel_loop3A_786, %parallel_loop3A_787 : i32
        %parallel_loop3A_789 = arith.index_cast %parallel_loop3A_788 : i32 to index
        %parallel_loop3A_790 = tpu.vector_load %arg4[%parallel_loop3A_789] {strides = array<i32>} : memref<32768xf32, #tpu.memory_space<vmem>>, vector<16xf32>,
        %parallel_loop3A_791 = math.exp %parallel_loop3A_790 : vector<16xf32>
        %parallel_loop3A_792 = arith.maximumf %parallel_loop3A_742, %parallel_loop3A_749 : vector<16xf32>
        %parallel_loop3A_793 = arith.minimumf %parallel_loop3A_742, %parallel_loop3A_749 : vector<16xf32>
        %parallel_loop3A_794 = arith.addf %parallel_loop3A_742, %parallel_loop3A_749 : vector<16xf32>
        %parallel_loop3A_795 = arith.minimumf %parallel_loop3A_792, %parallel_loop3A_756 : vector<16xf32>
        %parallel_loop3A_796 = arith.maximumf %parallel_loop3A_793, %parallel_loop3A_795 : vector<16xf32>
        %parallel_loop3A_797 = arith.maximumf %parallel_loop3A_792, %parallel_loop3A_756 : vector<16xf32>
        %parallel_loop3A_798 = arith.addf %parallel_loop3A_794, %parallel_loop3A_756 : vector<16xf32>
        %parallel_loop3A_799 = arith.minimumf %parallel_loop3A_797, %parallel_loop3A_763 : vector<16xf32>
        %parallel_loop3A_800 = arith.maximumf %parallel_loop3A_796, %parallel_loop3A_799 : vector<16xf32>
        %parallel_loop3A_801 = arith.maximumf %parallel_loop3A_797, %parallel_loop3A_763 : vector<16xf32>
        %parallel_loop3A_802 = arith.addf %parallel_loop3A_798, %parallel_loop3A_763 : vector<16xf32>
        %parallel_loop3A_803 = arith.minimumf %parallel_loop3A_801, %parallel_loop3A_770 : vector<16xf32>
        %parallel_loop3A_804 = arith.maximumf %parallel_loop3A_800, %parallel_loop3A_803 : vector<16xf32>
        %parallel_loop3A_805 = arith.maximumf %parallel_loop3A_801, %parallel_loop3A_770 : vector<16xf32>
        %parallel_loop3A_806 = arith.addf %parallel_loop3A_802, %parallel_loop3A_770 : vector<16xf32>
        %parallel_loop3A_807 = arith.minimumf %parallel_loop3A_805, %parallel_loop3A_777 : vector<16xf32>
        %parallel_loop3A_808 = arith.maximumf %parallel_loop3A_804, %parallel_loop3A_807 : vector<16xf32>
        %parallel_loop3A_809 = arith.maximumf %parallel_loop3A_805, %parallel_loop3A_777 : vector<16xf32>
        %parallel_loop3A_810 = arith.addf %parallel_loop3A_806, %parallel_loop3A_777 : vector<16xf32>
        %parallel_loop3A_811 = arith.minimumf %parallel_loop3A_809, %parallel_loop3A_784 : vector<16xf32>
        %parallel_loop3A_812 = arith.maximumf %parallel_loop3A_808, %parallel_loop3A_811 : vector<16xf32>
        %parallel_loop3A_813 = arith.maximumf %parallel_loop3A_809, %parallel_loop3A_784 : vector<16xf32>
        %parallel_loop3A_814 = arith.addf %parallel_loop3A_810, %parallel_loop3A_784 : vector<16xf32>
        %parallel_loop3A_815 = arith.minimumf %parallel_loop3A_813, %parallel_loop3A_791 : vector<16xf32>
        %parallel_loop3A_816 = arith.maximumf %parallel_loop3A_812, %parallel_loop3A_815 : vector<16xf32>
        %parallel_loop3A_817 = arith.maximumf %parallel_loop3A_813, %parallel_loop3A_791 : vector<16xf32>
        %parallel_loop3A_818 = arith.addf %parallel_loop3A_814, %parallel_loop3A_791 : vector<16xf32>
        %parallel_loop3A_819 = arith.constant dense<true> : vector<16xi1>
        %parallel_loop3A_820, %parallel_loop3A_821, %parallel_loop3A_822 = tpu.sort %parallel_loop3A_817, %parallel_loop3A_816 masked %parallel_loop3A_819 {descending = true} : (vector<16xf32>, vector<16xf32>, vector<16xi1>) -> (vector<16xi1>, vector<16xf32>, vector<16xf32>)
        %parallel_loop3A_823 = vector.shape_cast %broadcast_in_dim3A_14 : vector<16xi32> to vector<16x1xi32>
        %parallel_loop3A_824 = vector.shape_cast %parallel_loop3A_823 : vector<16x1xi32> to vector<16xi32>
        %parallel_loop3A_825 = tpu.dynamic_gather %parallel_loop3A_821[%parallel_loop3A_824] in [0] : vector<16xf32>, vector<16xi32> -> vector<16xf32>
        %parallel_loop3A_826 = vector.shape_cast %broadcast_in_dim3A_16 : vector<16xi32> to vector<16x1xi32>
        %parallel_loop3A_827 = vector.shape_cast %parallel_loop3A_826 : vector<16x1xi32> to vector<16xi32>
        %parallel_loop3A_828 = tpu.dynamic_gather %parallel_loop3A_821[%parallel_loop3A_827] in [0] : vector<16xf32>, vector<16xi32> -> vector<16xf32>
        %parallel_loop3A_829 = vector.shape_cast %broadcast_in_dim3A_14 : vector<16xi32> to vector<16x1xi32>
        %parallel_loop3A_830 = vector.shape_cast %parallel_loop3A_829 : vector<16x1xi32> to vector<16xi32>
        %parallel_loop3A_831 = tpu.dynamic_gather %parallel_loop3A_822[%parallel_loop3A_830] in [0] : vector<16xf32>, vector<16xi32> -> vector<16xf32>
        %parallel_loop3A_832 = arith.maximumf %parallel_loop3A_828, %parallel_loop3A_831 : vector<16xf32>
        %parallel_loop3A_833 = arith.constant true
        %parallel_loop3A_834 = vector.broadcast %parallel_loop3A_833 : i1 to vector<16xi1>
        %parallel_loop3A_835 = tpu.scan <sum>, %parallel_loop3A_818 masked %parallel_loop3A_834 : vector<16xf32>, vector<16xi1> -> vector<16xf32>
        %parallel_loop3A_836 = vector.shape_cast %broadcast_in_dim3A_18 : vector<16xi32> to vector<16x1xi32>
        %parallel_loop3A_837 = vector.shape_cast %parallel_loop3A_836 : vector<16x1xi32> to vector<16xi32>
        %parallel_loop3A_838 = tpu.dynamic_gather %parallel_loop3A_835[%parallel_loop3A_837] in [0] : vector<16xf32>, vector<16xi32> -> vector<16xf32>
        %parallel_loop3A_839 = arith.constant 6 : i32
        %parallel_loop3A_840 = vector.broadcast %parallel_loop3A_839 : i32 to vector<16xi32>
        %parallel_loop3A_841 = arith.cmpi eq, %iota3A, %parallel_loop3A_840 : vector<16xi32>
        %parallel_loop3A_842 = arith.select %parallel_loop3A_841, %parallel_loop3A_825, %parallel_loop3A_731 : vector<16xi1>, vector<16xf32>
        %parallel_loop3A_843 = arith.select %parallel_loop3A_841, %parallel_loop3A_832, %parallel_loop3A_732 : vector<16xi1>, vector<16xf32>
        %parallel_loop3A_844 = arith.select %parallel_loop3A_841, %parallel_loop3A_838, %parallel_loop3A_733 : vector<16xi1>, vector<16xf32>
        %parallel_loop3A_845 = arith.constant 7 : i32
        %parallel_loop3A_846 = arith.addi %parallel_loop3A_61, %parallel_loop3A_845 : i32
        %parallel_loop3A_847 = arith.constant 128 : i32
        %parallel_loop3A_848 = arith.muli %parallel_loop3A_846, %parallel_loop3A_847 : i32
        %parallel_loop3A_849 = arith.constant 0 : i32
        %parallel_loop3A_850 = arith.addi %parallel_loop3A_848, %parallel_loop3A_849 : i32
        %parallel_loop3A_851 = arith.index_cast %parallel_loop3A_850 : i32 to index
        %parallel_loop3A_852 = tpu.vector_load %arg4[%parallel_loop3A_851] {strides = array<i32>} : memref<32768xf32, #tpu.memory_space<vmem>>, vector<16xf32>,
        %parallel_loop3A_853 = math.exp %parallel_loop3A_852 : vector<16xf32>
        %parallel_loop3A_854 = arith.constant 128 : i32
        %parallel_loop3A_855 = arith.muli %parallel_loop3A_846, %parallel_loop3A_854 : i32
        %parallel_loop3A_856 = arith.constant 16 : i32
        %parallel_loop3A_857 = arith.addi %parallel_loop3A_855, %parallel_loop3A_856 : i32
        %parallel_loop3A_858 = arith.index_cast %parallel_loop3A_857 : i32 to index
        %parallel_loop3A_859 = tpu.vector_load %arg4[%parallel_loop3A_858] {strides = array<i32>} : memref<32768xf32, #tpu.memory_space<vmem>>, vector<16xf32>,
        %parallel_loop3A_860 = math.exp %parallel_loop3A_859 : vector<16xf32>
        %parallel_loop3A_861 = arith.constant 128 : i32
        %parallel_loop3A_862 = arith.muli %parallel_loop3A_846, %parallel_loop3A_861 : i32
        %parallel_loop3A_863 = arith.constant 32 : i32
        %parallel_loop3A_864 = arith.addi %parallel_loop3A_862, %parallel_loop3A_863 : i32
        %parallel_loop3A_865 = arith.index_cast %parallel_loop3A_864 : i32 to index
        %parallel_loop3A_866 = tpu.vector_load %arg4[%parallel_loop3A_865] {strides = array<i32>} : memref<32768xf32, #tpu.memory_space<vmem>>, vector<16xf32>,
        %parallel_loop3A_867 = math.exp %parallel_loop3A_866 : vector<16xf32>
        %parallel_loop3A_868 = arith.constant 128 : i32
        %parallel_loop3A_869 = arith.muli %parallel_loop3A_846, %parallel_loop3A_868 : i32
        %parallel_loop3A_870 = arith.constant 48 : i32
        %parallel_loop3A_871 = arith.addi %parallel_loop3A_869, %parallel_loop3A_870 : i32
        %parallel_loop3A_872 = arith.index_cast %parallel_loop3A_871 : i32 to index
        %parallel_loop3A_873 = tpu.vector_load %arg4[%parallel_loop3A_872] {strides = array<i32>} : memref<32768xf32, #tpu.memory_space<vmem>>, vector<16xf32>,
        %parallel_loop3A_874 = math.exp %parallel_loop3A_873 : vector<16xf32>
        %parallel_loop3A_875 = arith.constant 128 : i32
        %parallel_loop3A_876 = arith.muli %parallel_loop3A_846, %parallel_loop3A_875 : i32
        %parallel_loop3A_877 = arith.constant 64 : i32
        %parallel_loop3A_878 = arith.addi %parallel_loop3A_876, %parallel_loop3A_877 : i32
        %parallel_loop3A_879 = arith.index_cast %parallel_loop3A_878 : i32 to index
        %parallel_loop3A_880 = tpu.vector_load %arg4[%parallel_loop3A_879] {strides = array<i32>} : memref<32768xf32, #tpu.memory_space<vmem>>, vector<16xf32>,
        %parallel_loop3A_881 = math.exp %parallel_loop3A_880 : vector<16xf32>
        %parallel_loop3A_882 = arith.constant 128 : i32
        %parallel_loop3A_883 = arith.muli %parallel_loop3A_846, %parallel_loop3A_882 : i32
        %parallel_loop3A_884 = arith.constant 80 : i32
        %parallel_loop3A_885 = arith.addi %parallel_loop3A_883, %parallel_loop3A_884 : i32
        %parallel_loop3A_886 = arith.index_cast %parallel_loop3A_885 : i32 to index
        %parallel_loop3A_887 = tpu.vector_load %arg4[%parallel_loop3A_886] {strides = array<i32>} : memref<32768xf32, #tpu.memory_space<vmem>>, vector<16xf32>,
        %parallel_loop3A_888 = math.exp %parallel_loop3A_887 : vector<16xf32>
        %parallel_loop3A_889 = arith.constant 128 : i32
        %parallel_loop3A_890 = arith.muli %parallel_loop3A_846, %parallel_loop3A_889 : i32
        %parallel_loop3A_891 = arith.constant 96 : i32
        %parallel_loop3A_892 = arith.addi %parallel_loop3A_890, %parallel_loop3A_891 : i32
        %parallel_loop3A_893 = arith.index_cast %parallel_loop3A_892 : i32 to index
        %parallel_loop3A_894 = tpu.vector_load %arg4[%parallel_loop3A_893] {strides = array<i32>} : memref<32768xf32, #tpu.memory_space<vmem>>, vector<16xf32>,
        %parallel_loop3A_895 = math.exp %parallel_loop3A_894 : vector<16xf32>
        %parallel_loop3A_896 = arith.constant 128 : i32
        %parallel_loop3A_897 = arith.muli %parallel_loop3A_846, %parallel_loop3A_896 : i32
        %parallel_loop3A_898 = arith.constant 112 : i32
        %parallel_loop3A_899 = arith.addi %parallel_loop3A_897, %parallel_loop3A_898 : i32
        %parallel_loop3A_900 = arith.index_cast %parallel_loop3A_899 : i32 to index
        %parallel_loop3A_901 = tpu.vector_load %arg4[%parallel_loop3A_900] {strides = array<i32>} : memref<32768xf32, #tpu.memory_space<vmem>>, vector<16xf32>,
        %parallel_loop3A_902 = math.exp %parallel_loop3A_901 : vector<16xf32>
        %parallel_loop3A_903 = arith.maximumf %parallel_loop3A_853, %parallel_loop3A_860 : vector<16xf32>
        %parallel_loop3A_904 = arith.minimumf %parallel_loop3A_853, %parallel_loop3A_860 : vector<16xf32>
        %parallel_loop3A_905 = arith.addf %parallel_loop3A_853, %parallel_loop3A_860 : vector<16xf32>
        %parallel_loop3A_906 = arith.minimumf %parallel_loop3A_903, %parallel_loop3A_867 : vector<16xf32>
        %parallel_loop3A_907 = arith.maximumf %parallel_loop3A_904, %parallel_loop3A_906 : vector<16xf32>
        %parallel_loop3A_908 = arith.maximumf %parallel_loop3A_903, %parallel_loop3A_867 : vector<16xf32>
        %parallel_loop3A_909 = arith.addf %parallel_loop3A_905, %parallel_loop3A_867 : vector<16xf32>
        %parallel_loop3A_910 = arith.minimumf %parallel_loop3A_908, %parallel_loop3A_874 : vector<16xf32>
        %parallel_loop3A_911 = arith.maximumf %parallel_loop3A_907, %parallel_loop3A_910 : vector<16xf32>
        %parallel_loop3A_912 = arith.maximumf %parallel_loop3A_908, %parallel_loop3A_874 : vector<16xf32>
        %parallel_loop3A_913 = arith.addf %parallel_loop3A_909, %parallel_loop3A_874 : vector<16xf32>
        %parallel_loop3A_914 = arith.minimumf %parallel_loop3A_912, %parallel_loop3A_881 : vector<16xf32>
        %parallel_loop3A_915 = arith.maximumf %parallel_loop3A_911, %parallel_loop3A_914 : vector<16xf32>
        %parallel_loop3A_916 = arith.maximumf %parallel_loop3A_912, %parallel_loop3A_881 : vector<16xf32>
        %parallel_loop3A_917 = arith.addf %parallel_loop3A_913, %parallel_loop3A_881 : vector<16xf32>
        %parallel_loop3A_918 = arith.minimumf %parallel_loop3A_916, %parallel_loop3A_888 : vector<16xf32>
        %parallel_loop3A_919 = arith.maximumf %parallel_loop3A_915, %parallel_loop3A_918 : vector<16xf32>
        %parallel_loop3A_920 = arith.maximumf %parallel_loop3A_916, %parallel_loop3A_888 : vector<16xf32>
        %parallel_loop3A_921 = arith.addf %parallel_loop3A_917, %parallel_loop3A_888 : vector<16xf32>
        %parallel_loop3A_922 = arith.minimumf %parallel_loop3A_920, %parallel_loop3A_895 : vector<16xf32>
        %parallel_loop3A_923 = arith.maximumf %parallel_loop3A_919, %parallel_loop3A_922 : vector<16xf32>
        %parallel_loop3A_924 = arith.maximumf %parallel_loop3A_920, %parallel_loop3A_895 : vector<16xf32>
        %parallel_loop3A_925 = arith.addf %parallel_loop3A_921, %parallel_loop3A_895 : vector<16xf32>
        %parallel_loop3A_926 = arith.minimumf %parallel_loop3A_924, %parallel_loop3A_902 : vector<16xf32>
        %parallel_loop3A_927 = arith.maximumf %parallel_loop3A_923, %parallel_loop3A_926 : vector<16xf32>
        %parallel_loop3A_928 = arith.maximumf %parallel_loop3A_924, %parallel_loop3A_902 : vector<16xf32>
        %parallel_loop3A_929 = arith.addf %parallel_loop3A_925, %parallel_loop3A_902 : vector<16xf32>
        %parallel_loop3A_930 = arith.constant dense<true> : vector<16xi1>
        %parallel_loop3A_931, %parallel_loop3A_932, %parallel_loop3A_933 = tpu.sort %parallel_loop3A_928, %parallel_loop3A_927 masked %parallel_loop3A_930 {descending = true} : (vector<16xf32>, vector<16xf32>, vector<16xi1>) -> (vector<16xi1>, vector<16xf32>, vector<16xf32>)
        %parallel_loop3A_934 = vector.shape_cast %broadcast_in_dim3A_14 : vector<16xi32> to vector<16x1xi32>
        %parallel_loop3A_935 = vector.shape_cast %parallel_loop3A_934 : vector<16x1xi32> to vector<16xi32>
        %parallel_loop3A_936 = tpu.dynamic_gather %parallel_loop3A_932[%parallel_loop3A_935] in [0] : vector<16xf32>, vector<16xi32> -> vector<16xf32>
        %parallel_loop3A_937 = vector.shape_cast %broadcast_in_dim3A_16 : vector<16xi32> to vector<16x1xi32>
        %parallel_loop3A_938 = vector.shape_cast %parallel_loop3A_937 : vector<16x1xi32> to vector<16xi32>
        %parallel_loop3A_939 = tpu.dynamic_gather %parallel_loop3A_932[%parallel_loop3A_938] in [0] : vector<16xf32>, vector<16xi32> -> vector<16xf32>
        %parallel_loop3A_940 = vector.shape_cast %broadcast_in_dim3A_14 : vector<16xi32> to vector<16x1xi32>
        %parallel_loop3A_941 = vector.shape_cast %parallel_loop3A_940 : vector<16x1xi32> to vector<16xi32>
        %parallel_loop3A_942 = tpu.dynamic_gather %parallel_loop3A_933[%parallel_loop3A_941] in [0] : vector<16xf32>, vector<16xi32> -> vector<16xf32>
        %parallel_loop3A_943 = arith.maximumf %parallel_loop3A_939, %parallel_loop3A_942 : vector<16xf32>
        %parallel_loop3A_944 = arith.constant true
        %parallel_loop3A_945 = vector.broadcast %parallel_loop3A_944 : i1 to vector<16xi1>
        %parallel_loop3A_946 = tpu.scan <sum>, %parallel_loop3A_929 masked %parallel_loop3A_945 : vector<16xf32>, vector<16xi1> -> vector<16xf32>
        %parallel_loop3A_947 = vector.shape_cast %broadcast_in_dim3A_18 : vector<16xi32> to vector<16x1xi32>
        %parallel_loop3A_948 = vector.shape_cast %parallel_loop3A_947 : vector<16x1xi32> to vector<16xi32>
        %parallel_loop3A_949 = tpu.dynamic_gather %parallel_loop3A_946[%parallel_loop3A_948] in [0] : vector<16xf32>, vector<16xi32> -> vector<16xf32>
        %parallel_loop3A_950 = arith.constant 7 : i32
        %parallel_loop3A_951 = vector.broadcast %parallel_loop3A_950 : i32 to vector<16xi32>
        %parallel_loop3A_952 = arith.cmpi eq, %iota3A, %parallel_loop3A_951 : vector<16xi32>
        %parallel_loop3A_953 = arith.select %parallel_loop3A_952, %parallel_loop3A_936, %parallel_loop3A_842 : vector<16xi1>, vector<16xf32>
        %parallel_loop3A_954 = arith.select %parallel_loop3A_952, %parallel_loop3A_943, %parallel_loop3A_843 : vector<16xi1>, vector<16xf32>
        %parallel_loop3A_955 = arith.select %parallel_loop3A_952, %parallel_loop3A_949, %parallel_loop3A_844 : vector<16xi1>, vector<16xf32>
        %parallel_loop3A_956 = arith.constant 8 : i32
        %parallel_loop3A_957 = arith.addi %parallel_loop3A_61, %parallel_loop3A_956 : i32
        %parallel_loop3A_958 = arith.constant 128 : i32
        %parallel_loop3A_959 = arith.muli %parallel_loop3A_957, %parallel_loop3A_958 : i32
        %parallel_loop3A_960 = arith.constant 0 : i32
        %parallel_loop3A_961 = arith.addi %parallel_loop3A_959, %parallel_loop3A_960 : i32
        %parallel_loop3A_962 = arith.index_cast %parallel_loop3A_961 : i32 to index
        %parallel_loop3A_963 = tpu.vector_load %arg4[%parallel_loop3A_962] {strides = array<i32>} : memref<32768xf32, #tpu.memory_space<vmem>>, vector<16xf32>,
        %parallel_loop3A_964 = math.exp %parallel_loop3A_963 : vector<16xf32>
        %parallel_loop3A_965 = arith.constant 128 : i32
        %parallel_loop3A_966 = arith.muli %parallel_loop3A_957, %parallel_loop3A_965 : i32
        %parallel_loop3A_967 = arith.constant 16 : i32
        %parallel_loop3A_968 = arith.addi %parallel_loop3A_966, %parallel_loop3A_967 : i32
        %parallel_loop3A_969 = arith.index_cast %parallel_loop3A_968 : i32 to index
        %parallel_loop3A_970 = tpu.vector_load %arg4[%parallel_loop3A_969] {strides = array<i32>} : memref<32768xf32, #tpu.memory_space<vmem>>, vector<16xf32>,
        %parallel_loop3A_971 = math.exp %parallel_loop3A_970 : vector<16xf32>
        %parallel_loop3A_972 = arith.constant 128 : i32
        %parallel_loop3A_973 = arith.muli %parallel_loop3A_957, %parallel_loop3A_972 : i32
        %parallel_loop3A_974 = arith.constant 32 : i32
        %parallel_loop3A_975 = arith.addi %parallel_loop3A_973, %parallel_loop3A_974 : i32
        %parallel_loop3A_976 = arith.index_cast %parallel_loop3A_975 : i32 to index
        %parallel_loop3A_977 = tpu.vector_load %arg4[%parallel_loop3A_976] {strides = array<i32>} : memref<32768xf32, #tpu.memory_space<vmem>>, vector<16xf32>,
        %parallel_loop3A_978 = math.exp %parallel_loop3A_977 : vector<16xf32>
        %parallel_loop3A_979 = arith.constant 128 : i32
        %parallel_loop3A_980 = arith.muli %parallel_loop3A_957, %parallel_loop3A_979 : i32
        %parallel_loop3A_981 = arith.constant 48 : i32
        %parallel_loop3A_982 = arith.addi %parallel_loop3A_980, %parallel_loop3A_981 : i32
        %parallel_loop3A_983 = arith.index_cast %parallel_loop3A_982 : i32 to index
        %parallel_loop3A_984 = tpu.vector_load %arg4[%parallel_loop3A_983] {strides = array<i32>} : memref<32768xf32, #tpu.memory_space<vmem>>, vector<16xf32>,
        %parallel_loop3A_985 = math.exp %parallel_loop3A_984 : vector<16xf32>
        %parallel_loop3A_986 = arith.constant 128 : i32
        %parallel_loop3A_987 = arith.muli %parallel_loop3A_957, %parallel_loop3A_986 : i32
        %parallel_loop3A_988 = arith.constant 64 : i32
        %parallel_loop3A_989 = arith.addi %parallel_loop3A_987, %parallel_loop3A_988 : i32
        %parallel_loop3A_990 = arith.index_cast %parallel_loop3A_989 : i32 to index
        %parallel_loop3A_991 = tpu.vector_load %arg4[%parallel_loop3A_990] {strides = array<i32>} : memref<32768xf32, #tpu.memory_space<vmem>>, vector<16xf32>,
        %parallel_loop3A_992 = math.exp %parallel_loop3A_991 : vector<16xf32>
        %parallel_loop3A_993 = arith.constant 128 : i32
        %parallel_loop3A_994 = arith.muli %parallel_loop3A_957, %parallel_loop3A_993 : i32
        %parallel_loop3A_995 = arith.constant 80 : i32
        %parallel_loop3A_996 = arith.addi %parallel_loop3A_994, %parallel_loop3A_995 : i32
        %parallel_loop3A_997 = arith.index_cast %parallel_loop3A_996 : i32 to index
        %parallel_loop3A_998 = tpu.vector_load %arg4[%parallel_loop3A_997] {strides = array<i32>} : memref<32768xf32, #tpu.memory_space<vmem>>, vector<16xf32>,
        %parallel_loop3A_999 = math.exp %parallel_loop3A_998 : vector<16xf32>
        %parallel_loop3A_1000 = arith.constant 128 : i32
        %parallel_loop3A_1001 = arith.muli %parallel_loop3A_957, %parallel_loop3A_1000 : i32
        %parallel_loop3A_1002 = arith.constant 96 : i32
        %parallel_loop3A_1003 = arith.addi %parallel_loop3A_1001, %parallel_loop3A_1002 : i32
        %parallel_loop3A_1004 = arith.index_cast %parallel_loop3A_1003 : i32 to index
        %parallel_loop3A_1005 = tpu.vector_load %arg4[%parallel_loop3A_1004] {strides = array<i32>} : memref<32768xf32, #tpu.memory_space<vmem>>, vector<16xf32>,
        %parallel_loop3A_1006 = math.exp %parallel_loop3A_1005 : vector<16xf32>
        %parallel_loop3A_1007 = arith.constant 128 : i32
        %parallel_loop3A_1008 = arith.muli %parallel_loop3A_957, %parallel_loop3A_1007 : i32
        %parallel_loop3A_1009 = arith.constant 112 : i32
        %parallel_loop3A_1010 = arith.addi %parallel_loop3A_1008, %parallel_loop3A_1009 : i32
        %parallel_loop3A_1011 = arith.index_cast %parallel_loop3A_1010 : i32 to index
        %parallel_loop3A_1012 = tpu.vector_load %arg4[%parallel_loop3A_1011] {strides = array<i32>} : memref<32768xf32, #tpu.memory_space<vmem>>, vector<16xf32>,
        %parallel_loop3A_1013 = math.exp %parallel_loop3A_1012 : vector<16xf32>
        %parallel_loop3A_1014 = arith.maximumf %parallel_loop3A_964, %parallel_loop3A_971 : vector<16xf32>
        %parallel_loop3A_1015 = arith.minimumf %parallel_loop3A_964, %parallel_loop3A_971 : vector<16xf32>
        %parallel_loop3A_1016 = arith.addf %parallel_loop3A_964, %parallel_loop3A_971 : vector<16xf32>
        %parallel_loop3A_1017 = arith.minimumf %parallel_loop3A_1014, %parallel_loop3A_978 : vector<16xf32>
        %parallel_loop3A_1018 = arith.maximumf %parallel_loop3A_1015, %parallel_loop3A_1017 : vector<16xf32>
        %parallel_loop3A_1019 = arith.maximumf %parallel_loop3A_1014, %parallel_loop3A_978 : vector<16xf32>
        %parallel_loop3A_1020 = arith.addf %parallel_loop3A_1016, %parallel_loop3A_978 : vector<16xf32>
        %parallel_loop3A_1021 = arith.minimumf %parallel_loop3A_1019, %parallel_loop3A_985 : vector<16xf32>
        %parallel_loop3A_1022 = arith.maximumf %parallel_loop3A_1018, %parallel_loop3A_1021 : vector<16xf32>
        %parallel_loop3A_1023 = arith.maximumf %parallel_loop3A_1019, %parallel_loop3A_985 : vector<16xf32>
        %parallel_loop3A_1024 = arith.addf %parallel_loop3A_1020, %parallel_loop3A_985 : vector<16xf32>
        %parallel_loop3A_1025 = arith.minimumf %parallel_loop3A_1023, %parallel_loop3A_992 : vector<16xf32>
        %parallel_loop3A_1026 = arith.maximumf %parallel_loop3A_1022, %parallel_loop3A_1025 : vector<16xf32>
        %parallel_loop3A_1027 = arith.maximumf %parallel_loop3A_1023, %parallel_loop3A_992 : vector<16xf32>
        %parallel_loop3A_1028 = arith.addf %parallel_loop3A_1024, %parallel_loop3A_992 : vector<16xf32>
        %parallel_loop3A_1029 = arith.minimumf %parallel_loop3A_1027, %parallel_loop3A_999 : vector<16xf32>
        %parallel_loop3A_1030 = arith.maximumf %parallel_loop3A_1026, %parallel_loop3A_1029 : vector<16xf32>
        %parallel_loop3A_1031 = arith.maximumf %parallel_loop3A_1027, %parallel_loop3A_999 : vector<16xf32>
        %parallel_loop3A_1032 = arith.addf %parallel_loop3A_1028, %parallel_loop3A_999 : vector<16xf32>
        %parallel_loop3A_1033 = arith.minimumf %parallel_loop3A_1031, %parallel_loop3A_1006 : vector<16xf32>
        %parallel_loop3A_1034 = arith.maximumf %parallel_loop3A_1030, %parallel_loop3A_1033 : vector<16xf32>
        %parallel_loop3A_1035 = arith.maximumf %parallel_loop3A_1031, %parallel_loop3A_1006 : vector<16xf32>
        %parallel_loop3A_1036 = arith.addf %parallel_loop3A_1032, %parallel_loop3A_1006 : vector<16xf32>
        %parallel_loop3A_1037 = arith.minimumf %parallel_loop3A_1035, %parallel_loop3A_1013 : vector<16xf32>
        %parallel_loop3A_1038 = arith.maximumf %parallel_loop3A_1034, %parallel_loop3A_1037 : vector<16xf32>
        %parallel_loop3A_1039 = arith.maximumf %parallel_loop3A_1035, %parallel_loop3A_1013 : vector<16xf32>
        %parallel_loop3A_1040 = arith.addf %parallel_loop3A_1036, %parallel_loop3A_1013 : vector<16xf32>
        %parallel_loop3A_1041 = arith.constant dense<true> : vector<16xi1>
        %parallel_loop3A_1042, %parallel_loop3A_1043, %parallel_loop3A_1044 = tpu.sort %parallel_loop3A_1039, %parallel_loop3A_1038 masked %parallel_loop3A_1041 {descending = true} : (vector<16xf32>, vector<16xf32>, vector<16xi1>) -> (vector<16xi1>, vector<16xf32>, vector<16xf32>)
        %parallel_loop3A_1045 = vector.shape_cast %broadcast_in_dim3A_14 : vector<16xi32> to vector<16x1xi32>
        %parallel_loop3A_1046 = vector.shape_cast %parallel_loop3A_1045 : vector<16x1xi32> to vector<16xi32>
        %parallel_loop3A_1047 = tpu.dynamic_gather %parallel_loop3A_1043[%parallel_loop3A_1046] in [0] : vector<16xf32>, vector<16xi32> -> vector<16xf32>
        %parallel_loop3A_1048 = vector.shape_cast %broadcast_in_dim3A_16 : vector<16xi32> to vector<16x1xi32>
        %parallel_loop3A_1049 = vector.shape_cast %parallel_loop3A_1048 : vector<16x1xi32> to vector<16xi32>
        %parallel_loop3A_1050 = tpu.dynamic_gather %parallel_loop3A_1043[%parallel_loop3A_1049] in [0] : vector<16xf32>, vector<16xi32> -> vector<16xf32>
        %parallel_loop3A_1051 = vector.shape_cast %broadcast_in_dim3A_14 : vector<16xi32> to vector<16x1xi32>
        %parallel_loop3A_1052 = vector.shape_cast %parallel_loop3A_1051 : vector<16x1xi32> to vector<16xi32>
        %parallel_loop3A_1053 = tpu.dynamic_gather %parallel_loop3A_1044[%parallel_loop3A_1052] in [0] : vector<16xf32>, vector<16xi32> -> vector<16xf32>
        %parallel_loop3A_1054 = arith.maximumf %parallel_loop3A_1050, %parallel_loop3A_1053 : vector<16xf32>
        %parallel_loop3A_1055 = arith.constant true
        %parallel_loop3A_1056 = vector.broadcast %parallel_loop3A_1055 : i1 to vector<16xi1>
        %parallel_loop3A_1057 = tpu.scan <sum>, %parallel_loop3A_1040 masked %parallel_loop3A_1056 : vector<16xf32>, vector<16xi1> -> vector<16xf32>
        %parallel_loop3A_1058 = vector.shape_cast %broadcast_in_dim3A_18 : vector<16xi32> to vector<16x1xi32>
        %parallel_loop3A_1059 = vector.shape_cast %parallel_loop3A_1058 : vector<16x1xi32> to vector<16xi32>
        %parallel_loop3A_1060 = tpu.dynamic_gather %parallel_loop3A_1057[%parallel_loop3A_1059] in [0] : vector<16xf32>, vector<16xi32> -> vector<16xf32>
        %parallel_loop3A_1061 = arith.constant 8 : i32
        %parallel_loop3A_1062 = vector.broadcast %parallel_loop3A_1061 : i32 to vector<16xi32>
        %parallel_loop3A_1063 = arith.cmpi eq, %iota3A, %parallel_loop3A_1062 : vector<16xi32>
        %parallel_loop3A_1064 = arith.select %parallel_loop3A_1063, %parallel_loop3A_1047, %parallel_loop3A_953 : vector<16xi1>, vector<16xf32>
        %parallel_loop3A_1065 = arith.select %parallel_loop3A_1063, %parallel_loop3A_1054, %parallel_loop3A_954 : vector<16xi1>, vector<16xf32>
        %parallel_loop3A_1066 = arith.select %parallel_loop3A_1063, %parallel_loop3A_1060, %parallel_loop3A_955 : vector<16xi1>, vector<16xf32>
        %parallel_loop3A_1067 = arith.constant 9 : i32
        %parallel_loop3A_1068 = arith.addi %parallel_loop3A_61, %parallel_loop3A_1067 : i32
        %parallel_loop3A_1069 = arith.constant 128 : i32
        %parallel_loop3A_1070 = arith.muli %parallel_loop3A_1068, %parallel_loop3A_1069 : i32
        %parallel_loop3A_1071 = arith.constant 0 : i32
        %parallel_loop3A_1072 = arith.addi %parallel_loop3A_1070, %parallel_loop3A_1071 : i32
        %parallel_loop3A_1073 = arith.index_cast %parallel_loop3A_1072 : i32 to index
        %parallel_loop3A_1074 = tpu.vector_load %arg4[%parallel_loop3A_1073] {strides = array<i32>} : memref<32768xf32, #tpu.memory_space<vmem>>, vector<16xf32>,
        %parallel_loop3A_1075 = math.exp %parallel_loop3A_1074 : vector<16xf32>
        %parallel_loop3A_1076 = arith.constant 128 : i32
        %parallel_loop3A_1077 = arith.muli %parallel_loop3A_1068, %parallel_loop3A_1076 : i32
        %parallel_loop3A_1078 = arith.constant 16 : i32
        %parallel_loop3A_1079 = arith.addi %parallel_loop3A_1077, %parallel_loop3A_1078 : i32
        %parallel_loop3A_1080 = arith.index_cast %parallel_loop3A_1079 : i32 to index
        %parallel_loop3A_1081 = tpu.vector_load %arg4[%parallel_loop3A_1080] {strides = array<i32>} : memref<32768xf32, #tpu.memory_space<vmem>>, vector<16xf32>,
        %parallel_loop3A_1082 = math.exp %parallel_loop3A_1081 : vector<16xf32>
        %parallel_loop3A_1083 = arith.constant 128 : i32
        %parallel_loop3A_1084 = arith.muli %parallel_loop3A_1068, %parallel_loop3A_1083 : i32
        %parallel_loop3A_1085 = arith.constant 32 : i32
        %parallel_loop3A_1086 = arith.addi %parallel_loop3A_1084, %parallel_loop3A_1085 : i32
        %parallel_loop3A_1087 = arith.index_cast %parallel_loop3A_1086 : i32 to index
        %parallel_loop3A_1088 = tpu.vector_load %arg4[%parallel_loop3A_1087] {strides = array<i32>} : memref<32768xf32, #tpu.memory_space<vmem>>, vector<16xf32>,
        %parallel_loop3A_1089 = math.exp %parallel_loop3A_1088 : vector<16xf32>
        %parallel_loop3A_1090 = arith.constant 128 : i32
        %parallel_loop3A_1091 = arith.muli %parallel_loop3A_1068, %parallel_loop3A_1090 : i32
        %parallel_loop3A_1092 = arith.constant 48 : i32
        %parallel_loop3A_1093 = arith.addi %parallel_loop3A_1091, %parallel_loop3A_1092 : i32
        %parallel_loop3A_1094 = arith.index_cast %parallel_loop3A_1093 : i32 to index
        %parallel_loop3A_1095 = tpu.vector_load %arg4[%parallel_loop3A_1094] {strides = array<i32>} : memref<32768xf32, #tpu.memory_space<vmem>>, vector<16xf32>,
        %parallel_loop3A_1096 = math.exp %parallel_loop3A_1095 : vector<16xf32>
        %parallel_loop3A_1097 = arith.constant 128 : i32
        %parallel_loop3A_1098 = arith.muli %parallel_loop3A_1068, %parallel_loop3A_1097 : i32
        %parallel_loop3A_1099 = arith.constant 64 : i32
        %parallel_loop3A_1100 = arith.addi %parallel_loop3A_1098, %parallel_loop3A_1099 : i32
        %parallel_loop3A_1101 = arith.index_cast %parallel_loop3A_1100 : i32 to index
        %parallel_loop3A_1102 = tpu.vector_load %arg4[%parallel_loop3A_1101] {strides = array<i32>} : memref<32768xf32, #tpu.memory_space<vmem>>, vector<16xf32>,
        %parallel_loop3A_1103 = math.exp %parallel_loop3A_1102 : vector<16xf32>
        %parallel_loop3A_1104 = arith.constant 128 : i32
        %parallel_loop3A_1105 = arith.muli %parallel_loop3A_1068, %parallel_loop3A_1104 : i32
        %parallel_loop3A_1106 = arith.constant 80 : i32
        %parallel_loop3A_1107 = arith.addi %parallel_loop3A_1105, %parallel_loop3A_1106 : i32
        %parallel_loop3A_1108 = arith.index_cast %parallel_loop3A_1107 : i32 to index
        %parallel_loop3A_1109 = tpu.vector_load %arg4[%parallel_loop3A_1108] {strides = array<i32>} : memref<32768xf32, #tpu.memory_space<vmem>>, vector<16xf32>,
        %parallel_loop3A_1110 = math.exp %parallel_loop3A_1109 : vector<16xf32>
        %parallel_loop3A_1111 = arith.constant 128 : i32
        %parallel_loop3A_1112 = arith.muli %parallel_loop3A_1068, %parallel_loop3A_1111 : i32
        %parallel_loop3A_1113 = arith.constant 96 : i32
        %parallel_loop3A_1114 = arith.addi %parallel_loop3A_1112, %parallel_loop3A_1113 : i32
        %parallel_loop3A_1115 = arith.index_cast %parallel_loop3A_1114 : i32 to index
        %parallel_loop3A_1116 = tpu.vector_load %arg4[%parallel_loop3A_1115] {strides = array<i32>} : memref<32768xf32, #tpu.memory_space<vmem>>, vector<16xf32>,
        %parallel_loop3A_1117 = math.exp %parallel_loop3A_1116 : vector<16xf32>
        %parallel_loop3A_1118 = arith.constant 128 : i32
        %parallel_loop3A_1119 = arith.muli %parallel_loop3A_1068, %parallel_loop3A_1118 : i32
        %parallel_loop3A_1120 = arith.constant 112 : i32
        %parallel_loop3A_1121 = arith.addi %parallel_loop3A_1119, %parallel_loop3A_1120 : i32
        %parallel_loop3A_1122 = arith.index_cast %parallel_loop3A_1121 : i32 to index
        %parallel_loop3A_1123 = tpu.vector_load %arg4[%parallel_loop3A_1122] {strides = array<i32>} : memref<32768xf32, #tpu.memory_space<vmem>>, vector<16xf32>,
        %parallel_loop3A_1124 = math.exp %parallel_loop3A_1123 : vector<16xf32>
        %parallel_loop3A_1125 = arith.maximumf %parallel_loop3A_1075, %parallel_loop3A_1082 : vector<16xf32>
        %parallel_loop3A_1126 = arith.minimumf %parallel_loop3A_1075, %parallel_loop3A_1082 : vector<16xf32>
        %parallel_loop3A_1127 = arith.addf %parallel_loop3A_1075, %parallel_loop3A_1082 : vector<16xf32>
        %parallel_loop3A_1128 = arith.minimumf %parallel_loop3A_1125, %parallel_loop3A_1089 : vector<16xf32>
        %parallel_loop3A_1129 = arith.maximumf %parallel_loop3A_1126, %parallel_loop3A_1128 : vector<16xf32>
        %parallel_loop3A_1130 = arith.maximumf %parallel_loop3A_1125, %parallel_loop3A_1089 : vector<16xf32>
        %parallel_loop3A_1131 = arith.addf %parallel_loop3A_1127, %parallel_loop3A_1089 : vector<16xf32>
        %parallel_loop3A_1132 = arith.minimumf %parallel_loop3A_1130, %parallel_loop3A_1096 : vector<16xf32>
        %parallel_loop3A_1133 = arith.maximumf %parallel_loop3A_1129, %parallel_loop3A_1132 : vector<16xf32>
        %parallel_loop3A_1134 = arith.maximumf %parallel_loop3A_1130, %parallel_loop3A_1096 : vector<16xf32>
        %parallel_loop3A_1135 = arith.addf %parallel_loop3A_1131, %parallel_loop3A_1096 : vector<16xf32>
        %parallel_loop3A_1136 = arith.minimumf %parallel_loop3A_1134, %parallel_loop3A_1103 : vector<16xf32>
        %parallel_loop3A_1137 = arith.maximumf %parallel_loop3A_1133, %parallel_loop3A_1136 : vector<16xf32>
        %parallel_loop3A_1138 = arith.maximumf %parallel_loop3A_1134, %parallel_loop3A_1103 : vector<16xf32>
        %parallel_loop3A_1139 = arith.addf %parallel_loop3A_1135, %parallel_loop3A_1103 : vector<16xf32>
        %parallel_loop3A_1140 = arith.minimumf %parallel_loop3A_1138, %parallel_loop3A_1110 : vector<16xf32>
        %parallel_loop3A_1141 = arith.maximumf %parallel_loop3A_1137, %parallel_loop3A_1140 : vector<16xf32>
        %parallel_loop3A_1142 = arith.maximumf %parallel_loop3A_1138, %parallel_loop3A_1110 : vector<16xf32>
        %parallel_loop3A_1143 = arith.addf %parallel_loop3A_1139, %parallel_loop3A_1110 : vector<16xf32>
        %parallel_loop3A_1144 = arith.minimumf %parallel_loop3A_1142, %parallel_loop3A_1117 : vector<16xf32>
        %parallel_loop3A_1145 = arith.maximumf %parallel_loop3A_1141, %parallel_loop3A_1144 : vector<16xf32>
        %parallel_loop3A_1146 = arith.maximumf %parallel_loop3A_1142, %parallel_loop3A_1117 : vector<16xf32>
        %parallel_loop3A_1147 = arith.addf %parallel_loop3A_1143, %parallel_loop3A_1117 : vector<16xf32>
        %parallel_loop3A_1148 = arith.minimumf %parallel_loop3A_1146, %parallel_loop3A_1124 : vector<16xf32>
        %parallel_loop3A_1149 = arith.maximumf %parallel_loop3A_1145, %parallel_loop3A_1148 : vector<16xf32>
        %parallel_loop3A_1150 = arith.maximumf %parallel_loop3A_1146, %parallel_loop3A_1124 : vector<16xf32>
        %parallel_loop3A_1151 = arith.addf %parallel_loop3A_1147, %parallel_loop3A_1124 : vector<16xf32>
        %parallel_loop3A_1152 = arith.constant dense<true> : vector<16xi1>
        %parallel_loop3A_1153, %parallel_loop3A_1154, %parallel_loop3A_1155 = tpu.sort %parallel_loop3A_1150, %parallel_loop3A_1149 masked %parallel_loop3A_1152 {descending = true} : (vector<16xf32>, vector<16xf32>, vector<16xi1>) -> (vector<16xi1>, vector<16xf32>, vector<16xf32>)
        %parallel_loop3A_1156 = vector.shape_cast %broadcast_in_dim3A_14 : vector<16xi32> to vector<16x1xi32>
        %parallel_loop3A_1157 = vector.shape_cast %parallel_loop3A_1156 : vector<16x1xi32> to vector<16xi32>
        %parallel_loop3A_1158 = tpu.dynamic_gather %parallel_loop3A_1154[%parallel_loop3A_1157] in [0] : vector<16xf32>, vector<16xi32> -> vector<16xf32>
        %parallel_loop3A_1159 = vector.shape_cast %broadcast_in_dim3A_16 : vector<16xi32> to vector<16x1xi32>
        %parallel_loop3A_1160 = vector.shape_cast %parallel_loop3A_1159 : vector<16x1xi32> to vector<16xi32>
        %parallel_loop3A_1161 = tpu.dynamic_gather %parallel_loop3A_1154[%parallel_loop3A_1160] in [0] : vector<16xf32>, vector<16xi32> -> vector<16xf32>
        %parallel_loop3A_1162 = vector.shape_cast %broadcast_in_dim3A_14 : vector<16xi32> to vector<16x1xi32>
        %parallel_loop3A_1163 = vector.shape_cast %parallel_loop3A_1162 : vector<16x1xi32> to vector<16xi32>
        %parallel_loop3A_1164 = tpu.dynamic_gather %parallel_loop3A_1155[%parallel_loop3A_1163] in [0] : vector<16xf32>, vector<16xi32> -> vector<16xf32>
        %parallel_loop3A_1165 = arith.maximumf %parallel_loop3A_1161, %parallel_loop3A_1164 : vector<16xf32>
        %parallel_loop3A_1166 = arith.constant true
        %parallel_loop3A_1167 = vector.broadcast %parallel_loop3A_1166 : i1 to vector<16xi1>
        %parallel_loop3A_1168 = tpu.scan <sum>, %parallel_loop3A_1151 masked %parallel_loop3A_1167 : vector<16xf32>, vector<16xi1> -> vector<16xf32>
        %parallel_loop3A_1169 = vector.shape_cast %broadcast_in_dim3A_18 : vector<16xi32> to vector<16x1xi32>
        %parallel_loop3A_1170 = vector.shape_cast %parallel_loop3A_1169 : vector<16x1xi32> to vector<16xi32>
        %parallel_loop3A_1171 = tpu.dynamic_gather %parallel_loop3A_1168[%parallel_loop3A_1170] in [0] : vector<16xf32>, vector<16xi32> -> vector<16xf32>
        %parallel_loop3A_1172 = arith.constant 9 : i32
        %parallel_loop3A_1173 = vector.broadcast %parallel_loop3A_1172 : i32 to vector<16xi32>
        %parallel_loop3A_1174 = arith.cmpi eq, %iota3A, %parallel_loop3A_1173 : vector<16xi32>
        %parallel_loop3A_1175 = arith.select %parallel_loop3A_1174, %parallel_loop3A_1158, %parallel_loop3A_1064 : vector<16xi1>, vector<16xf32>
        %parallel_loop3A_1176 = arith.select %parallel_loop3A_1174, %parallel_loop3A_1165, %parallel_loop3A_1065 : vector<16xi1>, vector<16xf32>
        %parallel_loop3A_1177 = arith.select %parallel_loop3A_1174, %parallel_loop3A_1171, %parallel_loop3A_1066 : vector<16xi1>, vector<16xf32>
        %parallel_loop3A_1178 = arith.constant 10 : i32
        %parallel_loop3A_1179 = arith.addi %parallel_loop3A_61, %parallel_loop3A_1178 : i32
        %parallel_loop3A_1180 = arith.constant 128 : i32
        %parallel_loop3A_1181 = arith.muli %parallel_loop3A_1179, %parallel_loop3A_1180 : i32
        %parallel_loop3A_1182 = arith.constant 0 : i32
        %parallel_loop3A_1183 = arith.addi %parallel_loop3A_1181, %parallel_loop3A_1182 : i32
        %parallel_loop3A_1184 = arith.index_cast %parallel_loop3A_1183 : i32 to index
        %parallel_loop3A_1185 = tpu.vector_load %arg4[%parallel_loop3A_1184] {strides = array<i32>} : memref<32768xf32, #tpu.memory_space<vmem>>, vector<16xf32>,
        %parallel_loop3A_1186 = math.exp %parallel_loop3A_1185 : vector<16xf32>
        %parallel_loop3A_1187 = arith.constant 128 : i32
        %parallel_loop3A_1188 = arith.muli %parallel_loop3A_1179, %parallel_loop3A_1187 : i32
        %parallel_loop3A_1189 = arith.constant 16 : i32
        %parallel_loop3A_1190 = arith.addi %parallel_loop3A_1188, %parallel_loop3A_1189 : i32
        %parallel_loop3A_1191 = arith.index_cast %parallel_loop3A_1190 : i32 to index
        %parallel_loop3A_1192 = tpu.vector_load %arg4[%parallel_loop3A_1191] {strides = array<i32>} : memref<32768xf32, #tpu.memory_space<vmem>>, vector<16xf32>,
        %parallel_loop3A_1193 = math.exp %parallel_loop3A_1192 : vector<16xf32>
        %parallel_loop3A_1194 = arith.constant 128 : i32
        %parallel_loop3A_1195 = arith.muli %parallel_loop3A_1179, %parallel_loop3A_1194 : i32
        %parallel_loop3A_1196 = arith.constant 32 : i32
        %parallel_loop3A_1197 = arith.addi %parallel_loop3A_1195, %parallel_loop3A_1196 : i32
        %parallel_loop3A_1198 = arith.index_cast %parallel_loop3A_1197 : i32 to index
        %parallel_loop3A_1199 = tpu.vector_load %arg4[%parallel_loop3A_1198] {strides = array<i32>} : memref<32768xf32, #tpu.memory_space<vmem>>, vector<16xf32>,
        %parallel_loop3A_1200 = math.exp %parallel_loop3A_1199 : vector<16xf32>
        %parallel_loop3A_1201 = arith.constant 128 : i32
        %parallel_loop3A_1202 = arith.muli %parallel_loop3A_1179, %parallel_loop3A_1201 : i32
        %parallel_loop3A_1203 = arith.constant 48 : i32
        %parallel_loop3A_1204 = arith.addi %parallel_loop3A_1202, %parallel_loop3A_1203 : i32
        %parallel_loop3A_1205 = arith.index_cast %parallel_loop3A_1204 : i32 to index
        %parallel_loop3A_1206 = tpu.vector_load %arg4[%parallel_loop3A_1205] {strides = array<i32>} : memref<32768xf32, #tpu.memory_space<vmem>>, vector<16xf32>,
        %parallel_loop3A_1207 = math.exp %parallel_loop3A_1206 : vector<16xf32>
        %parallel_loop3A_1208 = arith.constant 128 : i32
        %parallel_loop3A_1209 = arith.muli %parallel_loop3A_1179, %parallel_loop3A_1208 : i32
        %parallel_loop3A_1210 = arith.constant 64 : i32
        %parallel_loop3A_1211 = arith.addi %parallel_loop3A_1209, %parallel_loop3A_1210 : i32
        %parallel_loop3A_1212 = arith.index_cast %parallel_loop3A_1211 : i32 to index
        %parallel_loop3A_1213 = tpu.vector_load %arg4[%parallel_loop3A_1212] {strides = array<i32>} : memref<32768xf32, #tpu.memory_space<vmem>>, vector<16xf32>,
        %parallel_loop3A_1214 = math.exp %parallel_loop3A_1213 : vector<16xf32>
        %parallel_loop3A_1215 = arith.constant 128 : i32
        %parallel_loop3A_1216 = arith.muli %parallel_loop3A_1179, %parallel_loop3A_1215 : i32
        %parallel_loop3A_1217 = arith.constant 80 : i32
        %parallel_loop3A_1218 = arith.addi %parallel_loop3A_1216, %parallel_loop3A_1217 : i32
        %parallel_loop3A_1219 = arith.index_cast %parallel_loop3A_1218 : i32 to index
        %parallel_loop3A_1220 = tpu.vector_load %arg4[%parallel_loop3A_1219] {strides = array<i32>} : memref<32768xf32, #tpu.memory_space<vmem>>, vector<16xf32>,
        %parallel_loop3A_1221 = math.exp %parallel_loop3A_1220 : vector<16xf32>
        %parallel_loop3A_1222 = arith.constant 128 : i32
        %parallel_loop3A_1223 = arith.muli %parallel_loop3A_1179, %parallel_loop3A_1222 : i32
        %parallel_loop3A_1224 = arith.constant 96 : i32
        %parallel_loop3A_1225 = arith.addi %parallel_loop3A_1223, %parallel_loop3A_1224 : i32
        %parallel_loop3A_1226 = arith.index_cast %parallel_loop3A_1225 : i32 to index
        %parallel_loop3A_1227 = tpu.vector_load %arg4[%parallel_loop3A_1226] {strides = array<i32>} : memref<32768xf32, #tpu.memory_space<vmem>>, vector<16xf32>,
        %parallel_loop3A_1228 = math.exp %parallel_loop3A_1227 : vector<16xf32>
        %parallel_loop3A_1229 = arith.constant 128 : i32
        %parallel_loop3A_1230 = arith.muli %parallel_loop3A_1179, %parallel_loop3A_1229 : i32
        %parallel_loop3A_1231 = arith.constant 112 : i32
        %parallel_loop3A_1232 = arith.addi %parallel_loop3A_1230, %parallel_loop3A_1231 : i32
        %parallel_loop3A_1233 = arith.index_cast %parallel_loop3A_1232 : i32 to index
        %parallel_loop3A_1234 = tpu.vector_load %arg4[%parallel_loop3A_1233] {strides = array<i32>} : memref<32768xf32, #tpu.memory_space<vmem>>, vector<16xf32>,
        %parallel_loop3A_1235 = math.exp %parallel_loop3A_1234 : vector<16xf32>
        %parallel_loop3A_1236 = arith.maximumf %parallel_loop3A_1186, %parallel_loop3A_1193 : vector<16xf32>
        %parallel_loop3A_1237 = arith.minimumf %parallel_loop3A_1186, %parallel_loop3A_1193 : vector<16xf32>
        %parallel_loop3A_1238 = arith.addf %parallel_loop3A_1186, %parallel_loop3A_1193 : vector<16xf32>
        %parallel_loop3A_1239 = arith.minimumf %parallel_loop3A_1236, %parallel_loop3A_1200 : vector<16xf32>
        %parallel_loop3A_1240 = arith.maximumf %parallel_loop3A_1237, %parallel_loop3A_1239 : vector<16xf32>
        %parallel_loop3A_1241 = arith.maximumf %parallel_loop3A_1236, %parallel_loop3A_1200 : vector<16xf32>
        %parallel_loop3A_1242 = arith.addf %parallel_loop3A_1238, %parallel_loop3A_1200 : vector<16xf32>
        %parallel_loop3A_1243 = arith.minimumf %parallel_loop3A_1241, %parallel_loop3A_1207 : vector<16xf32>
        %parallel_loop3A_1244 = arith.maximumf %parallel_loop3A_1240, %parallel_loop3A_1243 : vector<16xf32>
        %parallel_loop3A_1245 = arith.maximumf %parallel_loop3A_1241, %parallel_loop3A_1207 : vector<16xf32>
        %parallel_loop3A_1246 = arith.addf %parallel_loop3A_1242, %parallel_loop3A_1207 : vector<16xf32>
        %parallel_loop3A_1247 = arith.minimumf %parallel_loop3A_1245, %parallel_loop3A_1214 : vector<16xf32>
        %parallel_loop3A_1248 = arith.maximumf %parallel_loop3A_1244, %parallel_loop3A_1247 : vector<16xf32>
        %parallel_loop3A_1249 = arith.maximumf %parallel_loop3A_1245, %parallel_loop3A_1214 : vector<16xf32>
        %parallel_loop3A_1250 = arith.addf %parallel_loop3A_1246, %parallel_loop3A_1214 : vector<16xf32>
        %parallel_loop3A_1251 = arith.minimumf %parallel_loop3A_1249, %parallel_loop3A_1221 : vector<16xf32>
        %parallel_loop3A_1252 = arith.maximumf %parallel_loop3A_1248, %parallel_loop3A_1251 : vector<16xf32>
        %parallel_loop3A_1253 = arith.maximumf %parallel_loop3A_1249, %parallel_loop3A_1221 : vector<16xf32>
        %parallel_loop3A_1254 = arith.addf %parallel_loop3A_1250, %parallel_loop3A_1221 : vector<16xf32>
        %parallel_loop3A_1255 = arith.minimumf %parallel_loop3A_1253, %parallel_loop3A_1228 : vector<16xf32>
        %parallel_loop3A_1256 = arith.maximumf %parallel_loop3A_1252, %parallel_loop3A_1255 : vector<16xf32>
        %parallel_loop3A_1257 = arith.maximumf %parallel_loop3A_1253, %parallel_loop3A_1228 : vector<16xf32>
        %parallel_loop3A_1258 = arith.addf %parallel_loop3A_1254, %parallel_loop3A_1228 : vector<16xf32>
        %parallel_loop3A_1259 = arith.minimumf %parallel_loop3A_1257, %parallel_loop3A_1235 : vector<16xf32>
        %parallel_loop3A_1260 = arith.maximumf %parallel_loop3A_1256, %parallel_loop3A_1259 : vector<16xf32>
        %parallel_loop3A_1261 = arith.maximumf %parallel_loop3A_1257, %parallel_loop3A_1235 : vector<16xf32>
        %parallel_loop3A_1262 = arith.addf %parallel_loop3A_1258, %parallel_loop3A_1235 : vector<16xf32>
        %parallel_loop3A_1263 = arith.constant dense<true> : vector<16xi1>
        %parallel_loop3A_1264, %parallel_loop3A_1265, %parallel_loop3A_1266 = tpu.sort %parallel_loop3A_1261, %parallel_loop3A_1260 masked %parallel_loop3A_1263 {descending = true} : (vector<16xf32>, vector<16xf32>, vector<16xi1>) -> (vector<16xi1>, vector<16xf32>, vector<16xf32>)
        %parallel_loop3A_1267 = vector.shape_cast %broadcast_in_dim3A_14 : vector<16xi32> to vector<16x1xi32>
        %parallel_loop3A_1268 = vector.shape_cast %parallel_loop3A_1267 : vector<16x1xi32> to vector<16xi32>
        %parallel_loop3A_1269 = tpu.dynamic_gather %parallel_loop3A_1265[%parallel_loop3A_1268] in [0] : vector<16xf32>, vector<16xi32> -> vector<16xf32>
        %parallel_loop3A_1270 = vector.shape_cast %broadcast_in_dim3A_16 : vector<16xi32> to vector<16x1xi32>
        %parallel_loop3A_1271 = vector.shape_cast %parallel_loop3A_1270 : vector<16x1xi32> to vector<16xi32>
        %parallel_loop3A_1272 = tpu.dynamic_gather %parallel_loop3A_1265[%parallel_loop3A_1271] in [0] : vector<16xf32>, vector<16xi32> -> vector<16xf32>
        %parallel_loop3A_1273 = vector.shape_cast %broadcast_in_dim3A_14 : vector<16xi32> to vector<16x1xi32>
        %parallel_loop3A_1274 = vector.shape_cast %parallel_loop3A_1273 : vector<16x1xi32> to vector<16xi32>
        %parallel_loop3A_1275 = tpu.dynamic_gather %parallel_loop3A_1266[%parallel_loop3A_1274] in [0] : vector<16xf32>, vector<16xi32> -> vector<16xf32>
        %parallel_loop3A_1276 = arith.maximumf %parallel_loop3A_1272, %parallel_loop3A_1275 : vector<16xf32>
        %parallel_loop3A_1277 = arith.constant true
        %parallel_loop3A_1278 = vector.broadcast %parallel_loop3A_1277 : i1 to vector<16xi1>
        %parallel_loop3A_1279 = tpu.scan <sum>, %parallel_loop3A_1262 masked %parallel_loop3A_1278 : vector<16xf32>, vector<16xi1> -> vector<16xf32>
        %parallel_loop3A_1280 = vector.shape_cast %broadcast_in_dim3A_18 : vector<16xi32> to vector<16x1xi32>
        %parallel_loop3A_1281 = vector.shape_cast %parallel_loop3A_1280 : vector<16x1xi32> to vector<16xi32>
        %parallel_loop3A_1282 = tpu.dynamic_gather %parallel_loop3A_1279[%parallel_loop3A_1281] in [0] : vector<16xf32>, vector<16xi32> -> vector<16xf32>
        %parallel_loop3A_1283 = arith.constant 10 : i32
        %parallel_loop3A_1284 = vector.broadcast %parallel_loop3A_1283 : i32 to vector<16xi32>
        %parallel_loop3A_1285 = arith.cmpi eq, %iota3A, %parallel_loop3A_1284 : vector<16xi32>
        %parallel_loop3A_1286 = arith.select %parallel_loop3A_1285, %parallel_loop3A_1269, %parallel_loop3A_1175 : vector<16xi1>, vector<16xf32>
        %parallel_loop3A_1287 = arith.select %parallel_loop3A_1285, %parallel_loop3A_1276, %parallel_loop3A_1176 : vector<16xi1>, vector<16xf32>
        %parallel_loop3A_1288 = arith.select %parallel_loop3A_1285, %parallel_loop3A_1282, %parallel_loop3A_1177 : vector<16xi1>, vector<16xf32>
        %parallel_loop3A_1289 = arith.constant 11 : i32
        %parallel_loop3A_1290 = arith.addi %parallel_loop3A_61, %parallel_loop3A_1289 : i32
        %parallel_loop3A_1291 = arith.constant 128 : i32
        %parallel_loop3A_1292 = arith.muli %parallel_loop3A_1290, %parallel_loop3A_1291 : i32
        %parallel_loop3A_1293 = arith.constant 0 : i32
        %parallel_loop3A_1294 = arith.addi %parallel_loop3A_1292, %parallel_loop3A_1293 : i32
        %parallel_loop3A_1295 = arith.index_cast %parallel_loop3A_1294 : i32 to index
        %parallel_loop3A_1296 = tpu.vector_load %arg4[%parallel_loop3A_1295] {strides = array<i32>} : memref<32768xf32, #tpu.memory_space<vmem>>, vector<16xf32>,
        %parallel_loop3A_1297 = math.exp %parallel_loop3A_1296 : vector<16xf32>
        %parallel_loop3A_1298 = arith.constant 128 : i32
        %parallel_loop3A_1299 = arith.muli %parallel_loop3A_1290, %parallel_loop3A_1298 : i32
        %parallel_loop3A_1300 = arith.constant 16 : i32
        %parallel_loop3A_1301 = arith.addi %parallel_loop3A_1299, %parallel_loop3A_1300 : i32
        %parallel_loop3A_1302 = arith.index_cast %parallel_loop3A_1301 : i32 to index
        %parallel_loop3A_1303 = tpu.vector_load %arg4[%parallel_loop3A_1302] {strides = array<i32>} : memref<32768xf32, #tpu.memory_space<vmem>>, vector<16xf32>,
        %parallel_loop3A_1304 = math.exp %parallel_loop3A_1303 : vector<16xf32>
        %parallel_loop3A_1305 = arith.constant 128 : i32
        %parallel_loop3A_1306 = arith.muli %parallel_loop3A_1290, %parallel_loop3A_1305 : i32
        %parallel_loop3A_1307 = arith.constant 32 : i32
        %parallel_loop3A_1308 = arith.addi %parallel_loop3A_1306, %parallel_loop3A_1307 : i32
        %parallel_loop3A_1309 = arith.index_cast %parallel_loop3A_1308 : i32 to index
        %parallel_loop3A_1310 = tpu.vector_load %arg4[%parallel_loop3A_1309] {strides = array<i32>} : memref<32768xf32, #tpu.memory_space<vmem>>, vector<16xf32>,
        %parallel_loop3A_1311 = math.exp %parallel_loop3A_1310 : vector<16xf32>
        %parallel_loop3A_1312 = arith.constant 128 : i32
        %parallel_loop3A_1313 = arith.muli %parallel_loop3A_1290, %parallel_loop3A_1312 : i32
        %parallel_loop3A_1314 = arith.constant 48 : i32
        %parallel_loop3A_1315 = arith.addi %parallel_loop3A_1313, %parallel_loop3A_1314 : i32
        %parallel_loop3A_1316 = arith.index_cast %parallel_loop3A_1315 : i32 to index
        %parallel_loop3A_1317 = tpu.vector_load %arg4[%parallel_loop3A_1316] {strides = array<i32>} : memref<32768xf32, #tpu.memory_space<vmem>>, vector<16xf32>,
        %parallel_loop3A_1318 = math.exp %parallel_loop3A_1317 : vector<16xf32>
        %parallel_loop3A_1319 = arith.constant 128 : i32
        %parallel_loop3A_1320 = arith.muli %parallel_loop3A_1290, %parallel_loop3A_1319 : i32
        %parallel_loop3A_1321 = arith.constant 64 : i32
        %parallel_loop3A_1322 = arith.addi %parallel_loop3A_1320, %parallel_loop3A_1321 : i32
        %parallel_loop3A_1323 = arith.index_cast %parallel_loop3A_1322 : i32 to index
        %parallel_loop3A_1324 = tpu.vector_load %arg4[%parallel_loop3A_1323] {strides = array<i32>} : memref<32768xf32, #tpu.memory_space<vmem>>, vector<16xf32>,
        %parallel_loop3A_1325 = math.exp %parallel_loop3A_1324 : vector<16xf32>
        %parallel_loop3A_1326 = arith.constant 128 : i32
        %parallel_loop3A_1327 = arith.muli %parallel_loop3A_1290, %parallel_loop3A_1326 : i32
        %parallel_loop3A_1328 = arith.constant 80 : i32
        %parallel_loop3A_1329 = arith.addi %parallel_loop3A_1327, %parallel_loop3A_1328 : i32
        %parallel_loop3A_1330 = arith.index_cast %parallel_loop3A_1329 : i32 to index
        %parallel_loop3A_1331 = tpu.vector_load %arg4[%parallel_loop3A_1330] {strides = array<i32>} : memref<32768xf32, #tpu.memory_space<vmem>>, vector<16xf32>,
        %parallel_loop3A_1332 = math.exp %parallel_loop3A_1331 : vector<16xf32>
        %parallel_loop3A_1333 = arith.constant 128 : i32
        %parallel_loop3A_1334 = arith.muli %parallel_loop3A_1290, %parallel_loop3A_1333 : i32
        %parallel_loop3A_1335 = arith.constant 96 : i32
        %parallel_loop3A_1336 = arith.addi %parallel_loop3A_1334, %parallel_loop3A_1335 : i32
        %parallel_loop3A_1337 = arith.index_cast %parallel_loop3A_1336 : i32 to index
        %parallel_loop3A_1338 = tpu.vector_load %arg4[%parallel_loop3A_1337] {strides = array<i32>} : memref<32768xf32, #tpu.memory_space<vmem>>, vector<16xf32>,
        %parallel_loop3A_1339 = math.exp %parallel_loop3A_1338 : vector<16xf32>
        %parallel_loop3A_1340 = arith.constant 128 : i32
        %parallel_loop3A_1341 = arith.muli %parallel_loop3A_1290, %parallel_loop3A_1340 : i32
        %parallel_loop3A_1342 = arith.constant 112 : i32
        %parallel_loop3A_1343 = arith.addi %parallel_loop3A_1341, %parallel_loop3A_1342 : i32
        %parallel_loop3A_1344 = arith.index_cast %parallel_loop3A_1343 : i32 to index
        %parallel_loop3A_1345 = tpu.vector_load %arg4[%parallel_loop3A_1344] {strides = array<i32>} : memref<32768xf32, #tpu.memory_space<vmem>>, vector<16xf32>,
        %parallel_loop3A_1346 = math.exp %parallel_loop3A_1345 : vector<16xf32>
        %parallel_loop3A_1347 = arith.maximumf %parallel_loop3A_1297, %parallel_loop3A_1304 : vector<16xf32>
        %parallel_loop3A_1348 = arith.minimumf %parallel_loop3A_1297, %parallel_loop3A_1304 : vector<16xf32>
        %parallel_loop3A_1349 = arith.addf %parallel_loop3A_1297, %parallel_loop3A_1304 : vector<16xf32>
        %parallel_loop3A_1350 = arith.minimumf %parallel_loop3A_1347, %parallel_loop3A_1311 : vector<16xf32>
        %parallel_loop3A_1351 = arith.maximumf %parallel_loop3A_1348, %parallel_loop3A_1350 : vector<16xf32>
        %parallel_loop3A_1352 = arith.maximumf %parallel_loop3A_1347, %parallel_loop3A_1311 : vector<16xf32>
        %parallel_loop3A_1353 = arith.addf %parallel_loop3A_1349, %parallel_loop3A_1311 : vector<16xf32>
        %parallel_loop3A_1354 = arith.minimumf %parallel_loop3A_1352, %parallel_loop3A_1318 : vector<16xf32>
        %parallel_loop3A_1355 = arith.maximumf %parallel_loop3A_1351, %parallel_loop3A_1354 : vector<16xf32>
        %parallel_loop3A_1356 = arith.maximumf %parallel_loop3A_1352, %parallel_loop3A_1318 : vector<16xf32>
        %parallel_loop3A_1357 = arith.addf %parallel_loop3A_1353, %parallel_loop3A_1318 : vector<16xf32>
        %parallel_loop3A_1358 = arith.minimumf %parallel_loop3A_1356, %parallel_loop3A_1325 : vector<16xf32>
        %parallel_loop3A_1359 = arith.maximumf %parallel_loop3A_1355, %parallel_loop3A_1358 : vector<16xf32>
        %parallel_loop3A_1360 = arith.maximumf %parallel_loop3A_1356, %parallel_loop3A_1325 : vector<16xf32>
        %parallel_loop3A_1361 = arith.addf %parallel_loop3A_1357, %parallel_loop3A_1325 : vector<16xf32>
        %parallel_loop3A_1362 = arith.minimumf %parallel_loop3A_1360, %parallel_loop3A_1332 : vector<16xf32>
        %parallel_loop3A_1363 = arith.maximumf %parallel_loop3A_1359, %parallel_loop3A_1362 : vector<16xf32>
        %parallel_loop3A_1364 = arith.maximumf %parallel_loop3A_1360, %parallel_loop3A_1332 : vector<16xf32>
        %parallel_loop3A_1365 = arith.addf %parallel_loop3A_1361, %parallel_loop3A_1332 : vector<16xf32>
        %parallel_loop3A_1366 = arith.minimumf %parallel_loop3A_1364, %parallel_loop3A_1339 : vector<16xf32>
        %parallel_loop3A_1367 = arith.maximumf %parallel_loop3A_1363, %parallel_loop3A_1366 : vector<16xf32>
        %parallel_loop3A_1368 = arith.maximumf %parallel_loop3A_1364, %parallel_loop3A_1339 : vector<16xf32>
        %parallel_loop3A_1369 = arith.addf %parallel_loop3A_1365, %parallel_loop3A_1339 : vector<16xf32>
        %parallel_loop3A_1370 = arith.minimumf %parallel_loop3A_1368, %parallel_loop3A_1346 : vector<16xf32>
        %parallel_loop3A_1371 = arith.maximumf %parallel_loop3A_1367, %parallel_loop3A_1370 : vector<16xf32>
        %parallel_loop3A_1372 = arith.maximumf %parallel_loop3A_1368, %parallel_loop3A_1346 : vector<16xf32>
        %parallel_loop3A_1373 = arith.addf %parallel_loop3A_1369, %parallel_loop3A_1346 : vector<16xf32>
        %parallel_loop3A_1374 = arith.constant dense<true> : vector<16xi1>
        %parallel_loop3A_1375, %parallel_loop3A_1376, %parallel_loop3A_1377 = tpu.sort %parallel_loop3A_1372, %parallel_loop3A_1371 masked %parallel_loop3A_1374 {descending = true} : (vector<16xf32>, vector<16xf32>, vector<16xi1>) -> (vector<16xi1>, vector<16xf32>, vector<16xf32>)
        %parallel_loop3A_1378 = vector.shape_cast %broadcast_in_dim3A_14 : vector<16xi32> to vector<16x1xi32>
        %parallel_loop3A_1379 = vector.shape_cast %parallel_loop3A_1378 : vector<16x1xi32> to vector<16xi32>
        %parallel_loop3A_1380 = tpu.dynamic_gather %parallel_loop3A_1376[%parallel_loop3A_1379] in [0] : vector<16xf32>, vector<16xi32> -> vector<16xf32>
        %parallel_loop3A_1381 = vector.shape_cast %broadcast_in_dim3A_16 : vector<16xi32> to vector<16x1xi32>
        %parallel_loop3A_1382 = vector.shape_cast %parallel_loop3A_1381 : vector<16x1xi32> to vector<16xi32>
        %parallel_loop3A_1383 = tpu.dynamic_gather %parallel_loop3A_1376[%parallel_loop3A_1382] in [0] : vector<16xf32>, vector<16xi32> -> vector<16xf32>
        %parallel_loop3A_1384 = vector.shape_cast %broadcast_in_dim3A_14 : vector<16xi32> to vector<16x1xi32>
        %parallel_loop3A_1385 = vector.shape_cast %parallel_loop3A_1384 : vector<16x1xi32> to vector<16xi32>
        %parallel_loop3A_1386 = tpu.dynamic_gather %parallel_loop3A_1377[%parallel_loop3A_1385] in [0] : vector<16xf32>, vector<16xi32> -> vector<16xf32>
        %parallel_loop3A_1387 = arith.maximumf %parallel_loop3A_1383, %parallel_loop3A_1386 : vector<16xf32>
        %parallel_loop3A_1388 = arith.constant true
        %parallel_loop3A_1389 = vector.broadcast %parallel_loop3A_1388 : i1 to vector<16xi1>
        %parallel_loop3A_1390 = tpu.scan <sum>, %parallel_loop3A_1373 masked %parallel_loop3A_1389 : vector<16xf32>, vector<16xi1> -> vector<16xf32>
        %parallel_loop3A_1391 = vector.shape_cast %broadcast_in_dim3A_18 : vector<16xi32> to vector<16x1xi32>
        %parallel_loop3A_1392 = vector.shape_cast %parallel_loop3A_1391 : vector<16x1xi32> to vector<16xi32>
        %parallel_loop3A_1393 = tpu.dynamic_gather %parallel_loop3A_1390[%parallel_loop3A_1392] in [0] : vector<16xf32>, vector<16xi32> -> vector<16xf32>
        %parallel_loop3A_1394 = arith.constant 11 : i32
        %parallel_loop3A_1395 = vector.broadcast %parallel_loop3A_1394 : i32 to vector<16xi32>
        %parallel_loop3A_1396 = arith.cmpi eq, %iota3A, %parallel_loop3A_1395 : vector<16xi32>
        %parallel_loop3A_1397 = arith.select %parallel_loop3A_1396, %parallel_loop3A_1380, %parallel_loop3A_1286 : vector<16xi1>, vector<16xf32>
        %parallel_loop3A_1398 = arith.select %parallel_loop3A_1396, %parallel_loop3A_1387, %parallel_loop3A_1287 : vector<16xi1>, vector<16xf32>
        %parallel_loop3A_1399 = arith.select %parallel_loop3A_1396, %parallel_loop3A_1393, %parallel_loop3A_1288 : vector<16xi1>, vector<16xf32>
        %parallel_loop3A_1400 = arith.constant 12 : i32
        %parallel_loop3A_1401 = arith.addi %parallel_loop3A_61, %parallel_loop3A_1400 : i32
        %parallel_loop3A_1402 = arith.constant 128 : i32
        %parallel_loop3A_1403 = arith.muli %parallel_loop3A_1401, %parallel_loop3A_1402 : i32
        %parallel_loop3A_1404 = arith.constant 0 : i32
        %parallel_loop3A_1405 = arith.addi %parallel_loop3A_1403, %parallel_loop3A_1404 : i32
        %parallel_loop3A_1406 = arith.index_cast %parallel_loop3A_1405 : i32 to index
        %parallel_loop3A_1407 = tpu.vector_load %arg4[%parallel_loop3A_1406] {strides = array<i32>} : memref<32768xf32, #tpu.memory_space<vmem>>, vector<16xf32>,
        %parallel_loop3A_1408 = math.exp %parallel_loop3A_1407 : vector<16xf32>
        %parallel_loop3A_1409 = arith.constant 128 : i32
        %parallel_loop3A_1410 = arith.muli %parallel_loop3A_1401, %parallel_loop3A_1409 : i32
        %parallel_loop3A_1411 = arith.constant 16 : i32
        %parallel_loop3A_1412 = arith.addi %parallel_loop3A_1410, %parallel_loop3A_1411 : i32
        %parallel_loop3A_1413 = arith.index_cast %parallel_loop3A_1412 : i32 to index
        %parallel_loop3A_1414 = tpu.vector_load %arg4[%parallel_loop3A_1413] {strides = array<i32>} : memref<32768xf32, #tpu.memory_space<vmem>>, vector<16xf32>,
        %parallel_loop3A_1415 = math.exp %parallel_loop3A_1414 : vector<16xf32>
        %parallel_loop3A_1416 = arith.constant 128 : i32
        %parallel_loop3A_1417 = arith.muli %parallel_loop3A_1401, %parallel_loop3A_1416 : i32
        %parallel_loop3A_1418 = arith.constant 32 : i32
        %parallel_loop3A_1419 = arith.addi %parallel_loop3A_1417, %parallel_loop3A_1418 : i32
        %parallel_loop3A_1420 = arith.index_cast %parallel_loop3A_1419 : i32 to index
        %parallel_loop3A_1421 = tpu.vector_load %arg4[%parallel_loop3A_1420] {strides = array<i32>} : memref<32768xf32, #tpu.memory_space<vmem>>, vector<16xf32>,
        %parallel_loop3A_1422 = math.exp %parallel_loop3A_1421 : vector<16xf32>
        %parallel_loop3A_1423 = arith.constant 128 : i32
        %parallel_loop3A_1424 = arith.muli %parallel_loop3A_1401, %parallel_loop3A_1423 : i32
        %parallel_loop3A_1425 = arith.constant 48 : i32
        %parallel_loop3A_1426 = arith.addi %parallel_loop3A_1424, %parallel_loop3A_1425 : i32
        %parallel_loop3A_1427 = arith.index_cast %parallel_loop3A_1426 : i32 to index
        %parallel_loop3A_1428 = tpu.vector_load %arg4[%parallel_loop3A_1427] {strides = array<i32>} : memref<32768xf32, #tpu.memory_space<vmem>>, vector<16xf32>,
        %parallel_loop3A_1429 = math.exp %parallel_loop3A_1428 : vector<16xf32>
        %parallel_loop3A_1430 = arith.constant 128 : i32
        %parallel_loop3A_1431 = arith.muli %parallel_loop3A_1401, %parallel_loop3A_1430 : i32
        %parallel_loop3A_1432 = arith.constant 64 : i32
        %parallel_loop3A_1433 = arith.addi %parallel_loop3A_1431, %parallel_loop3A_1432 : i32
        %parallel_loop3A_1434 = arith.index_cast %parallel_loop3A_1433 : i32 to index
        %parallel_loop3A_1435 = tpu.vector_load %arg4[%parallel_loop3A_1434] {strides = array<i32>} : memref<32768xf32, #tpu.memory_space<vmem>>, vector<16xf32>,
        %parallel_loop3A_1436 = math.exp %parallel_loop3A_1435 : vector<16xf32>
        %parallel_loop3A_1437 = arith.constant 128 : i32
        %parallel_loop3A_1438 = arith.muli %parallel_loop3A_1401, %parallel_loop3A_1437 : i32
        %parallel_loop3A_1439 = arith.constant 80 : i32
        %parallel_loop3A_1440 = arith.addi %parallel_loop3A_1438, %parallel_loop3A_1439 : i32
        %parallel_loop3A_1441 = arith.index_cast %parallel_loop3A_1440 : i32 to index
        %parallel_loop3A_1442 = tpu.vector_load %arg4[%parallel_loop3A_1441] {strides = array<i32>} : memref<32768xf32, #tpu.memory_space<vmem>>, vector<16xf32>,
        %parallel_loop3A_1443 = math.exp %parallel_loop3A_1442 : vector<16xf32>
        %parallel_loop3A_1444 = arith.constant 128 : i32
        %parallel_loop3A_1445 = arith.muli %parallel_loop3A_1401, %parallel_loop3A_1444 : i32
        %parallel_loop3A_1446 = arith.constant 96 : i32
        %parallel_loop3A_1447 = arith.addi %parallel_loop3A_1445, %parallel_loop3A_1446 : i32
        %parallel_loop3A_1448 = arith.index_cast %parallel_loop3A_1447 : i32 to index
        %parallel_loop3A_1449 = tpu.vector_load %arg4[%parallel_loop3A_1448] {strides = array<i32>} : memref<32768xf32, #tpu.memory_space<vmem>>, vector<16xf32>,
        %parallel_loop3A_1450 = math.exp %parallel_loop3A_1449 : vector<16xf32>
        %parallel_loop3A_1451 = arith.constant 128 : i32
        %parallel_loop3A_1452 = arith.muli %parallel_loop3A_1401, %parallel_loop3A_1451 : i32
        %parallel_loop3A_1453 = arith.constant 112 : i32
        %parallel_loop3A_1454 = arith.addi %parallel_loop3A_1452, %parallel_loop3A_1453 : i32
        %parallel_loop3A_1455 = arith.index_cast %parallel_loop3A_1454 : i32 to index
        %parallel_loop3A_1456 = tpu.vector_load %arg4[%parallel_loop3A_1455] {strides = array<i32>} : memref<32768xf32, #tpu.memory_space<vmem>>, vector<16xf32>,
        %parallel_loop3A_1457 = math.exp %parallel_loop3A_1456 : vector<16xf32>
        %parallel_loop3A_1458 = arith.maximumf %parallel_loop3A_1408, %parallel_loop3A_1415 : vector<16xf32>
        %parallel_loop3A_1459 = arith.minimumf %parallel_loop3A_1408, %parallel_loop3A_1415 : vector<16xf32>
        %parallel_loop3A_1460 = arith.addf %parallel_loop3A_1408, %parallel_loop3A_1415 : vector<16xf32>
        %parallel_loop3A_1461 = arith.minimumf %parallel_loop3A_1458, %parallel_loop3A_1422 : vector<16xf32>
        %parallel_loop3A_1462 = arith.maximumf %parallel_loop3A_1459, %parallel_loop3A_1461 : vector<16xf32>
        %parallel_loop3A_1463 = arith.maximumf %parallel_loop3A_1458, %parallel_loop3A_1422 : vector<16xf32>
        %parallel_loop3A_1464 = arith.addf %parallel_loop3A_1460, %parallel_loop3A_1422 : vector<16xf32>
        %parallel_loop3A_1465 = arith.minimumf %parallel_loop3A_1463, %parallel_loop3A_1429 : vector<16xf32>
        %parallel_loop3A_1466 = arith.maximumf %parallel_loop3A_1462, %parallel_loop3A_1465 : vector<16xf32>
        %parallel_loop3A_1467 = arith.maximumf %parallel_loop3A_1463, %parallel_loop3A_1429 : vector<16xf32>
        %parallel_loop3A_1468 = arith.addf %parallel_loop3A_1464, %parallel_loop3A_1429 : vector<16xf32>
        %parallel_loop3A_1469 = arith.minimumf %parallel_loop3A_1467, %parallel_loop3A_1436 : vector<16xf32>
        %parallel_loop3A_1470 = arith.maximumf %parallel_loop3A_1466, %parallel_loop3A_1469 : vector<16xf32>
        %parallel_loop3A_1471 = arith.maximumf %parallel_loop3A_1467, %parallel_loop3A_1436 : vector<16xf32>
        %parallel_loop3A_1472 = arith.addf %parallel_loop3A_1468, %parallel_loop3A_1436 : vector<16xf32>
        %parallel_loop3A_1473 = arith.minimumf %parallel_loop3A_1471, %parallel_loop3A_1443 : vector<16xf32>
        %parallel_loop3A_1474 = arith.maximumf %parallel_loop3A_1470, %parallel_loop3A_1473 : vector<16xf32>
        %parallel_loop3A_1475 = arith.maximumf %parallel_loop3A_1471, %parallel_loop3A_1443 : vector<16xf32>
        %parallel_loop3A_1476 = arith.addf %parallel_loop3A_1472, %parallel_loop3A_1443 : vector<16xf32>
        %parallel_loop3A_1477 = arith.minimumf %parallel_loop3A_1475, %parallel_loop3A_1450 : vector<16xf32>
        %parallel_loop3A_1478 = arith.maximumf %parallel_loop3A_1474, %parallel_loop3A_1477 : vector<16xf32>
        %parallel_loop3A_1479 = arith.maximumf %parallel_loop3A_1475, %parallel_loop3A_1450 : vector<16xf32>
        %parallel_loop3A_1480 = arith.addf %parallel_loop3A_1476, %parallel_loop3A_1450 : vector<16xf32>
        %parallel_loop3A_1481 = arith.minimumf %parallel_loop3A_1479, %parallel_loop3A_1457 : vector<16xf32>
        %parallel_loop3A_1482 = arith.maximumf %parallel_loop3A_1478, %parallel_loop3A_1481 : vector<16xf32>
        %parallel_loop3A_1483 = arith.maximumf %parallel_loop3A_1479, %parallel_loop3A_1457 : vector<16xf32>
        %parallel_loop3A_1484 = arith.addf %parallel_loop3A_1480, %parallel_loop3A_1457 : vector<16xf32>
        %parallel_loop3A_1485 = arith.constant dense<true> : vector<16xi1>
        %parallel_loop3A_1486, %parallel_loop3A_1487, %parallel_loop3A_1488 = tpu.sort %parallel_loop3A_1483, %parallel_loop3A_1482 masked %parallel_loop3A_1485 {descending = true} : (vector<16xf32>, vector<16xf32>, vector<16xi1>) -> (vector<16xi1>, vector<16xf32>, vector<16xf32>)
        %parallel_loop3A_1489 = vector.shape_cast %broadcast_in_dim3A_14 : vector<16xi32> to vector<16x1xi32>
        %parallel_loop3A_1490 = vector.shape_cast %parallel_loop3A_1489 : vector<16x1xi32> to vector<16xi32>
        %parallel_loop3A_1491 = tpu.dynamic_gather %parallel_loop3A_1487[%parallel_loop3A_1490] in [0] : vector<16xf32>, vector<16xi32> -> vector<16xf32>
        %parallel_loop3A_1492 = vector.shape_cast %broadcast_in_dim3A_16 : vector<16xi32> to vector<16x1xi32>
        %parallel_loop3A_1493 = vector.shape_cast %parallel_loop3A_1492 : vector<16x1xi32> to vector<16xi32>
        %parallel_loop3A_1494 = tpu.dynamic_gather %parallel_loop3A_1487[%parallel_loop3A_1493] in [0] : vector<16xf32>, vector<16xi32> -> vector<16xf32>
        %parallel_loop3A_1495 = vector.shape_cast %broadcast_in_dim3A_14 : vector<16xi32> to vector<16x1xi32>
        %parallel_loop3A_1496 = vector.shape_cast %parallel_loop3A_1495 : vector<16x1xi32> to vector<16xi32>
        %parallel_loop3A_1497 = tpu.dynamic_gather %parallel_loop3A_1488[%parallel_loop3A_1496] in [0] : vector<16xf32>, vector<16xi32> -> vector<16xf32>
        %parallel_loop3A_1498 = arith.maximumf %parallel_loop3A_1494, %parallel_loop3A_1497 : vector<16xf32>
        %parallel_loop3A_1499 = arith.constant true
        %parallel_loop3A_1500 = vector.broadcast %parallel_loop3A_1499 : i1 to vector<16xi1>
        %parallel_loop3A_1501 = tpu.scan <sum>, %parallel_loop3A_1484 masked %parallel_loop3A_1500 : vector<16xf32>, vector<16xi1> -> vector<16xf32>
        %parallel_loop3A_1502 = vector.shape_cast %broadcast_in_dim3A_18 : vector<16xi32> to vector<16x1xi32>
        %parallel_loop3A_1503 = vector.shape_cast %parallel_loop3A_1502 : vector<16x1xi32> to vector<16xi32>
        %parallel_loop3A_1504 = tpu.dynamic_gather %parallel_loop3A_1501[%parallel_loop3A_1503] in [0] : vector<16xf32>, vector<16xi32> -> vector<16xf32>
        %parallel_loop3A_1505 = arith.constant 12 : i32
        %parallel_loop3A_1506 = vector.broadcast %parallel_loop3A_1505 : i32 to vector<16xi32>
        %parallel_loop3A_1507 = arith.cmpi eq, %iota3A, %parallel_loop3A_1506 : vector<16xi32>
        %parallel_loop3A_1508 = arith.select %parallel_loop3A_1507, %parallel_loop3A_1491, %parallel_loop3A_1397 : vector<16xi1>, vector<16xf32>
        %parallel_loop3A_1509 = arith.select %parallel_loop3A_1507, %parallel_loop3A_1498, %parallel_loop3A_1398 : vector<16xi1>, vector<16xf32>
        %parallel_loop3A_1510 = arith.select %parallel_loop3A_1507, %parallel_loop3A_1504, %parallel_loop3A_1399 : vector<16xi1>, vector<16xf32>
        %parallel_loop3A_1511 = arith.constant 13 : i32
        %parallel_loop3A_1512 = arith.addi %parallel_loop3A_61, %parallel_loop3A_1511 : i32
        %parallel_loop3A_1513 = arith.constant 128 : i32
        %parallel_loop3A_1514 = arith.muli %parallel_loop3A_1512, %parallel_loop3A_1513 : i32
        %parallel_loop3A_1515 = arith.constant 0 : i32
        %parallel_loop3A_1516 = arith.addi %parallel_loop3A_1514, %parallel_loop3A_1515 : i32
        %parallel_loop3A_1517 = arith.index_cast %parallel_loop3A_1516 : i32 to index
        %parallel_loop3A_1518 = tpu.vector_load %arg4[%parallel_loop3A_1517] {strides = array<i32>} : memref<32768xf32, #tpu.memory_space<vmem>>, vector<16xf32>,
        %parallel_loop3A_1519 = math.exp %parallel_loop3A_1518 : vector<16xf32>
        %parallel_loop3A_1520 = arith.constant 128 : i32
        %parallel_loop3A_1521 = arith.muli %parallel_loop3A_1512, %parallel_loop3A_1520 : i32
        %parallel_loop3A_1522 = arith.constant 16 : i32
        %parallel_loop3A_1523 = arith.addi %parallel_loop3A_1521, %parallel_loop3A_1522 : i32
        %parallel_loop3A_1524 = arith.index_cast %parallel_loop3A_1523 : i32 to index
        %parallel_loop3A_1525 = tpu.vector_load %arg4[%parallel_loop3A_1524] {strides = array<i32>} : memref<32768xf32, #tpu.memory_space<vmem>>, vector<16xf32>,
        %parallel_loop3A_1526 = math.exp %parallel_loop3A_1525 : vector<16xf32>
        %parallel_loop3A_1527 = arith.constant 128 : i32
        %parallel_loop3A_1528 = arith.muli %parallel_loop3A_1512, %parallel_loop3A_1527 : i32
        %parallel_loop3A_1529 = arith.constant 32 : i32
        %parallel_loop3A_1530 = arith.addi %parallel_loop3A_1528, %parallel_loop3A_1529 : i32
        %parallel_loop3A_1531 = arith.index_cast %parallel_loop3A_1530 : i32 to index
        %parallel_loop3A_1532 = tpu.vector_load %arg4[%parallel_loop3A_1531] {strides = array<i32>} : memref<32768xf32, #tpu.memory_space<vmem>>, vector<16xf32>,
        %parallel_loop3A_1533 = math.exp %parallel_loop3A_1532 : vector<16xf32>
        %parallel_loop3A_1534 = arith.constant 128 : i32
        %parallel_loop3A_1535 = arith.muli %parallel_loop3A_1512, %parallel_loop3A_1534 : i32
        %parallel_loop3A_1536 = arith.constant 48 : i32
        %parallel_loop3A_1537 = arith.addi %parallel_loop3A_1535, %parallel_loop3A_1536 : i32
        %parallel_loop3A_1538 = arith.index_cast %parallel_loop3A_1537 : i32 to index
        %parallel_loop3A_1539 = tpu.vector_load %arg4[%parallel_loop3A_1538] {strides = array<i32>} : memref<32768xf32, #tpu.memory_space<vmem>>, vector<16xf32>,
        %parallel_loop3A_1540 = math.exp %parallel_loop3A_1539 : vector<16xf32>
        %parallel_loop3A_1541 = arith.constant 128 : i32
        %parallel_loop3A_1542 = arith.muli %parallel_loop3A_1512, %parallel_loop3A_1541 : i32
        %parallel_loop3A_1543 = arith.constant 64 : i32
        %parallel_loop3A_1544 = arith.addi %parallel_loop3A_1542, %parallel_loop3A_1543 : i32
        %parallel_loop3A_1545 = arith.index_cast %parallel_loop3A_1544 : i32 to index
        %parallel_loop3A_1546 = tpu.vector_load %arg4[%parallel_loop3A_1545] {strides = array<i32>} : memref<32768xf32, #tpu.memory_space<vmem>>, vector<16xf32>,
        %parallel_loop3A_1547 = math.exp %parallel_loop3A_1546 : vector<16xf32>
        %parallel_loop3A_1548 = arith.constant 128 : i32
        %parallel_loop3A_1549 = arith.muli %parallel_loop3A_1512, %parallel_loop3A_1548 : i32
        %parallel_loop3A_1550 = arith.constant 80 : i32
        %parallel_loop3A_1551 = arith.addi %parallel_loop3A_1549, %parallel_loop3A_1550 : i32
        %parallel_loop3A_1552 = arith.index_cast %parallel_loop3A_1551 : i32 to index
        %parallel_loop3A_1553 = tpu.vector_load %arg4[%parallel_loop3A_1552] {strides = array<i32>} : memref<32768xf32, #tpu.memory_space<vmem>>, vector<16xf32>,
        %parallel_loop3A_1554 = math.exp %parallel_loop3A_1553 : vector<16xf32>
        %parallel_loop3A_1555 = arith.constant 128 : i32
        %parallel_loop3A_1556 = arith.muli %parallel_loop3A_1512, %parallel_loop3A_1555 : i32
        %parallel_loop3A_1557 = arith.constant 96 : i32
        %parallel_loop3A_1558 = arith.addi %parallel_loop3A_1556, %parallel_loop3A_1557 : i32
        %parallel_loop3A_1559 = arith.index_cast %parallel_loop3A_1558 : i32 to index
        %parallel_loop3A_1560 = tpu.vector_load %arg4[%parallel_loop3A_1559] {strides = array<i32>} : memref<32768xf32, #tpu.memory_space<vmem>>, vector<16xf32>,
        %parallel_loop3A_1561 = math.exp %parallel_loop3A_1560 : vector<16xf32>
        %parallel_loop3A_1562 = arith.constant 128 : i32
        %parallel_loop3A_1563 = arith.muli %parallel_loop3A_1512, %parallel_loop3A_1562 : i32
        %parallel_loop3A_1564 = arith.constant 112 : i32
        %parallel_loop3A_1565 = arith.addi %parallel_loop3A_1563, %parallel_loop3A_1564 : i32
        %parallel_loop3A_1566 = arith.index_cast %parallel_loop3A_1565 : i32 to index
        %parallel_loop3A_1567 = tpu.vector_load %arg4[%parallel_loop3A_1566] {strides = array<i32>} : memref<32768xf32, #tpu.memory_space<vmem>>, vector<16xf32>,
        %parallel_loop3A_1568 = math.exp %parallel_loop3A_1567 : vector<16xf32>
        %parallel_loop3A_1569 = arith.maximumf %parallel_loop3A_1519, %parallel_loop3A_1526 : vector<16xf32>
        %parallel_loop3A_1570 = arith.minimumf %parallel_loop3A_1519, %parallel_loop3A_1526 : vector<16xf32>
        %parallel_loop3A_1571 = arith.addf %parallel_loop3A_1519, %parallel_loop3A_1526 : vector<16xf32>
        %parallel_loop3A_1572 = arith.minimumf %parallel_loop3A_1569, %parallel_loop3A_1533 : vector<16xf32>
        %parallel_loop3A_1573 = arith.maximumf %parallel_loop3A_1570, %parallel_loop3A_1572 : vector<16xf32>
        %parallel_loop3A_1574 = arith.maximumf %parallel_loop3A_1569, %parallel_loop3A_1533 : vector<16xf32>
        %parallel_loop3A_1575 = arith.addf %parallel_loop3A_1571, %parallel_loop3A_1533 : vector<16xf32>
        %parallel_loop3A_1576 = arith.minimumf %parallel_loop3A_1574, %parallel_loop3A_1540 : vector<16xf32>
        %parallel_loop3A_1577 = arith.maximumf %parallel_loop3A_1573, %parallel_loop3A_1576 : vector<16xf32>
        %parallel_loop3A_1578 = arith.maximumf %parallel_loop3A_1574, %parallel_loop3A_1540 : vector<16xf32>
        %parallel_loop3A_1579 = arith.addf %parallel_loop3A_1575, %parallel_loop3A_1540 : vector<16xf32>
        %parallel_loop3A_1580 = arith.minimumf %parallel_loop3A_1578, %parallel_loop3A_1547 : vector<16xf32>
        %parallel_loop3A_1581 = arith.maximumf %parallel_loop3A_1577, %parallel_loop3A_1580 : vector<16xf32>
        %parallel_loop3A_1582 = arith.maximumf %parallel_loop3A_1578, %parallel_loop3A_1547 : vector<16xf32>
        %parallel_loop3A_1583 = arith.addf %parallel_loop3A_1579, %parallel_loop3A_1547 : vector<16xf32>
        %parallel_loop3A_1584 = arith.minimumf %parallel_loop3A_1582, %parallel_loop3A_1554 : vector<16xf32>
        %parallel_loop3A_1585 = arith.maximumf %parallel_loop3A_1581, %parallel_loop3A_1584 : vector<16xf32>
        %parallel_loop3A_1586 = arith.maximumf %parallel_loop3A_1582, %parallel_loop3A_1554 : vector<16xf32>
        %parallel_loop3A_1587 = arith.addf %parallel_loop3A_1583, %parallel_loop3A_1554 : vector<16xf32>
        %parallel_loop3A_1588 = arith.minimumf %parallel_loop3A_1586, %parallel_loop3A_1561 : vector<16xf32>
        %parallel_loop3A_1589 = arith.maximumf %parallel_loop3A_1585, %parallel_loop3A_1588 : vector<16xf32>
        %parallel_loop3A_1590 = arith.maximumf %parallel_loop3A_1586, %parallel_loop3A_1561 : vector<16xf32>
        %parallel_loop3A_1591 = arith.addf %parallel_loop3A_1587, %parallel_loop3A_1561 : vector<16xf32>
        %parallel_loop3A_1592 = arith.minimumf %parallel_loop3A_1590, %parallel_loop3A_1568 : vector<16xf32>
        %parallel_loop3A_1593 = arith.maximumf %parallel_loop3A_1589, %parallel_loop3A_1592 : vector<16xf32>
        %parallel_loop3A_1594 = arith.maximumf %parallel_loop3A_1590, %parallel_loop3A_1568 : vector<16xf32>
        %parallel_loop3A_1595 = arith.addf %parallel_loop3A_1591, %parallel_loop3A_1568 : vector<16xf32>
        %parallel_loop3A_1596 = arith.constant dense<true> : vector<16xi1>
        %parallel_loop3A_1597, %parallel_loop3A_1598, %parallel_loop3A_1599 = tpu.sort %parallel_loop3A_1594, %parallel_loop3A_1593 masked %parallel_loop3A_1596 {descending = true} : (vector<16xf32>, vector<16xf32>, vector<16xi1>) -> (vector<16xi1>, vector<16xf32>, vector<16xf32>)
        %parallel_loop3A_1600 = vector.shape_cast %broadcast_in_dim3A_14 : vector<16xi32> to vector<16x1xi32>
        %parallel_loop3A_1601 = vector.shape_cast %parallel_loop3A_1600 : vector<16x1xi32> to vector<16xi32>
        %parallel_loop3A_1602 = tpu.dynamic_gather %parallel_loop3A_1598[%parallel_loop3A_1601] in [0] : vector<16xf32>, vector<16xi32> -> vector<16xf32>
        %parallel_loop3A_1603 = vector.shape_cast %broadcast_in_dim3A_16 : vector<16xi32> to vector<16x1xi32>
        %parallel_loop3A_1604 = vector.shape_cast %parallel_loop3A_1603 : vector<16x1xi32> to vector<16xi32>
        %parallel_loop3A_1605 = tpu.dynamic_gather %parallel_loop3A_1598[%parallel_loop3A_1604] in [0] : vector<16xf32>, vector<16xi32> -> vector<16xf32>
        %parallel_loop3A_1606 = vector.shape_cast %broadcast_in_dim3A_14 : vector<16xi32> to vector<16x1xi32>
        %parallel_loop3A_1607 = vector.shape_cast %parallel_loop3A_1606 : vector<16x1xi32> to vector<16xi32>
        %parallel_loop3A_1608 = tpu.dynamic_gather %parallel_loop3A_1599[%parallel_loop3A_1607] in [0] : vector<16xf32>, vector<16xi32> -> vector<16xf32>
        %parallel_loop3A_1609 = arith.maximumf %parallel_loop3A_1605, %parallel_loop3A_1608 : vector<16xf32>
        %parallel_loop3A_1610 = arith.constant true
        %parallel_loop3A_1611 = vector.broadcast %parallel_loop3A_1610 : i1 to vector<16xi1>
        %parallel_loop3A_1612 = tpu.scan <sum>, %parallel_loop3A_1595 masked %parallel_loop3A_1611 : vector<16xf32>, vector<16xi1> -> vector<16xf32>
        %parallel_loop3A_1613 = vector.shape_cast %broadcast_in_dim3A_18 : vector<16xi32> to vector<16x1xi32>
        %parallel_loop3A_1614 = vector.shape_cast %parallel_loop3A_1613 : vector<16x1xi32> to vector<16xi32>
        %parallel_loop3A_1615 = tpu.dynamic_gather %parallel_loop3A_1612[%parallel_loop3A_1614] in [0] : vector<16xf32>, vector<16xi32> -> vector<16xf32>
        %parallel_loop3A_1616 = arith.constant 13 : i32
        %parallel_loop3A_1617 = vector.broadcast %parallel_loop3A_1616 : i32 to vector<16xi32>
        %parallel_loop3A_1618 = arith.cmpi eq, %iota3A, %parallel_loop3A_1617 : vector<16xi32>
        %parallel_loop3A_1619 = arith.select %parallel_loop3A_1618, %parallel_loop3A_1602, %parallel_loop3A_1508 : vector<16xi1>, vector<16xf32>
        %parallel_loop3A_1620 = arith.select %parallel_loop3A_1618, %parallel_loop3A_1609, %parallel_loop3A_1509 : vector<16xi1>, vector<16xf32>
        %parallel_loop3A_1621 = arith.select %parallel_loop3A_1618, %parallel_loop3A_1615, %parallel_loop3A_1510 : vector<16xi1>, vector<16xf32>
        %parallel_loop3A_1622 = arith.constant 14 : i32
        %parallel_loop3A_1623 = arith.addi %parallel_loop3A_61, %parallel_loop3A_1622 : i32
        %parallel_loop3A_1624 = arith.constant 128 : i32
        %parallel_loop3A_1625 = arith.muli %parallel_loop3A_1623, %parallel_loop3A_1624 : i32
        %parallel_loop3A_1626 = arith.constant 0 : i32
        %parallel_loop3A_1627 = arith.addi %parallel_loop3A_1625, %parallel_loop3A_1626 : i32
        %parallel_loop3A_1628 = arith.index_cast %parallel_loop3A_1627 : i32 to index
        %parallel_loop3A_1629 = tpu.vector_load %arg4[%parallel_loop3A_1628] {strides = array<i32>} : memref<32768xf32, #tpu.memory_space<vmem>>, vector<16xf32>,
        %parallel_loop3A_1630 = math.exp %parallel_loop3A_1629 : vector<16xf32>
        %parallel_loop3A_1631 = arith.constant 128 : i32
        %parallel_loop3A_1632 = arith.muli %parallel_loop3A_1623, %parallel_loop3A_1631 : i32
        %parallel_loop3A_1633 = arith.constant 16 : i32
        %parallel_loop3A_1634 = arith.addi %parallel_loop3A_1632, %parallel_loop3A_1633 : i32
        %parallel_loop3A_1635 = arith.index_cast %parallel_loop3A_1634 : i32 to index
        %parallel_loop3A_1636 = tpu.vector_load %arg4[%parallel_loop3A_1635] {strides = array<i32>} : memref<32768xf32, #tpu.memory_space<vmem>>, vector<16xf32>,
        %parallel_loop3A_1637 = math.exp %parallel_loop3A_1636 : vector<16xf32>
        %parallel_loop3A_1638 = arith.constant 128 : i32
        %parallel_loop3A_1639 = arith.muli %parallel_loop3A_1623, %parallel_loop3A_1638 : i32
        %parallel_loop3A_1640 = arith.constant 32 : i32
        %parallel_loop3A_1641 = arith.addi %parallel_loop3A_1639, %parallel_loop3A_1640 : i32
        %parallel_loop3A_1642 = arith.index_cast %parallel_loop3A_1641 : i32 to index
        %parallel_loop3A_1643 = tpu.vector_load %arg4[%parallel_loop3A_1642] {strides = array<i32>} : memref<32768xf32, #tpu.memory_space<vmem>>, vector<16xf32>,
        %parallel_loop3A_1644 = math.exp %parallel_loop3A_1643 : vector<16xf32>
        %parallel_loop3A_1645 = arith.constant 128 : i32
        %parallel_loop3A_1646 = arith.muli %parallel_loop3A_1623, %parallel_loop3A_1645 : i32
        %parallel_loop3A_1647 = arith.constant 48 : i32
        %parallel_loop3A_1648 = arith.addi %parallel_loop3A_1646, %parallel_loop3A_1647 : i32
        %parallel_loop3A_1649 = arith.index_cast %parallel_loop3A_1648 : i32 to index
        %parallel_loop3A_1650 = tpu.vector_load %arg4[%parallel_loop3A_1649] {strides = array<i32>} : memref<32768xf32, #tpu.memory_space<vmem>>, vector<16xf32>,
        %parallel_loop3A_1651 = math.exp %parallel_loop3A_1650 : vector<16xf32>
        %parallel_loop3A_1652 = arith.constant 128 : i32
        %parallel_loop3A_1653 = arith.muli %parallel_loop3A_1623, %parallel_loop3A_1652 : i32
        %parallel_loop3A_1654 = arith.constant 64 : i32
        %parallel_loop3A_1655 = arith.addi %parallel_loop3A_1653, %parallel_loop3A_1654 : i32
        %parallel_loop3A_1656 = arith.index_cast %parallel_loop3A_1655 : i32 to index
        %parallel_loop3A_1657 = tpu.vector_load %arg4[%parallel_loop3A_1656] {strides = array<i32>} : memref<32768xf32, #tpu.memory_space<vmem>>, vector<16xf32>,
        %parallel_loop3A_1658 = math.exp %parallel_loop3A_1657 : vector<16xf32>
        %parallel_loop3A_1659 = arith.constant 128 : i32
        %parallel_loop3A_1660 = arith.muli %parallel_loop3A_1623, %parallel_loop3A_1659 : i32
        %parallel_loop3A_1661 = arith.constant 80 : i32
        %parallel_loop3A_1662 = arith.addi %parallel_loop3A_1660, %parallel_loop3A_1661 : i32
        %parallel_loop3A_1663 = arith.index_cast %parallel_loop3A_1662 : i32 to index
        %parallel_loop3A_1664 = tpu.vector_load %arg4[%parallel_loop3A_1663] {strides = array<i32>} : memref<32768xf32, #tpu.memory_space<vmem>>, vector<16xf32>,
        %parallel_loop3A_1665 = math.exp %parallel_loop3A_1664 : vector<16xf32>
        %parallel_loop3A_1666 = arith.constant 128 : i32
        %parallel_loop3A_1667 = arith.muli %parallel_loop3A_1623, %parallel_loop3A_1666 : i32
        %parallel_loop3A_1668 = arith.constant 96 : i32
        %parallel_loop3A_1669 = arith.addi %parallel_loop3A_1667, %parallel_loop3A_1668 : i32
        %parallel_loop3A_1670 = arith.index_cast %parallel_loop3A_1669 : i32 to index
        %parallel_loop3A_1671 = tpu.vector_load %arg4[%parallel_loop3A_1670] {strides = array<i32>} : memref<32768xf32, #tpu.memory_space<vmem>>, vector<16xf32>,
        %parallel_loop3A_1672 = math.exp %parallel_loop3A_1671 : vector<16xf32>
        %parallel_loop3A_1673 = arith.constant 128 : i32
        %parallel_loop3A_1674 = arith.muli %parallel_loop3A_1623, %parallel_loop3A_1673 : i32
        %parallel_loop3A_1675 = arith.constant 112 : i32
        %parallel_loop3A_1676 = arith.addi %parallel_loop3A_1674, %parallel_loop3A_1675 : i32
        %parallel_loop3A_1677 = arith.index_cast %parallel_loop3A_1676 : i32 to index
        %parallel_loop3A_1678 = tpu.vector_load %arg4[%parallel_loop3A_1677] {strides = array<i32>} : memref<32768xf32, #tpu.memory_space<vmem>>, vector<16xf32>,
        %parallel_loop3A_1679 = math.exp %parallel_loop3A_1678 : vector<16xf32>
        %parallel_loop3A_1680 = arith.maximumf %parallel_loop3A_1630, %parallel_loop3A_1637 : vector<16xf32>
        %parallel_loop3A_1681 = arith.minimumf %parallel_loop3A_1630, %parallel_loop3A_1637 : vector<16xf32>
        %parallel_loop3A_1682 = arith.addf %parallel_loop3A_1630, %parallel_loop3A_1637 : vector<16xf32>
        %parallel_loop3A_1683 = arith.minimumf %parallel_loop3A_1680, %parallel_loop3A_1644 : vector<16xf32>
        %parallel_loop3A_1684 = arith.maximumf %parallel_loop3A_1681, %parallel_loop3A_1683 : vector<16xf32>
        %parallel_loop3A_1685 = arith.maximumf %parallel_loop3A_1680, %parallel_loop3A_1644 : vector<16xf32>
        %parallel_loop3A_1686 = arith.addf %parallel_loop3A_1682, %parallel_loop3A_1644 : vector<16xf32>
        %parallel_loop3A_1687 = arith.minimumf %parallel_loop3A_1685, %parallel_loop3A_1651 : vector<16xf32>
        %parallel_loop3A_1688 = arith.maximumf %parallel_loop3A_1684, %parallel_loop3A_1687 : vector<16xf32>
        %parallel_loop3A_1689 = arith.maximumf %parallel_loop3A_1685, %parallel_loop3A_1651 : vector<16xf32>
        %parallel_loop3A_1690 = arith.addf %parallel_loop3A_1686, %parallel_loop3A_1651 : vector<16xf32>
        %parallel_loop3A_1691 = arith.minimumf %parallel_loop3A_1689, %parallel_loop3A_1658 : vector<16xf32>
        %parallel_loop3A_1692 = arith.maximumf %parallel_loop3A_1688, %parallel_loop3A_1691 : vector<16xf32>
        %parallel_loop3A_1693 = arith.maximumf %parallel_loop3A_1689, %parallel_loop3A_1658 : vector<16xf32>
        %parallel_loop3A_1694 = arith.addf %parallel_loop3A_1690, %parallel_loop3A_1658 : vector<16xf32>
        %parallel_loop3A_1695 = arith.minimumf %parallel_loop3A_1693, %parallel_loop3A_1665 : vector<16xf32>
        %parallel_loop3A_1696 = arith.maximumf %parallel_loop3A_1692, %parallel_loop3A_1695 : vector<16xf32>
        %parallel_loop3A_1697 = arith.maximumf %parallel_loop3A_1693, %parallel_loop3A_1665 : vector<16xf32>
        %parallel_loop3A_1698 = arith.addf %parallel_loop3A_1694, %parallel_loop3A_1665 : vector<16xf32>
        %parallel_loop3A_1699 = arith.minimumf %parallel_loop3A_1697, %parallel_loop3A_1672 : vector<16xf32>
        %parallel_loop3A_1700 = arith.maximumf %parallel_loop3A_1696, %parallel_loop3A_1699 : vector<16xf32>
        %parallel_loop3A_1701 = arith.maximumf %parallel_loop3A_1697, %parallel_loop3A_1672 : vector<16xf32>
        %parallel_loop3A_1702 = arith.addf %parallel_loop3A_1698, %parallel_loop3A_1672 : vector<16xf32>
        %parallel_loop3A_1703 = arith.minimumf %parallel_loop3A_1701, %parallel_loop3A_1679 : vector<16xf32>
        %parallel_loop3A_1704 = arith.maximumf %parallel_loop3A_1700, %parallel_loop3A_1703 : vector<16xf32>
        %parallel_loop3A_1705 = arith.maximumf %parallel_loop3A_1701, %parallel_loop3A_1679 : vector<16xf32>
        %parallel_loop3A_1706 = arith.addf %parallel_loop3A_1702, %parallel_loop3A_1679 : vector<16xf32>
        %parallel_loop3A_1707 = arith.constant dense<true> : vector<16xi1>
        %parallel_loop3A_1708, %parallel_loop3A_1709, %parallel_loop3A_1710 = tpu.sort %parallel_loop3A_1705, %parallel_loop3A_1704 masked %parallel_loop3A_1707 {descending = true} : (vector<16xf32>, vector<16xf32>, vector<16xi1>) -> (vector<16xi1>, vector<16xf32>, vector<16xf32>)
        %parallel_loop3A_1711 = vector.shape_cast %broadcast_in_dim3A_14 : vector<16xi32> to vector<16x1xi32>
        %parallel_loop3A_1712 = vector.shape_cast %parallel_loop3A_1711 : vector<16x1xi32> to vector<16xi32>
        %parallel_loop3A_1713 = tpu.dynamic_gather %parallel_loop3A_1709[%parallel_loop3A_1712] in [0] : vector<16xf32>, vector<16xi32> -> vector<16xf32>
        %parallel_loop3A_1714 = vector.shape_cast %broadcast_in_dim3A_16 : vector<16xi32> to vector<16x1xi32>
        %parallel_loop3A_1715 = vector.shape_cast %parallel_loop3A_1714 : vector<16x1xi32> to vector<16xi32>
        %parallel_loop3A_1716 = tpu.dynamic_gather %parallel_loop3A_1709[%parallel_loop3A_1715] in [0] : vector<16xf32>, vector<16xi32> -> vector<16xf32>
        %parallel_loop3A_1717 = vector.shape_cast %broadcast_in_dim3A_14 : vector<16xi32> to vector<16x1xi32>
        %parallel_loop3A_1718 = vector.shape_cast %parallel_loop3A_1717 : vector<16x1xi32> to vector<16xi32>
        %parallel_loop3A_1719 = tpu.dynamic_gather %parallel_loop3A_1710[%parallel_loop3A_1718] in [0] : vector<16xf32>, vector<16xi32> -> vector<16xf32>
        %parallel_loop3A_1720 = arith.maximumf %parallel_loop3A_1716, %parallel_loop3A_1719 : vector<16xf32>
        %parallel_loop3A_1721 = arith.constant true
        %parallel_loop3A_1722 = vector.broadcast %parallel_loop3A_1721 : i1 to vector<16xi1>
        %parallel_loop3A_1723 = tpu.scan <sum>, %parallel_loop3A_1706 masked %parallel_loop3A_1722 : vector<16xf32>, vector<16xi1> -> vector<16xf32>
        %parallel_loop3A_1724 = vector.shape_cast %broadcast_in_dim3A_18 : vector<16xi32> to vector<16x1xi32>
        %parallel_loop3A_1725 = vector.shape_cast %parallel_loop3A_1724 : vector<16x1xi32> to vector<16xi32>
        %parallel_loop3A_1726 = tpu.dynamic_gather %parallel_loop3A_1723[%parallel_loop3A_1725] in [0] : vector<16xf32>, vector<16xi32> -> vector<16xf32>
        %parallel_loop3A_1727 = arith.constant 14 : i32
        %parallel_loop3A_1728 = vector.broadcast %parallel_loop3A_1727 : i32 to vector<16xi32>
        %parallel_loop3A_1729 = arith.cmpi eq, %iota3A, %parallel_loop3A_1728 : vector<16xi32>
        %parallel_loop3A_1730 = arith.select %parallel_loop3A_1729, %parallel_loop3A_1713, %parallel_loop3A_1619 : vector<16xi1>, vector<16xf32>
        %parallel_loop3A_1731 = arith.select %parallel_loop3A_1729, %parallel_loop3A_1720, %parallel_loop3A_1620 : vector<16xi1>, vector<16xf32>
        %parallel_loop3A_1732 = arith.select %parallel_loop3A_1729, %parallel_loop3A_1726, %parallel_loop3A_1621 : vector<16xi1>, vector<16xf32>
        %parallel_loop3A_1733 = arith.constant 15 : i32
        %parallel_loop3A_1734 = arith.addi %parallel_loop3A_61, %parallel_loop3A_1733 : i32
        %parallel_loop3A_1735 = arith.constant 128 : i32
        %parallel_loop3A_1736 = arith.muli %parallel_loop3A_1734, %parallel_loop3A_1735 : i32
        %parallel_loop3A_1737 = arith.constant 0 : i32
        %parallel_loop3A_1738 = arith.addi %parallel_loop3A_1736, %parallel_loop3A_1737 : i32
        %parallel_loop3A_1739 = arith.index_cast %parallel_loop3A_1738 : i32 to index
        %parallel_loop3A_1740 = tpu.vector_load %arg4[%parallel_loop3A_1739] {strides = array<i32>} : memref<32768xf32, #tpu.memory_space<vmem>>, vector<16xf32>,
        %parallel_loop3A_1741 = math.exp %parallel_loop3A_1740 : vector<16xf32>
        %parallel_loop3A_1742 = arith.constant 128 : i32
        %parallel_loop3A_1743 = arith.muli %parallel_loop3A_1734, %parallel_loop3A_1742 : i32
        %parallel_loop3A_1744 = arith.constant 16 : i32
        %parallel_loop3A_1745 = arith.addi %parallel_loop3A_1743, %parallel_loop3A_1744 : i32
        %parallel_loop3A_1746 = arith.index_cast %parallel_loop3A_1745 : i32 to index
        %parallel_loop3A_1747 = tpu.vector_load %arg4[%parallel_loop3A_1746] {strides = array<i32>} : memref<32768xf32, #tpu.memory_space<vmem>>, vector<16xf32>,
        %parallel_loop3A_1748 = math.exp %parallel_loop3A_1747 : vector<16xf32>
        %parallel_loop3A_1749 = arith.constant 128 : i32
        %parallel_loop3A_1750 = arith.muli %parallel_loop3A_1734, %parallel_loop3A_1749 : i32
        %parallel_loop3A_1751 = arith.constant 32 : i32
        %parallel_loop3A_1752 = arith.addi %parallel_loop3A_1750, %parallel_loop3A_1751 : i32
        %parallel_loop3A_1753 = arith.index_cast %parallel_loop3A_1752 : i32 to index
        %parallel_loop3A_1754 = tpu.vector_load %arg4[%parallel_loop3A_1753] {strides = array<i32>} : memref<32768xf32, #tpu.memory_space<vmem>>, vector<16xf32>,
        %parallel_loop3A_1755 = math.exp %parallel_loop3A_1754 : vector<16xf32>
        %parallel_loop3A_1756 = arith.constant 128 : i32
        %parallel_loop3A_1757 = arith.muli %parallel_loop3A_1734, %parallel_loop3A_1756 : i32
        %parallel_loop3A_1758 = arith.constant 48 : i32
        %parallel_loop3A_1759 = arith.addi %parallel_loop3A_1757, %parallel_loop3A_1758 : i32
        %parallel_loop3A_1760 = arith.index_cast %parallel_loop3A_1759 : i32 to index
        %parallel_loop3A_1761 = tpu.vector_load %arg4[%parallel_loop3A_1760] {strides = array<i32>} : memref<32768xf32, #tpu.memory_space<vmem>>, vector<16xf32>,
        %parallel_loop3A_1762 = math.exp %parallel_loop3A_1761 : vector<16xf32>
        %parallel_loop3A_1763 = arith.constant 128 : i32
        %parallel_loop3A_1764 = arith.muli %parallel_loop3A_1734, %parallel_loop3A_1763 : i32
        %parallel_loop3A_1765 = arith.constant 64 : i32
        %parallel_loop3A_1766 = arith.addi %parallel_loop3A_1764, %parallel_loop3A_1765 : i32
        %parallel_loop3A_1767 = arith.index_cast %parallel_loop3A_1766 : i32 to index
        %parallel_loop3A_1768 = tpu.vector_load %arg4[%parallel_loop3A_1767] {strides = array<i32>} : memref<32768xf32, #tpu.memory_space<vmem>>, vector<16xf32>,
        %parallel_loop3A_1769 = math.exp %parallel_loop3A_1768 : vector<16xf32>
        %parallel_loop3A_1770 = arith.constant 128 : i32
        %parallel_loop3A_1771 = arith.muli %parallel_loop3A_1734, %parallel_loop3A_1770 : i32
        %parallel_loop3A_1772 = arith.constant 80 : i32
        %parallel_loop3A_1773 = arith.addi %parallel_loop3A_1771, %parallel_loop3A_1772 : i32
        %parallel_loop3A_1774 = arith.index_cast %parallel_loop3A_1773 : i32 to index
        %parallel_loop3A_1775 = tpu.vector_load %arg4[%parallel_loop3A_1774] {strides = array<i32>} : memref<32768xf32, #tpu.memory_space<vmem>>, vector<16xf32>,
        %parallel_loop3A_1776 = math.exp %parallel_loop3A_1775 : vector<16xf32>
        %parallel_loop3A_1777 = arith.constant 128 : i32
        %parallel_loop3A_1778 = arith.muli %parallel_loop3A_1734, %parallel_loop3A_1777 : i32
        %parallel_loop3A_1779 = arith.constant 96 : i32
        %parallel_loop3A_1780 = arith.addi %parallel_loop3A_1778, %parallel_loop3A_1779 : i32
        %parallel_loop3A_1781 = arith.index_cast %parallel_loop3A_1780 : i32 to index
        %parallel_loop3A_1782 = tpu.vector_load %arg4[%parallel_loop3A_1781] {strides = array<i32>} : memref<32768xf32, #tpu.memory_space<vmem>>, vector<16xf32>,
        %parallel_loop3A_1783 = math.exp %parallel_loop3A_1782 : vector<16xf32>
        %parallel_loop3A_1784 = arith.constant 128 : i32
        %parallel_loop3A_1785 = arith.muli %parallel_loop3A_1734, %parallel_loop3A_1784 : i32
        %parallel_loop3A_1786 = arith.constant 112 : i32
        %parallel_loop3A_1787 = arith.addi %parallel_loop3A_1785, %parallel_loop3A_1786 : i32
        %parallel_loop3A_1788 = arith.index_cast %parallel_loop3A_1787 : i32 to index
        %parallel_loop3A_1789 = tpu.vector_load %arg4[%parallel_loop3A_1788] {strides = array<i32>} : memref<32768xf32, #tpu.memory_space<vmem>>, vector<16xf32>,
        %parallel_loop3A_1790 = math.exp %parallel_loop3A_1789 : vector<16xf32>
        %parallel_loop3A_1791 = arith.maximumf %parallel_loop3A_1741, %parallel_loop3A_1748 : vector<16xf32>
        %parallel_loop3A_1792 = arith.minimumf %parallel_loop3A_1741, %parallel_loop3A_1748 : vector<16xf32>
        %parallel_loop3A_1793 = arith.addf %parallel_loop3A_1741, %parallel_loop3A_1748 : vector<16xf32>
        %parallel_loop3A_1794 = arith.minimumf %parallel_loop3A_1791, %parallel_loop3A_1755 : vector<16xf32>
        %parallel_loop3A_1795 = arith.maximumf %parallel_loop3A_1792, %parallel_loop3A_1794 : vector<16xf32>
        %parallel_loop3A_1796 = arith.maximumf %parallel_loop3A_1791, %parallel_loop3A_1755 : vector<16xf32>
        %parallel_loop3A_1797 = arith.addf %parallel_loop3A_1793, %parallel_loop3A_1755 : vector<16xf32>
        %parallel_loop3A_1798 = arith.minimumf %parallel_loop3A_1796, %parallel_loop3A_1762 : vector<16xf32>
        %parallel_loop3A_1799 = arith.maximumf %parallel_loop3A_1795, %parallel_loop3A_1798 : vector<16xf32>
        %parallel_loop3A_1800 = arith.maximumf %parallel_loop3A_1796, %parallel_loop3A_1762 : vector<16xf32>
        %parallel_loop3A_1801 = arith.addf %parallel_loop3A_1797, %parallel_loop3A_1762 : vector<16xf32>
        %parallel_loop3A_1802 = arith.minimumf %parallel_loop3A_1800, %parallel_loop3A_1769 : vector<16xf32>
        %parallel_loop3A_1803 = arith.maximumf %parallel_loop3A_1799, %parallel_loop3A_1802 : vector<16xf32>
        %parallel_loop3A_1804 = arith.maximumf %parallel_loop3A_1800, %parallel_loop3A_1769 : vector<16xf32>
        %parallel_loop3A_1805 = arith.addf %parallel_loop3A_1801, %parallel_loop3A_1769 : vector<16xf32>
        %parallel_loop3A_1806 = arith.minimumf %parallel_loop3A_1804, %parallel_loop3A_1776 : vector<16xf32>
        %parallel_loop3A_1807 = arith.maximumf %parallel_loop3A_1803, %parallel_loop3A_1806 : vector<16xf32>
        %parallel_loop3A_1808 = arith.maximumf %parallel_loop3A_1804, %parallel_loop3A_1776 : vector<16xf32>
        %parallel_loop3A_1809 = arith.addf %parallel_loop3A_1805, %parallel_loop3A_1776 : vector<16xf32>
        %parallel_loop3A_1810 = arith.minimumf %parallel_loop3A_1808, %parallel_loop3A_1783 : vector<16xf32>
        %parallel_loop3A_1811 = arith.maximumf %parallel_loop3A_1807, %parallel_loop3A_1810 : vector<16xf32>
        %parallel_loop3A_1812 = arith.maximumf %parallel_loop3A_1808, %parallel_loop3A_1783 : vector<16xf32>
        %parallel_loop3A_1813 = arith.addf %parallel_loop3A_1809, %parallel_loop3A_1783 : vector<16xf32>
        %parallel_loop3A_1814 = arith.minimumf %parallel_loop3A_1812, %parallel_loop3A_1790 : vector<16xf32>
        %parallel_loop3A_1815 = arith.maximumf %parallel_loop3A_1811, %parallel_loop3A_1814 : vector<16xf32>
        %parallel_loop3A_1816 = arith.maximumf %parallel_loop3A_1812, %parallel_loop3A_1790 : vector<16xf32>
        %parallel_loop3A_1817 = arith.addf %parallel_loop3A_1813, %parallel_loop3A_1790 : vector<16xf32>
        %parallel_loop3A_1818 = arith.constant dense<true> : vector<16xi1>
        %parallel_loop3A_1819, %parallel_loop3A_1820, %parallel_loop3A_1821 = tpu.sort %parallel_loop3A_1816, %parallel_loop3A_1815 masked %parallel_loop3A_1818 {descending = true} : (vector<16xf32>, vector<16xf32>, vector<16xi1>) -> (vector<16xi1>, vector<16xf32>, vector<16xf32>)
        %parallel_loop3A_1822 = vector.shape_cast %broadcast_in_dim3A_14 : vector<16xi32> to vector<16x1xi32>
        %parallel_loop3A_1823 = vector.shape_cast %parallel_loop3A_1822 : vector<16x1xi32> to vector<16xi32>
        %parallel_loop3A_1824 = tpu.dynamic_gather %parallel_loop3A_1820[%parallel_loop3A_1823] in [0] : vector<16xf32>, vector<16xi32> -> vector<16xf32>
        %parallel_loop3A_1825 = vector.shape_cast %broadcast_in_dim3A_16 : vector<16xi32> to vector<16x1xi32>
        %parallel_loop3A_1826 = vector.shape_cast %parallel_loop3A_1825 : vector<16x1xi32> to vector<16xi32>
        %parallel_loop3A_1827 = tpu.dynamic_gather %parallel_loop3A_1820[%parallel_loop3A_1826] in [0] : vector<16xf32>, vector<16xi32> -> vector<16xf32>
        %parallel_loop3A_1828 = vector.shape_cast %broadcast_in_dim3A_14 : vector<16xi32> to vector<16x1xi32>
        %parallel_loop3A_1829 = vector.shape_cast %parallel_loop3A_1828 : vector<16x1xi32> to vector<16xi32>
        %parallel_loop3A_1830 = tpu.dynamic_gather %parallel_loop3A_1821[%parallel_loop3A_1829] in [0] : vector<16xf32>, vector<16xi32> -> vector<16xf32>
        %parallel_loop3A_1831 = arith.maximumf %parallel_loop3A_1827, %parallel_loop3A_1830 : vector<16xf32>
        %parallel_loop3A_1832 = arith.constant true
        %parallel_loop3A_1833 = vector.broadcast %parallel_loop3A_1832 : i1 to vector<16xi1>
        %parallel_loop3A_1834 = tpu.scan <sum>, %parallel_loop3A_1817 masked %parallel_loop3A_1833 : vector<16xf32>, vector<16xi1> -> vector<16xf32>
        %parallel_loop3A_1835 = vector.shape_cast %broadcast_in_dim3A_18 : vector<16xi32> to vector<16x1xi32>
        %parallel_loop3A_1836 = vector.shape_cast %parallel_loop3A_1835 : vector<16x1xi32> to vector<16xi32>
        %parallel_loop3A_1837 = tpu.dynamic_gather %parallel_loop3A_1834[%parallel_loop3A_1836] in [0] : vector<16xf32>, vector<16xi32> -> vector<16xf32>
        %parallel_loop3A_1838 = arith.constant 15 : i32
        %parallel_loop3A_1839 = vector.broadcast %parallel_loop3A_1838 : i32 to vector<16xi32>
        %parallel_loop3A_1840 = arith.cmpi eq, %iota3A, %parallel_loop3A_1839 : vector<16xi32>
        %parallel_loop3A_1841 = arith.select %parallel_loop3A_1840, %parallel_loop3A_1824, %parallel_loop3A_1730 : vector<16xi1>, vector<16xf32>
        %parallel_loop3A_1842 = arith.select %parallel_loop3A_1840, %parallel_loop3A_1831, %parallel_loop3A_1731 : vector<16xi1>, vector<16xf32>
        %parallel_loop3A_1843 = arith.select %parallel_loop3A_1840, %parallel_loop3A_1837, %parallel_loop3A_1732 : vector<16xi1>, vector<16xf32>
        %parallel_loop3A_1844 = arith.subf %parallel_loop3A_1842, %parallel_loop3A_1841 : vector<16xf32>
        %parallel_loop3A_1845 = arith.divf %parallel_loop3A_1844, %parallel_loop3A_1843 : vector<16xf32>
        %parallel_loop3A_1846 = arith.constant 256 : i32
        %parallel_loop3A_1847 = arith.muli %add3A_29, %parallel_loop3A_1846 : i32
        %parallel_loop3A_1848 = arith.addi %parallel_loop3A_1847, %parallel_loop3A_61 : i32
        %parallel_loop3A_1849 = arith.index_cast %parallel_loop3A_1848 : i32 to index
        %parallel_loop3A_1850 = tpu.vector_load %arg8[%parallel_loop3A_1849] {strides = array<i32>} : memref<6144xf32, #tpu.memory_space<vmem>>, vector<16xf32>,
        tpu.vector_store %arg8[%parallel_loop3A_1849], %parallel_loop3A_1845 {strides = array<i32>} : memref<6144xf32, #tpu.memory_space<vmem>>, vector<16xf32>,
      } {sc.loop_unroll_factor = 1 : i64, sc.parallel_access}
      %add3A_38 = arith.constant 2 : i32
      %add3A_39 = arith.addi %add3A_29, %add3A_38 : i32
      %lt3A = arith.constant 24 : i32
      %lt3A_40 = arith.cmpi slt, %add3A_39, %lt3A : i32
      %convert_element_type3A = arith.extui %lt3A_40 : i1 to i32
      %cond3A = arith.constant 0 : i32
      %cond3A_41 = arith.cmpi ne, %convert_element_type3A, %cond3A : i32
      scf.if %cond3A_41 {
        %add3A_61 = arith.constant 2 : i32
        %add3A_62 = arith.addi %add3A_29, %add3A_61 : i32
        %mul3A_63 = arith.constant 256 : i32
        %mul3A_64 = arith.muli %add3A_62, %mul3A_63 : i32
        %add3A_65 = arith.addi %mul3A_2, %mul3A_64 : i32
        %mul3A_66 = arith.constant 128 : i32
        %mul3A_67 = arith.muli %add3A_65, %mul3A_66 : i32
        %dma_start3A_68 = tpu.memref_slice %arg2[%mul3A_67] : memref<33554432xf32, #tpu.memory_space<hbm>> -> memref<32768xf32, #tpu.memory_space<hbm>>
        %dma_start3A_69 = tpu.memref_slice %arg2[%mul3A_67] : memref<33554432xf32, #tpu.memory_space<hbm>> -> memref<32768xf32, #tpu.memory_space<hbm>>
        tpu.enqueue_dma source(%dma_start3A_69 : memref<32768xf32, #tpu.memory_space<hbm>>) target(%arg4 : memref<32768xf32, #tpu.memory_space<vmem>>) target_semaphore(%arg6 : memref<!tpu.dma_semaphore, #tpu.memory_space<semaphore_mem>>)
      } else {
      }
      %add3A_42 = arith.constant 1 : i32
      %add3A_43 = arith.addi %add3A_27, %add3A_42 : i32
      %mul3A_44 = arith.constant 256 : i32
      %mul3A_45 = arith.muli %add3A_43, %mul3A_44 : i32
      %add3A_46 = arith.addi %mul3A_2, %mul3A_45 : i32
      %mul3A_47 = arith.constant 128 : i32
      %mul3A_48 = arith.muli %add3A_46, %mul3A_47 : i32
      %dma_wait3A_49 = tpu.memref_slice %arg2[%mul3A_48] : memref<33554432xf32, #tpu.memory_space<hbm>> -> memref<32768xf32, #tpu.memory_space<hbm>>
      %dma_wait3A_50 = tpu.memref_slice %arg2[%mul3A_48] : memref<33554432xf32, #tpu.memory_space<hbm>> -> memref<32768xf32, #tpu.memory_space<hbm>>
      tpu.wait_dma2 semaphore(%arg7 : memref<!tpu.dma_semaphore, #tpu.memory_space<semaphore_mem>>) src(%dma_wait3A_50 : memref<32768xf32, #tpu.memory_space<hbm>>) dst(%arg5 : memref<32768xf32, #tpu.memory_space<vmem>>)
      %parallel_loop3A_51 = arith.constant 0 : i32
      %parallel_loop3A_52 = arith.constant 256 : i32
      %parallel_loop3A_53 = arith.constant 16 : i32
      scf.for %parallel_loop3A_61 = %parallel_loop3A_51 to %parallel_loop3A_52 step %parallel_loop3A_53  : i32 {
        %parallel_loop3A_62 = arith.constant 0.000000e+00 : f32
        %parallel_loop3A_63 = vector.broadcast %parallel_loop3A_62 : f32 to vector<16xf32>
        %parallel_loop3A_64 = arith.constant 0.000000e+00 : f32
        %parallel_loop3A_65 = vector.broadcast %parallel_loop3A_64 : f32 to vector<16xf32>
        %parallel_loop3A_66 = arith.constant 1.000000e+00 : f32
        %parallel_loop3A_67 = vector.broadcast %parallel_loop3A_66 : f32 to vector<16xf32>
        %parallel_loop3A_68 = arith.constant 0 : i32
        %parallel_loop3A_69 = arith.addi %parallel_loop3A_61, %parallel_loop3A_68 : i32
        %parallel_loop3A_70 = arith.constant 128 : i32
        %parallel_loop3A_71 = arith.muli %parallel_loop3A_69, %parallel_loop3A_70 : i32
        %parallel_loop3A_72 = arith.constant 0 : i32
        %parallel_loop3A_73 = arith.addi %parallel_loop3A_71, %parallel_loop3A_72 : i32
        %parallel_loop3A_74 = arith.index_cast %parallel_loop3A_73 : i32 to index
        %parallel_loop3A_75 = tpu.vector_load %arg5[%parallel_loop3A_74] {strides = array<i32>} : memref<32768xf32, #tpu.memory_space<vmem>>, vector<16xf32>,
        %parallel_loop3A_76 = math.exp %parallel_loop3A_75 : vector<16xf32>
        %parallel_loop3A_77 = arith.constant 128 : i32
        %parallel_loop3A_78 = arith.muli %parallel_loop3A_69, %parallel_loop3A_77 : i32
        %parallel_loop3A_79 = arith.constant 16 : i32
        %parallel_loop3A_80 = arith.addi %parallel_loop3A_78, %parallel_loop3A_79 : i32
        %parallel_loop3A_81 = arith.index_cast %parallel_loop3A_80 : i32 to index
        %parallel_loop3A_82 = tpu.vector_load %arg5[%parallel_loop3A_81] {strides = array<i32>} : memref<32768xf32, #tpu.memory_space<vmem>>, vector<16xf32>,
        %parallel_loop3A_83 = math.exp %parallel_loop3A_82 : vector<16xf32>
        %parallel_loop3A_84 = arith.constant 128 : i32
        %parallel_loop3A_85 = arith.muli %parallel_loop3A_69, %parallel_loop3A_84 : i32
        %parallel_loop3A_86 = arith.constant 32 : i32
        %parallel_loop3A_87 = arith.addi %parallel_loop3A_85, %parallel_loop3A_86 : i32
        %parallel_loop3A_88 = arith.index_cast %parallel_loop3A_87 : i32 to index
        %parallel_loop3A_89 = tpu.vector_load %arg5[%parallel_loop3A_88] {strides = array<i32>} : memref<32768xf32, #tpu.memory_space<vmem>>, vector<16xf32>,
        %parallel_loop3A_90 = math.exp %parallel_loop3A_89 : vector<16xf32>
        %parallel_loop3A_91 = arith.constant 128 : i32
        %parallel_loop3A_92 = arith.muli %parallel_loop3A_69, %parallel_loop3A_91 : i32
        %parallel_loop3A_93 = arith.constant 48 : i32
        %parallel_loop3A_94 = arith.addi %parallel_loop3A_92, %parallel_loop3A_93 : i32
        %parallel_loop3A_95 = arith.index_cast %parallel_loop3A_94 : i32 to index
        %parallel_loop3A_96 = tpu.vector_load %arg5[%parallel_loop3A_95] {strides = array<i32>} : memref<32768xf32, #tpu.memory_space<vmem>>, vector<16xf32>,
        %parallel_loop3A_97 = math.exp %parallel_loop3A_96 : vector<16xf32>
        %parallel_loop3A_98 = arith.constant 128 : i32
        %parallel_loop3A_99 = arith.muli %parallel_loop3A_69, %parallel_loop3A_98 : i32
        %parallel_loop3A_100 = arith.constant 64 : i32
        %parallel_loop3A_101 = arith.addi %parallel_loop3A_99, %parallel_loop3A_100 : i32
        %parallel_loop3A_102 = arith.index_cast %parallel_loop3A_101 : i32 to index
        %parallel_loop3A_103 = tpu.vector_load %arg5[%parallel_loop3A_102] {strides = array<i32>} : memref<32768xf32, #tpu.memory_space<vmem>>, vector<16xf32>,
        %parallel_loop3A_104 = math.exp %parallel_loop3A_103 : vector<16xf32>
        %parallel_loop3A_105 = arith.constant 128 : i32
        %parallel_loop3A_106 = arith.muli %parallel_loop3A_69, %parallel_loop3A_105 : i32
        %parallel_loop3A_107 = arith.constant 80 : i32
        %parallel_loop3A_108 = arith.addi %parallel_loop3A_106, %parallel_loop3A_107 : i32
        %parallel_loop3A_109 = arith.index_cast %parallel_loop3A_108 : i32 to index
        %parallel_loop3A_110 = tpu.vector_load %arg5[%parallel_loop3A_109] {strides = array<i32>} : memref<32768xf32, #tpu.memory_space<vmem>>, vector<16xf32>,
        %parallel_loop3A_111 = math.exp %parallel_loop3A_110 : vector<16xf32>
        %parallel_loop3A_112 = arith.constant 128 : i32
        %parallel_loop3A_113 = arith.muli %parallel_loop3A_69, %parallel_loop3A_112 : i32
        %parallel_loop3A_114 = arith.constant 96 : i32
        %parallel_loop3A_115 = arith.addi %parallel_loop3A_113, %parallel_loop3A_114 : i32
        %parallel_loop3A_116 = arith.index_cast %parallel_loop3A_115 : i32 to index
        %parallel_loop3A_117 = tpu.vector_load %arg5[%parallel_loop3A_116] {strides = array<i32>} : memref<32768xf32, #tpu.memory_space<vmem>>, vector<16xf32>,
        %parallel_loop3A_118 = math.exp %parallel_loop3A_117 : vector<16xf32>
        %parallel_loop3A_119 = arith.constant 128 : i32
        %parallel_loop3A_120 = arith.muli %parallel_loop3A_69, %parallel_loop3A_119 : i32
        %parallel_loop3A_121 = arith.constant 112 : i32
        %parallel_loop3A_122 = arith.addi %parallel_loop3A_120, %parallel_loop3A_121 : i32
        %parallel_loop3A_123 = arith.index_cast %parallel_loop3A_122 : i32 to index
        %parallel_loop3A_124 = tpu.vector_load %arg5[%parallel_loop3A_123] {strides = array<i32>} : memref<32768xf32, #tpu.memory_space<vmem>>, vector<16xf32>,
        %parallel_loop3A_125 = math.exp %parallel_loop3A_124 : vector<16xf32>
        %parallel_loop3A_126 = arith.maximumf %parallel_loop3A_76, %parallel_loop3A_83 : vector<16xf32>
        %parallel_loop3A_127 = arith.minimumf %parallel_loop3A_76, %parallel_loop3A_83 : vector<16xf32>
        %parallel_loop3A_128 = arith.addf %parallel_loop3A_76, %parallel_loop3A_83 : vector<16xf32>
        %parallel_loop3A_129 = arith.minimumf %parallel_loop3A_126, %parallel_loop3A_90 : vector<16xf32>
        %parallel_loop3A_130 = arith.maximumf %parallel_loop3A_127, %parallel_loop3A_129 : vector<16xf32>
        %parallel_loop3A_131 = arith.maximumf %parallel_loop3A_126, %parallel_loop3A_90 : vector<16xf32>
        %parallel_loop3A_132 = arith.addf %parallel_loop3A_128, %parallel_loop3A_90 : vector<16xf32>
        %parallel_loop3A_133 = arith.minimumf %parallel_loop3A_131, %parallel_loop3A_97 : vector<16xf32>
        %parallel_loop3A_134 = arith.maximumf %parallel_loop3A_130, %parallel_loop3A_133 : vector<16xf32>
        %parallel_loop3A_135 = arith.maximumf %parallel_loop3A_131, %parallel_loop3A_97 : vector<16xf32>
        %parallel_loop3A_136 = arith.addf %parallel_loop3A_132, %parallel_loop3A_97 : vector<16xf32>
        %parallel_loop3A_137 = arith.minimumf %parallel_loop3A_135, %parallel_loop3A_104 : vector<16xf32>
        %parallel_loop3A_138 = arith.maximumf %parallel_loop3A_134, %parallel_loop3A_137 : vector<16xf32>
        %parallel_loop3A_139 = arith.maximumf %parallel_loop3A_135, %parallel_loop3A_104 : vector<16xf32>
        %parallel_loop3A_140 = arith.addf %parallel_loop3A_136, %parallel_loop3A_104 : vector<16xf32>
        %parallel_loop3A_141 = arith.minimumf %parallel_loop3A_139, %parallel_loop3A_111 : vector<16xf32>
        %parallel_loop3A_142 = arith.maximumf %parallel_loop3A_138, %parallel_loop3A_141 : vector<16xf32>
        %parallel_loop3A_143 = arith.maximumf %parallel_loop3A_139, %parallel_loop3A_111 : vector<16xf32>
        %parallel_loop3A_144 = arith.addf %parallel_loop3A_140, %parallel_loop3A_111 : vector<16xf32>
        %parallel_loop3A_145 = arith.minimumf %parallel_loop3A_143, %parallel_loop3A_118 : vector<16xf32>
        %parallel_loop3A_146 = arith.maximumf %parallel_loop3A_142, %parallel_loop3A_145 : vector<16xf32>
        %parallel_loop3A_147 = arith.maximumf %parallel_loop3A_143, %parallel_loop3A_118 : vector<16xf32>
        %parallel_loop3A_148 = arith.addf %parallel_loop3A_144, %parallel_loop3A_118 : vector<16xf32>
        %parallel_loop3A_149 = arith.minimumf %parallel_loop3A_147, %parallel_loop3A_125 : vector<16xf32>
        %parallel_loop3A_150 = arith.maximumf %parallel_loop3A_146, %parallel_loop3A_149 : vector<16xf32>
        %parallel_loop3A_151 = arith.maximumf %parallel_loop3A_147, %parallel_loop3A_125 : vector<16xf32>
        %parallel_loop3A_152 = arith.addf %parallel_loop3A_148, %parallel_loop3A_125 : vector<16xf32>
        %parallel_loop3A_153 = arith.constant dense<true> : vector<16xi1>
        %parallel_loop3A_154, %parallel_loop3A_155, %parallel_loop3A_156 = tpu.sort %parallel_loop3A_151, %parallel_loop3A_150 masked %parallel_loop3A_153 {descending = true} : (vector<16xf32>, vector<16xf32>, vector<16xi1>) -> (vector<16xi1>, vector<16xf32>, vector<16xf32>)
        %parallel_loop3A_157 = vector.shape_cast %broadcast_in_dim3A_14 : vector<16xi32> to vector<16x1xi32>
        %parallel_loop3A_158 = vector.shape_cast %parallel_loop3A_157 : vector<16x1xi32> to vector<16xi32>
        %parallel_loop3A_159 = tpu.dynamic_gather %parallel_loop3A_155[%parallel_loop3A_158] in [0] : vector<16xf32>, vector<16xi32> -> vector<16xf32>
        %parallel_loop3A_160 = vector.shape_cast %broadcast_in_dim3A_16 : vector<16xi32> to vector<16x1xi32>
        %parallel_loop3A_161 = vector.shape_cast %parallel_loop3A_160 : vector<16x1xi32> to vector<16xi32>
        %parallel_loop3A_162 = tpu.dynamic_gather %parallel_loop3A_155[%parallel_loop3A_161] in [0] : vector<16xf32>, vector<16xi32> -> vector<16xf32>
        %parallel_loop3A_163 = vector.shape_cast %broadcast_in_dim3A_14 : vector<16xi32> to vector<16x1xi32>
        %parallel_loop3A_164 = vector.shape_cast %parallel_loop3A_163 : vector<16x1xi32> to vector<16xi32>
        %parallel_loop3A_165 = tpu.dynamic_gather %parallel_loop3A_156[%parallel_loop3A_164] in [0] : vector<16xf32>, vector<16xi32> -> vector<16xf32>
        %parallel_loop3A_166 = arith.maximumf %parallel_loop3A_162, %parallel_loop3A_165 : vector<16xf32>
        %parallel_loop3A_167 = arith.constant true
        %parallel_loop3A_168 = vector.broadcast %parallel_loop3A_167 : i1 to vector<16xi1>
        %parallel_loop3A_169 = tpu.scan <sum>, %parallel_loop3A_152 masked %parallel_loop3A_168 : vector<16xf32>, vector<16xi1> -> vector<16xf32>
        %parallel_loop3A_170 = vector.shape_cast %broadcast_in_dim3A_18 : vector<16xi32> to vector<16x1xi32>
        %parallel_loop3A_171 = vector.shape_cast %parallel_loop3A_170 : vector<16x1xi32> to vector<16xi32>
        %parallel_loop3A_172 = tpu.dynamic_gather %parallel_loop3A_169[%parallel_loop3A_171] in [0] : vector<16xf32>, vector<16xi32> -> vector<16xf32>
        %parallel_loop3A_173 = arith.constant 0 : i32
        %parallel_loop3A_174 = vector.broadcast %parallel_loop3A_173 : i32 to vector<16xi32>
        %parallel_loop3A_175 = arith.cmpi eq, %iota3A, %parallel_loop3A_174 : vector<16xi32>
        %parallel_loop3A_176 = arith.select %parallel_loop3A_175, %parallel_loop3A_159, %parallel_loop3A_63 : vector<16xi1>, vector<16xf32>
        %parallel_loop3A_177 = arith.select %parallel_loop3A_175, %parallel_loop3A_166, %parallel_loop3A_65 : vector<16xi1>, vector<16xf32>
        %parallel_loop3A_178 = arith.select %parallel_loop3A_175, %parallel_loop3A_172, %parallel_loop3A_67 : vector<16xi1>, vector<16xf32>
        %parallel_loop3A_179 = arith.constant 1 : i32
        %parallel_loop3A_180 = arith.addi %parallel_loop3A_61, %parallel_loop3A_179 : i32
        %parallel_loop3A_181 = arith.constant 128 : i32
        %parallel_loop3A_182 = arith.muli %parallel_loop3A_180, %parallel_loop3A_181 : i32
        %parallel_loop3A_183 = arith.constant 0 : i32
        %parallel_loop3A_184 = arith.addi %parallel_loop3A_182, %parallel_loop3A_183 : i32
        %parallel_loop3A_185 = arith.index_cast %parallel_loop3A_184 : i32 to index
        %parallel_loop3A_186 = tpu.vector_load %arg5[%parallel_loop3A_185] {strides = array<i32>} : memref<32768xf32, #tpu.memory_space<vmem>>, vector<16xf32>,
        %parallel_loop3A_187 = math.exp %parallel_loop3A_186 : vector<16xf32>
        %parallel_loop3A_188 = arith.constant 128 : i32
        %parallel_loop3A_189 = arith.muli %parallel_loop3A_180, %parallel_loop3A_188 : i32
        %parallel_loop3A_190 = arith.constant 16 : i32
        %parallel_loop3A_191 = arith.addi %parallel_loop3A_189, %parallel_loop3A_190 : i32
        %parallel_loop3A_192 = arith.index_cast %parallel_loop3A_191 : i32 to index
        %parallel_loop3A_193 = tpu.vector_load %arg5[%parallel_loop3A_192] {strides = array<i32>} : memref<32768xf32, #tpu.memory_space<vmem>>, vector<16xf32>,
        %parallel_loop3A_194 = math.exp %parallel_loop3A_193 : vector<16xf32>
        %parallel_loop3A_195 = arith.constant 128 : i32
        %parallel_loop3A_196 = arith.muli %parallel_loop3A_180, %parallel_loop3A_195 : i32
        %parallel_loop3A_197 = arith.constant 32 : i32
        %parallel_loop3A_198 = arith.addi %parallel_loop3A_196, %parallel_loop3A_197 : i32
        %parallel_loop3A_199 = arith.index_cast %parallel_loop3A_198 : i32 to index
        %parallel_loop3A_200 = tpu.vector_load %arg5[%parallel_loop3A_199] {strides = array<i32>} : memref<32768xf32, #tpu.memory_space<vmem>>, vector<16xf32>,
        %parallel_loop3A_201 = math.exp %parallel_loop3A_200 : vector<16xf32>
        %parallel_loop3A_202 = arith.constant 128 : i32
        %parallel_loop3A_203 = arith.muli %parallel_loop3A_180, %parallel_loop3A_202 : i32
        %parallel_loop3A_204 = arith.constant 48 : i32
        %parallel_loop3A_205 = arith.addi %parallel_loop3A_203, %parallel_loop3A_204 : i32
        %parallel_loop3A_206 = arith.index_cast %parallel_loop3A_205 : i32 to index
        %parallel_loop3A_207 = tpu.vector_load %arg5[%parallel_loop3A_206] {strides = array<i32>} : memref<32768xf32, #tpu.memory_space<vmem>>, vector<16xf32>,
        %parallel_loop3A_208 = math.exp %parallel_loop3A_207 : vector<16xf32>
        %parallel_loop3A_209 = arith.constant 128 : i32
        %parallel_loop3A_210 = arith.muli %parallel_loop3A_180, %parallel_loop3A_209 : i32
        %parallel_loop3A_211 = arith.constant 64 : i32
        %parallel_loop3A_212 = arith.addi %parallel_loop3A_210, %parallel_loop3A_211 : i32
        %parallel_loop3A_213 = arith.index_cast %parallel_loop3A_212 : i32 to index
        %parallel_loop3A_214 = tpu.vector_load %arg5[%parallel_loop3A_213] {strides = array<i32>} : memref<32768xf32, #tpu.memory_space<vmem>>, vector<16xf32>,
        %parallel_loop3A_215 = math.exp %parallel_loop3A_214 : vector<16xf32>
        %parallel_loop3A_216 = arith.constant 128 : i32
        %parallel_loop3A_217 = arith.muli %parallel_loop3A_180, %parallel_loop3A_216 : i32
        %parallel_loop3A_218 = arith.constant 80 : i32
        %parallel_loop3A_219 = arith.addi %parallel_loop3A_217, %parallel_loop3A_218 : i32
        %parallel_loop3A_220 = arith.index_cast %parallel_loop3A_219 : i32 to index
        %parallel_loop3A_221 = tpu.vector_load %arg5[%parallel_loop3A_220] {strides = array<i32>} : memref<32768xf32, #tpu.memory_space<vmem>>, vector<16xf32>,
        %parallel_loop3A_222 = math.exp %parallel_loop3A_221 : vector<16xf32>
        %parallel_loop3A_223 = arith.constant 128 : i32
        %parallel_loop3A_224 = arith.muli %parallel_loop3A_180, %parallel_loop3A_223 : i32
        %parallel_loop3A_225 = arith.constant 96 : i32
        %parallel_loop3A_226 = arith.addi %parallel_loop3A_224, %parallel_loop3A_225 : i32
        %parallel_loop3A_227 = arith.index_cast %parallel_loop3A_226 : i32 to index
        %parallel_loop3A_228 = tpu.vector_load %arg5[%parallel_loop3A_227] {strides = array<i32>} : memref<32768xf32, #tpu.memory_space<vmem>>, vector<16xf32>,
        %parallel_loop3A_229 = math.exp %parallel_loop3A_228 : vector<16xf32>
        %parallel_loop3A_230 = arith.constant 128 : i32
        %parallel_loop3A_231 = arith.muli %parallel_loop3A_180, %parallel_loop3A_230 : i32
        %parallel_loop3A_232 = arith.constant 112 : i32
        %parallel_loop3A_233 = arith.addi %parallel_loop3A_231, %parallel_loop3A_232 : i32
        %parallel_loop3A_234 = arith.index_cast %parallel_loop3A_233 : i32 to index
        %parallel_loop3A_235 = tpu.vector_load %arg5[%parallel_loop3A_234] {strides = array<i32>} : memref<32768xf32, #tpu.memory_space<vmem>>, vector<16xf32>,
        %parallel_loop3A_236 = math.exp %parallel_loop3A_235 : vector<16xf32>
        %parallel_loop3A_237 = arith.maximumf %parallel_loop3A_187, %parallel_loop3A_194 : vector<16xf32>
        %parallel_loop3A_238 = arith.minimumf %parallel_loop3A_187, %parallel_loop3A_194 : vector<16xf32>
        %parallel_loop3A_239 = arith.addf %parallel_loop3A_187, %parallel_loop3A_194 : vector<16xf32>
        %parallel_loop3A_240 = arith.minimumf %parallel_loop3A_237, %parallel_loop3A_201 : vector<16xf32>
        %parallel_loop3A_241 = arith.maximumf %parallel_loop3A_238, %parallel_loop3A_240 : vector<16xf32>
        %parallel_loop3A_242 = arith.maximumf %parallel_loop3A_237, %parallel_loop3A_201 : vector<16xf32>
        %parallel_loop3A_243 = arith.addf %parallel_loop3A_239, %parallel_loop3A_201 : vector<16xf32>
        %parallel_loop3A_244 = arith.minimumf %parallel_loop3A_242, %parallel_loop3A_208 : vector<16xf32>
        %parallel_loop3A_245 = arith.maximumf %parallel_loop3A_241, %parallel_loop3A_244 : vector<16xf32>
        %parallel_loop3A_246 = arith.maximumf %parallel_loop3A_242, %parallel_loop3A_208 : vector<16xf32>
        %parallel_loop3A_247 = arith.addf %parallel_loop3A_243, %parallel_loop3A_208 : vector<16xf32>
        %parallel_loop3A_248 = arith.minimumf %parallel_loop3A_246, %parallel_loop3A_215 : vector<16xf32>
        %parallel_loop3A_249 = arith.maximumf %parallel_loop3A_245, %parallel_loop3A_248 : vector<16xf32>
        %parallel_loop3A_250 = arith.maximumf %parallel_loop3A_246, %parallel_loop3A_215 : vector<16xf32>
        %parallel_loop3A_251 = arith.addf %parallel_loop3A_247, %parallel_loop3A_215 : vector<16xf32>
        %parallel_loop3A_252 = arith.minimumf %parallel_loop3A_250, %parallel_loop3A_222 : vector<16xf32>
        %parallel_loop3A_253 = arith.maximumf %parallel_loop3A_249, %parallel_loop3A_252 : vector<16xf32>
        %parallel_loop3A_254 = arith.maximumf %parallel_loop3A_250, %parallel_loop3A_222 : vector<16xf32>
        %parallel_loop3A_255 = arith.addf %parallel_loop3A_251, %parallel_loop3A_222 : vector<16xf32>
        %parallel_loop3A_256 = arith.minimumf %parallel_loop3A_254, %parallel_loop3A_229 : vector<16xf32>
        %parallel_loop3A_257 = arith.maximumf %parallel_loop3A_253, %parallel_loop3A_256 : vector<16xf32>
        %parallel_loop3A_258 = arith.maximumf %parallel_loop3A_254, %parallel_loop3A_229 : vector<16xf32>
        %parallel_loop3A_259 = arith.addf %parallel_loop3A_255, %parallel_loop3A_229 : vector<16xf32>
        %parallel_loop3A_260 = arith.minimumf %parallel_loop3A_258, %parallel_loop3A_236 : vector<16xf32>
        %parallel_loop3A_261 = arith.maximumf %parallel_loop3A_257, %parallel_loop3A_260 : vector<16xf32>
        %parallel_loop3A_262 = arith.maximumf %parallel_loop3A_258, %parallel_loop3A_236 : vector<16xf32>
        %parallel_loop3A_263 = arith.addf %parallel_loop3A_259, %parallel_loop3A_236 : vector<16xf32>
        %parallel_loop3A_264 = arith.constant dense<true> : vector<16xi1>
        %parallel_loop3A_265, %parallel_loop3A_266, %parallel_loop3A_267 = tpu.sort %parallel_loop3A_262, %parallel_loop3A_261 masked %parallel_loop3A_264 {descending = true} : (vector<16xf32>, vector<16xf32>, vector<16xi1>) -> (vector<16xi1>, vector<16xf32>, vector<16xf32>)
        %parallel_loop3A_268 = vector.shape_cast %broadcast_in_dim3A_14 : vector<16xi32> to vector<16x1xi32>
        %parallel_loop3A_269 = vector.shape_cast %parallel_loop3A_268 : vector<16x1xi32> to vector<16xi32>
        %parallel_loop3A_270 = tpu.dynamic_gather %parallel_loop3A_266[%parallel_loop3A_269] in [0] : vector<16xf32>, vector<16xi32> -> vector<16xf32>
        %parallel_loop3A_271 = vector.shape_cast %broadcast_in_dim3A_16 : vector<16xi32> to vector<16x1xi32>
        %parallel_loop3A_272 = vector.shape_cast %parallel_loop3A_271 : vector<16x1xi32> to vector<16xi32>
        %parallel_loop3A_273 = tpu.dynamic_gather %parallel_loop3A_266[%parallel_loop3A_272] in [0] : vector<16xf32>, vector<16xi32> -> vector<16xf32>
        %parallel_loop3A_274 = vector.shape_cast %broadcast_in_dim3A_14 : vector<16xi32> to vector<16x1xi32>
        %parallel_loop3A_275 = vector.shape_cast %parallel_loop3A_274 : vector<16x1xi32> to vector<16xi32>
        %parallel_loop3A_276 = tpu.dynamic_gather %parallel_loop3A_267[%parallel_loop3A_275] in [0] : vector<16xf32>, vector<16xi32> -> vector<16xf32>
        %parallel_loop3A_277 = arith.maximumf %parallel_loop3A_273, %parallel_loop3A_276 : vector<16xf32>
        %parallel_loop3A_278 = arith.constant true
        %parallel_loop3A_279 = vector.broadcast %parallel_loop3A_278 : i1 to vector<16xi1>
        %parallel_loop3A_280 = tpu.scan <sum>, %parallel_loop3A_263 masked %parallel_loop3A_279 : vector<16xf32>, vector<16xi1> -> vector<16xf32>
        %parallel_loop3A_281 = vector.shape_cast %broadcast_in_dim3A_18 : vector<16xi32> to vector<16x1xi32>
        %parallel_loop3A_282 = vector.shape_cast %parallel_loop3A_281 : vector<16x1xi32> to vector<16xi32>
        %parallel_loop3A_283 = tpu.dynamic_gather %parallel_loop3A_280[%parallel_loop3A_282] in [0] : vector<16xf32>, vector<16xi32> -> vector<16xf32>
        %parallel_loop3A_284 = arith.constant 1 : i32
        %parallel_loop3A_285 = vector.broadcast %parallel_loop3A_284 : i32 to vector<16xi32>
        %parallel_loop3A_286 = arith.cmpi eq, %iota3A, %parallel_loop3A_285 : vector<16xi32>
        %parallel_loop3A_287 = arith.select %parallel_loop3A_286, %parallel_loop3A_270, %parallel_loop3A_176 : vector<16xi1>, vector<16xf32>
        %parallel_loop3A_288 = arith.select %parallel_loop3A_286, %parallel_loop3A_277, %parallel_loop3A_177 : vector<16xi1>, vector<16xf32>
        %parallel_loop3A_289 = arith.select %parallel_loop3A_286, %parallel_loop3A_283, %parallel_loop3A_178 : vector<16xi1>, vector<16xf32>
        %parallel_loop3A_290 = arith.constant 2 : i32
        %parallel_loop3A_291 = arith.addi %parallel_loop3A_61, %parallel_loop3A_290 : i32
        %parallel_loop3A_292 = arith.constant 128 : i32
        %parallel_loop3A_293 = arith.muli %parallel_loop3A_291, %parallel_loop3A_292 : i32
        %parallel_loop3A_294 = arith.constant 0 : i32
        %parallel_loop3A_295 = arith.addi %parallel_loop3A_293, %parallel_loop3A_294 : i32
        %parallel_loop3A_296 = arith.index_cast %parallel_loop3A_295 : i32 to index
        %parallel_loop3A_297 = tpu.vector_load %arg5[%parallel_loop3A_296] {strides = array<i32>} : memref<32768xf32, #tpu.memory_space<vmem>>, vector<16xf32>,
        %parallel_loop3A_298 = math.exp %parallel_loop3A_297 : vector<16xf32>
        %parallel_loop3A_299 = arith.constant 128 : i32
        %parallel_loop3A_300 = arith.muli %parallel_loop3A_291, %parallel_loop3A_299 : i32
        %parallel_loop3A_301 = arith.constant 16 : i32
        %parallel_loop3A_302 = arith.addi %parallel_loop3A_300, %parallel_loop3A_301 : i32
        %parallel_loop3A_303 = arith.index_cast %parallel_loop3A_302 : i32 to index
        %parallel_loop3A_304 = tpu.vector_load %arg5[%parallel_loop3A_303] {strides = array<i32>} : memref<32768xf32, #tpu.memory_space<vmem>>, vector<16xf32>,
        %parallel_loop3A_305 = math.exp %parallel_loop3A_304 : vector<16xf32>
        %parallel_loop3A_306 = arith.constant 128 : i32
        %parallel_loop3A_307 = arith.muli %parallel_loop3A_291, %parallel_loop3A_306 : i32
        %parallel_loop3A_308 = arith.constant 32 : i32
        %parallel_loop3A_309 = arith.addi %parallel_loop3A_307, %parallel_loop3A_308 : i32
        %parallel_loop3A_310 = arith.index_cast %parallel_loop3A_309 : i32 to index
        %parallel_loop3A_311 = tpu.vector_load %arg5[%parallel_loop3A_310] {strides = array<i32>} : memref<32768xf32, #tpu.memory_space<vmem>>, vector<16xf32>,
        %parallel_loop3A_312 = math.exp %parallel_loop3A_311 : vector<16xf32>
        %parallel_loop3A_313 = arith.constant 128 : i32
        %parallel_loop3A_314 = arith.muli %parallel_loop3A_291, %parallel_loop3A_313 : i32
        %parallel_loop3A_315 = arith.constant 48 : i32
        %parallel_loop3A_316 = arith.addi %parallel_loop3A_314, %parallel_loop3A_315 : i32
        %parallel_loop3A_317 = arith.index_cast %parallel_loop3A_316 : i32 to index
        %parallel_loop3A_318 = tpu.vector_load %arg5[%parallel_loop3A_317] {strides = array<i32>} : memref<32768xf32, #tpu.memory_space<vmem>>, vector<16xf32>,
        %parallel_loop3A_319 = math.exp %parallel_loop3A_318 : vector<16xf32>
        %parallel_loop3A_320 = arith.constant 128 : i32
        %parallel_loop3A_321 = arith.muli %parallel_loop3A_291, %parallel_loop3A_320 : i32
        %parallel_loop3A_322 = arith.constant 64 : i32
        %parallel_loop3A_323 = arith.addi %parallel_loop3A_321, %parallel_loop3A_322 : i32
        %parallel_loop3A_324 = arith.index_cast %parallel_loop3A_323 : i32 to index
        %parallel_loop3A_325 = tpu.vector_load %arg5[%parallel_loop3A_324] {strides = array<i32>} : memref<32768xf32, #tpu.memory_space<vmem>>, vector<16xf32>,
        %parallel_loop3A_326 = math.exp %parallel_loop3A_325 : vector<16xf32>
        %parallel_loop3A_327 = arith.constant 128 : i32
        %parallel_loop3A_328 = arith.muli %parallel_loop3A_291, %parallel_loop3A_327 : i32
        %parallel_loop3A_329 = arith.constant 80 : i32
        %parallel_loop3A_330 = arith.addi %parallel_loop3A_328, %parallel_loop3A_329 : i32
        %parallel_loop3A_331 = arith.index_cast %parallel_loop3A_330 : i32 to index
        %parallel_loop3A_332 = tpu.vector_load %arg5[%parallel_loop3A_331] {strides = array<i32>} : memref<32768xf32, #tpu.memory_space<vmem>>, vector<16xf32>,
        %parallel_loop3A_333 = math.exp %parallel_loop3A_332 : vector<16xf32>
        %parallel_loop3A_334 = arith.constant 128 : i32
        %parallel_loop3A_335 = arith.muli %parallel_loop3A_291, %parallel_loop3A_334 : i32
        %parallel_loop3A_336 = arith.constant 96 : i32
        %parallel_loop3A_337 = arith.addi %parallel_loop3A_335, %parallel_loop3A_336 : i32
        %parallel_loop3A_338 = arith.index_cast %parallel_loop3A_337 : i32 to index
        %parallel_loop3A_339 = tpu.vector_load %arg5[%parallel_loop3A_338] {strides = array<i32>} : memref<32768xf32, #tpu.memory_space<vmem>>, vector<16xf32>,
        %parallel_loop3A_340 = math.exp %parallel_loop3A_339 : vector<16xf32>
        %parallel_loop3A_341 = arith.constant 128 : i32
        %parallel_loop3A_342 = arith.muli %parallel_loop3A_291, %parallel_loop3A_341 : i32
        %parallel_loop3A_343 = arith.constant 112 : i32
        %parallel_loop3A_344 = arith.addi %parallel_loop3A_342, %parallel_loop3A_343 : i32
        %parallel_loop3A_345 = arith.index_cast %parallel_loop3A_344 : i32 to index
        %parallel_loop3A_346 = tpu.vector_load %arg5[%parallel_loop3A_345] {strides = array<i32>} : memref<32768xf32, #tpu.memory_space<vmem>>, vector<16xf32>,
        %parallel_loop3A_347 = math.exp %parallel_loop3A_346 : vector<16xf32>
        %parallel_loop3A_348 = arith.maximumf %parallel_loop3A_298, %parallel_loop3A_305 : vector<16xf32>
        %parallel_loop3A_349 = arith.minimumf %parallel_loop3A_298, %parallel_loop3A_305 : vector<16xf32>
        %parallel_loop3A_350 = arith.addf %parallel_loop3A_298, %parallel_loop3A_305 : vector<16xf32>
        %parallel_loop3A_351 = arith.minimumf %parallel_loop3A_348, %parallel_loop3A_312 : vector<16xf32>
        %parallel_loop3A_352 = arith.maximumf %parallel_loop3A_349, %parallel_loop3A_351 : vector<16xf32>
        %parallel_loop3A_353 = arith.maximumf %parallel_loop3A_348, %parallel_loop3A_312 : vector<16xf32>
        %parallel_loop3A_354 = arith.addf %parallel_loop3A_350, %parallel_loop3A_312 : vector<16xf32>
        %parallel_loop3A_355 = arith.minimumf %parallel_loop3A_353, %parallel_loop3A_319 : vector<16xf32>
        %parallel_loop3A_356 = arith.maximumf %parallel_loop3A_352, %parallel_loop3A_355 : vector<16xf32>
        %parallel_loop3A_357 = arith.maximumf %parallel_loop3A_353, %parallel_loop3A_319 : vector<16xf32>
        %parallel_loop3A_358 = arith.addf %parallel_loop3A_354, %parallel_loop3A_319 : vector<16xf32>
        %parallel_loop3A_359 = arith.minimumf %parallel_loop3A_357, %parallel_loop3A_326 : vector<16xf32>
        %parallel_loop3A_360 = arith.maximumf %parallel_loop3A_356, %parallel_loop3A_359 : vector<16xf32>
        %parallel_loop3A_361 = arith.maximumf %parallel_loop3A_357, %parallel_loop3A_326 : vector<16xf32>
        %parallel_loop3A_362 = arith.addf %parallel_loop3A_358, %parallel_loop3A_326 : vector<16xf32>
        %parallel_loop3A_363 = arith.minimumf %parallel_loop3A_361, %parallel_loop3A_333 : vector<16xf32>
        %parallel_loop3A_364 = arith.maximumf %parallel_loop3A_360, %parallel_loop3A_363 : vector<16xf32>
        %parallel_loop3A_365 = arith.maximumf %parallel_loop3A_361, %parallel_loop3A_333 : vector<16xf32>
        %parallel_loop3A_366 = arith.addf %parallel_loop3A_362, %parallel_loop3A_333 : vector<16xf32>
        %parallel_loop3A_367 = arith.minimumf %parallel_loop3A_365, %parallel_loop3A_340 : vector<16xf32>
        %parallel_loop3A_368 = arith.maximumf %parallel_loop3A_364, %parallel_loop3A_367 : vector<16xf32>
        %parallel_loop3A_369 = arith.maximumf %parallel_loop3A_365, %parallel_loop3A_340 : vector<16xf32>
        %parallel_loop3A_370 = arith.addf %parallel_loop3A_366, %parallel_loop3A_340 : vector<16xf32>
        %parallel_loop3A_371 = arith.minimumf %parallel_loop3A_369, %parallel_loop3A_347 : vector<16xf32>
        %parallel_loop3A_372 = arith.maximumf %parallel_loop3A_368, %parallel_loop3A_371 : vector<16xf32>
        %parallel_loop3A_373 = arith.maximumf %parallel_loop3A_369, %parallel_loop3A_347 : vector<16xf32>
        %parallel_loop3A_374 = arith.addf %parallel_loop3A_370, %parallel_loop3A_347 : vector<16xf32>
        %parallel_loop3A_375 = arith.constant dense<true> : vector<16xi1>
        %parallel_loop3A_376, %parallel_loop3A_377, %parallel_loop3A_378 = tpu.sort %parallel_loop3A_373, %parallel_loop3A_372 masked %parallel_loop3A_375 {descending = true} : (vector<16xf32>, vector<16xf32>, vector<16xi1>) -> (vector<16xi1>, vector<16xf32>, vector<16xf32>)
        %parallel_loop3A_379 = vector.shape_cast %broadcast_in_dim3A_14 : vector<16xi32> to vector<16x1xi32>
        %parallel_loop3A_380 = vector.shape_cast %parallel_loop3A_379 : vector<16x1xi32> to vector<16xi32>
        %parallel_loop3A_381 = tpu.dynamic_gather %parallel_loop3A_377[%parallel_loop3A_380] in [0] : vector<16xf32>, vector<16xi32> -> vector<16xf32>
        %parallel_loop3A_382 = vector.shape_cast %broadcast_in_dim3A_16 : vector<16xi32> to vector<16x1xi32>
        %parallel_loop3A_383 = vector.shape_cast %parallel_loop3A_382 : vector<16x1xi32> to vector<16xi32>
        %parallel_loop3A_384 = tpu.dynamic_gather %parallel_loop3A_377[%parallel_loop3A_383] in [0] : vector<16xf32>, vector<16xi32> -> vector<16xf32>
        %parallel_loop3A_385 = vector.shape_cast %broadcast_in_dim3A_14 : vector<16xi32> to vector<16x1xi32>
        %parallel_loop3A_386 = vector.shape_cast %parallel_loop3A_385 : vector<16x1xi32> to vector<16xi32>
        %parallel_loop3A_387 = tpu.dynamic_gather %parallel_loop3A_378[%parallel_loop3A_386] in [0] : vector<16xf32>, vector<16xi32> -> vector<16xf32>
        %parallel_loop3A_388 = arith.maximumf %parallel_loop3A_384, %parallel_loop3A_387 : vector<16xf32>
        %parallel_loop3A_389 = arith.constant true
        %parallel_loop3A_390 = vector.broadcast %parallel_loop3A_389 : i1 to vector<16xi1>
        %parallel_loop3A_391 = tpu.scan <sum>, %parallel_loop3A_374 masked %parallel_loop3A_390 : vector<16xf32>, vector<16xi1> -> vector<16xf32>
        %parallel_loop3A_392 = vector.shape_cast %broadcast_in_dim3A_18 : vector<16xi32> to vector<16x1xi32>
        %parallel_loop3A_393 = vector.shape_cast %parallel_loop3A_392 : vector<16x1xi32> to vector<16xi32>
        %parallel_loop3A_394 = tpu.dynamic_gather %parallel_loop3A_391[%parallel_loop3A_393] in [0] : vector<16xf32>, vector<16xi32> -> vector<16xf32>
        %parallel_loop3A_395 = arith.constant 2 : i32
        %parallel_loop3A_396 = vector.broadcast %parallel_loop3A_395 : i32 to vector<16xi32>
        %parallel_loop3A_397 = arith.cmpi eq, %iota3A, %parallel_loop3A_396 : vector<16xi32>
        %parallel_loop3A_398 = arith.select %parallel_loop3A_397, %parallel_loop3A_381, %parallel_loop3A_287 : vector<16xi1>, vector<16xf32>
        %parallel_loop3A_399 = arith.select %parallel_loop3A_397, %parallel_loop3A_388, %parallel_loop3A_288 : vector<16xi1>, vector<16xf32>
        %parallel_loop3A_400 = arith.select %parallel_loop3A_397, %parallel_loop3A_394, %parallel_loop3A_289 : vector<16xi1>, vector<16xf32>
        %parallel_loop3A_401 = arith.constant 3 : i32
        %parallel_loop3A_402 = arith.addi %parallel_loop3A_61, %parallel_loop3A_401 : i32
        %parallel_loop3A_403 = arith.constant 128 : i32
        %parallel_loop3A_404 = arith.muli %parallel_loop3A_402, %parallel_loop3A_403 : i32
        %parallel_loop3A_405 = arith.constant 0 : i32
        %parallel_loop3A_406 = arith.addi %parallel_loop3A_404, %parallel_loop3A_405 : i32
        %parallel_loop3A_407 = arith.index_cast %parallel_loop3A_406 : i32 to index
        %parallel_loop3A_408 = tpu.vector_load %arg5[%parallel_loop3A_407] {strides = array<i32>} : memref<32768xf32, #tpu.memory_space<vmem>>, vector<16xf32>,
        %parallel_loop3A_409 = math.exp %parallel_loop3A_408 : vector<16xf32>
        %parallel_loop3A_410 = arith.constant 128 : i32
        %parallel_loop3A_411 = arith.muli %parallel_loop3A_402, %parallel_loop3A_410 : i32
        %parallel_loop3A_412 = arith.constant 16 : i32
        %parallel_loop3A_413 = arith.addi %parallel_loop3A_411, %parallel_loop3A_412 : i32
        %parallel_loop3A_414 = arith.index_cast %parallel_loop3A_413 : i32 to index
        %parallel_loop3A_415 = tpu.vector_load %arg5[%parallel_loop3A_414] {strides = array<i32>} : memref<32768xf32, #tpu.memory_space<vmem>>, vector<16xf32>,
        %parallel_loop3A_416 = math.exp %parallel_loop3A_415 : vector<16xf32>
        %parallel_loop3A_417 = arith.constant 128 : i32
        %parallel_loop3A_418 = arith.muli %parallel_loop3A_402, %parallel_loop3A_417 : i32
        %parallel_loop3A_419 = arith.constant 32 : i32
        %parallel_loop3A_420 = arith.addi %parallel_loop3A_418, %parallel_loop3A_419 : i32
        %parallel_loop3A_421 = arith.index_cast %parallel_loop3A_420 : i32 to index
        %parallel_loop3A_422 = tpu.vector_load %arg5[%parallel_loop3A_421] {strides = array<i32>} : memref<32768xf32, #tpu.memory_space<vmem>>, vector<16xf32>,
        %parallel_loop3A_423 = math.exp %parallel_loop3A_422 : vector<16xf32>
        %parallel_loop3A_424 = arith.constant 128 : i32
        %parallel_loop3A_425 = arith.muli %parallel_loop3A_402, %parallel_loop3A_424 : i32
        %parallel_loop3A_426 = arith.constant 48 : i32
        %parallel_loop3A_427 = arith.addi %parallel_loop3A_425, %parallel_loop3A_426 : i32
        %parallel_loop3A_428 = arith.index_cast %parallel_loop3A_427 : i32 to index
        %parallel_loop3A_429 = tpu.vector_load %arg5[%parallel_loop3A_428] {strides = array<i32>} : memref<32768xf32, #tpu.memory_space<vmem>>, vector<16xf32>,
        %parallel_loop3A_430 = math.exp %parallel_loop3A_429 : vector<16xf32>
        %parallel_loop3A_431 = arith.constant 128 : i32
        %parallel_loop3A_432 = arith.muli %parallel_loop3A_402, %parallel_loop3A_431 : i32
        %parallel_loop3A_433 = arith.constant 64 : i32
        %parallel_loop3A_434 = arith.addi %parallel_loop3A_432, %parallel_loop3A_433 : i32
        %parallel_loop3A_435 = arith.index_cast %parallel_loop3A_434 : i32 to index
        %parallel_loop3A_436 = tpu.vector_load %arg5[%parallel_loop3A_435] {strides = array<i32>} : memref<32768xf32, #tpu.memory_space<vmem>>, vector<16xf32>,
        %parallel_loop3A_437 = math.exp %parallel_loop3A_436 : vector<16xf32>
        %parallel_loop3A_438 = arith.constant 128 : i32
        %parallel_loop3A_439 = arith.muli %parallel_loop3A_402, %parallel_loop3A_438 : i32
        %parallel_loop3A_440 = arith.constant 80 : i32
        %parallel_loop3A_441 = arith.addi %parallel_loop3A_439, %parallel_loop3A_440 : i32
        %parallel_loop3A_442 = arith.index_cast %parallel_loop3A_441 : i32 to index
        %parallel_loop3A_443 = tpu.vector_load %arg5[%parallel_loop3A_442] {strides = array<i32>} : memref<32768xf32, #tpu.memory_space<vmem>>, vector<16xf32>,
        %parallel_loop3A_444 = math.exp %parallel_loop3A_443 : vector<16xf32>
        %parallel_loop3A_445 = arith.constant 128 : i32
        %parallel_loop3A_446 = arith.muli %parallel_loop3A_402, %parallel_loop3A_445 : i32
        %parallel_loop3A_447 = arith.constant 96 : i32
        %parallel_loop3A_448 = arith.addi %parallel_loop3A_446, %parallel_loop3A_447 : i32
        %parallel_loop3A_449 = arith.index_cast %parallel_loop3A_448 : i32 to index
        %parallel_loop3A_450 = tpu.vector_load %arg5[%parallel_loop3A_449] {strides = array<i32>} : memref<32768xf32, #tpu.memory_space<vmem>>, vector<16xf32>,
        %parallel_loop3A_451 = math.exp %parallel_loop3A_450 : vector<16xf32>
        %parallel_loop3A_452 = arith.constant 128 : i32
        %parallel_loop3A_453 = arith.muli %parallel_loop3A_402, %parallel_loop3A_452 : i32
        %parallel_loop3A_454 = arith.constant 112 : i32
        %parallel_loop3A_455 = arith.addi %parallel_loop3A_453, %parallel_loop3A_454 : i32
        %parallel_loop3A_456 = arith.index_cast %parallel_loop3A_455 : i32 to index
        %parallel_loop3A_457 = tpu.vector_load %arg5[%parallel_loop3A_456] {strides = array<i32>} : memref<32768xf32, #tpu.memory_space<vmem>>, vector<16xf32>,
        %parallel_loop3A_458 = math.exp %parallel_loop3A_457 : vector<16xf32>
        %parallel_loop3A_459 = arith.maximumf %parallel_loop3A_409, %parallel_loop3A_416 : vector<16xf32>
        %parallel_loop3A_460 = arith.minimumf %parallel_loop3A_409, %parallel_loop3A_416 : vector<16xf32>
        %parallel_loop3A_461 = arith.addf %parallel_loop3A_409, %parallel_loop3A_416 : vector<16xf32>
        %parallel_loop3A_462 = arith.minimumf %parallel_loop3A_459, %parallel_loop3A_423 : vector<16xf32>
        %parallel_loop3A_463 = arith.maximumf %parallel_loop3A_460, %parallel_loop3A_462 : vector<16xf32>
        %parallel_loop3A_464 = arith.maximumf %parallel_loop3A_459, %parallel_loop3A_423 : vector<16xf32>
        %parallel_loop3A_465 = arith.addf %parallel_loop3A_461, %parallel_loop3A_423 : vector<16xf32>
        %parallel_loop3A_466 = arith.minimumf %parallel_loop3A_464, %parallel_loop3A_430 : vector<16xf32>
        %parallel_loop3A_467 = arith.maximumf %parallel_loop3A_463, %parallel_loop3A_466 : vector<16xf32>
        %parallel_loop3A_468 = arith.maximumf %parallel_loop3A_464, %parallel_loop3A_430 : vector<16xf32>
        %parallel_loop3A_469 = arith.addf %parallel_loop3A_465, %parallel_loop3A_430 : vector<16xf32>
        %parallel_loop3A_470 = arith.minimumf %parallel_loop3A_468, %parallel_loop3A_437 : vector<16xf32>
        %parallel_loop3A_471 = arith.maximumf %parallel_loop3A_467, %parallel_loop3A_470 : vector<16xf32>
        %parallel_loop3A_472 = arith.maximumf %parallel_loop3A_468, %parallel_loop3A_437 : vector<16xf32>
        %parallel_loop3A_473 = arith.addf %parallel_loop3A_469, %parallel_loop3A_437 : vector<16xf32>
        %parallel_loop3A_474 = arith.minimumf %parallel_loop3A_472, %parallel_loop3A_444 : vector<16xf32>
        %parallel_loop3A_475 = arith.maximumf %parallel_loop3A_471, %parallel_loop3A_474 : vector<16xf32>
        %parallel_loop3A_476 = arith.maximumf %parallel_loop3A_472, %parallel_loop3A_444 : vector<16xf32>
        %parallel_loop3A_477 = arith.addf %parallel_loop3A_473, %parallel_loop3A_444 : vector<16xf32>
        %parallel_loop3A_478 = arith.minimumf %parallel_loop3A_476, %parallel_loop3A_451 : vector<16xf32>
        %parallel_loop3A_479 = arith.maximumf %parallel_loop3A_475, %parallel_loop3A_478 : vector<16xf32>
        %parallel_loop3A_480 = arith.maximumf %parallel_loop3A_476, %parallel_loop3A_451 : vector<16xf32>
        %parallel_loop3A_481 = arith.addf %parallel_loop3A_477, %parallel_loop3A_451 : vector<16xf32>
        %parallel_loop3A_482 = arith.minimumf %parallel_loop3A_480, %parallel_loop3A_458 : vector<16xf32>
        %parallel_loop3A_483 = arith.maximumf %parallel_loop3A_479, %parallel_loop3A_482 : vector<16xf32>
        %parallel_loop3A_484 = arith.maximumf %parallel_loop3A_480, %parallel_loop3A_458 : vector<16xf32>
        %parallel_loop3A_485 = arith.addf %parallel_loop3A_481, %parallel_loop3A_458 : vector<16xf32>
        %parallel_loop3A_486 = arith.constant dense<true> : vector<16xi1>
        %parallel_loop3A_487, %parallel_loop3A_488, %parallel_loop3A_489 = tpu.sort %parallel_loop3A_484, %parallel_loop3A_483 masked %parallel_loop3A_486 {descending = true} : (vector<16xf32>, vector<16xf32>, vector<16xi1>) -> (vector<16xi1>, vector<16xf32>, vector<16xf32>)
        %parallel_loop3A_490 = vector.shape_cast %broadcast_in_dim3A_14 : vector<16xi32> to vector<16x1xi32>
        %parallel_loop3A_491 = vector.shape_cast %parallel_loop3A_490 : vector<16x1xi32> to vector<16xi32>
        %parallel_loop3A_492 = tpu.dynamic_gather %parallel_loop3A_488[%parallel_loop3A_491] in [0] : vector<16xf32>, vector<16xi32> -> vector<16xf32>
        %parallel_loop3A_493 = vector.shape_cast %broadcast_in_dim3A_16 : vector<16xi32> to vector<16x1xi32>
        %parallel_loop3A_494 = vector.shape_cast %parallel_loop3A_493 : vector<16x1xi32> to vector<16xi32>
        %parallel_loop3A_495 = tpu.dynamic_gather %parallel_loop3A_488[%parallel_loop3A_494] in [0] : vector<16xf32>, vector<16xi32> -> vector<16xf32>
        %parallel_loop3A_496 = vector.shape_cast %broadcast_in_dim3A_14 : vector<16xi32> to vector<16x1xi32>
        %parallel_loop3A_497 = vector.shape_cast %parallel_loop3A_496 : vector<16x1xi32> to vector<16xi32>
        %parallel_loop3A_498 = tpu.dynamic_gather %parallel_loop3A_489[%parallel_loop3A_497] in [0] : vector<16xf32>, vector<16xi32> -> vector<16xf32>
        %parallel_loop3A_499 = arith.maximumf %parallel_loop3A_495, %parallel_loop3A_498 : vector<16xf32>
        %parallel_loop3A_500 = arith.constant true
        %parallel_loop3A_501 = vector.broadcast %parallel_loop3A_500 : i1 to vector<16xi1>
        %parallel_loop3A_502 = tpu.scan <sum>, %parallel_loop3A_485 masked %parallel_loop3A_501 : vector<16xf32>, vector<16xi1> -> vector<16xf32>
        %parallel_loop3A_503 = vector.shape_cast %broadcast_in_dim3A_18 : vector<16xi32> to vector<16x1xi32>
        %parallel_loop3A_504 = vector.shape_cast %parallel_loop3A_503 : vector<16x1xi32> to vector<16xi32>
        %parallel_loop3A_505 = tpu.dynamic_gather %parallel_loop3A_502[%parallel_loop3A_504] in [0] : vector<16xf32>, vector<16xi32> -> vector<16xf32>
        %parallel_loop3A_506 = arith.constant 3 : i32
        %parallel_loop3A_507 = vector.broadcast %parallel_loop3A_506 : i32 to vector<16xi32>
        %parallel_loop3A_508 = arith.cmpi eq, %iota3A, %parallel_loop3A_507 : vector<16xi32>
        %parallel_loop3A_509 = arith.select %parallel_loop3A_508, %parallel_loop3A_492, %parallel_loop3A_398 : vector<16xi1>, vector<16xf32>
        %parallel_loop3A_510 = arith.select %parallel_loop3A_508, %parallel_loop3A_499, %parallel_loop3A_399 : vector<16xi1>, vector<16xf32>
        %parallel_loop3A_511 = arith.select %parallel_loop3A_508, %parallel_loop3A_505, %parallel_loop3A_400 : vector<16xi1>, vector<16xf32>
        %parallel_loop3A_512 = arith.constant 4 : i32
        %parallel_loop3A_513 = arith.addi %parallel_loop3A_61, %parallel_loop3A_512 : i32
        %parallel_loop3A_514 = arith.constant 128 : i32
        %parallel_loop3A_515 = arith.muli %parallel_loop3A_513, %parallel_loop3A_514 : i32
        %parallel_loop3A_516 = arith.constant 0 : i32
        %parallel_loop3A_517 = arith.addi %parallel_loop3A_515, %parallel_loop3A_516 : i32
        %parallel_loop3A_518 = arith.index_cast %parallel_loop3A_517 : i32 to index
        %parallel_loop3A_519 = tpu.vector_load %arg5[%parallel_loop3A_518] {strides = array<i32>} : memref<32768xf32, #tpu.memory_space<vmem>>, vector<16xf32>,
        %parallel_loop3A_520 = math.exp %parallel_loop3A_519 : vector<16xf32>
        %parallel_loop3A_521 = arith.constant 128 : i32
        %parallel_loop3A_522 = arith.muli %parallel_loop3A_513, %parallel_loop3A_521 : i32
        %parallel_loop3A_523 = arith.constant 16 : i32
        %parallel_loop3A_524 = arith.addi %parallel_loop3A_522, %parallel_loop3A_523 : i32
        %parallel_loop3A_525 = arith.index_cast %parallel_loop3A_524 : i32 to index
        %parallel_loop3A_526 = tpu.vector_load %arg5[%parallel_loop3A_525] {strides = array<i32>} : memref<32768xf32, #tpu.memory_space<vmem>>, vector<16xf32>,
        %parallel_loop3A_527 = math.exp %parallel_loop3A_526 : vector<16xf32>
        %parallel_loop3A_528 = arith.constant 128 : i32
        %parallel_loop3A_529 = arith.muli %parallel_loop3A_513, %parallel_loop3A_528 : i32
        %parallel_loop3A_530 = arith.constant 32 : i32
        %parallel_loop3A_531 = arith.addi %parallel_loop3A_529, %parallel_loop3A_530 : i32
        %parallel_loop3A_532 = arith.index_cast %parallel_loop3A_531 : i32 to index
        %parallel_loop3A_533 = tpu.vector_load %arg5[%parallel_loop3A_532] {strides = array<i32>} : memref<32768xf32, #tpu.memory_space<vmem>>, vector<16xf32>,
        %parallel_loop3A_534 = math.exp %parallel_loop3A_533 : vector<16xf32>
        %parallel_loop3A_535 = arith.constant 128 : i32
        %parallel_loop3A_536 = arith.muli %parallel_loop3A_513, %parallel_loop3A_535 : i32
        %parallel_loop3A_537 = arith.constant 48 : i32
        %parallel_loop3A_538 = arith.addi %parallel_loop3A_536, %parallel_loop3A_537 : i32
        %parallel_loop3A_539 = arith.index_cast %parallel_loop3A_538 : i32 to index
        %parallel_loop3A_540 = tpu.vector_load %arg5[%parallel_loop3A_539] {strides = array<i32>} : memref<32768xf32, #tpu.memory_space<vmem>>, vector<16xf32>,
        %parallel_loop3A_541 = math.exp %parallel_loop3A_540 : vector<16xf32>
        %parallel_loop3A_542 = arith.constant 128 : i32
        %parallel_loop3A_543 = arith.muli %parallel_loop3A_513, %parallel_loop3A_542 : i32
        %parallel_loop3A_544 = arith.constant 64 : i32
        %parallel_loop3A_545 = arith.addi %parallel_loop3A_543, %parallel_loop3A_544 : i32
        %parallel_loop3A_546 = arith.index_cast %parallel_loop3A_545 : i32 to index
        %parallel_loop3A_547 = tpu.vector_load %arg5[%parallel_loop3A_546] {strides = array<i32>} : memref<32768xf32, #tpu.memory_space<vmem>>, vector<16xf32>,
        %parallel_loop3A_548 = math.exp %parallel_loop3A_547 : vector<16xf32>
        %parallel_loop3A_549 = arith.constant 128 : i32
        %parallel_loop3A_550 = arith.muli %parallel_loop3A_513, %parallel_loop3A_549 : i32
        %parallel_loop3A_551 = arith.constant 80 : i32
        %parallel_loop3A_552 = arith.addi %parallel_loop3A_550, %parallel_loop3A_551 : i32
        %parallel_loop3A_553 = arith.index_cast %parallel_loop3A_552 : i32 to index
        %parallel_loop3A_554 = tpu.vector_load %arg5[%parallel_loop3A_553] {strides = array<i32>} : memref<32768xf32, #tpu.memory_space<vmem>>, vector<16xf32>,
        %parallel_loop3A_555 = math.exp %parallel_loop3A_554 : vector<16xf32>
        %parallel_loop3A_556 = arith.constant 128 : i32
        %parallel_loop3A_557 = arith.muli %parallel_loop3A_513, %parallel_loop3A_556 : i32
        %parallel_loop3A_558 = arith.constant 96 : i32
        %parallel_loop3A_559 = arith.addi %parallel_loop3A_557, %parallel_loop3A_558 : i32
        %parallel_loop3A_560 = arith.index_cast %parallel_loop3A_559 : i32 to index
        %parallel_loop3A_561 = tpu.vector_load %arg5[%parallel_loop3A_560] {strides = array<i32>} : memref<32768xf32, #tpu.memory_space<vmem>>, vector<16xf32>,
        %parallel_loop3A_562 = math.exp %parallel_loop3A_561 : vector<16xf32>
        %parallel_loop3A_563 = arith.constant 128 : i32
        %parallel_loop3A_564 = arith.muli %parallel_loop3A_513, %parallel_loop3A_563 : i32
        %parallel_loop3A_565 = arith.constant 112 : i32
        %parallel_loop3A_566 = arith.addi %parallel_loop3A_564, %parallel_loop3A_565 : i32
        %parallel_loop3A_567 = arith.index_cast %parallel_loop3A_566 : i32 to index
        %parallel_loop3A_568 = tpu.vector_load %arg5[%parallel_loop3A_567] {strides = array<i32>} : memref<32768xf32, #tpu.memory_space<vmem>>, vector<16xf32>,
        %parallel_loop3A_569 = math.exp %parallel_loop3A_568 : vector<16xf32>
        %parallel_loop3A_570 = arith.maximumf %parallel_loop3A_520, %parallel_loop3A_527 : vector<16xf32>
        %parallel_loop3A_571 = arith.minimumf %parallel_loop3A_520, %parallel_loop3A_527 : vector<16xf32>
        %parallel_loop3A_572 = arith.addf %parallel_loop3A_520, %parallel_loop3A_527 : vector<16xf32>
        %parallel_loop3A_573 = arith.minimumf %parallel_loop3A_570, %parallel_loop3A_534 : vector<16xf32>
        %parallel_loop3A_574 = arith.maximumf %parallel_loop3A_571, %parallel_loop3A_573 : vector<16xf32>
        %parallel_loop3A_575 = arith.maximumf %parallel_loop3A_570, %parallel_loop3A_534 : vector<16xf32>
        %parallel_loop3A_576 = arith.addf %parallel_loop3A_572, %parallel_loop3A_534 : vector<16xf32>
        %parallel_loop3A_577 = arith.minimumf %parallel_loop3A_575, %parallel_loop3A_541 : vector<16xf32>
        %parallel_loop3A_578 = arith.maximumf %parallel_loop3A_574, %parallel_loop3A_577 : vector<16xf32>
        %parallel_loop3A_579 = arith.maximumf %parallel_loop3A_575, %parallel_loop3A_541 : vector<16xf32>
        %parallel_loop3A_580 = arith.addf %parallel_loop3A_576, %parallel_loop3A_541 : vector<16xf32>
        %parallel_loop3A_581 = arith.minimumf %parallel_loop3A_579, %parallel_loop3A_548 : vector<16xf32>
        %parallel_loop3A_582 = arith.maximumf %parallel_loop3A_578, %parallel_loop3A_581 : vector<16xf32>
        %parallel_loop3A_583 = arith.maximumf %parallel_loop3A_579, %parallel_loop3A_548 : vector<16xf32>
        %parallel_loop3A_584 = arith.addf %parallel_loop3A_580, %parallel_loop3A_548 : vector<16xf32>
        %parallel_loop3A_585 = arith.minimumf %parallel_loop3A_583, %parallel_loop3A_555 : vector<16xf32>
        %parallel_loop3A_586 = arith.maximumf %parallel_loop3A_582, %parallel_loop3A_585 : vector<16xf32>
        %parallel_loop3A_587 = arith.maximumf %parallel_loop3A_583, %parallel_loop3A_555 : vector<16xf32>
        %parallel_loop3A_588 = arith.addf %parallel_loop3A_584, %parallel_loop3A_555 : vector<16xf32>
        %parallel_loop3A_589 = arith.minimumf %parallel_loop3A_587, %parallel_loop3A_562 : vector<16xf32>
        %parallel_loop3A_590 = arith.maximumf %parallel_loop3A_586, %parallel_loop3A_589 : vector<16xf32>
        %parallel_loop3A_591 = arith.maximumf %parallel_loop3A_587, %parallel_loop3A_562 : vector<16xf32>
        %parallel_loop3A_592 = arith.addf %parallel_loop3A_588, %parallel_loop3A_562 : vector<16xf32>
        %parallel_loop3A_593 = arith.minimumf %parallel_loop3A_591, %parallel_loop3A_569 : vector<16xf32>
        %parallel_loop3A_594 = arith.maximumf %parallel_loop3A_590, %parallel_loop3A_593 : vector<16xf32>
        %parallel_loop3A_595 = arith.maximumf %parallel_loop3A_591, %parallel_loop3A_569 : vector<16xf32>
        %parallel_loop3A_596 = arith.addf %parallel_loop3A_592, %parallel_loop3A_569 : vector<16xf32>
        %parallel_loop3A_597 = arith.constant dense<true> : vector<16xi1>
        %parallel_loop3A_598, %parallel_loop3A_599, %parallel_loop3A_600 = tpu.sort %parallel_loop3A_595, %parallel_loop3A_594 masked %parallel_loop3A_597 {descending = true} : (vector<16xf32>, vector<16xf32>, vector<16xi1>) -> (vector<16xi1>, vector<16xf32>, vector<16xf32>)
        %parallel_loop3A_601 = vector.shape_cast %broadcast_in_dim3A_14 : vector<16xi32> to vector<16x1xi32>
        %parallel_loop3A_602 = vector.shape_cast %parallel_loop3A_601 : vector<16x1xi32> to vector<16xi32>
        %parallel_loop3A_603 = tpu.dynamic_gather %parallel_loop3A_599[%parallel_loop3A_602] in [0] : vector<16xf32>, vector<16xi32> -> vector<16xf32>
        %parallel_loop3A_604 = vector.shape_cast %broadcast_in_dim3A_16 : vector<16xi32> to vector<16x1xi32>
        %parallel_loop3A_605 = vector.shape_cast %parallel_loop3A_604 : vector<16x1xi32> to vector<16xi32>
        %parallel_loop3A_606 = tpu.dynamic_gather %parallel_loop3A_599[%parallel_loop3A_605] in [0] : vector<16xf32>, vector<16xi32> -> vector<16xf32>
        %parallel_loop3A_607 = vector.shape_cast %broadcast_in_dim3A_14 : vector<16xi32> to vector<16x1xi32>
        %parallel_loop3A_608 = vector.shape_cast %parallel_loop3A_607 : vector<16x1xi32> to vector<16xi32>
        %parallel_loop3A_609 = tpu.dynamic_gather %parallel_loop3A_600[%parallel_loop3A_608] in [0] : vector<16xf32>, vector<16xi32> -> vector<16xf32>
        %parallel_loop3A_610 = arith.maximumf %parallel_loop3A_606, %parallel_loop3A_609 : vector<16xf32>
        %parallel_loop3A_611 = arith.constant true
        %parallel_loop3A_612 = vector.broadcast %parallel_loop3A_611 : i1 to vector<16xi1>
        %parallel_loop3A_613 = tpu.scan <sum>, %parallel_loop3A_596 masked %parallel_loop3A_612 : vector<16xf32>, vector<16xi1> -> vector<16xf32>
        %parallel_loop3A_614 = vector.shape_cast %broadcast_in_dim3A_18 : vector<16xi32> to vector<16x1xi32>
        %parallel_loop3A_615 = vector.shape_cast %parallel_loop3A_614 : vector<16x1xi32> to vector<16xi32>
        %parallel_loop3A_616 = tpu.dynamic_gather %parallel_loop3A_613[%parallel_loop3A_615] in [0] : vector<16xf32>, vector<16xi32> -> vector<16xf32>
        %parallel_loop3A_617 = arith.constant 4 : i32
        %parallel_loop3A_618 = vector.broadcast %parallel_loop3A_617 : i32 to vector<16xi32>
        %parallel_loop3A_619 = arith.cmpi eq, %iota3A, %parallel_loop3A_618 : vector<16xi32>
        %parallel_loop3A_620 = arith.select %parallel_loop3A_619, %parallel_loop3A_603, %parallel_loop3A_509 : vector<16xi1>, vector<16xf32>
        %parallel_loop3A_621 = arith.select %parallel_loop3A_619, %parallel_loop3A_610, %parallel_loop3A_510 : vector<16xi1>, vector<16xf32>
        %parallel_loop3A_622 = arith.select %parallel_loop3A_619, %parallel_loop3A_616, %parallel_loop3A_511 : vector<16xi1>, vector<16xf32>
        %parallel_loop3A_623 = arith.constant 5 : i32
        %parallel_loop3A_624 = arith.addi %parallel_loop3A_61, %parallel_loop3A_623 : i32
        %parallel_loop3A_625 = arith.constant 128 : i32
        %parallel_loop3A_626 = arith.muli %parallel_loop3A_624, %parallel_loop3A_625 : i32
        %parallel_loop3A_627 = arith.constant 0 : i32
        %parallel_loop3A_628 = arith.addi %parallel_loop3A_626, %parallel_loop3A_627 : i32
        %parallel_loop3A_629 = arith.index_cast %parallel_loop3A_628 : i32 to index
        %parallel_loop3A_630 = tpu.vector_load %arg5[%parallel_loop3A_629] {strides = array<i32>} : memref<32768xf32, #tpu.memory_space<vmem>>, vector<16xf32>,
        %parallel_loop3A_631 = math.exp %parallel_loop3A_630 : vector<16xf32>
        %parallel_loop3A_632 = arith.constant 128 : i32
        %parallel_loop3A_633 = arith.muli %parallel_loop3A_624, %parallel_loop3A_632 : i32
        %parallel_loop3A_634 = arith.constant 16 : i32
        %parallel_loop3A_635 = arith.addi %parallel_loop3A_633, %parallel_loop3A_634 : i32
        %parallel_loop3A_636 = arith.index_cast %parallel_loop3A_635 : i32 to index
        %parallel_loop3A_637 = tpu.vector_load %arg5[%parallel_loop3A_636] {strides = array<i32>} : memref<32768xf32, #tpu.memory_space<vmem>>, vector<16xf32>,
        %parallel_loop3A_638 = math.exp %parallel_loop3A_637 : vector<16xf32>
        %parallel_loop3A_639 = arith.constant 128 : i32
        %parallel_loop3A_640 = arith.muli %parallel_loop3A_624, %parallel_loop3A_639 : i32
        %parallel_loop3A_641 = arith.constant 32 : i32
        %parallel_loop3A_642 = arith.addi %parallel_loop3A_640, %parallel_loop3A_641 : i32
        %parallel_loop3A_643 = arith.index_cast %parallel_loop3A_642 : i32 to index
        %parallel_loop3A_644 = tpu.vector_load %arg5[%parallel_loop3A_643] {strides = array<i32>} : memref<32768xf32, #tpu.memory_space<vmem>>, vector<16xf32>,
        %parallel_loop3A_645 = math.exp %parallel_loop3A_644 : vector<16xf32>
        %parallel_loop3A_646 = arith.constant 128 : i32
        %parallel_loop3A_647 = arith.muli %parallel_loop3A_624, %parallel_loop3A_646 : i32
        %parallel_loop3A_648 = arith.constant 48 : i32
        %parallel_loop3A_649 = arith.addi %parallel_loop3A_647, %parallel_loop3A_648 : i32
        %parallel_loop3A_650 = arith.index_cast %parallel_loop3A_649 : i32 to index
        %parallel_loop3A_651 = tpu.vector_load %arg5[%parallel_loop3A_650] {strides = array<i32>} : memref<32768xf32, #tpu.memory_space<vmem>>, vector<16xf32>,
        %parallel_loop3A_652 = math.exp %parallel_loop3A_651 : vector<16xf32>
        %parallel_loop3A_653 = arith.constant 128 : i32
        %parallel_loop3A_654 = arith.muli %parallel_loop3A_624, %parallel_loop3A_653 : i32
        %parallel_loop3A_655 = arith.constant 64 : i32
        %parallel_loop3A_656 = arith.addi %parallel_loop3A_654, %parallel_loop3A_655 : i32
        %parallel_loop3A_657 = arith.index_cast %parallel_loop3A_656 : i32 to index
        %parallel_loop3A_658 = tpu.vector_load %arg5[%parallel_loop3A_657] {strides = array<i32>} : memref<32768xf32, #tpu.memory_space<vmem>>, vector<16xf32>,
        %parallel_loop3A_659 = math.exp %parallel_loop3A_658 : vector<16xf32>
        %parallel_loop3A_660 = arith.constant 128 : i32
        %parallel_loop3A_661 = arith.muli %parallel_loop3A_624, %parallel_loop3A_660 : i32
        %parallel_loop3A_662 = arith.constant 80 : i32
        %parallel_loop3A_663 = arith.addi %parallel_loop3A_661, %parallel_loop3A_662 : i32
        %parallel_loop3A_664 = arith.index_cast %parallel_loop3A_663 : i32 to index
        %parallel_loop3A_665 = tpu.vector_load %arg5[%parallel_loop3A_664] {strides = array<i32>} : memref<32768xf32, #tpu.memory_space<vmem>>, vector<16xf32>,
        %parallel_loop3A_666 = math.exp %parallel_loop3A_665 : vector<16xf32>
        %parallel_loop3A_667 = arith.constant 128 : i32
        %parallel_loop3A_668 = arith.muli %parallel_loop3A_624, %parallel_loop3A_667 : i32
        %parallel_loop3A_669 = arith.constant 96 : i32
        %parallel_loop3A_670 = arith.addi %parallel_loop3A_668, %parallel_loop3A_669 : i32
        %parallel_loop3A_671 = arith.index_cast %parallel_loop3A_670 : i32 to index
        %parallel_loop3A_672 = tpu.vector_load %arg5[%parallel_loop3A_671] {strides = array<i32>} : memref<32768xf32, #tpu.memory_space<vmem>>, vector<16xf32>,
        %parallel_loop3A_673 = math.exp %parallel_loop3A_672 : vector<16xf32>
        %parallel_loop3A_674 = arith.constant 128 : i32
        %parallel_loop3A_675 = arith.muli %parallel_loop3A_624, %parallel_loop3A_674 : i32
        %parallel_loop3A_676 = arith.constant 112 : i32
        %parallel_loop3A_677 = arith.addi %parallel_loop3A_675, %parallel_loop3A_676 : i32
        %parallel_loop3A_678 = arith.index_cast %parallel_loop3A_677 : i32 to index
        %parallel_loop3A_679 = tpu.vector_load %arg5[%parallel_loop3A_678] {strides = array<i32>} : memref<32768xf32, #tpu.memory_space<vmem>>, vector<16xf32>,
        %parallel_loop3A_680 = math.exp %parallel_loop3A_679 : vector<16xf32>
        %parallel_loop3A_681 = arith.maximumf %parallel_loop3A_631, %parallel_loop3A_638 : vector<16xf32>
        %parallel_loop3A_682 = arith.minimumf %parallel_loop3A_631, %parallel_loop3A_638 : vector<16xf32>
        %parallel_loop3A_683 = arith.addf %parallel_loop3A_631, %parallel_loop3A_638 : vector<16xf32>
        %parallel_loop3A_684 = arith.minimumf %parallel_loop3A_681, %parallel_loop3A_645 : vector<16xf32>
        %parallel_loop3A_685 = arith.maximumf %parallel_loop3A_682, %parallel_loop3A_684 : vector<16xf32>
        %parallel_loop3A_686 = arith.maximumf %parallel_loop3A_681, %parallel_loop3A_645 : vector<16xf32>
        %parallel_loop3A_687 = arith.addf %parallel_loop3A_683, %parallel_loop3A_645 : vector<16xf32>
        %parallel_loop3A_688 = arith.minimumf %parallel_loop3A_686, %parallel_loop3A_652 : vector<16xf32>
        %parallel_loop3A_689 = arith.maximumf %parallel_loop3A_685, %parallel_loop3A_688 : vector<16xf32>
        %parallel_loop3A_690 = arith.maximumf %parallel_loop3A_686, %parallel_loop3A_652 : vector<16xf32>
        %parallel_loop3A_691 = arith.addf %parallel_loop3A_687, %parallel_loop3A_652 : vector<16xf32>
        %parallel_loop3A_692 = arith.minimumf %parallel_loop3A_690, %parallel_loop3A_659 : vector<16xf32>
        %parallel_loop3A_693 = arith.maximumf %parallel_loop3A_689, %parallel_loop3A_692 : vector<16xf32>
        %parallel_loop3A_694 = arith.maximumf %parallel_loop3A_690, %parallel_loop3A_659 : vector<16xf32>
        %parallel_loop3A_695 = arith.addf %parallel_loop3A_691, %parallel_loop3A_659 : vector<16xf32>
        %parallel_loop3A_696 = arith.minimumf %parallel_loop3A_694, %parallel_loop3A_666 : vector<16xf32>
        %parallel_loop3A_697 = arith.maximumf %parallel_loop3A_693, %parallel_loop3A_696 : vector<16xf32>
        %parallel_loop3A_698 = arith.maximumf %parallel_loop3A_694, %parallel_loop3A_666 : vector<16xf32>
        %parallel_loop3A_699 = arith.addf %parallel_loop3A_695, %parallel_loop3A_666 : vector<16xf32>
        %parallel_loop3A_700 = arith.minimumf %parallel_loop3A_698, %parallel_loop3A_673 : vector<16xf32>
        %parallel_loop3A_701 = arith.maximumf %parallel_loop3A_697, %parallel_loop3A_700 : vector<16xf32>
        %parallel_loop3A_702 = arith.maximumf %parallel_loop3A_698, %parallel_loop3A_673 : vector<16xf32>
        %parallel_loop3A_703 = arith.addf %parallel_loop3A_699, %parallel_loop3A_673 : vector<16xf32>
        %parallel_loop3A_704 = arith.minimumf %parallel_loop3A_702, %parallel_loop3A_680 : vector<16xf32>
        %parallel_loop3A_705 = arith.maximumf %parallel_loop3A_701, %parallel_loop3A_704 : vector<16xf32>
        %parallel_loop3A_706 = arith.maximumf %parallel_loop3A_702, %parallel_loop3A_680 : vector<16xf32>
        %parallel_loop3A_707 = arith.addf %parallel_loop3A_703, %parallel_loop3A_680 : vector<16xf32>
        %parallel_loop3A_708 = arith.constant dense<true> : vector<16xi1>
        %parallel_loop3A_709, %parallel_loop3A_710, %parallel_loop3A_711 = tpu.sort %parallel_loop3A_706, %parallel_loop3A_705 masked %parallel_loop3A_708 {descending = true} : (vector<16xf32>, vector<16xf32>, vector<16xi1>) -> (vector<16xi1>, vector<16xf32>, vector<16xf32>)
        %parallel_loop3A_712 = vector.shape_cast %broadcast_in_dim3A_14 : vector<16xi32> to vector<16x1xi32>
        %parallel_loop3A_713 = vector.shape_cast %parallel_loop3A_712 : vector<16x1xi32> to vector<16xi32>
        %parallel_loop3A_714 = tpu.dynamic_gather %parallel_loop3A_710[%parallel_loop3A_713] in [0] : vector<16xf32>, vector<16xi32> -> vector<16xf32>
        %parallel_loop3A_715 = vector.shape_cast %broadcast_in_dim3A_16 : vector<16xi32> to vector<16x1xi32>
        %parallel_loop3A_716 = vector.shape_cast %parallel_loop3A_715 : vector<16x1xi32> to vector<16xi32>
        %parallel_loop3A_717 = tpu.dynamic_gather %parallel_loop3A_710[%parallel_loop3A_716] in [0] : vector<16xf32>, vector<16xi32> -> vector<16xf32>
        %parallel_loop3A_718 = vector.shape_cast %broadcast_in_dim3A_14 : vector<16xi32> to vector<16x1xi32>
        %parallel_loop3A_719 = vector.shape_cast %parallel_loop3A_718 : vector<16x1xi32> to vector<16xi32>
        %parallel_loop3A_720 = tpu.dynamic_gather %parallel_loop3A_711[%parallel_loop3A_719] in [0] : vector<16xf32>, vector<16xi32> -> vector<16xf32>
        %parallel_loop3A_721 = arith.maximumf %parallel_loop3A_717, %parallel_loop3A_720 : vector<16xf32>
        %parallel_loop3A_722 = arith.constant true
        %parallel_loop3A_723 = vector.broadcast %parallel_loop3A_722 : i1 to vector<16xi1>
        %parallel_loop3A_724 = tpu.scan <sum>, %parallel_loop3A_707 masked %parallel_loop3A_723 : vector<16xf32>, vector<16xi1> -> vector<16xf32>
        %parallel_loop3A_725 = vector.shape_cast %broadcast_in_dim3A_18 : vector<16xi32> to vector<16x1xi32>
        %parallel_loop3A_726 = vector.shape_cast %parallel_loop3A_725 : vector<16x1xi32> to vector<16xi32>
        %parallel_loop3A_727 = tpu.dynamic_gather %parallel_loop3A_724[%parallel_loop3A_726] in [0] : vector<16xf32>, vector<16xi32> -> vector<16xf32>
        %parallel_loop3A_728 = arith.constant 5 : i32
        %parallel_loop3A_729 = vector.broadcast %parallel_loop3A_728 : i32 to vector<16xi32>
        %parallel_loop3A_730 = arith.cmpi eq, %iota3A, %parallel_loop3A_729 : vector<16xi32>
        %parallel_loop3A_731 = arith.select %parallel_loop3A_730, %parallel_loop3A_714, %parallel_loop3A_620 : vector<16xi1>, vector<16xf32>
        %parallel_loop3A_732 = arith.select %parallel_loop3A_730, %parallel_loop3A_721, %parallel_loop3A_621 : vector<16xi1>, vector<16xf32>
        %parallel_loop3A_733 = arith.select %parallel_loop3A_730, %parallel_loop3A_727, %parallel_loop3A_622 : vector<16xi1>, vector<16xf32>
        %parallel_loop3A_734 = arith.constant 6 : i32
        %parallel_loop3A_735 = arith.addi %parallel_loop3A_61, %parallel_loop3A_734 : i32
        %parallel_loop3A_736 = arith.constant 128 : i32
        %parallel_loop3A_737 = arith.muli %parallel_loop3A_735, %parallel_loop3A_736 : i32
        %parallel_loop3A_738 = arith.constant 0 : i32
        %parallel_loop3A_739 = arith.addi %parallel_loop3A_737, %parallel_loop3A_738 : i32
        %parallel_loop3A_740 = arith.index_cast %parallel_loop3A_739 : i32 to index
        %parallel_loop3A_741 = tpu.vector_load %arg5[%parallel_loop3A_740] {strides = array<i32>} : memref<32768xf32, #tpu.memory_space<vmem>>, vector<16xf32>,
        %parallel_loop3A_742 = math.exp %parallel_loop3A_741 : vector<16xf32>
        %parallel_loop3A_743 = arith.constant 128 : i32
        %parallel_loop3A_744 = arith.muli %parallel_loop3A_735, %parallel_loop3A_743 : i32
        %parallel_loop3A_745 = arith.constant 16 : i32
        %parallel_loop3A_746 = arith.addi %parallel_loop3A_744, %parallel_loop3A_745 : i32
        %parallel_loop3A_747 = arith.index_cast %parallel_loop3A_746 : i32 to index
        %parallel_loop3A_748 = tpu.vector_load %arg5[%parallel_loop3A_747] {strides = array<i32>} : memref<32768xf32, #tpu.memory_space<vmem>>, vector<16xf32>,
        %parallel_loop3A_749 = math.exp %parallel_loop3A_748 : vector<16xf32>
        %parallel_loop3A_750 = arith.constant 128 : i32
        %parallel_loop3A_751 = arith.muli %parallel_loop3A_735, %parallel_loop3A_750 : i32
        %parallel_loop3A_752 = arith.constant 32 : i32
        %parallel_loop3A_753 = arith.addi %parallel_loop3A_751, %parallel_loop3A_752 : i32
        %parallel_loop3A_754 = arith.index_cast %parallel_loop3A_753 : i32 to index
        %parallel_loop3A_755 = tpu.vector_load %arg5[%parallel_loop3A_754] {strides = array<i32>} : memref<32768xf32, #tpu.memory_space<vmem>>, vector<16xf32>,
        %parallel_loop3A_756 = math.exp %parallel_loop3A_755 : vector<16xf32>
        %parallel_loop3A_757 = arith.constant 128 : i32
        %parallel_loop3A_758 = arith.muli %parallel_loop3A_735, %parallel_loop3A_757 : i32
        %parallel_loop3A_759 = arith.constant 48 : i32
        %parallel_loop3A_760 = arith.addi %parallel_loop3A_758, %parallel_loop3A_759 : i32
        %parallel_loop3A_761 = arith.index_cast %parallel_loop3A_760 : i32 to index
        %parallel_loop3A_762 = tpu.vector_load %arg5[%parallel_loop3A_761] {strides = array<i32>} : memref<32768xf32, #tpu.memory_space<vmem>>, vector<16xf32>,
        %parallel_loop3A_763 = math.exp %parallel_loop3A_762 : vector<16xf32>
        %parallel_loop3A_764 = arith.constant 128 : i32
        %parallel_loop3A_765 = arith.muli %parallel_loop3A_735, %parallel_loop3A_764 : i32
        %parallel_loop3A_766 = arith.constant 64 : i32
        %parallel_loop3A_767 = arith.addi %parallel_loop3A_765, %parallel_loop3A_766 : i32
        %parallel_loop3A_768 = arith.index_cast %parallel_loop3A_767 : i32 to index
        %parallel_loop3A_769 = tpu.vector_load %arg5[%parallel_loop3A_768] {strides = array<i32>} : memref<32768xf32, #tpu.memory_space<vmem>>, vector<16xf32>,
        %parallel_loop3A_770 = math.exp %parallel_loop3A_769 : vector<16xf32>
        %parallel_loop3A_771 = arith.constant 128 : i32
        %parallel_loop3A_772 = arith.muli %parallel_loop3A_735, %parallel_loop3A_771 : i32
        %parallel_loop3A_773 = arith.constant 80 : i32
        %parallel_loop3A_774 = arith.addi %parallel_loop3A_772, %parallel_loop3A_773 : i32
        %parallel_loop3A_775 = arith.index_cast %parallel_loop3A_774 : i32 to index
        %parallel_loop3A_776 = tpu.vector_load %arg5[%parallel_loop3A_775] {strides = array<i32>} : memref<32768xf32, #tpu.memory_space<vmem>>, vector<16xf32>,
        %parallel_loop3A_777 = math.exp %parallel_loop3A_776 : vector<16xf32>
        %parallel_loop3A_778 = arith.constant 128 : i32
        %parallel_loop3A_779 = arith.muli %parallel_loop3A_735, %parallel_loop3A_778 : i32
        %parallel_loop3A_780 = arith.constant 96 : i32
        %parallel_loop3A_781 = arith.addi %parallel_loop3A_779, %parallel_loop3A_780 : i32
        %parallel_loop3A_782 = arith.index_cast %parallel_loop3A_781 : i32 to index
        %parallel_loop3A_783 = tpu.vector_load %arg5[%parallel_loop3A_782] {strides = array<i32>} : memref<32768xf32, #tpu.memory_space<vmem>>, vector<16xf32>,
        %parallel_loop3A_784 = math.exp %parallel_loop3A_783 : vector<16xf32>
        %parallel_loop3A_785 = arith.constant 128 : i32
        %parallel_loop3A_786 = arith.muli %parallel_loop3A_735, %parallel_loop3A_785 : i32
        %parallel_loop3A_787 = arith.constant 112 : i32
        %parallel_loop3A_788 = arith.addi %parallel_loop3A_786, %parallel_loop3A_787 : i32
        %parallel_loop3A_789 = arith.index_cast %parallel_loop3A_788 : i32 to index
        %parallel_loop3A_790 = tpu.vector_load %arg5[%parallel_loop3A_789] {strides = array<i32>} : memref<32768xf32, #tpu.memory_space<vmem>>, vector<16xf32>,
        %parallel_loop3A_791 = math.exp %parallel_loop3A_790 : vector<16xf32>
        %parallel_loop3A_792 = arith.maximumf %parallel_loop3A_742, %parallel_loop3A_749 : vector<16xf32>
        %parallel_loop3A_793 = arith.minimumf %parallel_loop3A_742, %parallel_loop3A_749 : vector<16xf32>
        %parallel_loop3A_794 = arith.addf %parallel_loop3A_742, %parallel_loop3A_749 : vector<16xf32>
        %parallel_loop3A_795 = arith.minimumf %parallel_loop3A_792, %parallel_loop3A_756 : vector<16xf32>
        %parallel_loop3A_796 = arith.maximumf %parallel_loop3A_793, %parallel_loop3A_795 : vector<16xf32>
        %parallel_loop3A_797 = arith.maximumf %parallel_loop3A_792, %parallel_loop3A_756 : vector<16xf32>
        %parallel_loop3A_798 = arith.addf %parallel_loop3A_794, %parallel_loop3A_756 : vector<16xf32>
        %parallel_loop3A_799 = arith.minimumf %parallel_loop3A_797, %parallel_loop3A_763 : vector<16xf32>
        %parallel_loop3A_800 = arith.maximumf %parallel_loop3A_796, %parallel_loop3A_799 : vector<16xf32>
        %parallel_loop3A_801 = arith.maximumf %parallel_loop3A_797, %parallel_loop3A_763 : vector<16xf32>
        %parallel_loop3A_802 = arith.addf %parallel_loop3A_798, %parallel_loop3A_763 : vector<16xf32>
        %parallel_loop3A_803 = arith.minimumf %parallel_loop3A_801, %parallel_loop3A_770 : vector<16xf32>
        %parallel_loop3A_804 = arith.maximumf %parallel_loop3A_800, %parallel_loop3A_803 : vector<16xf32>
        %parallel_loop3A_805 = arith.maximumf %parallel_loop3A_801, %parallel_loop3A_770 : vector<16xf32>
        %parallel_loop3A_806 = arith.addf %parallel_loop3A_802, %parallel_loop3A_770 : vector<16xf32>
        %parallel_loop3A_807 = arith.minimumf %parallel_loop3A_805, %parallel_loop3A_777 : vector<16xf32>
        %parallel_loop3A_808 = arith.maximumf %parallel_loop3A_804, %parallel_loop3A_807 : vector<16xf32>
        %parallel_loop3A_809 = arith.maximumf %parallel_loop3A_805, %parallel_loop3A_777 : vector<16xf32>
        %parallel_loop3A_810 = arith.addf %parallel_loop3A_806, %parallel_loop3A_777 : vector<16xf32>
        %parallel_loop3A_811 = arith.minimumf %parallel_loop3A_809, %parallel_loop3A_784 : vector<16xf32>
        %parallel_loop3A_812 = arith.maximumf %parallel_loop3A_808, %parallel_loop3A_811 : vector<16xf32>
        %parallel_loop3A_813 = arith.maximumf %parallel_loop3A_809, %parallel_loop3A_784 : vector<16xf32>
        %parallel_loop3A_814 = arith.addf %parallel_loop3A_810, %parallel_loop3A_784 : vector<16xf32>
        %parallel_loop3A_815 = arith.minimumf %parallel_loop3A_813, %parallel_loop3A_791 : vector<16xf32>
        %parallel_loop3A_816 = arith.maximumf %parallel_loop3A_812, %parallel_loop3A_815 : vector<16xf32>
        %parallel_loop3A_817 = arith.maximumf %parallel_loop3A_813, %parallel_loop3A_791 : vector<16xf32>
        %parallel_loop3A_818 = arith.addf %parallel_loop3A_814, %parallel_loop3A_791 : vector<16xf32>
        %parallel_loop3A_819 = arith.constant dense<true> : vector<16xi1>
        %parallel_loop3A_820, %parallel_loop3A_821, %parallel_loop3A_822 = tpu.sort %parallel_loop3A_817, %parallel_loop3A_816 masked %parallel_loop3A_819 {descending = true} : (vector<16xf32>, vector<16xf32>, vector<16xi1>) -> (vector<16xi1>, vector<16xf32>, vector<16xf32>)
        %parallel_loop3A_823 = vector.shape_cast %broadcast_in_dim3A_14 : vector<16xi32> to vector<16x1xi32>
        %parallel_loop3A_824 = vector.shape_cast %parallel_loop3A_823 : vector<16x1xi32> to vector<16xi32>
        %parallel_loop3A_825 = tpu.dynamic_gather %parallel_loop3A_821[%parallel_loop3A_824] in [0] : vector<16xf32>, vector<16xi32> -> vector<16xf32>
        %parallel_loop3A_826 = vector.shape_cast %broadcast_in_dim3A_16 : vector<16xi32> to vector<16x1xi32>
        %parallel_loop3A_827 = vector.shape_cast %parallel_loop3A_826 : vector<16x1xi32> to vector<16xi32>
        %parallel_loop3A_828 = tpu.dynamic_gather %parallel_loop3A_821[%parallel_loop3A_827] in [0] : vector<16xf32>, vector<16xi32> -> vector<16xf32>
        %parallel_loop3A_829 = vector.shape_cast %broadcast_in_dim3A_14 : vector<16xi32> to vector<16x1xi32>
        %parallel_loop3A_830 = vector.shape_cast %parallel_loop3A_829 : vector<16x1xi32> to vector<16xi32>
        %parallel_loop3A_831 = tpu.dynamic_gather %parallel_loop3A_822[%parallel_loop3A_830] in [0] : vector<16xf32>, vector<16xi32> -> vector<16xf32>
        %parallel_loop3A_832 = arith.maximumf %parallel_loop3A_828, %parallel_loop3A_831 : vector<16xf32>
        %parallel_loop3A_833 = arith.constant true
        %parallel_loop3A_834 = vector.broadcast %parallel_loop3A_833 : i1 to vector<16xi1>
        %parallel_loop3A_835 = tpu.scan <sum>, %parallel_loop3A_818 masked %parallel_loop3A_834 : vector<16xf32>, vector<16xi1> -> vector<16xf32>
        %parallel_loop3A_836 = vector.shape_cast %broadcast_in_dim3A_18 : vector<16xi32> to vector<16x1xi32>
        %parallel_loop3A_837 = vector.shape_cast %parallel_loop3A_836 : vector<16x1xi32> to vector<16xi32>
        %parallel_loop3A_838 = tpu.dynamic_gather %parallel_loop3A_835[%parallel_loop3A_837] in [0] : vector<16xf32>, vector<16xi32> -> vector<16xf32>
        %parallel_loop3A_839 = arith.constant 6 : i32
        %parallel_loop3A_840 = vector.broadcast %parallel_loop3A_839 : i32 to vector<16xi32>
        %parallel_loop3A_841 = arith.cmpi eq, %iota3A, %parallel_loop3A_840 : vector<16xi32>
        %parallel_loop3A_842 = arith.select %parallel_loop3A_841, %parallel_loop3A_825, %parallel_loop3A_731 : vector<16xi1>, vector<16xf32>
        %parallel_loop3A_843 = arith.select %parallel_loop3A_841, %parallel_loop3A_832, %parallel_loop3A_732 : vector<16xi1>, vector<16xf32>
        %parallel_loop3A_844 = arith.select %parallel_loop3A_841, %parallel_loop3A_838, %parallel_loop3A_733 : vector<16xi1>, vector<16xf32>
        %parallel_loop3A_845 = arith.constant 7 : i32
        %parallel_loop3A_846 = arith.addi %parallel_loop3A_61, %parallel_loop3A_845 : i32
        %parallel_loop3A_847 = arith.constant 128 : i32
        %parallel_loop3A_848 = arith.muli %parallel_loop3A_846, %parallel_loop3A_847 : i32
        %parallel_loop3A_849 = arith.constant 0 : i32
        %parallel_loop3A_850 = arith.addi %parallel_loop3A_848, %parallel_loop3A_849 : i32
        %parallel_loop3A_851 = arith.index_cast %parallel_loop3A_850 : i32 to index
        %parallel_loop3A_852 = tpu.vector_load %arg5[%parallel_loop3A_851] {strides = array<i32>} : memref<32768xf32, #tpu.memory_space<vmem>>, vector<16xf32>,
        %parallel_loop3A_853 = math.exp %parallel_loop3A_852 : vector<16xf32>
        %parallel_loop3A_854 = arith.constant 128 : i32
        %parallel_loop3A_855 = arith.muli %parallel_loop3A_846, %parallel_loop3A_854 : i32
        %parallel_loop3A_856 = arith.constant 16 : i32
        %parallel_loop3A_857 = arith.addi %parallel_loop3A_855, %parallel_loop3A_856 : i32
        %parallel_loop3A_858 = arith.index_cast %parallel_loop3A_857 : i32 to index
        %parallel_loop3A_859 = tpu.vector_load %arg5[%parallel_loop3A_858] {strides = array<i32>} : memref<32768xf32, #tpu.memory_space<vmem>>, vector<16xf32>,
        %parallel_loop3A_860 = math.exp %parallel_loop3A_859 : vector<16xf32>
        %parallel_loop3A_861 = arith.constant 128 : i32
        %parallel_loop3A_862 = arith.muli %parallel_loop3A_846, %parallel_loop3A_861 : i32
        %parallel_loop3A_863 = arith.constant 32 : i32
        %parallel_loop3A_864 = arith.addi %parallel_loop3A_862, %parallel_loop3A_863 : i32
        %parallel_loop3A_865 = arith.index_cast %parallel_loop3A_864 : i32 to index
        %parallel_loop3A_866 = tpu.vector_load %arg5[%parallel_loop3A_865] {strides = array<i32>} : memref<32768xf32, #tpu.memory_space<vmem>>, vector<16xf32>,
        %parallel_loop3A_867 = math.exp %parallel_loop3A_866 : vector<16xf32>
        %parallel_loop3A_868 = arith.constant 128 : i32
        %parallel_loop3A_869 = arith.muli %parallel_loop3A_846, %parallel_loop3A_868 : i32
        %parallel_loop3A_870 = arith.constant 48 : i32
        %parallel_loop3A_871 = arith.addi %parallel_loop3A_869, %parallel_loop3A_870 : i32
        %parallel_loop3A_872 = arith.index_cast %parallel_loop3A_871 : i32 to index
        %parallel_loop3A_873 = tpu.vector_load %arg5[%parallel_loop3A_872] {strides = array<i32>} : memref<32768xf32, #tpu.memory_space<vmem>>, vector<16xf32>,
        %parallel_loop3A_874 = math.exp %parallel_loop3A_873 : vector<16xf32>
        %parallel_loop3A_875 = arith.constant 128 : i32
        %parallel_loop3A_876 = arith.muli %parallel_loop3A_846, %parallel_loop3A_875 : i32
        %parallel_loop3A_877 = arith.constant 64 : i32
        %parallel_loop3A_878 = arith.addi %parallel_loop3A_876, %parallel_loop3A_877 : i32
        %parallel_loop3A_879 = arith.index_cast %parallel_loop3A_878 : i32 to index
        %parallel_loop3A_880 = tpu.vector_load %arg5[%parallel_loop3A_879] {strides = array<i32>} : memref<32768xf32, #tpu.memory_space<vmem>>, vector<16xf32>,
        %parallel_loop3A_881 = math.exp %parallel_loop3A_880 : vector<16xf32>
        %parallel_loop3A_882 = arith.constant 128 : i32
        %parallel_loop3A_883 = arith.muli %parallel_loop3A_846, %parallel_loop3A_882 : i32
        %parallel_loop3A_884 = arith.constant 80 : i32
        %parallel_loop3A_885 = arith.addi %parallel_loop3A_883, %parallel_loop3A_884 : i32
        %parallel_loop3A_886 = arith.index_cast %parallel_loop3A_885 : i32 to index
        %parallel_loop3A_887 = tpu.vector_load %arg5[%parallel_loop3A_886] {strides = array<i32>} : memref<32768xf32, #tpu.memory_space<vmem>>, vector<16xf32>,
        %parallel_loop3A_888 = math.exp %parallel_loop3A_887 : vector<16xf32>
        %parallel_loop3A_889 = arith.constant 128 : i32
        %parallel_loop3A_890 = arith.muli %parallel_loop3A_846, %parallel_loop3A_889 : i32
        %parallel_loop3A_891 = arith.constant 96 : i32
        %parallel_loop3A_892 = arith.addi %parallel_loop3A_890, %parallel_loop3A_891 : i32
        %parallel_loop3A_893 = arith.index_cast %parallel_loop3A_892 : i32 to index
        %parallel_loop3A_894 = tpu.vector_load %arg5[%parallel_loop3A_893] {strides = array<i32>} : memref<32768xf32, #tpu.memory_space<vmem>>, vector<16xf32>,
        %parallel_loop3A_895 = math.exp %parallel_loop3A_894 : vector<16xf32>
        %parallel_loop3A_896 = arith.constant 128 : i32
        %parallel_loop3A_897 = arith.muli %parallel_loop3A_846, %parallel_loop3A_896 : i32
        %parallel_loop3A_898 = arith.constant 112 : i32
        %parallel_loop3A_899 = arith.addi %parallel_loop3A_897, %parallel_loop3A_898 : i32
        %parallel_loop3A_900 = arith.index_cast %parallel_loop3A_899 : i32 to index
        %parallel_loop3A_901 = tpu.vector_load %arg5[%parallel_loop3A_900] {strides = array<i32>} : memref<32768xf32, #tpu.memory_space<vmem>>, vector<16xf32>,
        %parallel_loop3A_902 = math.exp %parallel_loop3A_901 : vector<16xf32>
        %parallel_loop3A_903 = arith.maximumf %parallel_loop3A_853, %parallel_loop3A_860 : vector<16xf32>
        %parallel_loop3A_904 = arith.minimumf %parallel_loop3A_853, %parallel_loop3A_860 : vector<16xf32>
        %parallel_loop3A_905 = arith.addf %parallel_loop3A_853, %parallel_loop3A_860 : vector<16xf32>
        %parallel_loop3A_906 = arith.minimumf %parallel_loop3A_903, %parallel_loop3A_867 : vector<16xf32>
        %parallel_loop3A_907 = arith.maximumf %parallel_loop3A_904, %parallel_loop3A_906 : vector<16xf32>
        %parallel_loop3A_908 = arith.maximumf %parallel_loop3A_903, %parallel_loop3A_867 : vector<16xf32>
        %parallel_loop3A_909 = arith.addf %parallel_loop3A_905, %parallel_loop3A_867 : vector<16xf32>
        %parallel_loop3A_910 = arith.minimumf %parallel_loop3A_908, %parallel_loop3A_874 : vector<16xf32>
        %parallel_loop3A_911 = arith.maximumf %parallel_loop3A_907, %parallel_loop3A_910 : vector<16xf32>
        %parallel_loop3A_912 = arith.maximumf %parallel_loop3A_908, %parallel_loop3A_874 : vector<16xf32>
        %parallel_loop3A_913 = arith.addf %parallel_loop3A_909, %parallel_loop3A_874 : vector<16xf32>
        %parallel_loop3A_914 = arith.minimumf %parallel_loop3A_912, %parallel_loop3A_881 : vector<16xf32>
        %parallel_loop3A_915 = arith.maximumf %parallel_loop3A_911, %parallel_loop3A_914 : vector<16xf32>
        %parallel_loop3A_916 = arith.maximumf %parallel_loop3A_912, %parallel_loop3A_881 : vector<16xf32>
        %parallel_loop3A_917 = arith.addf %parallel_loop3A_913, %parallel_loop3A_881 : vector<16xf32>
        %parallel_loop3A_918 = arith.minimumf %parallel_loop3A_916, %parallel_loop3A_888 : vector<16xf32>
        %parallel_loop3A_919 = arith.maximumf %parallel_loop3A_915, %parallel_loop3A_918 : vector<16xf32>
        %parallel_loop3A_920 = arith.maximumf %parallel_loop3A_916, %parallel_loop3A_888 : vector<16xf32>
        %parallel_loop3A_921 = arith.addf %parallel_loop3A_917, %parallel_loop3A_888 : vector<16xf32>
        %parallel_loop3A_922 = arith.minimumf %parallel_loop3A_920, %parallel_loop3A_895 : vector<16xf32>
        %parallel_loop3A_923 = arith.maximumf %parallel_loop3A_919, %parallel_loop3A_922 : vector<16xf32>
        %parallel_loop3A_924 = arith.maximumf %parallel_loop3A_920, %parallel_loop3A_895 : vector<16xf32>
        %parallel_loop3A_925 = arith.addf %parallel_loop3A_921, %parallel_loop3A_895 : vector<16xf32>
        %parallel_loop3A_926 = arith.minimumf %parallel_loop3A_924, %parallel_loop3A_902 : vector<16xf32>
        %parallel_loop3A_927 = arith.maximumf %parallel_loop3A_923, %parallel_loop3A_926 : vector<16xf32>
        %parallel_loop3A_928 = arith.maximumf %parallel_loop3A_924, %parallel_loop3A_902 : vector<16xf32>
        %parallel_loop3A_929 = arith.addf %parallel_loop3A_925, %parallel_loop3A_902 : vector<16xf32>
        %parallel_loop3A_930 = arith.constant dense<true> : vector<16xi1>
        %parallel_loop3A_931, %parallel_loop3A_932, %parallel_loop3A_933 = tpu.sort %parallel_loop3A_928, %parallel_loop3A_927 masked %parallel_loop3A_930 {descending = true} : (vector<16xf32>, vector<16xf32>, vector<16xi1>) -> (vector<16xi1>, vector<16xf32>, vector<16xf32>)
        %parallel_loop3A_934 = vector.shape_cast %broadcast_in_dim3A_14 : vector<16xi32> to vector<16x1xi32>
        %parallel_loop3A_935 = vector.shape_cast %parallel_loop3A_934 : vector<16x1xi32> to vector<16xi32>
        %parallel_loop3A_936 = tpu.dynamic_gather %parallel_loop3A_932[%parallel_loop3A_935] in [0] : vector<16xf32>, vector<16xi32> -> vector<16xf32>
        %parallel_loop3A_937 = vector.shape_cast %broadcast_in_dim3A_16 : vector<16xi32> to vector<16x1xi32>
        %parallel_loop3A_938 = vector.shape_cast %parallel_loop3A_937 : vector<16x1xi32> to vector<16xi32>
        %parallel_loop3A_939 = tpu.dynamic_gather %parallel_loop3A_932[%parallel_loop3A_938] in [0] : vector<16xf32>, vector<16xi32> -> vector<16xf32>
        %parallel_loop3A_940 = vector.shape_cast %broadcast_in_dim3A_14 : vector<16xi32> to vector<16x1xi32>
        %parallel_loop3A_941 = vector.shape_cast %parallel_loop3A_940 : vector<16x1xi32> to vector<16xi32>
        %parallel_loop3A_942 = tpu.dynamic_gather %parallel_loop3A_933[%parallel_loop3A_941] in [0] : vector<16xf32>, vector<16xi32> -> vector<16xf32>
        %parallel_loop3A_943 = arith.maximumf %parallel_loop3A_939, %parallel_loop3A_942 : vector<16xf32>
        %parallel_loop3A_944 = arith.constant true
        %parallel_loop3A_945 = vector.broadcast %parallel_loop3A_944 : i1 to vector<16xi1>
        %parallel_loop3A_946 = tpu.scan <sum>, %parallel_loop3A_929 masked %parallel_loop3A_945 : vector<16xf32>, vector<16xi1> -> vector<16xf32>
        %parallel_loop3A_947 = vector.shape_cast %broadcast_in_dim3A_18 : vector<16xi32> to vector<16x1xi32>
        %parallel_loop3A_948 = vector.shape_cast %parallel_loop3A_947 : vector<16x1xi32> to vector<16xi32>
        %parallel_loop3A_949 = tpu.dynamic_gather %parallel_loop3A_946[%parallel_loop3A_948] in [0] : vector<16xf32>, vector<16xi32> -> vector<16xf32>
        %parallel_loop3A_950 = arith.constant 7 : i32
        %parallel_loop3A_951 = vector.broadcast %parallel_loop3A_950 : i32 to vector<16xi32>
        %parallel_loop3A_952 = arith.cmpi eq, %iota3A, %parallel_loop3A_951 : vector<16xi32>
        %parallel_loop3A_953 = arith.select %parallel_loop3A_952, %parallel_loop3A_936, %parallel_loop3A_842 : vector<16xi1>, vector<16xf32>
        %parallel_loop3A_954 = arith.select %parallel_loop3A_952, %parallel_loop3A_943, %parallel_loop3A_843 : vector<16xi1>, vector<16xf32>
        %parallel_loop3A_955 = arith.select %parallel_loop3A_952, %parallel_loop3A_949, %parallel_loop3A_844 : vector<16xi1>, vector<16xf32>
        %parallel_loop3A_956 = arith.constant 8 : i32
        %parallel_loop3A_957 = arith.addi %parallel_loop3A_61, %parallel_loop3A_956 : i32
        %parallel_loop3A_958 = arith.constant 128 : i32
        %parallel_loop3A_959 = arith.muli %parallel_loop3A_957, %parallel_loop3A_958 : i32
        %parallel_loop3A_960 = arith.constant 0 : i32
        %parallel_loop3A_961 = arith.addi %parallel_loop3A_959, %parallel_loop3A_960 : i32
        %parallel_loop3A_962 = arith.index_cast %parallel_loop3A_961 : i32 to index
        %parallel_loop3A_963 = tpu.vector_load %arg5[%parallel_loop3A_962] {strides = array<i32>} : memref<32768xf32, #tpu.memory_space<vmem>>, vector<16xf32>,
        %parallel_loop3A_964 = math.exp %parallel_loop3A_963 : vector<16xf32>
        %parallel_loop3A_965 = arith.constant 128 : i32
        %parallel_loop3A_966 = arith.muli %parallel_loop3A_957, %parallel_loop3A_965 : i32
        %parallel_loop3A_967 = arith.constant 16 : i32
        %parallel_loop3A_968 = arith.addi %parallel_loop3A_966, %parallel_loop3A_967 : i32
        %parallel_loop3A_969 = arith.index_cast %parallel_loop3A_968 : i32 to index
        %parallel_loop3A_970 = tpu.vector_load %arg5[%parallel_loop3A_969] {strides = array<i32>} : memref<32768xf32, #tpu.memory_space<vmem>>, vector<16xf32>,
        %parallel_loop3A_971 = math.exp %parallel_loop3A_970 : vector<16xf32>
        %parallel_loop3A_972 = arith.constant 128 : i32
        %parallel_loop3A_973 = arith.muli %parallel_loop3A_957, %parallel_loop3A_972 : i32
        %parallel_loop3A_974 = arith.constant 32 : i32
        %parallel_loop3A_975 = arith.addi %parallel_loop3A_973, %parallel_loop3A_974 : i32
        %parallel_loop3A_976 = arith.index_cast %parallel_loop3A_975 : i32 to index
        %parallel_loop3A_977 = tpu.vector_load %arg5[%parallel_loop3A_976] {strides = array<i32>} : memref<32768xf32, #tpu.memory_space<vmem>>, vector<16xf32>,
        %parallel_loop3A_978 = math.exp %parallel_loop3A_977 : vector<16xf32>
        %parallel_loop3A_979 = arith.constant 128 : i32
        %parallel_loop3A_980 = arith.muli %parallel_loop3A_957, %parallel_loop3A_979 : i32
        %parallel_loop3A_981 = arith.constant 48 : i32
        %parallel_loop3A_982 = arith.addi %parallel_loop3A_980, %parallel_loop3A_981 : i32
        %parallel_loop3A_983 = arith.index_cast %parallel_loop3A_982 : i32 to index
        %parallel_loop3A_984 = tpu.vector_load %arg5[%parallel_loop3A_983] {strides = array<i32>} : memref<32768xf32, #tpu.memory_space<vmem>>, vector<16xf32>,
        %parallel_loop3A_985 = math.exp %parallel_loop3A_984 : vector<16xf32>
        %parallel_loop3A_986 = arith.constant 128 : i32
        %parallel_loop3A_987 = arith.muli %parallel_loop3A_957, %parallel_loop3A_986 : i32
        %parallel_loop3A_988 = arith.constant 64 : i32
        %parallel_loop3A_989 = arith.addi %parallel_loop3A_987, %parallel_loop3A_988 : i32
        %parallel_loop3A_990 = arith.index_cast %parallel_loop3A_989 : i32 to index
        %parallel_loop3A_991 = tpu.vector_load %arg5[%parallel_loop3A_990] {strides = array<i32>} : memref<32768xf32, #tpu.memory_space<vmem>>, vector<16xf32>,
        %parallel_loop3A_992 = math.exp %parallel_loop3A_991 : vector<16xf32>
        %parallel_loop3A_993 = arith.constant 128 : i32
        %parallel_loop3A_994 = arith.muli %parallel_loop3A_957, %parallel_loop3A_993 : i32
        %parallel_loop3A_995 = arith.constant 80 : i32
        %parallel_loop3A_996 = arith.addi %parallel_loop3A_994, %parallel_loop3A_995 : i32
        %parallel_loop3A_997 = arith.index_cast %parallel_loop3A_996 : i32 to index
        %parallel_loop3A_998 = tpu.vector_load %arg5[%parallel_loop3A_997] {strides = array<i32>} : memref<32768xf32, #tpu.memory_space<vmem>>, vector<16xf32>,
        %parallel_loop3A_999 = math.exp %parallel_loop3A_998 : vector<16xf32>
        %parallel_loop3A_1000 = arith.constant 128 : i32
        %parallel_loop3A_1001 = arith.muli %parallel_loop3A_957, %parallel_loop3A_1000 : i32
        %parallel_loop3A_1002 = arith.constant 96 : i32
        %parallel_loop3A_1003 = arith.addi %parallel_loop3A_1001, %parallel_loop3A_1002 : i32
        %parallel_loop3A_1004 = arith.index_cast %parallel_loop3A_1003 : i32 to index
        %parallel_loop3A_1005 = tpu.vector_load %arg5[%parallel_loop3A_1004] {strides = array<i32>} : memref<32768xf32, #tpu.memory_space<vmem>>, vector<16xf32>,
        %parallel_loop3A_1006 = math.exp %parallel_loop3A_1005 : vector<16xf32>
        %parallel_loop3A_1007 = arith.constant 128 : i32
        %parallel_loop3A_1008 = arith.muli %parallel_loop3A_957, %parallel_loop3A_1007 : i32
        %parallel_loop3A_1009 = arith.constant 112 : i32
        %parallel_loop3A_1010 = arith.addi %parallel_loop3A_1008, %parallel_loop3A_1009 : i32
        %parallel_loop3A_1011 = arith.index_cast %parallel_loop3A_1010 : i32 to index
        %parallel_loop3A_1012 = tpu.vector_load %arg5[%parallel_loop3A_1011] {strides = array<i32>} : memref<32768xf32, #tpu.memory_space<vmem>>, vector<16xf32>,
        %parallel_loop3A_1013 = math.exp %parallel_loop3A_1012 : vector<16xf32>
        %parallel_loop3A_1014 = arith.maximumf %parallel_loop3A_964, %parallel_loop3A_971 : vector<16xf32>
        %parallel_loop3A_1015 = arith.minimumf %parallel_loop3A_964, %parallel_loop3A_971 : vector<16xf32>
        %parallel_loop3A_1016 = arith.addf %parallel_loop3A_964, %parallel_loop3A_971 : vector<16xf32>
        %parallel_loop3A_1017 = arith.minimumf %parallel_loop3A_1014, %parallel_loop3A_978 : vector<16xf32>
        %parallel_loop3A_1018 = arith.maximumf %parallel_loop3A_1015, %parallel_loop3A_1017 : vector<16xf32>
        %parallel_loop3A_1019 = arith.maximumf %parallel_loop3A_1014, %parallel_loop3A_978 : vector<16xf32>
        %parallel_loop3A_1020 = arith.addf %parallel_loop3A_1016, %parallel_loop3A_978 : vector<16xf32>
        %parallel_loop3A_1021 = arith.minimumf %parallel_loop3A_1019, %parallel_loop3A_985 : vector<16xf32>
        %parallel_loop3A_1022 = arith.maximumf %parallel_loop3A_1018, %parallel_loop3A_1021 : vector<16xf32>
        %parallel_loop3A_1023 = arith.maximumf %parallel_loop3A_1019, %parallel_loop3A_985 : vector<16xf32>
        %parallel_loop3A_1024 = arith.addf %parallel_loop3A_1020, %parallel_loop3A_985 : vector<16xf32>
        %parallel_loop3A_1025 = arith.minimumf %parallel_loop3A_1023, %parallel_loop3A_992 : vector<16xf32>
        %parallel_loop3A_1026 = arith.maximumf %parallel_loop3A_1022, %parallel_loop3A_1025 : vector<16xf32>
        %parallel_loop3A_1027 = arith.maximumf %parallel_loop3A_1023, %parallel_loop3A_992 : vector<16xf32>
        %parallel_loop3A_1028 = arith.addf %parallel_loop3A_1024, %parallel_loop3A_992 : vector<16xf32>
        %parallel_loop3A_1029 = arith.minimumf %parallel_loop3A_1027, %parallel_loop3A_999 : vector<16xf32>
        %parallel_loop3A_1030 = arith.maximumf %parallel_loop3A_1026, %parallel_loop3A_1029 : vector<16xf32>
        %parallel_loop3A_1031 = arith.maximumf %parallel_loop3A_1027, %parallel_loop3A_999 : vector<16xf32>
        %parallel_loop3A_1032 = arith.addf %parallel_loop3A_1028, %parallel_loop3A_999 : vector<16xf32>
        %parallel_loop3A_1033 = arith.minimumf %parallel_loop3A_1031, %parallel_loop3A_1006 : vector<16xf32>
        %parallel_loop3A_1034 = arith.maximumf %parallel_loop3A_1030, %parallel_loop3A_1033 : vector<16xf32>
        %parallel_loop3A_1035 = arith.maximumf %parallel_loop3A_1031, %parallel_loop3A_1006 : vector<16xf32>
        %parallel_loop3A_1036 = arith.addf %parallel_loop3A_1032, %parallel_loop3A_1006 : vector<16xf32>
        %parallel_loop3A_1037 = arith.minimumf %parallel_loop3A_1035, %parallel_loop3A_1013 : vector<16xf32>
        %parallel_loop3A_1038 = arith.maximumf %parallel_loop3A_1034, %parallel_loop3A_1037 : vector<16xf32>
        %parallel_loop3A_1039 = arith.maximumf %parallel_loop3A_1035, %parallel_loop3A_1013 : vector<16xf32>
        %parallel_loop3A_1040 = arith.addf %parallel_loop3A_1036, %parallel_loop3A_1013 : vector<16xf32>
        %parallel_loop3A_1041 = arith.constant dense<true> : vector<16xi1>
        %parallel_loop3A_1042, %parallel_loop3A_1043, %parallel_loop3A_1044 = tpu.sort %parallel_loop3A_1039, %parallel_loop3A_1038 masked %parallel_loop3A_1041 {descending = true} : (vector<16xf32>, vector<16xf32>, vector<16xi1>) -> (vector<16xi1>, vector<16xf32>, vector<16xf32>)
        %parallel_loop3A_1045 = vector.shape_cast %broadcast_in_dim3A_14 : vector<16xi32> to vector<16x1xi32>
        %parallel_loop3A_1046 = vector.shape_cast %parallel_loop3A_1045 : vector<16x1xi32> to vector<16xi32>
        %parallel_loop3A_1047 = tpu.dynamic_gather %parallel_loop3A_1043[%parallel_loop3A_1046] in [0] : vector<16xf32>, vector<16xi32> -> vector<16xf32>
        %parallel_loop3A_1048 = vector.shape_cast %broadcast_in_dim3A_16 : vector<16xi32> to vector<16x1xi32>
        %parallel_loop3A_1049 = vector.shape_cast %parallel_loop3A_1048 : vector<16x1xi32> to vector<16xi32>
        %parallel_loop3A_1050 = tpu.dynamic_gather %parallel_loop3A_1043[%parallel_loop3A_1049] in [0] : vector<16xf32>, vector<16xi32> -> vector<16xf32>
        %parallel_loop3A_1051 = vector.shape_cast %broadcast_in_dim3A_14 : vector<16xi32> to vector<16x1xi32>
        %parallel_loop3A_1052 = vector.shape_cast %parallel_loop3A_1051 : vector<16x1xi32> to vector<16xi32>
        %parallel_loop3A_1053 = tpu.dynamic_gather %parallel_loop3A_1044[%parallel_loop3A_1052] in [0] : vector<16xf32>, vector<16xi32> -> vector<16xf32>
        %parallel_loop3A_1054 = arith.maximumf %parallel_loop3A_1050, %parallel_loop3A_1053 : vector<16xf32>
        %parallel_loop3A_1055 = arith.constant true
        %parallel_loop3A_1056 = vector.broadcast %parallel_loop3A_1055 : i1 to vector<16xi1>
        %parallel_loop3A_1057 = tpu.scan <sum>, %parallel_loop3A_1040 masked %parallel_loop3A_1056 : vector<16xf32>, vector<16xi1> -> vector<16xf32>
        %parallel_loop3A_1058 = vector.shape_cast %broadcast_in_dim3A_18 : vector<16xi32> to vector<16x1xi32>
        %parallel_loop3A_1059 = vector.shape_cast %parallel_loop3A_1058 : vector<16x1xi32> to vector<16xi32>
        %parallel_loop3A_1060 = tpu.dynamic_gather %parallel_loop3A_1057[%parallel_loop3A_1059] in [0] : vector<16xf32>, vector<16xi32> -> vector<16xf32>
        %parallel_loop3A_1061 = arith.constant 8 : i32
        %parallel_loop3A_1062 = vector.broadcast %parallel_loop3A_1061 : i32 to vector<16xi32>
        %parallel_loop3A_1063 = arith.cmpi eq, %iota3A, %parallel_loop3A_1062 : vector<16xi32>
        %parallel_loop3A_1064 = arith.select %parallel_loop3A_1063, %parallel_loop3A_1047, %parallel_loop3A_953 : vector<16xi1>, vector<16xf32>
        %parallel_loop3A_1065 = arith.select %parallel_loop3A_1063, %parallel_loop3A_1054, %parallel_loop3A_954 : vector<16xi1>, vector<16xf32>
        %parallel_loop3A_1066 = arith.select %parallel_loop3A_1063, %parallel_loop3A_1060, %parallel_loop3A_955 : vector<16xi1>, vector<16xf32>
        %parallel_loop3A_1067 = arith.constant 9 : i32
        %parallel_loop3A_1068 = arith.addi %parallel_loop3A_61, %parallel_loop3A_1067 : i32
        %parallel_loop3A_1069 = arith.constant 128 : i32
        %parallel_loop3A_1070 = arith.muli %parallel_loop3A_1068, %parallel_loop3A_1069 : i32
        %parallel_loop3A_1071 = arith.constant 0 : i32
        %parallel_loop3A_1072 = arith.addi %parallel_loop3A_1070, %parallel_loop3A_1071 : i32
        %parallel_loop3A_1073 = arith.index_cast %parallel_loop3A_1072 : i32 to index
        %parallel_loop3A_1074 = tpu.vector_load %arg5[%parallel_loop3A_1073] {strides = array<i32>} : memref<32768xf32, #tpu.memory_space<vmem>>, vector<16xf32>,
        %parallel_loop3A_1075 = math.exp %parallel_loop3A_1074 : vector<16xf32>
        %parallel_loop3A_1076 = arith.constant 128 : i32
        %parallel_loop3A_1077 = arith.muli %parallel_loop3A_1068, %parallel_loop3A_1076 : i32
        %parallel_loop3A_1078 = arith.constant 16 : i32
        %parallel_loop3A_1079 = arith.addi %parallel_loop3A_1077, %parallel_loop3A_1078 : i32
        %parallel_loop3A_1080 = arith.index_cast %parallel_loop3A_1079 : i32 to index
        %parallel_loop3A_1081 = tpu.vector_load %arg5[%parallel_loop3A_1080] {strides = array<i32>} : memref<32768xf32, #tpu.memory_space<vmem>>, vector<16xf32>,
        %parallel_loop3A_1082 = math.exp %parallel_loop3A_1081 : vector<16xf32>
        %parallel_loop3A_1083 = arith.constant 128 : i32
        %parallel_loop3A_1084 = arith.muli %parallel_loop3A_1068, %parallel_loop3A_1083 : i32
        %parallel_loop3A_1085 = arith.constant 32 : i32
        %parallel_loop3A_1086 = arith.addi %parallel_loop3A_1084, %parallel_loop3A_1085 : i32
        %parallel_loop3A_1087 = arith.index_cast %parallel_loop3A_1086 : i32 to index
        %parallel_loop3A_1088 = tpu.vector_load %arg5[%parallel_loop3A_1087] {strides = array<i32>} : memref<32768xf32, #tpu.memory_space<vmem>>, vector<16xf32>,
        %parallel_loop3A_1089 = math.exp %parallel_loop3A_1088 : vector<16xf32>
        %parallel_loop3A_1090 = arith.constant 128 : i32
        %parallel_loop3A_1091 = arith.muli %parallel_loop3A_1068, %parallel_loop3A_1090 : i32
        %parallel_loop3A_1092 = arith.constant 48 : i32
        %parallel_loop3A_1093 = arith.addi %parallel_loop3A_1091, %parallel_loop3A_1092 : i32
        %parallel_loop3A_1094 = arith.index_cast %parallel_loop3A_1093 : i32 to index
        %parallel_loop3A_1095 = tpu.vector_load %arg5[%parallel_loop3A_1094] {strides = array<i32>} : memref<32768xf32, #tpu.memory_space<vmem>>, vector<16xf32>,
        %parallel_loop3A_1096 = math.exp %parallel_loop3A_1095 : vector<16xf32>
        %parallel_loop3A_1097 = arith.constant 128 : i32
        %parallel_loop3A_1098 = arith.muli %parallel_loop3A_1068, %parallel_loop3A_1097 : i32
        %parallel_loop3A_1099 = arith.constant 64 : i32
        %parallel_loop3A_1100 = arith.addi %parallel_loop3A_1098, %parallel_loop3A_1099 : i32
        %parallel_loop3A_1101 = arith.index_cast %parallel_loop3A_1100 : i32 to index
        %parallel_loop3A_1102 = tpu.vector_load %arg5[%parallel_loop3A_1101] {strides = array<i32>} : memref<32768xf32, #tpu.memory_space<vmem>>, vector<16xf32>,
        %parallel_loop3A_1103 = math.exp %parallel_loop3A_1102 : vector<16xf32>
        %parallel_loop3A_1104 = arith.constant 128 : i32
        %parallel_loop3A_1105 = arith.muli %parallel_loop3A_1068, %parallel_loop3A_1104 : i32
        %parallel_loop3A_1106 = arith.constant 80 : i32
        %parallel_loop3A_1107 = arith.addi %parallel_loop3A_1105, %parallel_loop3A_1106 : i32
        %parallel_loop3A_1108 = arith.index_cast %parallel_loop3A_1107 : i32 to index
        %parallel_loop3A_1109 = tpu.vector_load %arg5[%parallel_loop3A_1108] {strides = array<i32>} : memref<32768xf32, #tpu.memory_space<vmem>>, vector<16xf32>,
        %parallel_loop3A_1110 = math.exp %parallel_loop3A_1109 : vector<16xf32>
        %parallel_loop3A_1111 = arith.constant 128 : i32
        %parallel_loop3A_1112 = arith.muli %parallel_loop3A_1068, %parallel_loop3A_1111 : i32
        %parallel_loop3A_1113 = arith.constant 96 : i32
        %parallel_loop3A_1114 = arith.addi %parallel_loop3A_1112, %parallel_loop3A_1113 : i32
        %parallel_loop3A_1115 = arith.index_cast %parallel_loop3A_1114 : i32 to index
        %parallel_loop3A_1116 = tpu.vector_load %arg5[%parallel_loop3A_1115] {strides = array<i32>} : memref<32768xf32, #tpu.memory_space<vmem>>, vector<16xf32>,
        %parallel_loop3A_1117 = math.exp %parallel_loop3A_1116 : vector<16xf32>
        %parallel_loop3A_1118 = arith.constant 128 : i32
        %parallel_loop3A_1119 = arith.muli %parallel_loop3A_1068, %parallel_loop3A_1118 : i32
        %parallel_loop3A_1120 = arith.constant 112 : i32
        %parallel_loop3A_1121 = arith.addi %parallel_loop3A_1119, %parallel_loop3A_1120 : i32
        %parallel_loop3A_1122 = arith.index_cast %parallel_loop3A_1121 : i32 to index
        %parallel_loop3A_1123 = tpu.vector_load %arg5[%parallel_loop3A_1122] {strides = array<i32>} : memref<32768xf32, #tpu.memory_space<vmem>>, vector<16xf32>,
        %parallel_loop3A_1124 = math.exp %parallel_loop3A_1123 : vector<16xf32>
        %parallel_loop3A_1125 = arith.maximumf %parallel_loop3A_1075, %parallel_loop3A_1082 : vector<16xf32>
        %parallel_loop3A_1126 = arith.minimumf %parallel_loop3A_1075, %parallel_loop3A_1082 : vector<16xf32>
        %parallel_loop3A_1127 = arith.addf %parallel_loop3A_1075, %parallel_loop3A_1082 : vector<16xf32>
        %parallel_loop3A_1128 = arith.minimumf %parallel_loop3A_1125, %parallel_loop3A_1089 : vector<16xf32>
        %parallel_loop3A_1129 = arith.maximumf %parallel_loop3A_1126, %parallel_loop3A_1128 : vector<16xf32>
        %parallel_loop3A_1130 = arith.maximumf %parallel_loop3A_1125, %parallel_loop3A_1089 : vector<16xf32>
        %parallel_loop3A_1131 = arith.addf %parallel_loop3A_1127, %parallel_loop3A_1089 : vector<16xf32>
        %parallel_loop3A_1132 = arith.minimumf %parallel_loop3A_1130, %parallel_loop3A_1096 : vector<16xf32>
        %parallel_loop3A_1133 = arith.maximumf %parallel_loop3A_1129, %parallel_loop3A_1132 : vector<16xf32>
        %parallel_loop3A_1134 = arith.maximumf %parallel_loop3A_1130, %parallel_loop3A_1096 : vector<16xf32>
        %parallel_loop3A_1135 = arith.addf %parallel_loop3A_1131, %parallel_loop3A_1096 : vector<16xf32>
        %parallel_loop3A_1136 = arith.minimumf %parallel_loop3A_1134, %parallel_loop3A_1103 : vector<16xf32>
        %parallel_loop3A_1137 = arith.maximumf %parallel_loop3A_1133, %parallel_loop3A_1136 : vector<16xf32>
        %parallel_loop3A_1138 = arith.maximumf %parallel_loop3A_1134, %parallel_loop3A_1103 : vector<16xf32>
        %parallel_loop3A_1139 = arith.addf %parallel_loop3A_1135, %parallel_loop3A_1103 : vector<16xf32>
        %parallel_loop3A_1140 = arith.minimumf %parallel_loop3A_1138, %parallel_loop3A_1110 : vector<16xf32>
        %parallel_loop3A_1141 = arith.maximumf %parallel_loop3A_1137, %parallel_loop3A_1140 : vector<16xf32>
        %parallel_loop3A_1142 = arith.maximumf %parallel_loop3A_1138, %parallel_loop3A_1110 : vector<16xf32>
        %parallel_loop3A_1143 = arith.addf %parallel_loop3A_1139, %parallel_loop3A_1110 : vector<16xf32>
        %parallel_loop3A_1144 = arith.minimumf %parallel_loop3A_1142, %parallel_loop3A_1117 : vector<16xf32>
        %parallel_loop3A_1145 = arith.maximumf %parallel_loop3A_1141, %parallel_loop3A_1144 : vector<16xf32>
        %parallel_loop3A_1146 = arith.maximumf %parallel_loop3A_1142, %parallel_loop3A_1117 : vector<16xf32>
        %parallel_loop3A_1147 = arith.addf %parallel_loop3A_1143, %parallel_loop3A_1117 : vector<16xf32>
        %parallel_loop3A_1148 = arith.minimumf %parallel_loop3A_1146, %parallel_loop3A_1124 : vector<16xf32>
        %parallel_loop3A_1149 = arith.maximumf %parallel_loop3A_1145, %parallel_loop3A_1148 : vector<16xf32>
        %parallel_loop3A_1150 = arith.maximumf %parallel_loop3A_1146, %parallel_loop3A_1124 : vector<16xf32>
        %parallel_loop3A_1151 = arith.addf %parallel_loop3A_1147, %parallel_loop3A_1124 : vector<16xf32>
        %parallel_loop3A_1152 = arith.constant dense<true> : vector<16xi1>
        %parallel_loop3A_1153, %parallel_loop3A_1154, %parallel_loop3A_1155 = tpu.sort %parallel_loop3A_1150, %parallel_loop3A_1149 masked %parallel_loop3A_1152 {descending = true} : (vector<16xf32>, vector<16xf32>, vector<16xi1>) -> (vector<16xi1>, vector<16xf32>, vector<16xf32>)
        %parallel_loop3A_1156 = vector.shape_cast %broadcast_in_dim3A_14 : vector<16xi32> to vector<16x1xi32>
        %parallel_loop3A_1157 = vector.shape_cast %parallel_loop3A_1156 : vector<16x1xi32> to vector<16xi32>
        %parallel_loop3A_1158 = tpu.dynamic_gather %parallel_loop3A_1154[%parallel_loop3A_1157] in [0] : vector<16xf32>, vector<16xi32> -> vector<16xf32>
        %parallel_loop3A_1159 = vector.shape_cast %broadcast_in_dim3A_16 : vector<16xi32> to vector<16x1xi32>
        %parallel_loop3A_1160 = vector.shape_cast %parallel_loop3A_1159 : vector<16x1xi32> to vector<16xi32>
        %parallel_loop3A_1161 = tpu.dynamic_gather %parallel_loop3A_1154[%parallel_loop3A_1160] in [0] : vector<16xf32>, vector<16xi32> -> vector<16xf32>
        %parallel_loop3A_1162 = vector.shape_cast %broadcast_in_dim3A_14 : vector<16xi32> to vector<16x1xi32>
        %parallel_loop3A_1163 = vector.shape_cast %parallel_loop3A_1162 : vector<16x1xi32> to vector<16xi32>
        %parallel_loop3A_1164 = tpu.dynamic_gather %parallel_loop3A_1155[%parallel_loop3A_1163] in [0] : vector<16xf32>, vector<16xi32> -> vector<16xf32>
        %parallel_loop3A_1165 = arith.maximumf %parallel_loop3A_1161, %parallel_loop3A_1164 : vector<16xf32>
        %parallel_loop3A_1166 = arith.constant true
        %parallel_loop3A_1167 = vector.broadcast %parallel_loop3A_1166 : i1 to vector<16xi1>
        %parallel_loop3A_1168 = tpu.scan <sum>, %parallel_loop3A_1151 masked %parallel_loop3A_1167 : vector<16xf32>, vector<16xi1> -> vector<16xf32>
        %parallel_loop3A_1169 = vector.shape_cast %broadcast_in_dim3A_18 : vector<16xi32> to vector<16x1xi32>
        %parallel_loop3A_1170 = vector.shape_cast %parallel_loop3A_1169 : vector<16x1xi32> to vector<16xi32>
        %parallel_loop3A_1171 = tpu.dynamic_gather %parallel_loop3A_1168[%parallel_loop3A_1170] in [0] : vector<16xf32>, vector<16xi32> -> vector<16xf32>
        %parallel_loop3A_1172 = arith.constant 9 : i32
        %parallel_loop3A_1173 = vector.broadcast %parallel_loop3A_1172 : i32 to vector<16xi32>
        %parallel_loop3A_1174 = arith.cmpi eq, %iota3A, %parallel_loop3A_1173 : vector<16xi32>
        %parallel_loop3A_1175 = arith.select %parallel_loop3A_1174, %parallel_loop3A_1158, %parallel_loop3A_1064 : vector<16xi1>, vector<16xf32>
        %parallel_loop3A_1176 = arith.select %parallel_loop3A_1174, %parallel_loop3A_1165, %parallel_loop3A_1065 : vector<16xi1>, vector<16xf32>
        %parallel_loop3A_1177 = arith.select %parallel_loop3A_1174, %parallel_loop3A_1171, %parallel_loop3A_1066 : vector<16xi1>, vector<16xf32>
        %parallel_loop3A_1178 = arith.constant 10 : i32
        %parallel_loop3A_1179 = arith.addi %parallel_loop3A_61, %parallel_loop3A_1178 : i32
        %parallel_loop3A_1180 = arith.constant 128 : i32
        %parallel_loop3A_1181 = arith.muli %parallel_loop3A_1179, %parallel_loop3A_1180 : i32
        %parallel_loop3A_1182 = arith.constant 0 : i32
        %parallel_loop3A_1183 = arith.addi %parallel_loop3A_1181, %parallel_loop3A_1182 : i32
        %parallel_loop3A_1184 = arith.index_cast %parallel_loop3A_1183 : i32 to index
        %parallel_loop3A_1185 = tpu.vector_load %arg5[%parallel_loop3A_1184] {strides = array<i32>} : memref<32768xf32, #tpu.memory_space<vmem>>, vector<16xf32>,
        %parallel_loop3A_1186 = math.exp %parallel_loop3A_1185 : vector<16xf32>
        %parallel_loop3A_1187 = arith.constant 128 : i32
        %parallel_loop3A_1188 = arith.muli %parallel_loop3A_1179, %parallel_loop3A_1187 : i32
        %parallel_loop3A_1189 = arith.constant 16 : i32
        %parallel_loop3A_1190 = arith.addi %parallel_loop3A_1188, %parallel_loop3A_1189 : i32
        %parallel_loop3A_1191 = arith.index_cast %parallel_loop3A_1190 : i32 to index
        %parallel_loop3A_1192 = tpu.vector_load %arg5[%parallel_loop3A_1191] {strides = array<i32>} : memref<32768xf32, #tpu.memory_space<vmem>>, vector<16xf32>,
        %parallel_loop3A_1193 = math.exp %parallel_loop3A_1192 : vector<16xf32>
        %parallel_loop3A_1194 = arith.constant 128 : i32
        %parallel_loop3A_1195 = arith.muli %parallel_loop3A_1179, %parallel_loop3A_1194 : i32
        %parallel_loop3A_1196 = arith.constant 32 : i32
        %parallel_loop3A_1197 = arith.addi %parallel_loop3A_1195, %parallel_loop3A_1196 : i32
        %parallel_loop3A_1198 = arith.index_cast %parallel_loop3A_1197 : i32 to index
        %parallel_loop3A_1199 = tpu.vector_load %arg5[%parallel_loop3A_1198] {strides = array<i32>} : memref<32768xf32, #tpu.memory_space<vmem>>, vector<16xf32>,
        %parallel_loop3A_1200 = math.exp %parallel_loop3A_1199 : vector<16xf32>
        %parallel_loop3A_1201 = arith.constant 128 : i32
        %parallel_loop3A_1202 = arith.muli %parallel_loop3A_1179, %parallel_loop3A_1201 : i32
        %parallel_loop3A_1203 = arith.constant 48 : i32
        %parallel_loop3A_1204 = arith.addi %parallel_loop3A_1202, %parallel_loop3A_1203 : i32
        %parallel_loop3A_1205 = arith.index_cast %parallel_loop3A_1204 : i32 to index
        %parallel_loop3A_1206 = tpu.vector_load %arg5[%parallel_loop3A_1205] {strides = array<i32>} : memref<32768xf32, #tpu.memory_space<vmem>>, vector<16xf32>,
        %parallel_loop3A_1207 = math.exp %parallel_loop3A_1206 : vector<16xf32>
        %parallel_loop3A_1208 = arith.constant 128 : i32
        %parallel_loop3A_1209 = arith.muli %parallel_loop3A_1179, %parallel_loop3A_1208 : i32
        %parallel_loop3A_1210 = arith.constant 64 : i32
        %parallel_loop3A_1211 = arith.addi %parallel_loop3A_1209, %parallel_loop3A_1210 : i32
        %parallel_loop3A_1212 = arith.index_cast %parallel_loop3A_1211 : i32 to index
        %parallel_loop3A_1213 = tpu.vector_load %arg5[%parallel_loop3A_1212] {strides = array<i32>} : memref<32768xf32, #tpu.memory_space<vmem>>, vector<16xf32>,
        %parallel_loop3A_1214 = math.exp %parallel_loop3A_1213 : vector<16xf32>
        %parallel_loop3A_1215 = arith.constant 128 : i32
        %parallel_loop3A_1216 = arith.muli %parallel_loop3A_1179, %parallel_loop3A_1215 : i32
        %parallel_loop3A_1217 = arith.constant 80 : i32
        %parallel_loop3A_1218 = arith.addi %parallel_loop3A_1216, %parallel_loop3A_1217 : i32
        %parallel_loop3A_1219 = arith.index_cast %parallel_loop3A_1218 : i32 to index
        %parallel_loop3A_1220 = tpu.vector_load %arg5[%parallel_loop3A_1219] {strides = array<i32>} : memref<32768xf32, #tpu.memory_space<vmem>>, vector<16xf32>,
        %parallel_loop3A_1221 = math.exp %parallel_loop3A_1220 : vector<16xf32>
        %parallel_loop3A_1222 = arith.constant 128 : i32
        %parallel_loop3A_1223 = arith.muli %parallel_loop3A_1179, %parallel_loop3A_1222 : i32
        %parallel_loop3A_1224 = arith.constant 96 : i32
        %parallel_loop3A_1225 = arith.addi %parallel_loop3A_1223, %parallel_loop3A_1224 : i32
        %parallel_loop3A_1226 = arith.index_cast %parallel_loop3A_1225 : i32 to index
        %parallel_loop3A_1227 = tpu.vector_load %arg5[%parallel_loop3A_1226] {strides = array<i32>} : memref<32768xf32, #tpu.memory_space<vmem>>, vector<16xf32>,
        %parallel_loop3A_1228 = math.exp %parallel_loop3A_1227 : vector<16xf32>
        %parallel_loop3A_1229 = arith.constant 128 : i32
        %parallel_loop3A_1230 = arith.muli %parallel_loop3A_1179, %parallel_loop3A_1229 : i32
        %parallel_loop3A_1231 = arith.constant 112 : i32
        %parallel_loop3A_1232 = arith.addi %parallel_loop3A_1230, %parallel_loop3A_1231 : i32
        %parallel_loop3A_1233 = arith.index_cast %parallel_loop3A_1232 : i32 to index
        %parallel_loop3A_1234 = tpu.vector_load %arg5[%parallel_loop3A_1233] {strides = array<i32>} : memref<32768xf32, #tpu.memory_space<vmem>>, vector<16xf32>,
        %parallel_loop3A_1235 = math.exp %parallel_loop3A_1234 : vector<16xf32>
        %parallel_loop3A_1236 = arith.maximumf %parallel_loop3A_1186, %parallel_loop3A_1193 : vector<16xf32>
        %parallel_loop3A_1237 = arith.minimumf %parallel_loop3A_1186, %parallel_loop3A_1193 : vector<16xf32>
        %parallel_loop3A_1238 = arith.addf %parallel_loop3A_1186, %parallel_loop3A_1193 : vector<16xf32>
        %parallel_loop3A_1239 = arith.minimumf %parallel_loop3A_1236, %parallel_loop3A_1200 : vector<16xf32>
        %parallel_loop3A_1240 = arith.maximumf %parallel_loop3A_1237, %parallel_loop3A_1239 : vector<16xf32>
        %parallel_loop3A_1241 = arith.maximumf %parallel_loop3A_1236, %parallel_loop3A_1200 : vector<16xf32>
        %parallel_loop3A_1242 = arith.addf %parallel_loop3A_1238, %parallel_loop3A_1200 : vector<16xf32>
        %parallel_loop3A_1243 = arith.minimumf %parallel_loop3A_1241, %parallel_loop3A_1207 : vector<16xf32>
        %parallel_loop3A_1244 = arith.maximumf %parallel_loop3A_1240, %parallel_loop3A_1243 : vector<16xf32>
        %parallel_loop3A_1245 = arith.maximumf %parallel_loop3A_1241, %parallel_loop3A_1207 : vector<16xf32>
        %parallel_loop3A_1246 = arith.addf %parallel_loop3A_1242, %parallel_loop3A_1207 : vector<16xf32>
        %parallel_loop3A_1247 = arith.minimumf %parallel_loop3A_1245, %parallel_loop3A_1214 : vector<16xf32>
        %parallel_loop3A_1248 = arith.maximumf %parallel_loop3A_1244, %parallel_loop3A_1247 : vector<16xf32>
        %parallel_loop3A_1249 = arith.maximumf %parallel_loop3A_1245, %parallel_loop3A_1214 : vector<16xf32>
        %parallel_loop3A_1250 = arith.addf %parallel_loop3A_1246, %parallel_loop3A_1214 : vector<16xf32>
        %parallel_loop3A_1251 = arith.minimumf %parallel_loop3A_1249, %parallel_loop3A_1221 : vector<16xf32>
        %parallel_loop3A_1252 = arith.maximumf %parallel_loop3A_1248, %parallel_loop3A_1251 : vector<16xf32>
        %parallel_loop3A_1253 = arith.maximumf %parallel_loop3A_1249, %parallel_loop3A_1221 : vector<16xf32>
        %parallel_loop3A_1254 = arith.addf %parallel_loop3A_1250, %parallel_loop3A_1221 : vector<16xf32>
        %parallel_loop3A_1255 = arith.minimumf %parallel_loop3A_1253, %parallel_loop3A_1228 : vector<16xf32>
        %parallel_loop3A_1256 = arith.maximumf %parallel_loop3A_1252, %parallel_loop3A_1255 : vector<16xf32>
        %parallel_loop3A_1257 = arith.maximumf %parallel_loop3A_1253, %parallel_loop3A_1228 : vector<16xf32>
        %parallel_loop3A_1258 = arith.addf %parallel_loop3A_1254, %parallel_loop3A_1228 : vector<16xf32>
        %parallel_loop3A_1259 = arith.minimumf %parallel_loop3A_1257, %parallel_loop3A_1235 : vector<16xf32>
        %parallel_loop3A_1260 = arith.maximumf %parallel_loop3A_1256, %parallel_loop3A_1259 : vector<16xf32>
        %parallel_loop3A_1261 = arith.maximumf %parallel_loop3A_1257, %parallel_loop3A_1235 : vector<16xf32>
        %parallel_loop3A_1262 = arith.addf %parallel_loop3A_1258, %parallel_loop3A_1235 : vector<16xf32>
        %parallel_loop3A_1263 = arith.constant dense<true> : vector<16xi1>
        %parallel_loop3A_1264, %parallel_loop3A_1265, %parallel_loop3A_1266 = tpu.sort %parallel_loop3A_1261, %parallel_loop3A_1260 masked %parallel_loop3A_1263 {descending = true} : (vector<16xf32>, vector<16xf32>, vector<16xi1>) -> (vector<16xi1>, vector<16xf32>, vector<16xf32>)
        %parallel_loop3A_1267 = vector.shape_cast %broadcast_in_dim3A_14 : vector<16xi32> to vector<16x1xi32>
        %parallel_loop3A_1268 = vector.shape_cast %parallel_loop3A_1267 : vector<16x1xi32> to vector<16xi32>
        %parallel_loop3A_1269 = tpu.dynamic_gather %parallel_loop3A_1265[%parallel_loop3A_1268] in [0] : vector<16xf32>, vector<16xi32> -> vector<16xf32>
        %parallel_loop3A_1270 = vector.shape_cast %broadcast_in_dim3A_16 : vector<16xi32> to vector<16x1xi32>
        %parallel_loop3A_1271 = vector.shape_cast %parallel_loop3A_1270 : vector<16x1xi32> to vector<16xi32>
        %parallel_loop3A_1272 = tpu.dynamic_gather %parallel_loop3A_1265[%parallel_loop3A_1271] in [0] : vector<16xf32>, vector<16xi32> -> vector<16xf32>
        %parallel_loop3A_1273 = vector.shape_cast %broadcast_in_dim3A_14 : vector<16xi32> to vector<16x1xi32>
        %parallel_loop3A_1274 = vector.shape_cast %parallel_loop3A_1273 : vector<16x1xi32> to vector<16xi32>
        %parallel_loop3A_1275 = tpu.dynamic_gather %parallel_loop3A_1266[%parallel_loop3A_1274] in [0] : vector<16xf32>, vector<16xi32> -> vector<16xf32>
        %parallel_loop3A_1276 = arith.maximumf %parallel_loop3A_1272, %parallel_loop3A_1275 : vector<16xf32>
        %parallel_loop3A_1277 = arith.constant true
        %parallel_loop3A_1278 = vector.broadcast %parallel_loop3A_1277 : i1 to vector<16xi1>
        %parallel_loop3A_1279 = tpu.scan <sum>, %parallel_loop3A_1262 masked %parallel_loop3A_1278 : vector<16xf32>, vector<16xi1> -> vector<16xf32>
        %parallel_loop3A_1280 = vector.shape_cast %broadcast_in_dim3A_18 : vector<16xi32> to vector<16x1xi32>
        %parallel_loop3A_1281 = vector.shape_cast %parallel_loop3A_1280 : vector<16x1xi32> to vector<16xi32>
        %parallel_loop3A_1282 = tpu.dynamic_gather %parallel_loop3A_1279[%parallel_loop3A_1281] in [0] : vector<16xf32>, vector<16xi32> -> vector<16xf32>
        %parallel_loop3A_1283 = arith.constant 10 : i32
        %parallel_loop3A_1284 = vector.broadcast %parallel_loop3A_1283 : i32 to vector<16xi32>
        %parallel_loop3A_1285 = arith.cmpi eq, %iota3A, %parallel_loop3A_1284 : vector<16xi32>
        %parallel_loop3A_1286 = arith.select %parallel_loop3A_1285, %parallel_loop3A_1269, %parallel_loop3A_1175 : vector<16xi1>, vector<16xf32>
        %parallel_loop3A_1287 = arith.select %parallel_loop3A_1285, %parallel_loop3A_1276, %parallel_loop3A_1176 : vector<16xi1>, vector<16xf32>
        %parallel_loop3A_1288 = arith.select %parallel_loop3A_1285, %parallel_loop3A_1282, %parallel_loop3A_1177 : vector<16xi1>, vector<16xf32>
        %parallel_loop3A_1289 = arith.constant 11 : i32
        %parallel_loop3A_1290 = arith.addi %parallel_loop3A_61, %parallel_loop3A_1289 : i32
        %parallel_loop3A_1291 = arith.constant 128 : i32
        %parallel_loop3A_1292 = arith.muli %parallel_loop3A_1290, %parallel_loop3A_1291 : i32
        %parallel_loop3A_1293 = arith.constant 0 : i32
        %parallel_loop3A_1294 = arith.addi %parallel_loop3A_1292, %parallel_loop3A_1293 : i32
        %parallel_loop3A_1295 = arith.index_cast %parallel_loop3A_1294 : i32 to index
        %parallel_loop3A_1296 = tpu.vector_load %arg5[%parallel_loop3A_1295] {strides = array<i32>} : memref<32768xf32, #tpu.memory_space<vmem>>, vector<16xf32>,
        %parallel_loop3A_1297 = math.exp %parallel_loop3A_1296 : vector<16xf32>
        %parallel_loop3A_1298 = arith.constant 128 : i32
        %parallel_loop3A_1299 = arith.muli %parallel_loop3A_1290, %parallel_loop3A_1298 : i32
        %parallel_loop3A_1300 = arith.constant 16 : i32
        %parallel_loop3A_1301 = arith.addi %parallel_loop3A_1299, %parallel_loop3A_1300 : i32
        %parallel_loop3A_1302 = arith.index_cast %parallel_loop3A_1301 : i32 to index
        %parallel_loop3A_1303 = tpu.vector_load %arg5[%parallel_loop3A_1302] {strides = array<i32>} : memref<32768xf32, #tpu.memory_space<vmem>>, vector<16xf32>,
        %parallel_loop3A_1304 = math.exp %parallel_loop3A_1303 : vector<16xf32>
        %parallel_loop3A_1305 = arith.constant 128 : i32
        %parallel_loop3A_1306 = arith.muli %parallel_loop3A_1290, %parallel_loop3A_1305 : i32
        %parallel_loop3A_1307 = arith.constant 32 : i32
        %parallel_loop3A_1308 = arith.addi %parallel_loop3A_1306, %parallel_loop3A_1307 : i32
        %parallel_loop3A_1309 = arith.index_cast %parallel_loop3A_1308 : i32 to index
        %parallel_loop3A_1310 = tpu.vector_load %arg5[%parallel_loop3A_1309] {strides = array<i32>} : memref<32768xf32, #tpu.memory_space<vmem>>, vector<16xf32>,
        %parallel_loop3A_1311 = math.exp %parallel_loop3A_1310 : vector<16xf32>
        %parallel_loop3A_1312 = arith.constant 128 : i32
        %parallel_loop3A_1313 = arith.muli %parallel_loop3A_1290, %parallel_loop3A_1312 : i32
        %parallel_loop3A_1314 = arith.constant 48 : i32
        %parallel_loop3A_1315 = arith.addi %parallel_loop3A_1313, %parallel_loop3A_1314 : i32
        %parallel_loop3A_1316 = arith.index_cast %parallel_loop3A_1315 : i32 to index
        %parallel_loop3A_1317 = tpu.vector_load %arg5[%parallel_loop3A_1316] {strides = array<i32>} : memref<32768xf32, #tpu.memory_space<vmem>>, vector<16xf32>,
        %parallel_loop3A_1318 = math.exp %parallel_loop3A_1317 : vector<16xf32>
        %parallel_loop3A_1319 = arith.constant 128 : i32
        %parallel_loop3A_1320 = arith.muli %parallel_loop3A_1290, %parallel_loop3A_1319 : i32
        %parallel_loop3A_1321 = arith.constant 64 : i32
        %parallel_loop3A_1322 = arith.addi %parallel_loop3A_1320, %parallel_loop3A_1321 : i32
        %parallel_loop3A_1323 = arith.index_cast %parallel_loop3A_1322 : i32 to index
        %parallel_loop3A_1324 = tpu.vector_load %arg5[%parallel_loop3A_1323] {strides = array<i32>} : memref<32768xf32, #tpu.memory_space<vmem>>, vector<16xf32>,
        %parallel_loop3A_1325 = math.exp %parallel_loop3A_1324 : vector<16xf32>
        %parallel_loop3A_1326 = arith.constant 128 : i32
        %parallel_loop3A_1327 = arith.muli %parallel_loop3A_1290, %parallel_loop3A_1326 : i32
        %parallel_loop3A_1328 = arith.constant 80 : i32
        %parallel_loop3A_1329 = arith.addi %parallel_loop3A_1327, %parallel_loop3A_1328 : i32
        %parallel_loop3A_1330 = arith.index_cast %parallel_loop3A_1329 : i32 to index
        %parallel_loop3A_1331 = tpu.vector_load %arg5[%parallel_loop3A_1330] {strides = array<i32>} : memref<32768xf32, #tpu.memory_space<vmem>>, vector<16xf32>,
        %parallel_loop3A_1332 = math.exp %parallel_loop3A_1331 : vector<16xf32>
        %parallel_loop3A_1333 = arith.constant 128 : i32
        %parallel_loop3A_1334 = arith.muli %parallel_loop3A_1290, %parallel_loop3A_1333 : i32
        %parallel_loop3A_1335 = arith.constant 96 : i32
        %parallel_loop3A_1336 = arith.addi %parallel_loop3A_1334, %parallel_loop3A_1335 : i32
        %parallel_loop3A_1337 = arith.index_cast %parallel_loop3A_1336 : i32 to index
        %parallel_loop3A_1338 = tpu.vector_load %arg5[%parallel_loop3A_1337] {strides = array<i32>} : memref<32768xf32, #tpu.memory_space<vmem>>, vector<16xf32>,
        %parallel_loop3A_1339 = math.exp %parallel_loop3A_1338 : vector<16xf32>
        %parallel_loop3A_1340 = arith.constant 128 : i32
        %parallel_loop3A_1341 = arith.muli %parallel_loop3A_1290, %parallel_loop3A_1340 : i32
        %parallel_loop3A_1342 = arith.constant 112 : i32
        %parallel_loop3A_1343 = arith.addi %parallel_loop3A_1341, %parallel_loop3A_1342 : i32
        %parallel_loop3A_1344 = arith.index_cast %parallel_loop3A_1343 : i32 to index
        %parallel_loop3A_1345 = tpu.vector_load %arg5[%parallel_loop3A_1344] {strides = array<i32>} : memref<32768xf32, #tpu.memory_space<vmem>>, vector<16xf32>,
        %parallel_loop3A_1346 = math.exp %parallel_loop3A_1345 : vector<16xf32>
        %parallel_loop3A_1347 = arith.maximumf %parallel_loop3A_1297, %parallel_loop3A_1304 : vector<16xf32>
        %parallel_loop3A_1348 = arith.minimumf %parallel_loop3A_1297, %parallel_loop3A_1304 : vector<16xf32>
        %parallel_loop3A_1349 = arith.addf %parallel_loop3A_1297, %parallel_loop3A_1304 : vector<16xf32>
        %parallel_loop3A_1350 = arith.minimumf %parallel_loop3A_1347, %parallel_loop3A_1311 : vector<16xf32>
        %parallel_loop3A_1351 = arith.maximumf %parallel_loop3A_1348, %parallel_loop3A_1350 : vector<16xf32>
        %parallel_loop3A_1352 = arith.maximumf %parallel_loop3A_1347, %parallel_loop3A_1311 : vector<16xf32>
        %parallel_loop3A_1353 = arith.addf %parallel_loop3A_1349, %parallel_loop3A_1311 : vector<16xf32>
        %parallel_loop3A_1354 = arith.minimumf %parallel_loop3A_1352, %parallel_loop3A_1318 : vector<16xf32>
        %parallel_loop3A_1355 = arith.maximumf %parallel_loop3A_1351, %parallel_loop3A_1354 : vector<16xf32>
        %parallel_loop3A_1356 = arith.maximumf %parallel_loop3A_1352, %parallel_loop3A_1318 : vector<16xf32>
        %parallel_loop3A_1357 = arith.addf %parallel_loop3A_1353, %parallel_loop3A_1318 : vector<16xf32>
        %parallel_loop3A_1358 = arith.minimumf %parallel_loop3A_1356, %parallel_loop3A_1325 : vector<16xf32>
        %parallel_loop3A_1359 = arith.maximumf %parallel_loop3A_1355, %parallel_loop3A_1358 : vector<16xf32>
        %parallel_loop3A_1360 = arith.maximumf %parallel_loop3A_1356, %parallel_loop3A_1325 : vector<16xf32>
        %parallel_loop3A_1361 = arith.addf %parallel_loop3A_1357, %parallel_loop3A_1325 : vector<16xf32>
        %parallel_loop3A_1362 = arith.minimumf %parallel_loop3A_1360, %parallel_loop3A_1332 : vector<16xf32>
        %parallel_loop3A_1363 = arith.maximumf %parallel_loop3A_1359, %parallel_loop3A_1362 : vector<16xf32>
        %parallel_loop3A_1364 = arith.maximumf %parallel_loop3A_1360, %parallel_loop3A_1332 : vector<16xf32>
        %parallel_loop3A_1365 = arith.addf %parallel_loop3A_1361, %parallel_loop3A_1332 : vector<16xf32>
        %parallel_loop3A_1366 = arith.minimumf %parallel_loop3A_1364, %parallel_loop3A_1339 : vector<16xf32>
        %parallel_loop3A_1367 = arith.maximumf %parallel_loop3A_1363, %parallel_loop3A_1366 : vector<16xf32>
        %parallel_loop3A_1368 = arith.maximumf %parallel_loop3A_1364, %parallel_loop3A_1339 : vector<16xf32>
        %parallel_loop3A_1369 = arith.addf %parallel_loop3A_1365, %parallel_loop3A_1339 : vector<16xf32>
        %parallel_loop3A_1370 = arith.minimumf %parallel_loop3A_1368, %parallel_loop3A_1346 : vector<16xf32>
        %parallel_loop3A_1371 = arith.maximumf %parallel_loop3A_1367, %parallel_loop3A_1370 : vector<16xf32>
        %parallel_loop3A_1372 = arith.maximumf %parallel_loop3A_1368, %parallel_loop3A_1346 : vector<16xf32>
        %parallel_loop3A_1373 = arith.addf %parallel_loop3A_1369, %parallel_loop3A_1346 : vector<16xf32>
        %parallel_loop3A_1374 = arith.constant dense<true> : vector<16xi1>
        %parallel_loop3A_1375, %parallel_loop3A_1376, %parallel_loop3A_1377 = tpu.sort %parallel_loop3A_1372, %parallel_loop3A_1371 masked %parallel_loop3A_1374 {descending = true} : (vector<16xf32>, vector<16xf32>, vector<16xi1>) -> (vector<16xi1>, vector<16xf32>, vector<16xf32>)
        %parallel_loop3A_1378 = vector.shape_cast %broadcast_in_dim3A_14 : vector<16xi32> to vector<16x1xi32>
        %parallel_loop3A_1379 = vector.shape_cast %parallel_loop3A_1378 : vector<16x1xi32> to vector<16xi32>
        %parallel_loop3A_1380 = tpu.dynamic_gather %parallel_loop3A_1376[%parallel_loop3A_1379] in [0] : vector<16xf32>, vector<16xi32> -> vector<16xf32>
        %parallel_loop3A_1381 = vector.shape_cast %broadcast_in_dim3A_16 : vector<16xi32> to vector<16x1xi32>
        %parallel_loop3A_1382 = vector.shape_cast %parallel_loop3A_1381 : vector<16x1xi32> to vector<16xi32>
        %parallel_loop3A_1383 = tpu.dynamic_gather %parallel_loop3A_1376[%parallel_loop3A_1382] in [0] : vector<16xf32>, vector<16xi32> -> vector<16xf32>
        %parallel_loop3A_1384 = vector.shape_cast %broadcast_in_dim3A_14 : vector<16xi32> to vector<16x1xi32>
        %parallel_loop3A_1385 = vector.shape_cast %parallel_loop3A_1384 : vector<16x1xi32> to vector<16xi32>
        %parallel_loop3A_1386 = tpu.dynamic_gather %parallel_loop3A_1377[%parallel_loop3A_1385] in [0] : vector<16xf32>, vector<16xi32> -> vector<16xf32>
        %parallel_loop3A_1387 = arith.maximumf %parallel_loop3A_1383, %parallel_loop3A_1386 : vector<16xf32>
        %parallel_loop3A_1388 = arith.constant true
        %parallel_loop3A_1389 = vector.broadcast %parallel_loop3A_1388 : i1 to vector<16xi1>
        %parallel_loop3A_1390 = tpu.scan <sum>, %parallel_loop3A_1373 masked %parallel_loop3A_1389 : vector<16xf32>, vector<16xi1> -> vector<16xf32>
        %parallel_loop3A_1391 = vector.shape_cast %broadcast_in_dim3A_18 : vector<16xi32> to vector<16x1xi32>
        %parallel_loop3A_1392 = vector.shape_cast %parallel_loop3A_1391 : vector<16x1xi32> to vector<16xi32>
        %parallel_loop3A_1393 = tpu.dynamic_gather %parallel_loop3A_1390[%parallel_loop3A_1392] in [0] : vector<16xf32>, vector<16xi32> -> vector<16xf32>
        %parallel_loop3A_1394 = arith.constant 11 : i32
        %parallel_loop3A_1395 = vector.broadcast %parallel_loop3A_1394 : i32 to vector<16xi32>
        %parallel_loop3A_1396 = arith.cmpi eq, %iota3A, %parallel_loop3A_1395 : vector<16xi32>
        %parallel_loop3A_1397 = arith.select %parallel_loop3A_1396, %parallel_loop3A_1380, %parallel_loop3A_1286 : vector<16xi1>, vector<16xf32>
        %parallel_loop3A_1398 = arith.select %parallel_loop3A_1396, %parallel_loop3A_1387, %parallel_loop3A_1287 : vector<16xi1>, vector<16xf32>
        %parallel_loop3A_1399 = arith.select %parallel_loop3A_1396, %parallel_loop3A_1393, %parallel_loop3A_1288 : vector<16xi1>, vector<16xf32>
        %parallel_loop3A_1400 = arith.constant 12 : i32
        %parallel_loop3A_1401 = arith.addi %parallel_loop3A_61, %parallel_loop3A_1400 : i32
        %parallel_loop3A_1402 = arith.constant 128 : i32
        %parallel_loop3A_1403 = arith.muli %parallel_loop3A_1401, %parallel_loop3A_1402 : i32
        %parallel_loop3A_1404 = arith.constant 0 : i32
        %parallel_loop3A_1405 = arith.addi %parallel_loop3A_1403, %parallel_loop3A_1404 : i32
        %parallel_loop3A_1406 = arith.index_cast %parallel_loop3A_1405 : i32 to index
        %parallel_loop3A_1407 = tpu.vector_load %arg5[%parallel_loop3A_1406] {strides = array<i32>} : memref<32768xf32, #tpu.memory_space<vmem>>, vector<16xf32>,
        %parallel_loop3A_1408 = math.exp %parallel_loop3A_1407 : vector<16xf32>
        %parallel_loop3A_1409 = arith.constant 128 : i32
        %parallel_loop3A_1410 = arith.muli %parallel_loop3A_1401, %parallel_loop3A_1409 : i32
        %parallel_loop3A_1411 = arith.constant 16 : i32
        %parallel_loop3A_1412 = arith.addi %parallel_loop3A_1410, %parallel_loop3A_1411 : i32
        %parallel_loop3A_1413 = arith.index_cast %parallel_loop3A_1412 : i32 to index
        %parallel_loop3A_1414 = tpu.vector_load %arg5[%parallel_loop3A_1413] {strides = array<i32>} : memref<32768xf32, #tpu.memory_space<vmem>>, vector<16xf32>,
        %parallel_loop3A_1415 = math.exp %parallel_loop3A_1414 : vector<16xf32>
        %parallel_loop3A_1416 = arith.constant 128 : i32
        %parallel_loop3A_1417 = arith.muli %parallel_loop3A_1401, %parallel_loop3A_1416 : i32
        %parallel_loop3A_1418 = arith.constant 32 : i32
        %parallel_loop3A_1419 = arith.addi %parallel_loop3A_1417, %parallel_loop3A_1418 : i32
        %parallel_loop3A_1420 = arith.index_cast %parallel_loop3A_1419 : i32 to index
        %parallel_loop3A_1421 = tpu.vector_load %arg5[%parallel_loop3A_1420] {strides = array<i32>} : memref<32768xf32, #tpu.memory_space<vmem>>, vector<16xf32>,
        %parallel_loop3A_1422 = math.exp %parallel_loop3A_1421 : vector<16xf32>
        %parallel_loop3A_1423 = arith.constant 128 : i32
        %parallel_loop3A_1424 = arith.muli %parallel_loop3A_1401, %parallel_loop3A_1423 : i32
        %parallel_loop3A_1425 = arith.constant 48 : i32
        %parallel_loop3A_1426 = arith.addi %parallel_loop3A_1424, %parallel_loop3A_1425 : i32
        %parallel_loop3A_1427 = arith.index_cast %parallel_loop3A_1426 : i32 to index
        %parallel_loop3A_1428 = tpu.vector_load %arg5[%parallel_loop3A_1427] {strides = array<i32>} : memref<32768xf32, #tpu.memory_space<vmem>>, vector<16xf32>,
        %parallel_loop3A_1429 = math.exp %parallel_loop3A_1428 : vector<16xf32>
        %parallel_loop3A_1430 = arith.constant 128 : i32
        %parallel_loop3A_1431 = arith.muli %parallel_loop3A_1401, %parallel_loop3A_1430 : i32
        %parallel_loop3A_1432 = arith.constant 64 : i32
        %parallel_loop3A_1433 = arith.addi %parallel_loop3A_1431, %parallel_loop3A_1432 : i32
        %parallel_loop3A_1434 = arith.index_cast %parallel_loop3A_1433 : i32 to index
        %parallel_loop3A_1435 = tpu.vector_load %arg5[%parallel_loop3A_1434] {strides = array<i32>} : memref<32768xf32, #tpu.memory_space<vmem>>, vector<16xf32>,
        %parallel_loop3A_1436 = math.exp %parallel_loop3A_1435 : vector<16xf32>
        %parallel_loop3A_1437 = arith.constant 128 : i32
        %parallel_loop3A_1438 = arith.muli %parallel_loop3A_1401, %parallel_loop3A_1437 : i32
        %parallel_loop3A_1439 = arith.constant 80 : i32
        %parallel_loop3A_1440 = arith.addi %parallel_loop3A_1438, %parallel_loop3A_1439 : i32
        %parallel_loop3A_1441 = arith.index_cast %parallel_loop3A_1440 : i32 to index
        %parallel_loop3A_1442 = tpu.vector_load %arg5[%parallel_loop3A_1441] {strides = array<i32>} : memref<32768xf32, #tpu.memory_space<vmem>>, vector<16xf32>,
        %parallel_loop3A_1443 = math.exp %parallel_loop3A_1442 : vector<16xf32>
        %parallel_loop3A_1444 = arith.constant 128 : i32
        %parallel_loop3A_1445 = arith.muli %parallel_loop3A_1401, %parallel_loop3A_1444 : i32
        %parallel_loop3A_1446 = arith.constant 96 : i32
        %parallel_loop3A_1447 = arith.addi %parallel_loop3A_1445, %parallel_loop3A_1446 : i32
        %parallel_loop3A_1448 = arith.index_cast %parallel_loop3A_1447 : i32 to index
        %parallel_loop3A_1449 = tpu.vector_load %arg5[%parallel_loop3A_1448] {strides = array<i32>} : memref<32768xf32, #tpu.memory_space<vmem>>, vector<16xf32>,
        %parallel_loop3A_1450 = math.exp %parallel_loop3A_1449 : vector<16xf32>
        %parallel_loop3A_1451 = arith.constant 128 : i32
        %parallel_loop3A_1452 = arith.muli %parallel_loop3A_1401, %parallel_loop3A_1451 : i32
        %parallel_loop3A_1453 = arith.constant 112 : i32
        %parallel_loop3A_1454 = arith.addi %parallel_loop3A_1452, %parallel_loop3A_1453 : i32
        %parallel_loop3A_1455 = arith.index_cast %parallel_loop3A_1454 : i32 to index
        %parallel_loop3A_1456 = tpu.vector_load %arg5[%parallel_loop3A_1455] {strides = array<i32>} : memref<32768xf32, #tpu.memory_space<vmem>>, vector<16xf32>,
        %parallel_loop3A_1457 = math.exp %parallel_loop3A_1456 : vector<16xf32>
        %parallel_loop3A_1458 = arith.maximumf %parallel_loop3A_1408, %parallel_loop3A_1415 : vector<16xf32>
        %parallel_loop3A_1459 = arith.minimumf %parallel_loop3A_1408, %parallel_loop3A_1415 : vector<16xf32>
        %parallel_loop3A_1460 = arith.addf %parallel_loop3A_1408, %parallel_loop3A_1415 : vector<16xf32>
        %parallel_loop3A_1461 = arith.minimumf %parallel_loop3A_1458, %parallel_loop3A_1422 : vector<16xf32>
        %parallel_loop3A_1462 = arith.maximumf %parallel_loop3A_1459, %parallel_loop3A_1461 : vector<16xf32>
        %parallel_loop3A_1463 = arith.maximumf %parallel_loop3A_1458, %parallel_loop3A_1422 : vector<16xf32>
        %parallel_loop3A_1464 = arith.addf %parallel_loop3A_1460, %parallel_loop3A_1422 : vector<16xf32>
        %parallel_loop3A_1465 = arith.minimumf %parallel_loop3A_1463, %parallel_loop3A_1429 : vector<16xf32>
        %parallel_loop3A_1466 = arith.maximumf %parallel_loop3A_1462, %parallel_loop3A_1465 : vector<16xf32>
        %parallel_loop3A_1467 = arith.maximumf %parallel_loop3A_1463, %parallel_loop3A_1429 : vector<16xf32>
        %parallel_loop3A_1468 = arith.addf %parallel_loop3A_1464, %parallel_loop3A_1429 : vector<16xf32>
        %parallel_loop3A_1469 = arith.minimumf %parallel_loop3A_1467, %parallel_loop3A_1436 : vector<16xf32>
        %parallel_loop3A_1470 = arith.maximumf %parallel_loop3A_1466, %parallel_loop3A_1469 : vector<16xf32>
        %parallel_loop3A_1471 = arith.maximumf %parallel_loop3A_1467, %parallel_loop3A_1436 : vector<16xf32>
        %parallel_loop3A_1472 = arith.addf %parallel_loop3A_1468, %parallel_loop3A_1436 : vector<16xf32>
        %parallel_loop3A_1473 = arith.minimumf %parallel_loop3A_1471, %parallel_loop3A_1443 : vector<16xf32>
        %parallel_loop3A_1474 = arith.maximumf %parallel_loop3A_1470, %parallel_loop3A_1473 : vector<16xf32>
        %parallel_loop3A_1475 = arith.maximumf %parallel_loop3A_1471, %parallel_loop3A_1443 : vector<16xf32>
        %parallel_loop3A_1476 = arith.addf %parallel_loop3A_1472, %parallel_loop3A_1443 : vector<16xf32>
        %parallel_loop3A_1477 = arith.minimumf %parallel_loop3A_1475, %parallel_loop3A_1450 : vector<16xf32>
        %parallel_loop3A_1478 = arith.maximumf %parallel_loop3A_1474, %parallel_loop3A_1477 : vector<16xf32>
        %parallel_loop3A_1479 = arith.maximumf %parallel_loop3A_1475, %parallel_loop3A_1450 : vector<16xf32>
        %parallel_loop3A_1480 = arith.addf %parallel_loop3A_1476, %parallel_loop3A_1450 : vector<16xf32>
        %parallel_loop3A_1481 = arith.minimumf %parallel_loop3A_1479, %parallel_loop3A_1457 : vector<16xf32>
        %parallel_loop3A_1482 = arith.maximumf %parallel_loop3A_1478, %parallel_loop3A_1481 : vector<16xf32>
        %parallel_loop3A_1483 = arith.maximumf %parallel_loop3A_1479, %parallel_loop3A_1457 : vector<16xf32>
        %parallel_loop3A_1484 = arith.addf %parallel_loop3A_1480, %parallel_loop3A_1457 : vector<16xf32>
        %parallel_loop3A_1485 = arith.constant dense<true> : vector<16xi1>
        %parallel_loop3A_1486, %parallel_loop3A_1487, %parallel_loop3A_1488 = tpu.sort %parallel_loop3A_1483, %parallel_loop3A_1482 masked %parallel_loop3A_1485 {descending = true} : (vector<16xf32>, vector<16xf32>, vector<16xi1>) -> (vector<16xi1>, vector<16xf32>, vector<16xf32>)
        %parallel_loop3A_1489 = vector.shape_cast %broadcast_in_dim3A_14 : vector<16xi32> to vector<16x1xi32>
        %parallel_loop3A_1490 = vector.shape_cast %parallel_loop3A_1489 : vector<16x1xi32> to vector<16xi32>
        %parallel_loop3A_1491 = tpu.dynamic_gather %parallel_loop3A_1487[%parallel_loop3A_1490] in [0] : vector<16xf32>, vector<16xi32> -> vector<16xf32>
        %parallel_loop3A_1492 = vector.shape_cast %broadcast_in_dim3A_16 : vector<16xi32> to vector<16x1xi32>
        %parallel_loop3A_1493 = vector.shape_cast %parallel_loop3A_1492 : vector<16x1xi32> to vector<16xi32>
        %parallel_loop3A_1494 = tpu.dynamic_gather %parallel_loop3A_1487[%parallel_loop3A_1493] in [0] : vector<16xf32>, vector<16xi32> -> vector<16xf32>
        %parallel_loop3A_1495 = vector.shape_cast %broadcast_in_dim3A_14 : vector<16xi32> to vector<16x1xi32>
        %parallel_loop3A_1496 = vector.shape_cast %parallel_loop3A_1495 : vector<16x1xi32> to vector<16xi32>
        %parallel_loop3A_1497 = tpu.dynamic_gather %parallel_loop3A_1488[%parallel_loop3A_1496] in [0] : vector<16xf32>, vector<16xi32> -> vector<16xf32>
        %parallel_loop3A_1498 = arith.maximumf %parallel_loop3A_1494, %parallel_loop3A_1497 : vector<16xf32>
        %parallel_loop3A_1499 = arith.constant true
        %parallel_loop3A_1500 = vector.broadcast %parallel_loop3A_1499 : i1 to vector<16xi1>
        %parallel_loop3A_1501 = tpu.scan <sum>, %parallel_loop3A_1484 masked %parallel_loop3A_1500 : vector<16xf32>, vector<16xi1> -> vector<16xf32>
        %parallel_loop3A_1502 = vector.shape_cast %broadcast_in_dim3A_18 : vector<16xi32> to vector<16x1xi32>
        %parallel_loop3A_1503 = vector.shape_cast %parallel_loop3A_1502 : vector<16x1xi32> to vector<16xi32>
        %parallel_loop3A_1504 = tpu.dynamic_gather %parallel_loop3A_1501[%parallel_loop3A_1503] in [0] : vector<16xf32>, vector<16xi32> -> vector<16xf32>
        %parallel_loop3A_1505 = arith.constant 12 : i32
        %parallel_loop3A_1506 = vector.broadcast %parallel_loop3A_1505 : i32 to vector<16xi32>
        %parallel_loop3A_1507 = arith.cmpi eq, %iota3A, %parallel_loop3A_1506 : vector<16xi32>
        %parallel_loop3A_1508 = arith.select %parallel_loop3A_1507, %parallel_loop3A_1491, %parallel_loop3A_1397 : vector<16xi1>, vector<16xf32>
        %parallel_loop3A_1509 = arith.select %parallel_loop3A_1507, %parallel_loop3A_1498, %parallel_loop3A_1398 : vector<16xi1>, vector<16xf32>
        %parallel_loop3A_1510 = arith.select %parallel_loop3A_1507, %parallel_loop3A_1504, %parallel_loop3A_1399 : vector<16xi1>, vector<16xf32>
        %parallel_loop3A_1511 = arith.constant 13 : i32
        %parallel_loop3A_1512 = arith.addi %parallel_loop3A_61, %parallel_loop3A_1511 : i32
        %parallel_loop3A_1513 = arith.constant 128 : i32
        %parallel_loop3A_1514 = arith.muli %parallel_loop3A_1512, %parallel_loop3A_1513 : i32
        %parallel_loop3A_1515 = arith.constant 0 : i32
        %parallel_loop3A_1516 = arith.addi %parallel_loop3A_1514, %parallel_loop3A_1515 : i32
        %parallel_loop3A_1517 = arith.index_cast %parallel_loop3A_1516 : i32 to index
        %parallel_loop3A_1518 = tpu.vector_load %arg5[%parallel_loop3A_1517] {strides = array<i32>} : memref<32768xf32, #tpu.memory_space<vmem>>, vector<16xf32>,
        %parallel_loop3A_1519 = math.exp %parallel_loop3A_1518 : vector<16xf32>
        %parallel_loop3A_1520 = arith.constant 128 : i32
        %parallel_loop3A_1521 = arith.muli %parallel_loop3A_1512, %parallel_loop3A_1520 : i32
        %parallel_loop3A_1522 = arith.constant 16 : i32
        %parallel_loop3A_1523 = arith.addi %parallel_loop3A_1521, %parallel_loop3A_1522 : i32
        %parallel_loop3A_1524 = arith.index_cast %parallel_loop3A_1523 : i32 to index
        %parallel_loop3A_1525 = tpu.vector_load %arg5[%parallel_loop3A_1524] {strides = array<i32>} : memref<32768xf32, #tpu.memory_space<vmem>>, vector<16xf32>,
        %parallel_loop3A_1526 = math.exp %parallel_loop3A_1525 : vector<16xf32>
        %parallel_loop3A_1527 = arith.constant 128 : i32
        %parallel_loop3A_1528 = arith.muli %parallel_loop3A_1512, %parallel_loop3A_1527 : i32
        %parallel_loop3A_1529 = arith.constant 32 : i32
        %parallel_loop3A_1530 = arith.addi %parallel_loop3A_1528, %parallel_loop3A_1529 : i32
        %parallel_loop3A_1531 = arith.index_cast %parallel_loop3A_1530 : i32 to index
        %parallel_loop3A_1532 = tpu.vector_load %arg5[%parallel_loop3A_1531] {strides = array<i32>} : memref<32768xf32, #tpu.memory_space<vmem>>, vector<16xf32>,
        %parallel_loop3A_1533 = math.exp %parallel_loop3A_1532 : vector<16xf32>
        %parallel_loop3A_1534 = arith.constant 128 : i32
        %parallel_loop3A_1535 = arith.muli %parallel_loop3A_1512, %parallel_loop3A_1534 : i32
        %parallel_loop3A_1536 = arith.constant 48 : i32
        %parallel_loop3A_1537 = arith.addi %parallel_loop3A_1535, %parallel_loop3A_1536 : i32
        %parallel_loop3A_1538 = arith.index_cast %parallel_loop3A_1537 : i32 to index
        %parallel_loop3A_1539 = tpu.vector_load %arg5[%parallel_loop3A_1538] {strides = array<i32>} : memref<32768xf32, #tpu.memory_space<vmem>>, vector<16xf32>,
        %parallel_loop3A_1540 = math.exp %parallel_loop3A_1539 : vector<16xf32>
        %parallel_loop3A_1541 = arith.constant 128 : i32
        %parallel_loop3A_1542 = arith.muli %parallel_loop3A_1512, %parallel_loop3A_1541 : i32
        %parallel_loop3A_1543 = arith.constant 64 : i32
        %parallel_loop3A_1544 = arith.addi %parallel_loop3A_1542, %parallel_loop3A_1543 : i32
        %parallel_loop3A_1545 = arith.index_cast %parallel_loop3A_1544 : i32 to index
        %parallel_loop3A_1546 = tpu.vector_load %arg5[%parallel_loop3A_1545] {strides = array<i32>} : memref<32768xf32, #tpu.memory_space<vmem>>, vector<16xf32>,
        %parallel_loop3A_1547 = math.exp %parallel_loop3A_1546 : vector<16xf32>
        %parallel_loop3A_1548 = arith.constant 128 : i32
        %parallel_loop3A_1549 = arith.muli %parallel_loop3A_1512, %parallel_loop3A_1548 : i32
        %parallel_loop3A_1550 = arith.constant 80 : i32
        %parallel_loop3A_1551 = arith.addi %parallel_loop3A_1549, %parallel_loop3A_1550 : i32
        %parallel_loop3A_1552 = arith.index_cast %parallel_loop3A_1551 : i32 to index
        %parallel_loop3A_1553 = tpu.vector_load %arg5[%parallel_loop3A_1552] {strides = array<i32>} : memref<32768xf32, #tpu.memory_space<vmem>>, vector<16xf32>,
        %parallel_loop3A_1554 = math.exp %parallel_loop3A_1553 : vector<16xf32>
        %parallel_loop3A_1555 = arith.constant 128 : i32
        %parallel_loop3A_1556 = arith.muli %parallel_loop3A_1512, %parallel_loop3A_1555 : i32
        %parallel_loop3A_1557 = arith.constant 96 : i32
        %parallel_loop3A_1558 = arith.addi %parallel_loop3A_1556, %parallel_loop3A_1557 : i32
        %parallel_loop3A_1559 = arith.index_cast %parallel_loop3A_1558 : i32 to index
        %parallel_loop3A_1560 = tpu.vector_load %arg5[%parallel_loop3A_1559] {strides = array<i32>} : memref<32768xf32, #tpu.memory_space<vmem>>, vector<16xf32>,
        %parallel_loop3A_1561 = math.exp %parallel_loop3A_1560 : vector<16xf32>
        %parallel_loop3A_1562 = arith.constant 128 : i32
        %parallel_loop3A_1563 = arith.muli %parallel_loop3A_1512, %parallel_loop3A_1562 : i32
        %parallel_loop3A_1564 = arith.constant 112 : i32
        %parallel_loop3A_1565 = arith.addi %parallel_loop3A_1563, %parallel_loop3A_1564 : i32
        %parallel_loop3A_1566 = arith.index_cast %parallel_loop3A_1565 : i32 to index
        %parallel_loop3A_1567 = tpu.vector_load %arg5[%parallel_loop3A_1566] {strides = array<i32>} : memref<32768xf32, #tpu.memory_space<vmem>>, vector<16xf32>,
        %parallel_loop3A_1568 = math.exp %parallel_loop3A_1567 : vector<16xf32>
        %parallel_loop3A_1569 = arith.maximumf %parallel_loop3A_1519, %parallel_loop3A_1526 : vector<16xf32>
        %parallel_loop3A_1570 = arith.minimumf %parallel_loop3A_1519, %parallel_loop3A_1526 : vector<16xf32>
        %parallel_loop3A_1571 = arith.addf %parallel_loop3A_1519, %parallel_loop3A_1526 : vector<16xf32>
        %parallel_loop3A_1572 = arith.minimumf %parallel_loop3A_1569, %parallel_loop3A_1533 : vector<16xf32>
        %parallel_loop3A_1573 = arith.maximumf %parallel_loop3A_1570, %parallel_loop3A_1572 : vector<16xf32>
        %parallel_loop3A_1574 = arith.maximumf %parallel_loop3A_1569, %parallel_loop3A_1533 : vector<16xf32>
        %parallel_loop3A_1575 = arith.addf %parallel_loop3A_1571, %parallel_loop3A_1533 : vector<16xf32>
        %parallel_loop3A_1576 = arith.minimumf %parallel_loop3A_1574, %parallel_loop3A_1540 : vector<16xf32>
        %parallel_loop3A_1577 = arith.maximumf %parallel_loop3A_1573, %parallel_loop3A_1576 : vector<16xf32>
        %parallel_loop3A_1578 = arith.maximumf %parallel_loop3A_1574, %parallel_loop3A_1540 : vector<16xf32>
        %parallel_loop3A_1579 = arith.addf %parallel_loop3A_1575, %parallel_loop3A_1540 : vector<16xf32>
        %parallel_loop3A_1580 = arith.minimumf %parallel_loop3A_1578, %parallel_loop3A_1547 : vector<16xf32>
        %parallel_loop3A_1581 = arith.maximumf %parallel_loop3A_1577, %parallel_loop3A_1580 : vector<16xf32>
        %parallel_loop3A_1582 = arith.maximumf %parallel_loop3A_1578, %parallel_loop3A_1547 : vector<16xf32>
        %parallel_loop3A_1583 = arith.addf %parallel_loop3A_1579, %parallel_loop3A_1547 : vector<16xf32>
        %parallel_loop3A_1584 = arith.minimumf %parallel_loop3A_1582, %parallel_loop3A_1554 : vector<16xf32>
        %parallel_loop3A_1585 = arith.maximumf %parallel_loop3A_1581, %parallel_loop3A_1584 : vector<16xf32>
        %parallel_loop3A_1586 = arith.maximumf %parallel_loop3A_1582, %parallel_loop3A_1554 : vector<16xf32>
        %parallel_loop3A_1587 = arith.addf %parallel_loop3A_1583, %parallel_loop3A_1554 : vector<16xf32>
        %parallel_loop3A_1588 = arith.minimumf %parallel_loop3A_1586, %parallel_loop3A_1561 : vector<16xf32>
        %parallel_loop3A_1589 = arith.maximumf %parallel_loop3A_1585, %parallel_loop3A_1588 : vector<16xf32>
        %parallel_loop3A_1590 = arith.maximumf %parallel_loop3A_1586, %parallel_loop3A_1561 : vector<16xf32>
        %parallel_loop3A_1591 = arith.addf %parallel_loop3A_1587, %parallel_loop3A_1561 : vector<16xf32>
        %parallel_loop3A_1592 = arith.minimumf %parallel_loop3A_1590, %parallel_loop3A_1568 : vector<16xf32>
        %parallel_loop3A_1593 = arith.maximumf %parallel_loop3A_1589, %parallel_loop3A_1592 : vector<16xf32>
        %parallel_loop3A_1594 = arith.maximumf %parallel_loop3A_1590, %parallel_loop3A_1568 : vector<16xf32>
        %parallel_loop3A_1595 = arith.addf %parallel_loop3A_1591, %parallel_loop3A_1568 : vector<16xf32>
        %parallel_loop3A_1596 = arith.constant dense<true> : vector<16xi1>
        %parallel_loop3A_1597, %parallel_loop3A_1598, %parallel_loop3A_1599 = tpu.sort %parallel_loop3A_1594, %parallel_loop3A_1593 masked %parallel_loop3A_1596 {descending = true} : (vector<16xf32>, vector<16xf32>, vector<16xi1>) -> (vector<16xi1>, vector<16xf32>, vector<16xf32>)
        %parallel_loop3A_1600 = vector.shape_cast %broadcast_in_dim3A_14 : vector<16xi32> to vector<16x1xi32>
        %parallel_loop3A_1601 = vector.shape_cast %parallel_loop3A_1600 : vector<16x1xi32> to vector<16xi32>
        %parallel_loop3A_1602 = tpu.dynamic_gather %parallel_loop3A_1598[%parallel_loop3A_1601] in [0] : vector<16xf32>, vector<16xi32> -> vector<16xf32>
        %parallel_loop3A_1603 = vector.shape_cast %broadcast_in_dim3A_16 : vector<16xi32> to vector<16x1xi32>
        %parallel_loop3A_1604 = vector.shape_cast %parallel_loop3A_1603 : vector<16x1xi32> to vector<16xi32>
        %parallel_loop3A_1605 = tpu.dynamic_gather %parallel_loop3A_1598[%parallel_loop3A_1604] in [0] : vector<16xf32>, vector<16xi32> -> vector<16xf32>
        %parallel_loop3A_1606 = vector.shape_cast %broadcast_in_dim3A_14 : vector<16xi32> to vector<16x1xi32>
        %parallel_loop3A_1607 = vector.shape_cast %parallel_loop3A_1606 : vector<16x1xi32> to vector<16xi32>
        %parallel_loop3A_1608 = tpu.dynamic_gather %parallel_loop3A_1599[%parallel_loop3A_1607] in [0] : vector<16xf32>, vector<16xi32> -> vector<16xf32>
        %parallel_loop3A_1609 = arith.maximumf %parallel_loop3A_1605, %parallel_loop3A_1608 : vector<16xf32>
        %parallel_loop3A_1610 = arith.constant true
        %parallel_loop3A_1611 = vector.broadcast %parallel_loop3A_1610 : i1 to vector<16xi1>
        %parallel_loop3A_1612 = tpu.scan <sum>, %parallel_loop3A_1595 masked %parallel_loop3A_1611 : vector<16xf32>, vector<16xi1> -> vector<16xf32>
        %parallel_loop3A_1613 = vector.shape_cast %broadcast_in_dim3A_18 : vector<16xi32> to vector<16x1xi32>
        %parallel_loop3A_1614 = vector.shape_cast %parallel_loop3A_1613 : vector<16x1xi32> to vector<16xi32>
        %parallel_loop3A_1615 = tpu.dynamic_gather %parallel_loop3A_1612[%parallel_loop3A_1614] in [0] : vector<16xf32>, vector<16xi32> -> vector<16xf32>
        %parallel_loop3A_1616 = arith.constant 13 : i32
        %parallel_loop3A_1617 = vector.broadcast %parallel_loop3A_1616 : i32 to vector<16xi32>
        %parallel_loop3A_1618 = arith.cmpi eq, %iota3A, %parallel_loop3A_1617 : vector<16xi32>
        %parallel_loop3A_1619 = arith.select %parallel_loop3A_1618, %parallel_loop3A_1602, %parallel_loop3A_1508 : vector<16xi1>, vector<16xf32>
        %parallel_loop3A_1620 = arith.select %parallel_loop3A_1618, %parallel_loop3A_1609, %parallel_loop3A_1509 : vector<16xi1>, vector<16xf32>
        %parallel_loop3A_1621 = arith.select %parallel_loop3A_1618, %parallel_loop3A_1615, %parallel_loop3A_1510 : vector<16xi1>, vector<16xf32>
        %parallel_loop3A_1622 = arith.constant 14 : i32
        %parallel_loop3A_1623 = arith.addi %parallel_loop3A_61, %parallel_loop3A_1622 : i32
        %parallel_loop3A_1624 = arith.constant 128 : i32
        %parallel_loop3A_1625 = arith.muli %parallel_loop3A_1623, %parallel_loop3A_1624 : i32
        %parallel_loop3A_1626 = arith.constant 0 : i32
        %parallel_loop3A_1627 = arith.addi %parallel_loop3A_1625, %parallel_loop3A_1626 : i32
        %parallel_loop3A_1628 = arith.index_cast %parallel_loop3A_1627 : i32 to index
        %parallel_loop3A_1629 = tpu.vector_load %arg5[%parallel_loop3A_1628] {strides = array<i32>} : memref<32768xf32, #tpu.memory_space<vmem>>, vector<16xf32>,
        %parallel_loop3A_1630 = math.exp %parallel_loop3A_1629 : vector<16xf32>
        %parallel_loop3A_1631 = arith.constant 128 : i32
        %parallel_loop3A_1632 = arith.muli %parallel_loop3A_1623, %parallel_loop3A_1631 : i32
        %parallel_loop3A_1633 = arith.constant 16 : i32
        %parallel_loop3A_1634 = arith.addi %parallel_loop3A_1632, %parallel_loop3A_1633 : i32
        %parallel_loop3A_1635 = arith.index_cast %parallel_loop3A_1634 : i32 to index
        %parallel_loop3A_1636 = tpu.vector_load %arg5[%parallel_loop3A_1635] {strides = array<i32>} : memref<32768xf32, #tpu.memory_space<vmem>>, vector<16xf32>,
        %parallel_loop3A_1637 = math.exp %parallel_loop3A_1636 : vector<16xf32>
        %parallel_loop3A_1638 = arith.constant 128 : i32
        %parallel_loop3A_1639 = arith.muli %parallel_loop3A_1623, %parallel_loop3A_1638 : i32
        %parallel_loop3A_1640 = arith.constant 32 : i32
        %parallel_loop3A_1641 = arith.addi %parallel_loop3A_1639, %parallel_loop3A_1640 : i32
        %parallel_loop3A_1642 = arith.index_cast %parallel_loop3A_1641 : i32 to index
        %parallel_loop3A_1643 = tpu.vector_load %arg5[%parallel_loop3A_1642] {strides = array<i32>} : memref<32768xf32, #tpu.memory_space<vmem>>, vector<16xf32>,
        %parallel_loop3A_1644 = math.exp %parallel_loop3A_1643 : vector<16xf32>
        %parallel_loop3A_1645 = arith.constant 128 : i32
        %parallel_loop3A_1646 = arith.muli %parallel_loop3A_1623, %parallel_loop3A_1645 : i32
        %parallel_loop3A_1647 = arith.constant 48 : i32
        %parallel_loop3A_1648 = arith.addi %parallel_loop3A_1646, %parallel_loop3A_1647 : i32
        %parallel_loop3A_1649 = arith.index_cast %parallel_loop3A_1648 : i32 to index
        %parallel_loop3A_1650 = tpu.vector_load %arg5[%parallel_loop3A_1649] {strides = array<i32>} : memref<32768xf32, #tpu.memory_space<vmem>>, vector<16xf32>,
        %parallel_loop3A_1651 = math.exp %parallel_loop3A_1650 : vector<16xf32>
        %parallel_loop3A_1652 = arith.constant 128 : i32
        %parallel_loop3A_1653 = arith.muli %parallel_loop3A_1623, %parallel_loop3A_1652 : i32
        %parallel_loop3A_1654 = arith.constant 64 : i32
        %parallel_loop3A_1655 = arith.addi %parallel_loop3A_1653, %parallel_loop3A_1654 : i32
        %parallel_loop3A_1656 = arith.index_cast %parallel_loop3A_1655 : i32 to index
        %parallel_loop3A_1657 = tpu.vector_load %arg5[%parallel_loop3A_1656] {strides = array<i32>} : memref<32768xf32, #tpu.memory_space<vmem>>, vector<16xf32>,
        %parallel_loop3A_1658 = math.exp %parallel_loop3A_1657 : vector<16xf32>
        %parallel_loop3A_1659 = arith.constant 128 : i32
        %parallel_loop3A_1660 = arith.muli %parallel_loop3A_1623, %parallel_loop3A_1659 : i32
        %parallel_loop3A_1661 = arith.constant 80 : i32
        %parallel_loop3A_1662 = arith.addi %parallel_loop3A_1660, %parallel_loop3A_1661 : i32
        %parallel_loop3A_1663 = arith.index_cast %parallel_loop3A_1662 : i32 to index
        %parallel_loop3A_1664 = tpu.vector_load %arg5[%parallel_loop3A_1663] {strides = array<i32>} : memref<32768xf32, #tpu.memory_space<vmem>>, vector<16xf32>,
        %parallel_loop3A_1665 = math.exp %parallel_loop3A_1664 : vector<16xf32>
        %parallel_loop3A_1666 = arith.constant 128 : i32
        %parallel_loop3A_1667 = arith.muli %parallel_loop3A_1623, %parallel_loop3A_1666 : i32
        %parallel_loop3A_1668 = arith.constant 96 : i32
        %parallel_loop3A_1669 = arith.addi %parallel_loop3A_1667, %parallel_loop3A_1668 : i32
        %parallel_loop3A_1670 = arith.index_cast %parallel_loop3A_1669 : i32 to index
        %parallel_loop3A_1671 = tpu.vector_load %arg5[%parallel_loop3A_1670] {strides = array<i32>} : memref<32768xf32, #tpu.memory_space<vmem>>, vector<16xf32>,
        %parallel_loop3A_1672 = math.exp %parallel_loop3A_1671 : vector<16xf32>
        %parallel_loop3A_1673 = arith.constant 128 : i32
        %parallel_loop3A_1674 = arith.muli %parallel_loop3A_1623, %parallel_loop3A_1673 : i32
        %parallel_loop3A_1675 = arith.constant 112 : i32
        %parallel_loop3A_1676 = arith.addi %parallel_loop3A_1674, %parallel_loop3A_1675 : i32
        %parallel_loop3A_1677 = arith.index_cast %parallel_loop3A_1676 : i32 to index
        %parallel_loop3A_1678 = tpu.vector_load %arg5[%parallel_loop3A_1677] {strides = array<i32>} : memref<32768xf32, #tpu.memory_space<vmem>>, vector<16xf32>,
        %parallel_loop3A_1679 = math.exp %parallel_loop3A_1678 : vector<16xf32>
        %parallel_loop3A_1680 = arith.maximumf %parallel_loop3A_1630, %parallel_loop3A_1637 : vector<16xf32>
        %parallel_loop3A_1681 = arith.minimumf %parallel_loop3A_1630, %parallel_loop3A_1637 : vector<16xf32>
        %parallel_loop3A_1682 = arith.addf %parallel_loop3A_1630, %parallel_loop3A_1637 : vector<16xf32>
        %parallel_loop3A_1683 = arith.minimumf %parallel_loop3A_1680, %parallel_loop3A_1644 : vector<16xf32>
        %parallel_loop3A_1684 = arith.maximumf %parallel_loop3A_1681, %parallel_loop3A_1683 : vector<16xf32>
        %parallel_loop3A_1685 = arith.maximumf %parallel_loop3A_1680, %parallel_loop3A_1644 : vector<16xf32>
        %parallel_loop3A_1686 = arith.addf %parallel_loop3A_1682, %parallel_loop3A_1644 : vector<16xf32>
        %parallel_loop3A_1687 = arith.minimumf %parallel_loop3A_1685, %parallel_loop3A_1651 : vector<16xf32>
        %parallel_loop3A_1688 = arith.maximumf %parallel_loop3A_1684, %parallel_loop3A_1687 : vector<16xf32>
        %parallel_loop3A_1689 = arith.maximumf %parallel_loop3A_1685, %parallel_loop3A_1651 : vector<16xf32>
        %parallel_loop3A_1690 = arith.addf %parallel_loop3A_1686, %parallel_loop3A_1651 : vector<16xf32>
        %parallel_loop3A_1691 = arith.minimumf %parallel_loop3A_1689, %parallel_loop3A_1658 : vector<16xf32>
        %parallel_loop3A_1692 = arith.maximumf %parallel_loop3A_1688, %parallel_loop3A_1691 : vector<16xf32>
        %parallel_loop3A_1693 = arith.maximumf %parallel_loop3A_1689, %parallel_loop3A_1658 : vector<16xf32>
        %parallel_loop3A_1694 = arith.addf %parallel_loop3A_1690, %parallel_loop3A_1658 : vector<16xf32>
        %parallel_loop3A_1695 = arith.minimumf %parallel_loop3A_1693, %parallel_loop3A_1665 : vector<16xf32>
        %parallel_loop3A_1696 = arith.maximumf %parallel_loop3A_1692, %parallel_loop3A_1695 : vector<16xf32>
        %parallel_loop3A_1697 = arith.maximumf %parallel_loop3A_1693, %parallel_loop3A_1665 : vector<16xf32>
        %parallel_loop3A_1698 = arith.addf %parallel_loop3A_1694, %parallel_loop3A_1665 : vector<16xf32>
        %parallel_loop3A_1699 = arith.minimumf %parallel_loop3A_1697, %parallel_loop3A_1672 : vector<16xf32>
        %parallel_loop3A_1700 = arith.maximumf %parallel_loop3A_1696, %parallel_loop3A_1699 : vector<16xf32>
        %parallel_loop3A_1701 = arith.maximumf %parallel_loop3A_1697, %parallel_loop3A_1672 : vector<16xf32>
        %parallel_loop3A_1702 = arith.addf %parallel_loop3A_1698, %parallel_loop3A_1672 : vector<16xf32>
        %parallel_loop3A_1703 = arith.minimumf %parallel_loop3A_1701, %parallel_loop3A_1679 : vector<16xf32>
        %parallel_loop3A_1704 = arith.maximumf %parallel_loop3A_1700, %parallel_loop3A_1703 : vector<16xf32>
        %parallel_loop3A_1705 = arith.maximumf %parallel_loop3A_1701, %parallel_loop3A_1679 : vector<16xf32>
        %parallel_loop3A_1706 = arith.addf %parallel_loop3A_1702, %parallel_loop3A_1679 : vector<16xf32>
        %parallel_loop3A_1707 = arith.constant dense<true> : vector<16xi1>
        %parallel_loop3A_1708, %parallel_loop3A_1709, %parallel_loop3A_1710 = tpu.sort %parallel_loop3A_1705, %parallel_loop3A_1704 masked %parallel_loop3A_1707 {descending = true} : (vector<16xf32>, vector<16xf32>, vector<16xi1>) -> (vector<16xi1>, vector<16xf32>, vector<16xf32>)
        %parallel_loop3A_1711 = vector.shape_cast %broadcast_in_dim3A_14 : vector<16xi32> to vector<16x1xi32>
        %parallel_loop3A_1712 = vector.shape_cast %parallel_loop3A_1711 : vector<16x1xi32> to vector<16xi32>
        %parallel_loop3A_1713 = tpu.dynamic_gather %parallel_loop3A_1709[%parallel_loop3A_1712] in [0] : vector<16xf32>, vector<16xi32> -> vector<16xf32>
        %parallel_loop3A_1714 = vector.shape_cast %broadcast_in_dim3A_16 : vector<16xi32> to vector<16x1xi32>
        %parallel_loop3A_1715 = vector.shape_cast %parallel_loop3A_1714 : vector<16x1xi32> to vector<16xi32>
        %parallel_loop3A_1716 = tpu.dynamic_gather %parallel_loop3A_1709[%parallel_loop3A_1715] in [0] : vector<16xf32>, vector<16xi32> -> vector<16xf32>
        %parallel_loop3A_1717 = vector.shape_cast %broadcast_in_dim3A_14 : vector<16xi32> to vector<16x1xi32>
        %parallel_loop3A_1718 = vector.shape_cast %parallel_loop3A_1717 : vector<16x1xi32> to vector<16xi32>
        %parallel_loop3A_1719 = tpu.dynamic_gather %parallel_loop3A_1710[%parallel_loop3A_1718] in [0] : vector<16xf32>, vector<16xi32> -> vector<16xf32>
        %parallel_loop3A_1720 = arith.maximumf %parallel_loop3A_1716, %parallel_loop3A_1719 : vector<16xf32>
        %parallel_loop3A_1721 = arith.constant true
        %parallel_loop3A_1722 = vector.broadcast %parallel_loop3A_1721 : i1 to vector<16xi1>
        %parallel_loop3A_1723 = tpu.scan <sum>, %parallel_loop3A_1706 masked %parallel_loop3A_1722 : vector<16xf32>, vector<16xi1> -> vector<16xf32>
        %parallel_loop3A_1724 = vector.shape_cast %broadcast_in_dim3A_18 : vector<16xi32> to vector<16x1xi32>
        %parallel_loop3A_1725 = vector.shape_cast %parallel_loop3A_1724 : vector<16x1xi32> to vector<16xi32>
        %parallel_loop3A_1726 = tpu.dynamic_gather %parallel_loop3A_1723[%parallel_loop3A_1725] in [0] : vector<16xf32>, vector<16xi32> -> vector<16xf32>
        %parallel_loop3A_1727 = arith.constant 14 : i32
        %parallel_loop3A_1728 = vector.broadcast %parallel_loop3A_1727 : i32 to vector<16xi32>
        %parallel_loop3A_1729 = arith.cmpi eq, %iota3A, %parallel_loop3A_1728 : vector<16xi32>
        %parallel_loop3A_1730 = arith.select %parallel_loop3A_1729, %parallel_loop3A_1713, %parallel_loop3A_1619 : vector<16xi1>, vector<16xf32>
        %parallel_loop3A_1731 = arith.select %parallel_loop3A_1729, %parallel_loop3A_1720, %parallel_loop3A_1620 : vector<16xi1>, vector<16xf32>
        %parallel_loop3A_1732 = arith.select %parallel_loop3A_1729, %parallel_loop3A_1726, %parallel_loop3A_1621 : vector<16xi1>, vector<16xf32>
        %parallel_loop3A_1733 = arith.constant 15 : i32
        %parallel_loop3A_1734 = arith.addi %parallel_loop3A_61, %parallel_loop3A_1733 : i32
        %parallel_loop3A_1735 = arith.constant 128 : i32
        %parallel_loop3A_1736 = arith.muli %parallel_loop3A_1734, %parallel_loop3A_1735 : i32
        %parallel_loop3A_1737 = arith.constant 0 : i32
        %parallel_loop3A_1738 = arith.addi %parallel_loop3A_1736, %parallel_loop3A_1737 : i32
        %parallel_loop3A_1739 = arith.index_cast %parallel_loop3A_1738 : i32 to index
        %parallel_loop3A_1740 = tpu.vector_load %arg5[%parallel_loop3A_1739] {strides = array<i32>} : memref<32768xf32, #tpu.memory_space<vmem>>, vector<16xf32>,
        %parallel_loop3A_1741 = math.exp %parallel_loop3A_1740 : vector<16xf32>
        %parallel_loop3A_1742 = arith.constant 128 : i32
        %parallel_loop3A_1743 = arith.muli %parallel_loop3A_1734, %parallel_loop3A_1742 : i32
        %parallel_loop3A_1744 = arith.constant 16 : i32
        %parallel_loop3A_1745 = arith.addi %parallel_loop3A_1743, %parallel_loop3A_1744 : i32
        %parallel_loop3A_1746 = arith.index_cast %parallel_loop3A_1745 : i32 to index
        %parallel_loop3A_1747 = tpu.vector_load %arg5[%parallel_loop3A_1746] {strides = array<i32>} : memref<32768xf32, #tpu.memory_space<vmem>>, vector<16xf32>,
        %parallel_loop3A_1748 = math.exp %parallel_loop3A_1747 : vector<16xf32>
        %parallel_loop3A_1749 = arith.constant 128 : i32
        %parallel_loop3A_1750 = arith.muli %parallel_loop3A_1734, %parallel_loop3A_1749 : i32
        %parallel_loop3A_1751 = arith.constant 32 : i32
        %parallel_loop3A_1752 = arith.addi %parallel_loop3A_1750, %parallel_loop3A_1751 : i32
        %parallel_loop3A_1753 = arith.index_cast %parallel_loop3A_1752 : i32 to index
        %parallel_loop3A_1754 = tpu.vector_load %arg5[%parallel_loop3A_1753] {strides = array<i32>} : memref<32768xf32, #tpu.memory_space<vmem>>, vector<16xf32>,
        %parallel_loop3A_1755 = math.exp %parallel_loop3A_1754 : vector<16xf32>
        %parallel_loop3A_1756 = arith.constant 128 : i32
        %parallel_loop3A_1757 = arith.muli %parallel_loop3A_1734, %parallel_loop3A_1756 : i32
        %parallel_loop3A_1758 = arith.constant 48 : i32
        %parallel_loop3A_1759 = arith.addi %parallel_loop3A_1757, %parallel_loop3A_1758 : i32
        %parallel_loop3A_1760 = arith.index_cast %parallel_loop3A_1759 : i32 to index
        %parallel_loop3A_1761 = tpu.vector_load %arg5[%parallel_loop3A_1760] {strides = array<i32>} : memref<32768xf32, #tpu.memory_space<vmem>>, vector<16xf32>,
        %parallel_loop3A_1762 = math.exp %parallel_loop3A_1761 : vector<16xf32>
        %parallel_loop3A_1763 = arith.constant 128 : i32
        %parallel_loop3A_1764 = arith.muli %parallel_loop3A_1734, %parallel_loop3A_1763 : i32
        %parallel_loop3A_1765 = arith.constant 64 : i32
        %parallel_loop3A_1766 = arith.addi %parallel_loop3A_1764, %parallel_loop3A_1765 : i32
        %parallel_loop3A_1767 = arith.index_cast %parallel_loop3A_1766 : i32 to index
        %parallel_loop3A_1768 = tpu.vector_load %arg5[%parallel_loop3A_1767] {strides = array<i32>} : memref<32768xf32, #tpu.memory_space<vmem>>, vector<16xf32>,
        %parallel_loop3A_1769 = math.exp %parallel_loop3A_1768 : vector<16xf32>
        %parallel_loop3A_1770 = arith.constant 128 : i32
        %parallel_loop3A_1771 = arith.muli %parallel_loop3A_1734, %parallel_loop3A_1770 : i32
        %parallel_loop3A_1772 = arith.constant 80 : i32
        %parallel_loop3A_1773 = arith.addi %parallel_loop3A_1771, %parallel_loop3A_1772 : i32
        %parallel_loop3A_1774 = arith.index_cast %parallel_loop3A_1773 : i32 to index
        %parallel_loop3A_1775 = tpu.vector_load %arg5[%parallel_loop3A_1774] {strides = array<i32>} : memref<32768xf32, #tpu.memory_space<vmem>>, vector<16xf32>,
        %parallel_loop3A_1776 = math.exp %parallel_loop3A_1775 : vector<16xf32>
        %parallel_loop3A_1777 = arith.constant 128 : i32
        %parallel_loop3A_1778 = arith.muli %parallel_loop3A_1734, %parallel_loop3A_1777 : i32
        %parallel_loop3A_1779 = arith.constant 96 : i32
        %parallel_loop3A_1780 = arith.addi %parallel_loop3A_1778, %parallel_loop3A_1779 : i32
        %parallel_loop3A_1781 = arith.index_cast %parallel_loop3A_1780 : i32 to index
        %parallel_loop3A_1782 = tpu.vector_load %arg5[%parallel_loop3A_1781] {strides = array<i32>} : memref<32768xf32, #tpu.memory_space<vmem>>, vector<16xf32>,
        %parallel_loop3A_1783 = math.exp %parallel_loop3A_1782 : vector<16xf32>
        %parallel_loop3A_1784 = arith.constant 128 : i32
        %parallel_loop3A_1785 = arith.muli %parallel_loop3A_1734, %parallel_loop3A_1784 : i32
        %parallel_loop3A_1786 = arith.constant 112 : i32
        %parallel_loop3A_1787 = arith.addi %parallel_loop3A_1785, %parallel_loop3A_1786 : i32
        %parallel_loop3A_1788 = arith.index_cast %parallel_loop3A_1787 : i32 to index
        %parallel_loop3A_1789 = tpu.vector_load %arg5[%parallel_loop3A_1788] {strides = array<i32>} : memref<32768xf32, #tpu.memory_space<vmem>>, vector<16xf32>,
        %parallel_loop3A_1790 = math.exp %parallel_loop3A_1789 : vector<16xf32>
        %parallel_loop3A_1791 = arith.maximumf %parallel_loop3A_1741, %parallel_loop3A_1748 : vector<16xf32>
        %parallel_loop3A_1792 = arith.minimumf %parallel_loop3A_1741, %parallel_loop3A_1748 : vector<16xf32>
        %parallel_loop3A_1793 = arith.addf %parallel_loop3A_1741, %parallel_loop3A_1748 : vector<16xf32>
        %parallel_loop3A_1794 = arith.minimumf %parallel_loop3A_1791, %parallel_loop3A_1755 : vector<16xf32>
        %parallel_loop3A_1795 = arith.maximumf %parallel_loop3A_1792, %parallel_loop3A_1794 : vector<16xf32>
        %parallel_loop3A_1796 = arith.maximumf %parallel_loop3A_1791, %parallel_loop3A_1755 : vector<16xf32>
        %parallel_loop3A_1797 = arith.addf %parallel_loop3A_1793, %parallel_loop3A_1755 : vector<16xf32>
        %parallel_loop3A_1798 = arith.minimumf %parallel_loop3A_1796, %parallel_loop3A_1762 : vector<16xf32>
        %parallel_loop3A_1799 = arith.maximumf %parallel_loop3A_1795, %parallel_loop3A_1798 : vector<16xf32>
        %parallel_loop3A_1800 = arith.maximumf %parallel_loop3A_1796, %parallel_loop3A_1762 : vector<16xf32>
        %parallel_loop3A_1801 = arith.addf %parallel_loop3A_1797, %parallel_loop3A_1762 : vector<16xf32>
        %parallel_loop3A_1802 = arith.minimumf %parallel_loop3A_1800, %parallel_loop3A_1769 : vector<16xf32>
        %parallel_loop3A_1803 = arith.maximumf %parallel_loop3A_1799, %parallel_loop3A_1802 : vector<16xf32>
        %parallel_loop3A_1804 = arith.maximumf %parallel_loop3A_1800, %parallel_loop3A_1769 : vector<16xf32>
        %parallel_loop3A_1805 = arith.addf %parallel_loop3A_1801, %parallel_loop3A_1769 : vector<16xf32>
        %parallel_loop3A_1806 = arith.minimumf %parallel_loop3A_1804, %parallel_loop3A_1776 : vector<16xf32>
        %parallel_loop3A_1807 = arith.maximumf %parallel_loop3A_1803, %parallel_loop3A_1806 : vector<16xf32>
        %parallel_loop3A_1808 = arith.maximumf %parallel_loop3A_1804, %parallel_loop3A_1776 : vector<16xf32>
        %parallel_loop3A_1809 = arith.addf %parallel_loop3A_1805, %parallel_loop3A_1776 : vector<16xf32>
        %parallel_loop3A_1810 = arith.minimumf %parallel_loop3A_1808, %parallel_loop3A_1783 : vector<16xf32>
        %parallel_loop3A_1811 = arith.maximumf %parallel_loop3A_1807, %parallel_loop3A_1810 : vector<16xf32>
        %parallel_loop3A_1812 = arith.maximumf %parallel_loop3A_1808, %parallel_loop3A_1783 : vector<16xf32>
        %parallel_loop3A_1813 = arith.addf %parallel_loop3A_1809, %parallel_loop3A_1783 : vector<16xf32>
        %parallel_loop3A_1814 = arith.minimumf %parallel_loop3A_1812, %parallel_loop3A_1790 : vector<16xf32>
        %parallel_loop3A_1815 = arith.maximumf %parallel_loop3A_1811, %parallel_loop3A_1814 : vector<16xf32>
        %parallel_loop3A_1816 = arith.maximumf %parallel_loop3A_1812, %parallel_loop3A_1790 : vector<16xf32>
        %parallel_loop3A_1817 = arith.addf %parallel_loop3A_1813, %parallel_loop3A_1790 : vector<16xf32>
        %parallel_loop3A_1818 = arith.constant dense<true> : vector<16xi1>
        %parallel_loop3A_1819, %parallel_loop3A_1820, %parallel_loop3A_1821 = tpu.sort %parallel_loop3A_1816, %parallel_loop3A_1815 masked %parallel_loop3A_1818 {descending = true} : (vector<16xf32>, vector<16xf32>, vector<16xi1>) -> (vector<16xi1>, vector<16xf32>, vector<16xf32>)
        %parallel_loop3A_1822 = vector.shape_cast %broadcast_in_dim3A_14 : vector<16xi32> to vector<16x1xi32>
        %parallel_loop3A_1823 = vector.shape_cast %parallel_loop3A_1822 : vector<16x1xi32> to vector<16xi32>
        %parallel_loop3A_1824 = tpu.dynamic_gather %parallel_loop3A_1820[%parallel_loop3A_1823] in [0] : vector<16xf32>, vector<16xi32> -> vector<16xf32>
        %parallel_loop3A_1825 = vector.shape_cast %broadcast_in_dim3A_16 : vector<16xi32> to vector<16x1xi32>
        %parallel_loop3A_1826 = vector.shape_cast %parallel_loop3A_1825 : vector<16x1xi32> to vector<16xi32>
        %parallel_loop3A_1827 = tpu.dynamic_gather %parallel_loop3A_1820[%parallel_loop3A_1826] in [0] : vector<16xf32>, vector<16xi32> -> vector<16xf32>
        %parallel_loop3A_1828 = vector.shape_cast %broadcast_in_dim3A_14 : vector<16xi32> to vector<16x1xi32>
        %parallel_loop3A_1829 = vector.shape_cast %parallel_loop3A_1828 : vector<16x1xi32> to vector<16xi32>
        %parallel_loop3A_1830 = tpu.dynamic_gather %parallel_loop3A_1821[%parallel_loop3A_1829] in [0] : vector<16xf32>, vector<16xi32> -> vector<16xf32>
        %parallel_loop3A_1831 = arith.maximumf %parallel_loop3A_1827, %parallel_loop3A_1830 : vector<16xf32>
        %parallel_loop3A_1832 = arith.constant true
        %parallel_loop3A_1833 = vector.broadcast %parallel_loop3A_1832 : i1 to vector<16xi1>
        %parallel_loop3A_1834 = tpu.scan <sum>, %parallel_loop3A_1817 masked %parallel_loop3A_1833 : vector<16xf32>, vector<16xi1> -> vector<16xf32>
        %parallel_loop3A_1835 = vector.shape_cast %broadcast_in_dim3A_18 : vector<16xi32> to vector<16x1xi32>
        %parallel_loop3A_1836 = vector.shape_cast %parallel_loop3A_1835 : vector<16x1xi32> to vector<16xi32>
        %parallel_loop3A_1837 = tpu.dynamic_gather %parallel_loop3A_1834[%parallel_loop3A_1836] in [0] : vector<16xf32>, vector<16xi32> -> vector<16xf32>
        %parallel_loop3A_1838 = arith.constant 15 : i32
        %parallel_loop3A_1839 = vector.broadcast %parallel_loop3A_1838 : i32 to vector<16xi32>
        %parallel_loop3A_1840 = arith.cmpi eq, %iota3A, %parallel_loop3A_1839 : vector<16xi32>
        %parallel_loop3A_1841 = arith.select %parallel_loop3A_1840, %parallel_loop3A_1824, %parallel_loop3A_1730 : vector<16xi1>, vector<16xf32>
        %parallel_loop3A_1842 = arith.select %parallel_loop3A_1840, %parallel_loop3A_1831, %parallel_loop3A_1731 : vector<16xi1>, vector<16xf32>
        %parallel_loop3A_1843 = arith.select %parallel_loop3A_1840, %parallel_loop3A_1837, %parallel_loop3A_1732 : vector<16xi1>, vector<16xf32>
        %parallel_loop3A_1844 = arith.subf %parallel_loop3A_1842, %parallel_loop3A_1841 : vector<16xf32>
        %parallel_loop3A_1845 = arith.divf %parallel_loop3A_1844, %parallel_loop3A_1843 : vector<16xf32>
        %parallel_loop3A_1846 = arith.constant 256 : i32
        %parallel_loop3A_1847 = arith.muli %add3A_43, %parallel_loop3A_1846 : i32
        %parallel_loop3A_1848 = arith.addi %parallel_loop3A_1847, %parallel_loop3A_61 : i32
        %parallel_loop3A_1849 = arith.index_cast %parallel_loop3A_1848 : i32 to index
        %parallel_loop3A_1850 = tpu.vector_load %arg8[%parallel_loop3A_1849] {strides = array<i32>} : memref<6144xf32, #tpu.memory_space<vmem>>, vector<16xf32>,
        tpu.vector_store %arg8[%parallel_loop3A_1849], %parallel_loop3A_1845 {strides = array<i32>} : memref<6144xf32, #tpu.memory_space<vmem>>, vector<16xf32>,
      } {sc.loop_unroll_factor = 1 : i64, sc.parallel_access}
      %add3A_54 = arith.constant 2 : i32
      %add3A_55 = arith.addi %add3A_43, %add3A_54 : i32
      %lt3A_56 = arith.constant 24 : i32
      %lt3A_57 = arith.cmpi slt, %add3A_55, %lt3A_56 : i32
      %convert_element_type3A_58 = arith.extui %lt3A_57 : i1 to i32
      %cond3A_59 = arith.constant 0 : i32
      %cond3A_60 = arith.cmpi ne, %convert_element_type3A_58, %cond3A_59 : i32
      scf.if %cond3A_60 {
        %add3A_61 = arith.constant 2 : i32
        %add3A_62 = arith.addi %add3A_43, %add3A_61 : i32
        %mul3A_63 = arith.constant 256 : i32
        %mul3A_64 = arith.muli %add3A_62, %mul3A_63 : i32
        %add3A_65 = arith.addi %mul3A_2, %mul3A_64 : i32
        %mul3A_66 = arith.constant 128 : i32
        %mul3A_67 = arith.muli %add3A_65, %mul3A_66 : i32
        %dma_start3A_68 = tpu.memref_slice %arg2[%mul3A_67] : memref<33554432xf32, #tpu.memory_space<hbm>> -> memref<32768xf32, #tpu.memory_space<hbm>>
        %dma_start3A_69 = tpu.memref_slice %arg2[%mul3A_67] : memref<33554432xf32, #tpu.memory_space<hbm>> -> memref<32768xf32, #tpu.memory_space<hbm>>
        tpu.enqueue_dma source(%dma_start3A_69 : memref<32768xf32, #tpu.memory_space<hbm>>) target(%arg5 : memref<32768xf32, #tpu.memory_space<vmem>>) target_semaphore(%arg7 : memref<!tpu.dma_semaphore, #tpu.memory_space<semaphore_mem>>)
      } else {
      }
    }
    %scan3A_22 = arith.constant 12 : i32
    "tpu.region"() ({
      %run_scoped3A = tpu.sem_alloc : memref<!tpu.dma_semaphore, #tpu.memory_space<semaphore_mem>>
      %dma_start3A_23 = tpu.memref_slice %arg3[%mul3A_2] : memref<196608xf32, #tpu.memory_space<hbm>> -> memref<6144xf32, #tpu.memory_space<hbm>>
      %dma_start3A_24 = tpu.memref_slice %arg3[%mul3A_2] : memref<196608xf32, #tpu.memory_space<hbm>> -> memref<6144xf32, #tpu.memory_space<hbm>>
      tpu.enqueue_dma source(%arg8 : memref<6144xf32, #tpu.memory_space<vmem>>) target(%dma_start3A_24 : memref<6144xf32, #tpu.memory_space<hbm>>) target_semaphore(%run_scoped3A : memref<!tpu.dma_semaphore, #tpu.memory_space<semaphore_mem>>)
      %dma_wait3A = tpu.memref_slice %arg3[%mul3A_2] : memref<196608xf32, #tpu.memory_space<hbm>> -> memref<6144xf32, #tpu.memory_space<hbm>>
      %dma_wait3A_25 = tpu.memref_slice %arg3[%mul3A_2] : memref<196608xf32, #tpu.memory_space<hbm>> -> memref<6144xf32, #tpu.memory_space<hbm>>
      tpu.wait_dma2 semaphore(%run_scoped3A : memref<!tpu.dma_semaphore, #tpu.memory_space<semaphore_mem>>) src(%arg8 : memref<6144xf32, #tpu.memory_space<vmem>>) dst(%dma_wait3A_25 : memref<6144xf32, #tpu.memory_space<hbm>>)
      tpu.yield
    }) : () -> ()
    return
  }
}

module attributes {stable_mosaic.version = 14 : i64} {
  func.func @_tc_body(%arg0: i32, %arg1: memref<1x2048x128xf32, #tpu.memory_space<vmem>>, %arg2: memref<1x1x2048xf32, #tpu.memory_space<vmem>>) attributes {dimension_semantics = [#tpu.dimension_semantics<arbitrary>], iteration_bounds = array<i64: 32>, scalar_prefetch = 0 : i64, scratch_operands = 0 : i64, tpu.core_type = #tpu.core_type<tc>, window_params = [{transform_indices = @transform_0, window_bounds = array<i64: 1, 2048, 128>}, {transform_indices = @transform_1, window_bounds = array<i64: 1, 1, 2048>}]} {
    %get3A = arith.constant 0 : index
    %get3A_0 = arith.constant 0 : index
    %get3A_1 = arith.constant 0 : index
    %get3A_2 = vector.load %arg1[%get3A, %get3A_0, %get3A_1] : memref<1x2048x128xf32, #tpu.memory_space<vmem>>, vector<1x2048x128xf32>
    %get3A_3 = vector.shape_cast %get3A_2 : vector<1x2048x128xf32> to vector<2048x128xf32>
    %exp3A = math.exp %get3A_3 : vector<2048x128xf32>
    %reduce_sum3A = arith.constant dense<0.000000e+00> : vector<2048xf32>
    %reduce_sum3A_4 = vector.multi_reduction <add>, %exp3A, %reduce_sum3A [1] : vector<2048x128xf32> to vector<2048xf32>
    %reduce_max3A = arith.constant dense<0xFF800000> : vector<2048xf32>
    %reduce_max3A_5 = vector.multi_reduction <maximumf>, %exp3A, %reduce_max3A [1] : vector<2048x128xf32> to vector<2048xf32>
    %argmax3A = tpu.reduce_index %exp3A {axis = 1 : i32, kind = #tpu.reduction_kind<arg_max>} : vector<2048x128xf32> -> vector<2048xi32>
    %iota3A = tpu.iota {dimensions = array<i32: 1>} : vector<2048x128xi32>
    %broadcast_in_dim3A = vector.shape_cast %argmax3A : vector<2048xi32> to vector<2048x1xi32>
    %eq3A = vector.broadcast %broadcast_in_dim3A : vector<2048x1xi32> to vector<2048x128xi32>
    %eq3A_6 = arith.cmpi eq, %iota3A, %eq3A : vector<2048x128xi32>
    %jit3A = arith.constant 0xFF800000 : f32
    %broadcast_in_dim3A_7 = vector.broadcast %jit3A : f32 to vector<2048x128xf32>
    %select_n3A = arith.select %eq3A_6, %broadcast_in_dim3A_7, %exp3A : vector<2048x128xi1>, vector<2048x128xf32>
    %reduce_max3A_8 = arith.constant dense<0xFF800000> : vector<2048xf32>
    %reduce_max3A_9 = vector.multi_reduction <maximumf>, %select_n3A, %reduce_max3A_8 [1] : vector<2048x128xf32> to vector<2048xf32>
    %sub3A = arith.subf %reduce_max3A_9, %reduce_max3A_5 : vector<2048xf32>
    %div3A = arith.divf %sub3A, %reduce_sum3A_4 : vector<2048xf32>
    %swap3A = arith.constant 0 : index
    %swap3A_10 = arith.constant 0 : index
    %swap3A_11 = arith.constant 0 : index
    %swap3A_12 = vector.load %arg2[%swap3A, %swap3A_10, %swap3A_11] : memref<1x1x2048xf32, #tpu.memory_space<vmem>>, vector<1x1x2048xf32>
    %swap3A_13 = vector.shape_cast %swap3A_12 : vector<1x1x2048xf32> to vector<2048xf32>
    %swap3A_14 = vector.shape_cast %div3A : vector<2048xf32> to vector<1x1x2048xf32>
    tpu.vector_store %arg2[%swap3A, %swap3A_10, %swap3A_11], %swap3A_14 {strides = array<i32>} : memref<1x1x2048xf32, #tpu.memory_space<vmem>>, vector<1x1x2048xf32>,
    return
  }
  func.func @transform_0(%arg0: i32) -> (i32, i32, i32) {
    %add3A = arith.constant 96 : i32
    %add3A_0 = arith.addi %add3A, %arg0 : i32
    %c0_i32 = arith.constant 0 : i32
    %c0_i32_1 = arith.constant 0 : i32
    %c0_i32_2 = arith.constant 0 : i32
    return %add3A_0, %c0_i32, %c0_i32_1 : i32, i32, i32
  }
  func.func @transform_1(%arg0: i32) -> (i32, i32, i32) {
    %c0_i32 = arith.constant 0 : i32
    %c0_i32_0 = arith.constant 0 : i32
    %c0_i32_1 = arith.constant 0 : i32
    return %arg0, %c0_i32, %c0_i32_0 : i32, i32, i32
  }
}

</mosaic_0001>

<sc_bundles>
// kernel: kernel.4.cloned.1.call-start
scs
__scs_entry_jumppad:
0x0: {  	(pc) =	sbr.rel $0x88, $3  }
0x1: {  	(tag) =	ssettag $0x0;
	lr =	simm.s32 $0x1  }
0x2: {  	[smem:$0x3FA0] =	sst lr;
	_ =	strace $0xD0000000  }
0x3: {  	_ = 	snop  }
0x4: {  	_ = 	snop  }
0x5: {  	_ = 	snop  }
0x6: {  	_ = 	snop  }
0x7: {  	_ = 	snop  }
__scs_overlays_trampoline_lowered:
0x8: {  	[smem:$0x3FAF] =	sst s0  }
0x9: {  	[smem:$0x3FB0] =	sst s1  }
0xa: {  	[smem:$0x3FB1] =	sst s2  }
0xb: {  	[smem:$0x3FB2] =	sst s3  }
0xc: {  	[smem:$0x3FB3] =	sst s4  }
0xd: {  	[smem:$0x3FB4] =	sst s5  }
0xe: {  	[smem:$0x3FB5] =	sst s6  }
0xf: {  	[smem:$0x3FB6] =	sst s7  }
0x10: {  	[smem:$0x3FB7] =	sst s8  }
0x11: {  	[smem:$0x3FB8] =	sst s9;
	s0 =	simm.s32 @!p0 $0x0  }
0x12: {  	s1 =	sld [smem:$0x3F9E];
	s0 =	simm.s32 @p0 $0x1  }
0x13: {  	[smem:$0x3FB9] =	sst s0;
	s0 =	simm.s32 @!p1 $0x0  }
0x14: {  	s2 =	sld [smem:$0x3F9D];
	s0 =	simm.s32 @p1 $0x1  }
0x15: {  	[smem:$0x3FBA] =	sst s0;
	s0 =	simm.s32 @!p2 $0x0  }
0x16: {  	s3 =	sld [smem:$0x3FDB];
	s0 =	simm.s32 @p2 $0x1  }
0x17: {  	s4 =	simm.s32 $0x1BF5;
	[smem:$0x3FBC] =	sst s0  }
0x18: {  	s0 =	sld [smem:$0x3F9F];
	_ =	swait.ge [sflag:s4], $0x0  }
0x19: {  	s7 =	sld [smem:$0x3FA0]  }
0x1a: {  	s8 =	sadd.s32 $0xFFFFE003, lr  }
0x1b: {  	s9 =	sadd.s32 $0xFFFFFEF7, lr;
	s5 =	simm.s32 $0xFFFFFFFF;
	p2 =	slt.u32 s8, $0xFFFFF086  }
0x1c: {  	p1 =	slt.u32 s9, $0xF7A;
	s5 =	simm.s32 @!p2 $0x0  }
0x1d: {  	s5 =	simm.s32 @p1 $0x1;
	p0 =	seq.s32 s7, s2  }
0x1e: {  	s7 =	smul.u32 @!p0 $0xF7A, s2;
	p2 =	seq.s32 @!p0 s5, $0x0  }
0x1f: {  	s9 =	smul.u32 $0xF7A, s1;
	s8 =	simm.s32 @!p0 $0x1BF5;
	p2 =	por !p2, p0  }
0x20: {  	[sflag:s8] =	ssyncset.s32 @!p0 $0xFFFFF086;
	s6 =	sadd.s32 @!p0 s3, s7;
	s7 =	simm.s32 @!p0 $0x108  }
0x21: {  	s3 =	sadd.s32 s3, s9;
	s6 =	sadd.s32 @!p0 $0x88, s6;
	s7 =	simm.s32 @p2 $0x1082  }
0x22: {  	[simem:s7], [sflag:s8] =	dma.local @!p0 [hbm:s6], $0xF7A  }
0x23: {  	s9 =	sor.u32 $0xD0000000, s2;
	s6 =	simm.s32 $0x108;
	_ =	swait.ge @!p0 [sflag:s8], $0x0  }
0x24: {  	s3 =	sadd.s32 $0x88, s3;
	s6 =	simm.s32 @!p1 $0x1082;
	[sflag:s4] =	ssyncset.s32 $0xFFFFF086  }
0x25: {  	[simem:s6], [sflag:s4] =	dma.local [hbm:s3], $0xF7A  }
0x26: {  	[smem:$0x3FA0] =	sst s1;
	(tag) =	ssettag s2;
	_ =	strace s9  }
0x27: {  	s1 =	sld [smem:$0x3FB0]  }
0x28: {  	s2 =	sld [smem:$0x3FB1]  }
0x29: {  	s4 =	sld [smem:$0x3FB3]  }
0x2a: {  	p0 =	seq.s32 s5, $0x0;
	s5 =	sld [smem:$0x3FB4]  }
0x2b: {  	s6 =	sld [smem:$0x3FB5]  }
0x2c: {  	s7 =	sld [smem:$0x3FB6]  }
0x2d: {  	s3 =	simm.s32 $0x108;
	s8 =	sld [smem:$0x3FB7]  }
0x2e: {  	s3 =	simm.s32 @!p0 $0x1082;
	s9 =	sld [smem:$0x3FB8]  }
0x2f: {  	lr =	sadd.s32 s0, s3;
	s0 =	sld [smem:$0x3FAF]  }
0x30: {  	s3 =	sld [smem:$0x3FB2]  }
0x31: {  	[smem:$0x3FBB] =	sst s10  }
0x32: {  	s10 =	sld [smem:$0x3FB9];
	_ =	sdelay $0x3  }
0x33: {  	p0 =	seq.s32 s10, $0x1;
	s10 =	sld [smem:$0x3FBB];
	_ =	sdelay $0x3  }
0x34: {  	[smem:$0x3FBB] =	sst s10  }
0x35: {  	s10 =	sld [smem:$0x3FBA];
	_ =	sdelay $0x3  }
0x36: {  	p1 =	seq.s32 s10, $0x1;
	s10 =	sld [smem:$0x3FBB];
	_ =	sdelay $0x3  }
0x37: {  	[smem:$0x3FBB] =	sst s10  }
0x38: {  	s10 =	sld [smem:$0x3FBC]  }
0x39: {  	_ = 	snop;
	(pc) =	sbr.ind lr, $3  }
0x3a: {  	_ = 	snop  }
0x3b: {  	_ = 	snop  }
0x3c: {  	p2 =	seq.s32 s10, $0x1;
	s10 =	sld [smem:$0x3FBB]  }
0x3d: {  	_ =	shalt  }
0x3e: {  	_ =	shalt  }
0x3f: {  	_ =	shalt  }
0x40: {  	_ =	shalt  }
0x41: {  	_ =	shalt  }
0x42: {  	_ =	shalt  }
0x43: {  	_ =	shalt  }
0x44: {  	_ =	shalt  }
0x45: {  	_ =	shalt  }
0x46: {  	_ =	shalt  }
0x47: {  	_ =	shalt  }
0x48: {  	_ =	shalt  }
0x49: {  	_ =	shalt  }
0x4a: {  	_ =	shalt  }
0x4b: {  	_ =	shalt  }
0x4c: {  	_ =	shalt  }
0x4d: {  	_ =	shalt  }
0x4e: {  	_ =	shalt  }
0x4f: {  	_ =	shalt  }
0x50: {  	_ =	shalt  }
0x51: {  	_ =	shalt  }
0x52: {  	_ =	shalt  }
0x53: {  	_ =	shalt  }
0x54: {  	_ =	shalt  }
0x55: {  	_ =	shalt  }
0x56: {  	_ =	shalt  }
0x57: {  	_ =	shalt  }
0x58: {  	_ =	shalt  }
0x59: {  	_ =	shalt  }
0x5a: {  	_ =	shalt  }
0x5b: {  	_ =	shalt  }
0x5c: {  	_ =	shalt  }
0x5d: {  	_ =	shalt  }
0x5e: {  	_ =	shalt  }
0x5f: {  	_ =	shalt  }
0x60: {  	_ =	shalt  }
0x61: {  	_ =	shalt  }
0x62: {  	_ =	shalt  }
0x63: {  	_ =	shalt  }
0x64: {  	_ =	shalt  }
0x65: {  	_ =	shalt  }
0x66: {  	_ =	shalt  }
0x67: {  	_ =	shalt  }
0x68: {  	_ =	shalt  }
0x69: {  	_ =	shalt  }
0x6a: {  	_ =	shalt  }
0x6b: {  	_ =	shalt  }
0x6c: {  	_ =	shalt  }
0x6d: {  	_ =	shalt  }
0x6e: {  	_ =	shalt  }
0x6f: {  	_ =	shalt  }
0x70: {  	_ =	shalt  }
0x71: {  	_ =	shalt  }
0x72: {  	_ =	shalt  }
0x73: {  	_ =	shalt  }
0x74: {  	_ =	shalt  }
0x75: {  	_ =	shalt  }
0x76: {  	_ =	shalt  }
0x77: {  	_ =	shalt  }
0x78: {  	_ =	shalt  }
0x79: {  	_ =	shalt  }
0x7a: {  	_ =	shalt  }
0x7b: {  	_ =	shalt  }
0x7c: {  	_ =	shalt  }
0x7d: {  	_ =	shalt  }
0x7e: {  	_ =	shalt  }
0x7f: {  	_ =	shalt  }
0x80: {  	_ =	shalt  }
0x81: {  	_ =	shalt  }
0x82: {  	_ =	shalt  }
0x83: {  	_ =	shalt  }
0x84: {  	_ =	shalt  }
0x85: {  	_ =	shalt  }
0x86: {  	_ =	shalt  }
0x87: {  	_ =	shalt  }
.Lfunc_end0:
.L_simem_size_0:
called_computation_lowered:
.L_overlay_start_0:
0x88: {  	s2 =	sld [smem:$0x3FD9]  }
0x89: {  	s3 =	sld [smem:$0x3FFE];
	_ =	sdelay $0x1  }
0x8a: {  	s1 =	srdreg.scid  }
0x8b: {  	s0 =	sand.u32 $0x1, s1  }
0x8c: {  	s18 =	sshll.u32 s0, $0xA;
	s2 =	sadd.s32 s3, s2  }
0x8d: {  	s2 =	sadd.s32 s2, s18  }
0x8e: {  	[smem:$0x3FC7] =	sst s2  }
0x8f: {  	_ = 	snop  }
0x90: {  	s2 =	sld [smem:$0x3FC9]  }
0x91: {  	s19 =	sld [smem:$0x3FD0];
	(tm) =	ssettm $0x1  }
0x92: {  	s4 =	sld [smem:$0x3FFB];
	_ =	sdelay $0x3  }
0x93: {  	_ =	strace s4  }
0x94: {  	s4 =	sld [smem:$0x3FFC];
	_ =	sdelay $0x3  }
0x95: {  	_ =	strace s4  }
0x96: {  	s4 =	sld [smem:$0x3FFD];
	_ =	sdelay $0x3  }
0x97: {  	_ =	strace s4  }
0x98: {  	_ =	strace $0x8FFFFFFF  }
0x99: {  	s20 =	sld [smem:$0x3FDB];
	_ =	sdelay $0x1  }
0x9a: {  	s5 =	simm.s32 $_scs_section_size  }
0x9b: {  	s6 =	simm.s32 $_size__tile_overlayer_lowered;
	s7 =	simm.s32 $_tile_overlayer_lowered  }
0x9c: {  	s23 =	simm.s32 $0x1BFF;
	s22 =	sshll.u32 s7, $0x1;
	s4 =	sadd.s32 s5, s20  }
0x9d: {  	s8 =	simm.s32 $0x0;
	s21 =	sshll.u32 s6, $0x1;
	s6 =	sadd.s32 s22, s4  }
0x9e: {  	[timem:s8], [sflag:s23] =	dma.local [hbm:s6], s21  }
0x9f: {  	_ =	swait.ge [sflag:s23], s21  }
0xa0: {  	s5 =	ssub.s32 $0x0, s21;
	[sflag:s23] =	ssyncset.done $0x0  }
0xa1: {  	[sflag:s23] =	ssyncadd.s32 s5;
	_ =	sdelay $0x1  }
0xa2: {  	s24 =	simm.s32 $0x1B8B  }
0xa3: {  	_ =	swait.ge [sflag:s24], $0x1  }
0xa4: {  	[sflag:s24] =	ssyncset.done $0x0  }
0xa5: {  	s25 =	simm.s32 $0x1B8E;
	[sflag:s24] =	ssyncadd.s32 $0xFFFFFFFF  }
0xa6: {  	s26 =	simm.s32 $execute0_lowered;
	[smem:$0x3FD2] =	sst s25  }
0xa7: {  	s5 =	sshll.u32 s26, $0x1;
	_ =	strace $0x80000046;
	[dreg:$0x1] =	wrdreg $0xFFFFFFFF  }
0xa8: {  	s28 =	simm.s32 $_size_execute0_lowered;
	s4 =	sadd.s32 s4, s5;
	[dreg:$0x0] =	wrdreg $0x0  }
0xa9: {  	s5 =	sshll.u32 s28, $0x1;
	[dreg:$0x2] =	wrdreg s4  }
0xaa: {  	[dreg:$0x3] =	wrdreg s5  }
0xab: {  	[dreg:$0x4] =	wrdreg $0xC0  }
0xac: {  	_ =	task [dreg:s8], $0x5FFFF  }
0xad: {  	[dreg:$0x1] =	wrdreg $0xFFFFFFFF  }
0xae: {  	[dreg:$0x0] =	wrdreg $0x60  }
0xaf: {  	[dreg:$0x2] =	wrdreg s2  }
0xb0: {  	[dreg:$0x3] =	wrdreg s19  }
0xb1: {  	[dreg:$0x4] =	wrdreg $0x9  }
0xb2: {  	_ =	task.clear_ibuf [dreg:s8], $0x5FFFF;
	_ =	strace $0x90000046  }
0xb3: {  	s29 =	simm.s32 $0x9;
	_ =	strace $0x80000048  }
0xb4: {  	_ =	swait.ge [sflag:s29], $0x1  }
0xb5: {  	[sflag:s29] =	ssyncadd.s32 $0xFFFFFFFF  }
0xb6: {  	_ =	strace $0x90000048  }
0xb7: {  	_ =	sfence  }
0xb8: {  	s30 =	sld [smem:$0x0];
	_ =	sdelay $0x2  }
0xb9: {  	s31 =	sshll.u32 s1, $0xD;
	s1 =	sshrl.u32 s1, $0x2  }
0xba: {  	s3 =	sand.u32 $0x4000, s31;
	s1 =	sadd.s32 s1, s30  }
0xbb: {  	s0 =	sor.u32 s3, s0;
	s1 =	sshll.u32 s1, $0x11  }
0xbc: {  	s0 =	sor.u32 s1, s0  }
0xbd: {  	s0 =	sadd.s32 $0x8F2B, s0  }
0xbe: {  	[sflag:s0] =	ssyncadd.remote.s32 $0x1  }
0xbf: {  	_ =	sfence.sel $0xFFFF  }
0xc0: {  	[dreg:$0x0] =	wrdreg $0xFFFFFFFF;
	(pc) =	sbr.abs _section_cstart, $3  }
0xc1: {  	[dreg:$0x1] =	wrdreg $0xFFFFFFFF  }
0xc2: {  	_ =	task.clear_ibuf [dreg:s8], $0x2FFFF;
	_ =	strace $0x9FFFFFFF  }
0xc3: {  	(tm) =	ssettm $0x7FFFFFFF  }
tec
execute0_lowered:
.L_overlay_start_1:
0x0: {  	(tag) =	ssettag $0x1  }
0x1: {  	s2 =	rddreg [dreg:$0x0]  }
0x2: {  	s1 =	srdreg.scid;
	s0 =	stileid.u32  }
0x3: {  	s8 =	rddreg [dreg:$0x1];
	s4 =	sand.u32 $0x1, s1;
	s5 =	sshll.u32 s0, $0x1  }
0x4: {  	s3 =	simm.s32 $0x0;
	s12 =	simm.s32 $0x2;
	s5 =	sor.u32 s4, s5  }
0x5: {  	s13 =	simm.s32 $0x10000;
	s14 =	simm.s32 $0x3;
	s6 =	smul.u32 $0x18000, s5  }
0x6: {  	v0 =	vimm.s32 $0x0;
	v1 =	vimm.s32 $0x1;
	v2 =	vimm.s32 $0xF;
	s15 =	simm.s32 $0x0;
	s1 =	rddreg [dreg:$0x2];
	s9 =	smul.u32 $0xC0000, s5  }
.Ltmp0:
0x7: {  	vm0 =	vmmov $0x1;
	vm1 =	vmmov $0x3;
	vm2 =	vmmov $0x7;
	[smem:$0x7FF] =	sst s3;
	s7 =	ssub.s32 $0x2, s4;
	(pc) =	sbr.rel .LBB2_1-.Ltmp0, $4  }
0x8: {  	vm3 =	vmmov $0xf;
	vm4 =	vmmov $0x1f;
	vm5 =	vmmov $0x3f;
	_ =	strace $0x80000047;
	s10 =	sshrl.u32 s7, $0x1;
	s11 =	smul.u32 $0x300, s5  }
0x9: {  	vm6 =	vmmov $0x7f;
	vm7 =	vmmov $0xff;
	vm8 =	vmmov $0x1ff;
	s10 =	ssub.s32 s7, s10;
	s4 =	sadd.s32 s2, s6;
	s6 =	sor.u32 $0x10000, s9  }
0xa: {  	vm9 =	vmmov $0x3ff;
	vm10 =	vmmov $0x7ff;
	vm11 =	vmmov $0xfff;
	s7 =	sor.u32 $0x18000, s9;
	s8 =	sadd.s32 s8, s11;
	s9 =	smax.u32 s10, $0x1  }
0xb: {  	vm12 =	vmmov $0x1fff;
	vm13 =	vmmov $0x3fff;
	vm14 =	vmmov $0x7fff;
	s10 =	simm.s32 $0x8000;
	s11 =	simm.s32 $0x1;
	s5 =	sadd.s32 $0x1000, s4  }
.LBB2_8:
0xc: {  	s15 =	sadd.s32 $0x1, s15  }
0xd: {  	p0 =	sne.s32 s15, s9  }
.Ltmp1:
0xe: {  	_ = 	snop;
	(pc) =	sbr.rel @!p0 .LBB2_9-.Ltmp1, $4  }
0xf: {  	[hbm4b:s8+s3] =	stream.linear.scatter [tilespmem:s13], [sflag:$0x3], $0x1800, $0x38;
	[tilespmem:$0x11800] =	vst v63  }
0x10: {  	_ =	swait.ge [sflag:s14], $0x1800  }
0x11: {  	[sflag:s14] =	ssyncset.done $0x0  }
0x12: {  	[sflag:s14] =	ssyncadd.s32 $0xFFFFE800  }
.LBB2_1:
0x13: {  	[tilespmem:s3], [sflag:$0x1] =	stream.linear.gather [hbm4b:s4+s3], $0x8000, $0x38;
	[tilespmem:$0x11800] =	vst v63  }
0x14: {  	s16 =	simm.s32 $0x0  }
0x15: {  	[tilespmem:s10], [sflag:$0x2] =	stream.linear.gather [hbm4b:s5+s3], $0x8000, $0x38;
	[tilespmem:$0x11800] =	vst v63  }
.LBB2_2:
0x16: {  	_ =	swait.ge [sflag:s11], $0x8000;
	s17 =	sshll.u32 s16, $0x9  }
0x17: {  	s18 =	simm.s32 $0xFFFFFFF0;
	[sflag:s11] =	ssyncset.done $0x0;
	s17 =	sand.u32 $0x3FFFFE00, s17  }
0x18: {  	s19 =	simm.s32 $0x400;
	[sflag:s11] =	ssyncadd.s32 $0xFFFF8000;
	s17 =	sadd.s32 $0x10000, s17  }
.LBB2_3:
0x19: {  	v3 =	vld [tilespmem:s19+$0xFFFFFC00]  }
0x1a: {  	v4 =	vld [tilespmem:s19+$0xFFFFFC10]  }
0x1b: {  	v5 =	vld [tilespmem:s19+$0xFFFFFC20]  }
0x1c: {  	v6 =	vld [tilespmem:s19+$0xFFFFFC30]  }
0x1d: {  	v56 =	vld [tilespmem:s19+$0xFFFFFC40]  }
0x1e: {  	v58 =	vld [tilespmem:s19+$0xFFFFFC60]  }
0x1f: {  	v59 =	vld [tilespmem:s19+$0xFFFFFC80]  }
0x20: {  	v61 =	vld [tilespmem:s19+$0xFFFFFC90]  }
0x21: {  	v62 =	vld [tilespmem:s19+$0xFFFFFCA0];
	v3 =	vmul.f32 $1.442695020e+00, v3  }
0x22: {  	v13 =	vld [tilespmem:s19+$0xFFFFFD10];
	v4 =	vmul.f32 $1.442695020e+00, v4  }
0x23: {  	v44 =	vld [tilespmem:s19+$0xFFFFFD40];
	(erf) = vpow2.f32 v3;
	v3 =	vmul.f32 $1.442695020e+00, v5  }
0x24: {  	v55 =	vld [tilespmem:s19+$0xFFFFFD80];
	(erf) = vpow2.f32 v4  }
0x25: {  	v57 =	vmul.f32 $1.442695020e+00, v6;
	(erf) = vpow2.f32 v3;
	v3 =	vld [tilespmem:s19+$0xFFFFFC50]  }
0x26: {  	v49 =	vld [tilespmem:s19+$0xFFFFFD60];
	v60 =	vmul.f32 $1.442695020e+00, v58;
	v6 =	vmul.f32 $1.442695020e+00, v61  }
0x27: {  	v7 =	vld [tilespmem:s19+$0xFFFFFC70];
	v4 =	vmul.f32 $1.442695020e+00, v56;
	(erf) = vpow2.f32 v57  }
0x28: {  	v63 =	vld [tilespmem:s19+$0xFFFFFCB0];
	v18 =	vmul.f32 $1.442695020e+00, v62;
	v40 =	vmul.f32 $1.442695020e+00, v13  }
0x29: {  	v51 =	vld [tilespmem:s19+$0xFFFFFD70];
	v53 =	vmul.f32 $1.442695020e+00, v44;
	(erf) = vpow2.f32 v4  }
0x2a: {  	v13 =	vmul.f32 $1.442695020e+00, v55;
	v3 =	vmul.f32 $1.442695020e+00, v3  }
0x2b: {  	v5 =	vmul.f32 $1.442695020e+00, v59;
	v57 =	vmul.f32 $1.442695020e+00, v49  }
0x2c: {  	v17 =	vld [tilespmem:s19+$0xFFFFFCC0];
	v8 =	vpop (erf);
	(erf) = vpow2.f32 v3;
	v3 =	vmul.f32 $1.442695020e+00, v7  }
0x2d: {  	v20 =	vld [tilespmem:s19+$0xFFFFFCD0];
	v4 =	vmul.f32 $1.442695020e+00, v63;
	v9 =	vpop (erf);
	(erf) = vpow2.f32 v60  }
0x2e: {  	v22 =	vld [tilespmem:s19+$0xFFFFFCE0];
	v60 =	vmul.f32 $1.442695020e+00, v51;
	v10 =	vpop (erf);
	(erf) = vpow2.f32 v3;
	v3 =	vmax.f32 v8, v9  }
0x2f: {  	v63 =	vld [tilespmem:s19+$0xFFFFFDB0];
	v11 =	vmin.f32 v8, v9;
	v8 =	vadd.f32 v9, v8;
	v16 =	vmin.f32 v3, v10  }
0x30: {  	v25 =	vld [tilespmem:s19+$0xFFFFFCF0];
	v3 =	vmax.f32 v3, v10;
	v12 =	vpop (erf);
	(erf) = vpow2.f32 v5;
	v9 =	vmax.f32 v11, v16  }
0x31: {  	v8 =	vadd.f32 v10, v8;
	v19 =	vmin.f32 v3, v12;
	(erf) = vpow2.f32 v6;
	v16 =	vld [tilespmem:s19+$0xFFFFFD30]  }
0x32: {  	v21 =	vpop (erf);
	v3 =	vmax.f32 v3, v12;
	v11 =	vmul.f32 $1.442695020e+00, v17;
	v6 =	vmul.f32 $1.442695020e+00, v20  }
0x33: {  	v7 =	vmax.f32 v9, v19;
	(erf) = vpow2.f32 v18;
	v24 =	vmin.f32 v3, v21  }
0x34: {  	v30 =	vld [tilespmem:s19+$0xFFFFFD00];
	v3 =	vmax.f32 v3, v21;
	v9 =	vmul.f32 $1.442695020e+00, v63;
	v8 =	vadd.f32 v12, v8  }
0x35: {  	v18 =	vld [tilespmem:s19+$0xFFFFFDC0];
	(erf) = vpow2.f32 v4;
	v7 =	vmax.f32 v7, v24;
	v4 =	vmul.f32 $1.442695020e+00, v22  }
0x36: {  	v34 =	vld [tilespmem:s19+$0xFFFFFD20];
	v12 =	vmul.f32 $1.442695020e+00, v25;
	v5 =	vadd.f32 v21, v8;
	v23 =	vpop (erf);
	v48 =	vmul.f32 $1.442695020e+00, v16  }
0x37: {  	v26 =	vmin.f32 v3, v23;
	v27 =	vpop (erf);
	v3 =	vmax.f32 v3, v23;
	(erf) = vpow2.f32 v11  }
0x38: {  	v19 =	vld [tilespmem:s19+$0xFFFFFDD0];
	v5 =	vadd.f32 v23, v5;
	v7 =	vmax.f32 v7, v26;
	v28 =	vmin.f32 v3, v27  }
0x39: {  	v29 =	vpop (erf);
	v3 =	vmax.f32 v3, v27;
	(erf) = vpow2.f32 v6;
	v6 =	vmul.f32 $1.442695020e+00, v30  }
0x3a: {  	v30 =	vmul.f32 $1.442695020e+00, v18;
	v7 =	vmax.f32 v7, v28;
	v31 =	vmin.f32 v3, v29  }
0x3b: {  	v47 =	vld [tilespmem:s19+$0xFFFFFD50];
	v32 =	vpop (erf);
	v5 =	vadd.f32 v27, v5;
	(erf) = vpow2.f32 v4;
	v4 =	vmul.f32 $1.442695020e+00, v34  }
0x3c: {  	v58 =	vld [tilespmem:s19+$0xFFFFFD90];
	v3 =	vmax.f32 v3, v29;
	v7 =	vmax.f32 v7, v31;
	v33 =	vpop (erf);
	(erf) = vpow2.f32 v12  }
0x3d: {  	v27 =	vld [tilespmem:s19+$0xFFFFFDE0];
	v31 =	vmul.f32 $1.442695020e+00, v19;
	v35 =	vpop (erf);
	v36 =	vmax.f32 v32, v33;
	v14 =	vmin.f32 v32, v33  }
0x3e: {  	v28 =	vld [tilespmem:s19+$0xFFFFFDF0];
	v8 =	vadd.f32 v33, v32;
	v5 =	vadd.f32 v29, v5;
	v37 =	vmin.f32 v36, v35  }
0x3f: {  	(xrf1) =	vsort.dscd.msk.f32 $0xffff, v3, v7;
	v15 =	vpop (erf);
	v12 =	vmax.f32 v36, v35;
	(erf) = vpow2.f32 v6;
	v11 =	vmax.f32 v14, v37  }
0x40: {  	v38 =	vmin.f32 v12, v15;
	v8 =	vadd.f32 v35, v8;
	(erf) = vpow2.f32 v40  }
0x41: {  	v12 =	vmax.f32 v12, v15;
	v39 =	vmax.f32 v11, v38;
	(erf) = vpow2.f32 v4  }
0x42: {  	v61 =	vld [tilespmem:s19+$0xFFFFFDA0];
	v4 =	vmul.f32 $1.442695020e+00, v47;
	v33 =	vmul.f32 $1.442695020e+00, v27;
	v42 =	vadd.f32 v15, v8;
	v41 =	vpop (erf)  }
0x43: {  	v35 =	vmul.f32 $1.442695020e+00, v28;
	v15 =	vmul.f32 $1.442695020e+00, v58;
	v43 =	vmin.f32 v12, v41  }
0x44: {  	v45 =	vpop (erf);
	v46 =	vmax.f32 v12, v41;
	v6 =	vadd.f32 v41, v42;
	v8 =	vmax.f32 v39, v43  }
0x45: {  	v12 =	vmin.f32 v46, v45;
	v50 =	vpop (erf);
	v10 =	vmax.f32 v46, v45;
	(erf) = vpow2.f32 v48  }
0x46: {  	v8 =	vmax.f32 v8, v12;
	v6 =	vadd.f32 v45, v6;
	v52 =	vmin.f32 v10, v50  }
0x47: {  	v54 =	vpop (erf);
	v10 =	vmax.f32 v10, v50;
	(erf) = vpow2.f32 v53;
	v12 =	vmul.f32 $1.442695020e+00, v61  }
0x48: {  	v8 =	vmax.f32 v8, v52;
	(erf) = vpow2.f32 v4;
	v6 =	vadd.f32 v50, v6  }
0x49: {  	v21 =	vld [tilespmem:s19+$0xFFFFFE20];
	v56 =	vmin.f32 v10, v54;
	v10 =	vmax.f32 v10, v54;
	v59 =	vpop (erf);
	(erf) = vpow2.f32 v57  }
0x4a: {  	v8 =	vmax.f32 v8, v56;
	v62 =	vpop (erf);
	(erf) = vpow2.f32 v60;
	v6 =	vadd.f32 v54, v6  }
0x4b: {  	v24 =	vpop (erf);
	v25 =	vmax.f32 v59, v62;
	v17 =	vmin.f32 v59, v62;
	(erf) = vpow2.f32 v13  }
0x4c: {  	(xrf1) =	vsort.dscd.msk.f32 $0xffff, v10, v8;
	v11 =	vadd.f32 v62, v59;
	v26 =	vmin.f32 v25, v24;
	(erf) = vpow2.f32 v15  }
0x4d: {  	(xrf2) =	vadd.scan.msk.f32 $0xffff, v5;
	v4 =	vmax.f32 v25, v24;
	v14 =	vmax.f32 v17, v26;
	(erf) = vpow2.f32 v12;
	v62, v61, _ =	vpop (xrf1)  }
0x4e: {  	v11 =	vadd.f32 v24, v11;
	(xrf2) =	vadd.scan.msk.f32 $0xffff, v6;
	v6 =	vmul.f32 $1.442695020e+00, v21;
	v63 =	vperm.xlane v62, v0;
	v20 =	vpop (erf)  }
0x4f: {  	v8 =	vperm.xlane v62, v1;
	(erf) = vpow2.f32 v9;
	v29 =	vmin.f32 v4, v20  }
0x50: {  	v4 =	vmax.f32 v4, v20;
	v32 =	vpop (erf);
	v11 =	vadd.f32 v20, v11;
	(erf) = vpow2.f32 v30  }
0x51: {  	v14 =	vmax.f32 v14, v29;
	v34 =	vmin.f32 v4, v32;
	(erf) = vpow2.f32 v31  }
0x52: {  	v26 =	vld [tilespmem:s19+$0xFFFFFE30];
	v36 =	vpop (erf);
	v4 =	vmax.f32 v4, v32;
	v14 =	vmax.f32 v14, v34;
	(erf) = vpow2.f32 v33  }
0x53: {  	v3 =	vpop (erf);
	v37 =	vmin.f32 v4, v36;
	v4 =	vmax.f32 v4, v36;
	v11 =	vadd.f32 v32, v11  }
0x54: {  	v38 =	vpop (erf);
	v7 =	vmax.f32 v14, v37;
	v39 =	vmin.f32 v4, v3;
	v4 =	vmax.f32 v4, v3  }
0x55: {  	(erf) = vpow2.f32 v35;
	v7 =	vmax.f32 v7, v39;
	v40 =	vmin.f32 v4, v38  }
0x56: {  	v41 =	vpop (erf);
	v4 =	vmax.f32 v4, v38;
	v43 =	vadd.f32 v36, v11;
	v7 =	vmax.f32 v7, v40  }
0x57: {  	v9 =	vperm.xlane v61, v0;
	v13 =	vmul.f32 $1.442695020e+00, v26;
	v42 =	vpop (erf);
	(xrf1) =	vsort.dscd.msk.f32 $0xffff, v4, v7  }
0x58: {  	v44 =	vpop (erf);
	v45 =	vmax.f32 v41, v42;
	v3 =	vadd.f32 v3, v43;
	v59 =	vadd.f32 v42, v41  }
0x59: {  	v47 =	vmin.f32 v41, v42;
	v48 =	vmin.f32 v45, v44;
	v7 =	vmax.f32 v45, v44;
	v46 =	vpop (erf)  }
0x5a: {  	v60 =	vld [tilespmem:s19+$0xFFFFFE00];
	v12 =	vmax.f32 v47, v48;
	v3 =	vadd.f32 v38, v3;
	v4 =	vadd.f32 v44, v59;
	v22, v23, _ =	vpop (xrf1)  }
0x5b: {  	v36 =	vld [tilespmem:s19+$0xFFFFFE60];
	v50 =	vmin.f32 v7, v46;
	v7 =	vmax.f32 v7, v46;
	v24 =	vperm.xlane v22, v0  }
0x5c: {  	v40 =	vld [tilespmem:s19+$0xFFFFFE70];
	v49 =	vpop (erf);
	v25 =	vperm.xlane v22, v1;
	v14 =	vperm.xlane v23, v0;
	v12 =	vmax.f32 v12, v50  }
0x5d: {  	v44 =	vld [tilespmem:s19+$0xFFFFFE80];
	v51 =	vpop (erf);
	v52 =	vmin.f32 v7, v49;
	v7 =	vmax.f32 v7, v49;
	v4 =	vadd.f32 v46, v4  }
0x5e: {  	(xrf2) =	vadd.scan.msk.f32 $0xffff, v3;
	v3 =	vld [tilespmem:s19+$0xFFFFFE10];
	v53 =	vpop (erf);
	v12 =	vmax.f32 v12, v52;
	v54 =	vmin.f32 v7, v51;
	v7 =	vmax.f32 v7, v51  }
0x5f: {  	v28 =	vld [tilespmem:s19+$0xFFFFFE40];
	v55 =	vpop (erf);
	v12 =	vmax.f32 v12, v54;
	v56 =	vmin.f32 v7, v53;
	v7 =	vmax.f32 v7, v53  }
0x60: {  	v47 =	vld [tilespmem:s19+$0xFFFFFE90];
	v46 =	vmul.f32 $1.442695020e+00, v36;
	v12 =	vmax.f32 v12, v56;
	v57 =	vmin.f32 v7, v55  }
0x61: {  	v50 =	vld [tilespmem:s19+$0xFFFFFEA0];
	v29 =	vmax.f32 v25, v14;
	v7 =	vmax.f32 v7, v55;
	v58 =	vmax.f32 v12, v57  }
0x62: {  	v25 =	vld [tilespmem:s19+$0xFFFFFEE0];
	v4 =	vadd.f32 v49, v4;
	v49 =	vmul.f32 $1.442695020e+00, v40;
	(xrf1) =	vsort.dscd.msk.f32 $0xffff, v7, v58;
	v7 =	vmul.f32 $1.442695020e+00, v60  }
0x63: {  	v20, _, _ =	vpop (xrf2);
	v34 =	vld [tilespmem:s19+$0xFFFFFE50];
	v10 =	vmul.f32 $1.442695020e+00, v44;
	v3 =	vmul.f32 $1.442695020e+00, v3  }
0x64: {  	v56 =	vld [tilespmem:s19+$0xFFFFFEB0];
	v12 =	vperm.xlane v20, v2;
	(erf) = vpow2.f32 v7  }
0x65: {  	v62 =	vld [tilespmem:s19+$0xFFFFFEC0];
	v58 =	vmul.f32 $1.442695020e+00, v47;
	(erf) = vpow2.f32 v3  }
0x66: {  	v4 =	vadd.f32 v51, v4;
	v60 =	vmul.f32 $1.442695020e+00, v50;
	(erf) = vpow2.f32 v6  }
0x67: {  	v30, _, _ =	vpop (xrf2);
	v16 =	vmul.f32 $1.442695020e+00, v25;
	v7 =	vmul.f32 $1.442695020e+00, v28  }
0x68: {  	v4 =	vadd.f32 v53, v4;
	v28 =	vld [tilespmem:s19+$0xFFFFFEF0];
	v3 =	vperm.xlane v30, v2;
	(erf) = vpow2.f32 v13  }
0x69: {  	v27 =	vmax.f32 v8, v9;
	v17 =	vmul.f32 $1.442695020e+00, v56;
	v6 =	vmul.f32 $1.442695020e+00, v34;
	v33, v32, _ =	vpop (xrf1)  }
0x6a: {  	v4 =	vadd.f32 v55, v4;
	v13 =	vmul.f32 $1.442695020e+00, v62;
	v35 =	vperm.xlane v33, v0  }
0x6b: {  	v31 =	vsel vm0, v63, v24;
	v39, _, _ =	vpop (xrf2);
	v37 =	vperm.xlane v33, v1;
	(erf) = vpow2.f32 v7  }
0x6c: {  	v21 =	vld [tilespmem:s19+$0xFFFFFED0];
	v5 =	vsel vm0, v27, v29;
	(xrf2) =	vadd.scan.msk.f32 $0xffff, v4;
	v38 =	vperm.xlane v32, v0;
	v11 =	vperm.xlane v39, v2  }
0x6d: {  	v12 =	vsel vm0, v12, v3;
	(erf) = vpow2.f32 v6;
	v15 =	vmul.f32 $1.442695020e+00, v28;
	v48 =	vpop (erf)  }
0x6e: {  	v8 =	vmax.f32 v37, v38;
	v3 =	vsel vm1, v31, v35;
	(erf) = vpow2.f32 v46;
	v51 =	vpop (erf)  }
0x6f: {  	v4 =	vsel vm1, v5, v8;
	v5 =	vsel vm1, v12, v11;
	(erf) = vpow2.f32 v49;
	v52 =	vpop (erf)  }
0x70: {  	v50 =	vld [tilespmem:s19+$0xFFFFFF60];
	v53 =	vmax.f32 v48, v51;
	v54 =	vmin.f32 v48, v51;
	v8 =	vadd.f32 v51, v48;
	v42, v41, _ =	vpop (xrf1)  }
0x71: {  	v34 =	vld [tilespmem:s19+$0xFFFFFF10];
	v55 =	vmin.f32 v53, v52;
	v59 =	vpop (erf);
	(erf) = vpow2.f32 v10;
	v10 =	vmul.f32 $1.442695020e+00, v21  }
0x72: {  	v12 =	vmax.f32 v53, v52;
	v43 =	vperm.xlane v42, v1;
	v45 =	vperm.xlane v41, v0  }
0x73: {  	v6 =	vperm.xlane v42, v0;
	v57 =	vmax.f32 v54, v55;
	v8 =	vadd.f32 v52, v8  }
0x74: {  	v36 =	vld [tilespmem:s19+$0xFFFFFF20];
	v61 =	vmin.f32 v12, v59;
	(erf) = vpow2.f32 v58;
	v63 =	vpop (erf);
	v20 =	vmax.f32 v12, v59  }
0x75: {  	v9 =	vmax.f32 v57, v61;
	(erf) = vpow2.f32 v60;
	v23 =	vmin.f32 v20, v63  }
0x76: {  	v31 =	vld [tilespmem:s19+$0xFFFFFF00];
	v22, _, _ =	vpop (xrf2);
	v11 =	vmax.f32 v20, v63;
	v20 =	vmul.f32 $1.442695020e+00, v34;
	v57 =	vmul.f32 $1.442695020e+00, v50  }
0x77: {  	v44 =	vld [tilespmem:s19+$0xFFFFFF40];
	v24 =	vpop (erf);
	v7 =	vmax.f32 v43, v45;
	v14 =	vadd.f32 v59, v8;
	v8 =	vperm.xlane v22, v2  }
0x78: {  	v41 =	vld [tilespmem:s19+$0xFFFFFF30];
	v9 =	vmax.f32 v9, v23;
	v26 =	vmin.f32 v11, v24;
	(erf) = vpow2.f32 v17  }
0x79: {  	v52 =	vld [tilespmem:s19+$0xFFFFFF70];
	v27 =	vpop (erf);
	v11 =	vmax.f32 v11, v24;
	v43 =	vmul.f32 $1.442695020e+00, v36;
	v3 =	vsel vm2, v3, v6  }
0x7a: {  	v9 =	vmax.f32 v9, v26;
	v29 =	vmin.f32 v11, v27;
	v11 =	vmax.f32 v11, v27  }
0x7b: {  	v62 =	vld [tilespmem:s19+$0xFFFFFFA0];
	v30 =	vpop (erf);
	(erf) = vpow2.f32 v13;
	v13 =	vmul.f32 $1.442695020e+00, v31;
	v14 =	vadd.f32 v63, v14  }
0x7c: {  	v4 =	vsel vm2, v4, v7;
	v9 =	vmax.f32 v9, v29;
	v32 =	vmin.f32 v11, v30  }
0x7d: {  	v11 =	vmax.f32 v11, v30;
	v19 =	vmul.f32 $1.442695020e+00, v41;
	v12 =	vadd.f32 v24, v14;
	v24 =	vld [tilespmem:s19+$0xFFFFFFB0]  }
0x7e: {  	v5 =	vsel vm2, v5, v8;
	v61 =	vmul.f32 $1.442695020e+00, v52;
	v14 =	vmul.f32 $1.442695020e+00, v44;
	v33 =	vpop (erf)  }
0x7f: {  	(erf) = vpow2.f32 v10;
	v12 =	vadd.f32 v27, v12;
	v10 =	vmax.f32 v9, v32;
	v35 =	vpop (erf)  }
0x80: {  	v47 =	vld [tilespmem:s19+$0xFFFFFF50];
	v32 =	vmul.f32 $1.442695020e+00, v62;
	v37 =	vpop (erf);
	(erf) = vpow2.f32 v16;
	v38 =	vmax.f32 v33, v35  }
0x81: {  	v58 =	vld [tilespmem:s19+$0xFFFFFF90];
	v21 =	vmin.f32 v33, v35;
	v9 =	vadd.f32 v35, v33;
	v39 =	vmin.f32 v38, v37  }
0x82: {  	v33 =	vld [tilespmem:s19+$0xFFFFFFC0];
	(erf) = vpow2.f32 v15;
	v42 =	vpop (erf);
	v16 =	vmax.f32 v38, v37;
	v36 =	vmul.f32 $1.442695020e+00, v24  }
0x83: {  	v62 =	vld [tilespmem:s19+$0x70];
	v40 =	vmax.f32 v21, v39;
	v17 =	vadd.f32 v37, v9;
	v22 =	vmin.f32 v16, v42  }
0x84: {  	(erf) = vpow2.f32 v13;
	v9 =	vadd.f32 v30, v12;
	v16 =	vmax.f32 v16, v42;
	v37 =	vld [tilespmem:s19+$0xFFFFFFD0]  }
0x85: {  	v46 =	vpop (erf);
	v13 =	vmul.f32 $1.442695020e+00, v47;
	v45 =	vmax.f32 v40, v22;
	(erf) = vpow2.f32 v20;
	v40 =	vld [tilespmem:s19+$0xFFFFFFE0]  }
0x86: {  	v55 =	vld [tilespmem:s19+$0xFFFFFF80];
	v49 =	vmin.f32 v16, v46;
	v17 =	vadd.f32 v42, v17;
	(erf) = vpow2.f32 v43  }
0x87: {  	v16 =	vmax.f32 v16, v46;
	v12 =	vmax.f32 v45, v49;
	v20 =	vmul.f32 $1.442695020e+00, v33  }
0x88: {  	v15 =	vadd.f32 v46, v17;
	v48 =	vpop (erf);
	(erf) = vpow2.f32 v19;
	v19 =	vmul.f32 $1.442695020e+00, v58  }
0x89: {  	v46 =	vmul.f32 $1.442695020e+00, v37;
	v37 =	vmul.f32 $1.442695020e+00, v62;
	v51 =	vmin.f32 v16, v48  }
0x8a: {  	v16 =	vmax.f32 v16, v48;
	v15 =	vadd.f32 v48, v15;
	v48 =	vmul.f32 $1.442695020e+00, v40  }
0x8b: {  	v26 =	vld [tilespmem:s19+$0x30];
	v53 =	vpop (erf);
	v12 =	vmax.f32 v12, v51;
	(erf) = vpow2.f32 v14;
	v14 =	vmul.f32 $1.442695020e+00, v55  }
0x8c: {  	v54 =	vmin.f32 v16, v53;
	v56 =	vpop (erf);
	v16 =	vmax.f32 v16, v53;
	v15 =	vadd.f32 v53, v15  }
0x8d: {  	v42 =	vld [tilespmem:s19+$0xFFFFFFF0];
	(erf) = vpow2.f32 v13;
	v12 =	vmax.f32 v12, v54;
	v59 =	vmin.f32 v16, v56;
	v60 =	vpop (erf)  }
0x8e: {  	v53 =	vld [tilespmem:s19+$0x20];
	v16 =	vmax.f32 v16, v56;
	v12 =	vmax.f32 v12, v59;
	v63 =	vpop (erf);
	(erf) = vpow2.f32 v57  }
0x8f: {  	v15 =	vadd.f32 v56, v15;
	v57 =	vld [tilespmem:s19+$0x40];
	v28 =	vpop (erf);
	(erf) = vpow2.f32 v61;
	v29 =	vmax.f32 v60, v63  }
0x90: {  	v49 =	vld [tilespmem:s19+$0x0];
	v23 =	vmin.f32 v60, v63;
	v21 =	vadd.f32 v63, v60;
	v61 =	vmul.f32 $1.442695020e+00, v26  }
0x91: {  	v30 =	vmin.f32 v29, v28;
	v13 =	vmax.f32 v29, v28;
	v31 =	vpop (erf);
	(erf) = vpow2.f32 v14  }
0x92: {  	v29 =	vld [tilespmem:s19+$0x50];
	v22 =	vmax.f32 v23, v30;
	v18 =	vadd.f32 v28, v21;
	v14 =	vmul.f32 $1.442695020e+00, v42  }
0x93: {  	v59 =	vld [tilespmem:s19+$0x60];
	v34 =	vmin.f32 v13, v31;
	v13 =	vmax.f32 v13, v31;
	(erf) = vpow2.f32 v19  }
0x94: {  	v18 =	vadd.f32 v31, v18;
	v19 =	vmul.f32 $1.442695020e+00, v53;
	v30 =	vmul.f32 $1.442695020e+00, v57  }
0x95: {  	v51 =	vld [tilespmem:s19+$0x10];
	v35 =	vpop (erf);
	(erf) = vpow2.f32 v32;
	v38 =	vmax.f32 v22, v34;
	v22 =	vmul.f32 $1.442695020e+00, v49  }
0x96: {  	(xrf1) =	vsort.dscd.msk.f32 $0xffff, v11, v10;
	v39 =	vmin.f32 v13, v35;
	v41 =	vpop (erf);
	v13 =	vmax.f32 v13, v35;
	(erf) = vpow2.f32 v36  }
0x97: {  	v18 =	vadd.f32 v35, v18;
	v34 =	vmul.f32 $1.442695020e+00, v29;
	v44 =	vpop (erf);
	(erf) = vpow2.f32 v20  }
0x98: {  	(xrf1) =	vsort.dscd.msk.f32 $0xffff, v16, v12;
	v36 =	vmul.f32 $1.442695020e+00, v59;
	v17 =	vmax.f32 v38, v39;
	v43 =	vmin.f32 v13, v41  }
0x99: {  	v13 =	vmax.f32 v13, v41;
	v17 =	vmax.f32 v17, v43;
	v18 =	vadd.f32 v41, v18;
	v47 =	vpop (erf)  }
0x9a: {  	v20 =	vmul.f32 $1.442695020e+00, v51;
	v45 =	vmin.f32 v13, v44;
	v25 =	vpop (erf);
	(erf) = vpow2.f32 v46  }
0x9b: {  	v13 =	vmax.f32 v13, v44;
	v17 =	vmax.f32 v17, v45;
	v18 =	vadd.f32 v44, v18  }
0x9c: {  	v50 =	vmin.f32 v13, v47;
	v13 =	vmax.f32 v13, v47;
	v52 =	vpop (erf);
	(erf) = vpow2.f32 v48  }
0x9d: {  	v17 =	vmax.f32 v17, v50;
	v41 =	vadd.f32 v47, v18;
	v21 =	vadd.f32 v52, v25  }
0x9e: {  	v54 =	vpop (erf);
	(erf) = vpow2.f32 v14;
	v55 =	vmax.f32 v25, v52;
	v27 =	vmin.f32 v25, v52  }
0x9f: {  	(xrf2) =	vadd.scan.msk.f32 $0xffff, v9;
	v28 =	vpop (erf);
	v14 =	vmax.f32 v55, v54;
	(erf) = vpow2.f32 v22;
	v21 =	vadd.f32 v54, v21  }
0xa0: {  	(xrf1) =	vsort.dscd.msk.f32 $0xffff, v13, v17;
	v58 =	vmin.f32 v14, v28;
	v14 =	vmax.f32 v14, v28;
	(erf) = vpow2.f32 v20;
	v60 =	vpop (erf)  }
0xa1: {  	v56 =	vmin.f32 v55, v54;
	(erf) = vpow2.f32 v19;
	v63 =	vmin.f32 v14, v60  }
0xa2: {  	(xrf2) =	vadd.scan.msk.f32 $0xffff, v15;
	v25 =	vmax.f32 v27, v56;
	v21 =	vadd.f32 v28, v21;
	(erf) = vpow2.f32 v61  }
0xa3: {  	v24 =	vmax.f32 v25, v58;
	v32 =	vmax.f32 v14, v60;
	(erf) = vpow2.f32 v30;
	v31 =	vpop (erf)  }
0xa4: {  	v28 =	vmax.f32 v24, v63;
	v33 =	vadd.f32 v60, v21;
	(erf) = vpow2.f32 v34;
	v63, v62, _ =	vpop (xrf1)  }
0xa5: {  	v35 =	vmin.f32 v32, v31;
	v38 =	vpop (erf);
	v11 =	vmax.f32 v32, v31;
	(erf) = vpow2.f32 v36  }
0xa6: {  	v10 =	vadd.f32 v31, v33;
	v24 =	vperm.xlane v63, v0;
	v26 =	vperm.xlane v63, v1  }
0xa7: {  	v27 =	vperm.xlane v62, v0;
	v31, v32, _ =	vpop (xrf1);
	v19 =	vmax.f32 v28, v35;
	v40 =	vmin.f32 v11, v38  }
0xa8: {  	v39 =	vpop (erf);
	v11 =	vmax.f32 v11, v38;
	(erf) = vpow2.f32 v37;
	v34 =	vperm.xlane v31, v1  }
0xa9: {  	v30 =	vld [tilespmem:s19+$0x80];
	v28, _, _ =	vpop (xrf2);
	v37 =	vperm.xlane v31, v0;
	v14 =	vmax.f32 v19, v40;
	v42 =	vmin.f32 v11, v39  }
0xaa: {  	v43 =	vpop (erf);
	v10 =	vadd.f32 v38, v10;
	v11 =	vmax.f32 v11, v39;
	v6 =	vmax.f32 v26, v27  }
0xab: {  	v7 =	vperm.xlane v28, v2;
	v3 =	vsel vm3, v3, v24;
	v44 =	vmax.f32 v14, v42;
	v45 =	vpop (erf)  }
0xac: {  	v33 =	vld [tilespmem:s19+$0x90];
	v35, _, _ =	vpop (xrf2);
	v4 =	vsel vm3, v4, v6;
	v3 =	vsel vm4, v3, v37;
	v47 =	vmax.f32 v43, v45  }
0xad: {  	(xrf2) =	vadd.scan.msk.f32 $0xffff, v41;
	v46 =	vpop (erf);
	v48 =	vadd.f32 v45, v43;
	v14 =	vmin.f32 v43, v45;
	v10 =	vadd.f32 v39, v10  }
0xae: {  	(xrf1) =	vsort.dscd.msk.f32 $0xffff, v11, v44;
	v5 =	vsel vm3, v5, v7;
	v38, v39, _ =	vpop (xrf1);
	v40 =	vperm.xlane v35, v2;
	v43 =	vmul.f32 $1.442695020e+00, v30  }
0xaf: {  	v49 =	vpop (erf);
	v50 =	vmin.f32 v47, v46;
	v18 =	vmax.f32 v47, v46;
	v41 =	vperm.xlane v38, v0  }
0xb0: {  	v14 =	vmax.f32 v14, v50;
	v51 =	vadd.f32 v46, v48;
	v52 =	vmin.f32 v18, v49  }
0xb1: {  	v17 =	vld [tilespmem:s19+$0xF0];
	v53 =	vpop (erf);
	v55 =	vmax.f32 v18, v49;
	v46 =	vmul.f32 $1.442695020e+00, v33;
	v54 =	vmax.f32 v14, v52  }
0xb2: {  	v36 =	vld [tilespmem:s19+$0xA0];
	(xrf2) =	vadd.scan.msk.f32 $0xffff, v10;
	v57 =	vmin.f32 v55, v53;
	v14 =	vmax.f32 v55, v53;
	v56 =	vpop (erf);
	v9 =	vadd.f32 v49, v51  }
0xb3: {  	v37 =	vld [tilespmem:s19+$0x140];
	v13 =	vmax.f32 v54, v57;
	v58 =	vpop (erf);
	v59 =	vmin.f32 v14, v56;
	v14 =	vmax.f32 v14, v56  }
0xb4: {  	v44 =	vld [tilespmem:s19+$0xB0];
	v60 =	vpop (erf);
	v13 =	vmax.f32 v13, v59;
	v61 =	vmin.f32 v14, v58;
	v14 =	vmax.f32 v14, v58  }
0xb5: {  	v49 =	vld [tilespmem:s19+$0xC0];
	v9 =	vadd.f32 v53, v9;
	v22 =	vmax.f32 v13, v61;
	v23 =	vmin.f32 v14, v60  }
0xb6: {  	(erf) = vpow2.f32 v43;
	v54 =	vld [tilespmem:s19+$0xD0];
	v25 =	vmax.f32 v14, v60;
	v11 =	vmax.f32 v22, v23  }
0xb7: {  	v48 =	vmul.f32 $1.442695020e+00, v36;
	(erf) = vpow2.f32 v46;
	v59 =	vld [tilespmem:s19+$0xE0];
	v9 =	vadd.f32 v56, v9;
	(xrf1) =	vsort.dscd.msk.f32 $0xffff, v25, v11  }
0xb8: {  	v42 =	vperm.xlane v38, v1;
	v45 =	vperm.xlane v39, v0;
	v5 =	vsel vm4, v5, v40;
	v47, _, _ =	vpop (xrf2);
	v22 =	vld [tilespmem:s19+$0x100]  }
0xb9: {  	v50 =	vperm.xlane v47, v2;
	(erf) = vpow2.f32 v48;
	v25 =	vld [tilespmem:s19+$0x110];
	v29 =	vadd.f32 v58, v9  }
0xba: {  	v6 =	vmax.f32 v42, v45;
	v13 =	vmul.f32 $1.442695020e+00, v37;
	v11 =	vperm.xlane v32, v0  }
0xbb: {  	v62 =	vmul.f32 $1.442695020e+00, v49;
	v7 =	vmul.f32 $1.442695020e+00, v54;
	v8 =	vadd.f32 v60, v29  }
0xbc: {  	v11 =	vmax.f32 v34, v11;
	v24 =	vmul.f32 $1.442695020e+00, v59;
	v56, _, _ =	vpop (xrf2);
	v29 =	vmul.f32 $1.442695020e+00, v17  }
0xbd: {  	v27 =	vld [tilespmem:s19+$0x120];
	v4 =	vsel vm4, v4, v11;
	v58 =	vperm.xlane v56, v2;
	v11 =	vmul.f32 $1.442695020e+00, v22;
	(xrf2) =	vadd.scan.msk.f32 $0xffff, v8  }
0xbe: {  	v3 =	vsel vm5, v3, v41;
	v34 =	vld [tilespmem:s19+$0x130];
	v52, v51, _ =	vpop (xrf1);
	v8 =	vmul.f32 $1.442695020e+00, v44;
	v36 =	vmul.f32 $1.442695020e+00, v25  }
0xbf: {  	v5 =	vsel vm5, v5, v50;
	v23 =	vpop (erf);
	v44 =	vld [tilespmem:s19+$0x170];
	v53 =	vperm.xlane v52, v1;
	v55 =	vperm.xlane v51, v0  }
0xc0: {  	v49 =	vld [tilespmem:s19+$0x190];
	v4 =	vsel vm5, v4, v6;
	v26 =	vpop (erf);
	v57 =	vperm.xlane v52, v0;
	(erf) = vpow2.f32 v8  }
0xc1: {  	v19 =	vsel vm6, v5, v58;
	v30 =	vmax.f32 v23, v26;
	(erf) = vpow2.f32 v62;
	v62 =	vld [tilespmem:s19+$0x1C0]  }
0xc2: {  	v28 =	vpop (erf);
	v31 =	vmin.f32 v23, v26;
	v8 =	vmul.f32 $1.442695020e+00, v27;
	(erf) = vpow2.f32 v7  }
0xc3: {  	v52 =	vld [tilespmem:s19+$0x1A0];
	v32 =	vmin.f32 v30, v28;
	v12 =	vmul.f32 $1.442695020e+00, v34;
	(erf) = vpow2.f32 v24  }
0xc4: {  	v59 =	vld [tilespmem:s19+$0x1B0];
	v10 =	vmax.f32 v30, v28;
	v51 =	vmul.f32 $1.442695020e+00, v44;
	(erf) = vpow2.f32 v29  }
0xc5: {  	v6 =	vmax.f32 v53, v55;
	(erf) = vpow2.f32 v11;
	v11 =	vmul.f32 $1.442695020e+00, v49;
	v61, v60, _ =	vpop (xrf1)  }
0xc6: {  	v42 =	vld [tilespmem:s19+$0x160];
	v3 =	vsel vm6, v3, v57;
	v14 =	vmul.f32 $1.442695020e+00, v62;
	v63 =	vperm.xlane v61, v1  }
0xc7: {  	v33 =	vmax.f32 v31, v32;
	v16 =	vperm.xlane v60, v0;
	v18, _, _ =	vpop (xrf2);
	v20 =	vperm.xlane v61, v0  }
0xc8: {  	v40 =	vld [tilespmem:s19+$0x150];
	v6 =	vsel vm6, v4, v6;
	v61 =	vmul.f32 $1.442695020e+00, v52;
	v21 =	vperm.xlane v18, v2  }
0xc9: {  	v48 =	vld [tilespmem:s19+$0x180];
	v35 =	vpop (erf);
	(erf) = vpow2.f32 v36;
	v18 =	vmul.f32 $1.442695020e+00, v59;
	v9 =	vmax.f32 v63, v16  }
0xca: {  	v4 =	vsel vm7, v3, v20;
	v38 =	vmin.f32 v10, v35;
	v10 =	vmax.f32 v10, v35  }
0xcb: {  	v39 =	vpop (erf);
	(erf) = vpow2.f32 v8;
	v8 =	vmul.f32 $1.442695020e+00, v42;
	v5 =	vsel vm7, v6, v9  }
0xcc: {  	v3 =	vsel vm7, v19, v21;
	v6 =	vadd.f32 v26, v23;
	v7 =	vmax.f32 v33, v38  }
0xcd: {  	v41 =	vmin.f32 v10, v39;
	v43 =	vpop (erf);
	v10 =	vmax.f32 v10, v39;
	(erf) = vpow2.f32 v12  }
0xce: {  	v9 =	vmul.f32 $1.442695020e+00, v40;
	v12 =	vmul.f32 $1.442695020e+00, v48;
	v26 =	vld [tilespmem:s19+$0x1E0];
	v6 =	vadd.f32 v28, v6  }
0xcf: {  	v7 =	vmax.f32 v7, v41;
	v45 =	vmin.f32 v10, v43;
	v46 =	vpop (erf);
	(erf) = vpow2.f32 v13  }
0xd0: {  	v23 =	vld [tilespmem:s19+$0x1D0];
	v10 =	vmax.f32 v10, v43;
	v50 =	vpop (erf);
	(erf) = vpow2.f32 v9;
	v6 =	vadd.f32 v35, v6  }
0xd1: {  	v7 =	vmax.f32 v7, v45;
	v47 =	vmin.f32 v10, v46;
	v10 =	vmax.f32 v10, v46  }
0xd2: {  	v7 =	vmax.f32 v7, v47;
	v54 =	vpop (erf);
	(erf) = vpow2.f32 v8;
	v6 =	vadd.f32 v39, v6  }
0xd3: {  	v53 =	vmin.f32 v10, v50;
	v35 =	vmul.f32 $1.442695020e+00, v26;
	v55 =	vpop (erf);
	(erf) = vpow2.f32 v51  }
0xd4: {  	v47 =	vld [tilespmem:s19+$0x230];
	v6 =	vadd.f32 v43, v6;
	v57 =	vmax.f32 v54, v55;
	v58 =	vmin.f32 v54, v55  }
0xd5: {  	v39 =	vld [tilespmem:s19+$0x210];
	v56 =	vpop (erf);
	v8 =	vadd.f32 v55, v54;
	(erf) = vpow2.f32 v12;
	v12 =	vmul.f32 $1.442695020e+00, v23  }
0xd6: {  	v36 =	vld [tilespmem:s19+$0x200];
	v60 =	vmin.f32 v57, v56;
	v63 =	vpop (erf);
	(erf) = vpow2.f32 v11;
	v15 =	vadd.f32 v46, v6  }
0xd7: {  	v51 =	vld [tilespmem:s19+$0x240];
	v6 =	vmax.f32 v7, v53;
	v7 =	vmax.f32 v10, v50;
	v16 =	vmax.f32 v58, v60  }
0xd8: {  	v10 =	vmax.f32 v57, v56;
	v8 =	vadd.f32 v56, v8;
	v21 =	vpop (erf);
	(erf) = vpow2.f32 v61  }
0xd9: {  	v30 =	vld [tilespmem:s19+$0x1F0];
	v22 =	vmin.f32 v10, v63;
	v10 =	vmax.f32 v10, v63;
	v25 =	vpop (erf);
	(erf) = vpow2.f32 v18  }
0xda: {  	v53 =	vld [tilespmem:s19+$0x250];
	v17 =	vmul.f32 $1.442695020e+00, v39;
	v18 =	vmul.f32 $1.442695020e+00, v47;
	v11 =	vmax.f32 v16, v22  }
0xdb: {  	v57 =	vld [tilespmem:s19+$0x270];
	v24 =	vmin.f32 v10, v21;
	v8 =	vadd.f32 v63, v8;
	v28 =	vpop (erf);
	(erf) = vpow2.f32 v14  }
0xdc: {  	v42 =	vld [tilespmem:s19+$0x220];
	v10 =	vmax.f32 v10, v21;
	v16 =	vmul.f32 $1.442695020e+00, v36;
	v60 =	vmul.f32 $1.442695020e+00, v51  }
0xdd: {  	v11 =	vmax.f32 v11, v24;
	v27 =	vmin.f32 v10, v25;
	v10 =	vmax.f32 v10, v25  }
0xde: {  	v8 =	vadd.f32 v21, v8;
	v29 =	vmax.f32 v11, v27;
	v31 =	vmin.f32 v10, v28  }
0xdf: {  	v10 =	vmax.f32 v10, v28;
	v11 =	vmul.f32 $1.442695020e+00, v30;
	v9 =	vmax.f32 v29, v31  }
0xe0: {  	v27 =	vld [tilespmem:s19+$0x2A0];
	v62 =	vmul.f32 $1.442695020e+00, v53;
	v22 =	vmul.f32 $1.442695020e+00, v57;
	v32 =	vpop (erf);
	v19 =	vadd.f32 v25, v8  }
0xe1: {  	v55 =	vld [tilespmem:s19+$0x260];
	v8 =	vadd.f32 v50, v15;
	v50 =	vmul.f32 $1.442695020e+00, v42;
	v34 =	vpop (erf);
	(erf) = vpow2.f32 v12  }
0xe2: {  	v33 =	vmin.f32 v10, v32;
	v10 =	vmax.f32 v10, v32;
	v37 =	vadd.f32 v28, v19;
	v38 =	vpop (erf)  }
0xe3: {  	v63 =	vld [tilespmem:s19+$0x280];
	v9 =	vmax.f32 v9, v33;
	(erf) = vpow2.f32 v35;
	v41 =	vmax.f32 v34, v38  }
0xe4: {  	v40 =	vpop (erf);
	v43 =	vmin.f32 v34, v38;
	v15 =	vadd.f32 v38, v34;
	(erf) = vpow2.f32 v11  }
0xe5: {  	v35 =	vmul.f32 $1.442695020e+00, v27;
	v44 =	vmin.f32 v41, v40;
	v12 =	vmax.f32 v41, v40  }
0xe6: {  	v42 =	vld [tilespmem:s19+$0x2E0];
	v46 =	vpop (erf);
	(erf) = vpow2.f32 v16;
	v16 =	vmul.f32 $1.442695020e+00, v55;
	v15 =	vadd.f32 v40, v15  }
0xe7: {  	v25 =	vld [tilespmem:s19+$0x290];
	v45 =	vmax.f32 v43, v44;
	v48 =	vmin.f32 v12, v46;
	v12 =	vmax.f32 v12, v46  }
0xe8: {  	v49 =	vpop (erf);
	(erf) = vpow2.f32 v17;
	v17 =	vmul.f32 $1.442695020e+00, v63;
	v15 =	vadd.f32 v46, v15  }
0xe9: {  	v11 =	vmax.f32 v45, v48;
	v52 =	vmin.f32 v12, v49;
	(erf) = vpow2.f32 v50  }
0xea: {  	v12 =	vmax.f32 v12, v49;
	v11 =	vmax.f32 v11, v52;
	v15 =	vadd.f32 v49, v15;
	v54 =	vpop (erf)  }
0xeb: {  	v30 =	vld [tilespmem:s19+$0x2B0];
	v49 =	vmul.f32 $1.442695020e+00, v42;
	v56 =	vmin.f32 v12, v54;
	v12 =	vmax.f32 v12, v54  }
0xec: {  	v58 =	vpop (erf);
	v15 =	vadd.f32 v54, v15;
	(erf) = vpow2.f32 v18;
	v18 =	vmul.f32 $1.442695020e+00, v25  }
0xed: {  	v11 =	vmax.f32 v11, v56;
	v59 =	vmin.f32 v12, v58;
	v12 =	vmax.f32 v12, v58  }
0xee: {  	v39 =	vld [tilespmem:s19+$0x2D0];
	v24 =	vpop (erf);
	(erf) = vpow2.f32 v60;
	v61 =	vmax.f32 v11, v59;
	v15 =	vadd.f32 v58, v15  }
0xef: {  	v26 =	vmin.f32 v12, v24;
	(erf) = vpow2.f32 v62;
	v11 =	vadd.f32 v32, v37;
	v37 =	vld [tilespmem:s19+$0x2C0]  }
0xf0: {  	v28 =	vpop (erf);
	v14 =	vmax.f32 v12, v24;
	(erf) = vpow2.f32 v16;
	v16 =	vmul.f32 $1.442695020e+00, v30;
	v30 =	vld [tilespmem:s19+$0x360]  }
0xf1: {  	v58 =	vld [tilespmem:s19+$0x330];
	v13 =	vmax.f32 v61, v26;
	v29 =	vpop (erf);
	v12 =	vadd.f32 v24, v15;
	(erf) = vpow2.f32 v22  }
0xf2: {  	v50 =	vld [tilespmem:s19+$0x300];
	v31 =	vpop (erf);
	v32 =	vmax.f32 v28, v29;
	v33 =	vmin.f32 v28, v29;
	v15 =	vadd.f32 v29, v28  }
0xf3: {  	v63 =	vld [tilespmem:s19+$0x350];
	v34 =	vmin.f32 v32, v31;
	(erf) = vpow2.f32 v17;
	v21 =	vmax.f32 v32, v31  }
0xf4: {  	v45 =	vld [tilespmem:s19+$0x2F0];
	v17 =	vmul.f32 $1.442695020e+00, v39;
	v19 =	vmax.f32 v33, v34;
	(erf) = vpow2.f32 v18  }
0xf5: {  	v61 =	vld [tilespmem:s19+$0x340];
	v15 =	vadd.f32 v31, v15;
	v18 =	vmul.f32 $1.442695020e+00, v37;
	v42 =	vmul.f32 $1.442695020e+00, v30;
	v36 =	vpop (erf)  }
0xf6: {  	v34 =	vld [tilespmem:s19+$0x370];
	(erf) = vpow2.f32 v35;
	v35 =	vmul.f32 $1.442695020e+00, v58;
	v38 =	vmin.f32 v21, v36  }
0xf7: {  	v40 =	vpop (erf);
	v41 =	vmax.f32 v21, v36;
	v15 =	vadd.f32 v36, v15;
	v21 =	vmul.f32 $1.442695020e+00, v50  }
0xf8: {  	v36 =	vld [tilespmem:s19+$0x380];
	v19 =	vmax.f32 v19, v38;
	v44 =	vmin.f32 v41, v40;
	v20 =	vmax.f32 v41, v40  }
0xf9: {  	v50 =	vld [tilespmem:s19+$0x3C0];
	v43 =	vpop (erf);
	(erf) = vpow2.f32 v16;
	v16 =	vmul.f32 $1.442695020e+00, v45;
	v15 =	vadd.f32 v40, v15  }
0xfa: {  	v55 =	vld [tilespmem:s19+$0x320];
	v38 =	vmul.f32 $1.442695020e+00, v61;
	v41 =	vmul.f32 $1.442695020e+00, v63;
	v19 =	vmax.f32 v19, v44  }
0xfb: {  	v52 =	vld [tilespmem:s19+$0x310];
	v46 =	vmin.f32 v20, v43;
	v47 =	vpop (erf);
	v20 =	vmax.f32 v20, v43;
	v44 =	vmul.f32 $1.442695020e+00, v34  }
0xfc: {  	v19 =	vmax.f32 v19, v46;
	v48 =	vmin.f32 v20, v47;
	v20 =	vmax.f32 v20, v47  }
0xfd: {  	v39 =	vld [tilespmem:s19+$0x390];
	v22 =	vadd.f32 v43, v15;
	v46 =	vmul.f32 $1.442695020e+00, v36;
	v15 =	vpop (erf);
	(erf) = vpow2.f32 v18  }
0xfe: {  	v19 =	vmax.f32 v19, v48;
	v63 =	vmul.f32 $1.442695020e+00, v50;
	v51 =	vpop (erf);
	(erf) = vpow2.f32 v17  }
0xff: {  	v22 =	vadd.f32 v47, v22;
	v18 =	vmul.f32 $1.442695020e+00, v55;
	v54 =	vpop (erf);
	(erf) = vpow2.f32 v49  }
0x100: {  	v53 =	vmin.f32 v20, v15;
	v17 =	vmul.f32 $1.442695020e+00, v52;
	(erf) = vpow2.f32 v16  }
0x101: {  	v20 =	vmax.f32 v20, v15;
	v19 =	vmax.f32 v19, v53;
	(erf) = vpow2.f32 v21  }
0x102: {  	v43 =	vld [tilespmem:s19+$0x3A0];
	v49 =	vmul.f32 $1.442695020e+00, v39;
	v15 =	vadd.f32 v15, v22;
	(erf) = vpow2.f32 v17  }
0x103: {  	v56 =	vpop (erf);
	v57 =	vmax.f32 v51, v54;
	v59 =	vmin.f32 v51, v54;
	(erf) = vpow2.f32 v18  }
0x104: {  	v47 =	vld [tilespmem:s19+$0x3B0];
	v23 =	vadd.f32 v54, v51;
	v60 =	vmin.f32 v57, v56;
	(erf) = vpow2.f32 v35  }
0x105: {  	v62 =	vpop (erf);
	v16 =	vmax.f32 v57, v56;
	v25 =	vmax.f32 v59, v60;
	(erf) = vpow2.f32 v38  }
0x106: {  	v23 =	vadd.f32 v56, v23;
	v33 =	vmin.f32 v16, v62;
	v56 =	vld [tilespmem:s19+$0x3D0];
	v37 =	vpop (erf);
	(erf) = vpow2.f32 v41  }
0x107: {  	v53 =	vmul.f32 $1.442695020e+00, v43;
	v24 =	vmax.f32 v25, v33;
	v33 =	vld [tilespmem:s19+$0x3E0];
	v45 =	vpop (erf);
	(erf) = vpow2.f32 v42  }
0x108: {  	v16 =	vmax.f32 v16, v62;
	v23 =	vadd.f32 v62, v23;
	v26 =	vpop (erf);
	(erf) = vpow2.f32 v44  }
0x109: {  	v58 =	vmul.f32 $1.442695020e+00, v47;
	v35 =	vld [tilespmem:s19+$0x3F0];
	v40 =	vmin.f32 v16, v37;
	v28 =	vpop (erf);
	(erf) = vpow2.f32 v46  }
0x10a: {  	v16 =	vmax.f32 v16, v37;
	v23 =	vadd.f32 v37, v23;
	v52 =	vpop (erf);
	(erf) = vpow2.f32 v49  }
0x10b: {  	v38 =	vmul.f32 $1.442695020e+00, v56;
	v24 =	vmax.f32 v24, v40;
	v48 =	vmin.f32 v16, v45;
	v54 =	vpop (erf)  }
0x10c: {  	(xrf1) =	vsort.dscd.msk.f32 $0xffff, v7, v6;
	v16 =	vmax.f32 v16, v45;
	v43 =	vmul.f32 $1.442695020e+00, v33;
	v31 =	vpop (erf);
	(erf) = vpow2.f32 v53  }
0x10d: {  	v24 =	vmax.f32 v24, v48;
	v51 =	vmin.f32 v16, v26;
	v21 =	vadd.f32 v45, v23;
	v59 =	vpop (erf)  }
0x10e: {  	(xrf1) =	vsort.dscd.msk.f32 $0xffff, v10, v9;
	v16 =	vmax.f32 v16, v26;
	v45 =	vmul.f32 $1.442695020e+00, v35;
	(erf) = vpow2.f32 v58;
	v61 =	vpop (erf)  }
0x10f: {  	(xrf2) =	vadd.scan.msk.f32 $0xffff, v8;
	v55 =	vmax.f32 v24, v51;
	v57 =	vmin.f32 v16, v28;
	v16 =	vmax.f32 v16, v28;
	v34 =	vpop (erf)  }
0x110: {  	(xrf1) =	vsort.dscd.msk.f32 $0xffff, v14, v13;
	v23 =	vmax.f32 v55, v57;
	v21 =	vadd.f32 v26, v21;
	v36 =	vpop (erf);
	(erf) = vpow2.f32 v63  }
0x111: {  	v60 =	vmax.f32 v52, v54;
	v32 =	vmin.f32 v52, v54;
	v27 =	vadd.f32 v54, v52;
	v39 =	vpop (erf)  }
0x112: {  	(xrf2) =	vadd.scan.msk.f32 $0xffff, v11;
	v62 =	vmin.f32 v60, v31;
	v29 =	vmax.f32 v60, v31;
	(erf) = vpow2.f32 v38;
	v41 =	vpop (erf)  }
0x113: {  	(xrf2) =	vadd.scan.msk.f32 $0xffff, v12;
	v21 =	vadd.f32 v28, v21;
	v7 =	vmax.f32 v32, v62;
	v37 =	vmin.f32 v29, v59;
	v44 =	vpop (erf)  }
0x114: {  	(xrf1) =	vsort.dscd.msk.f32 $0xffff, v20, v19;
	v40 =	vmax.f32 v29, v59;
	(erf) = vpow2.f32 v43;
	v46 =	vadd.f32 v44, v41  }
0x115: {  	(xrf2) =	vadd.scan.msk.f32 $0xffff, v15;
	v27 =	vadd.f32 v31, v27;
	v7 =	vmax.f32 v7, v37;
	v42 =	vmin.f32 v40, v61;
	v47 =	vpop (erf)  }
0x116: {  	(xrf1) =	vsort.dscd.msk.f32 $0xffff, v16, v23;
	v10 =	vmax.f32 v40, v61;
	(erf) = vpow2.f32 v45;
	v49 =	vadd.f32 v47, v46  }
0x117: {  	(xrf2) =	vadd.scan.msk.f32 $0xffff, v21;
	v25 =	vadd.f32 v59, v27;
	v7 =	vmax.f32 v7, v42;
	v48 =	vmin.f32 v10, v34;
	v50 =	vpop (erf)  }
0x118: {  	v10 =	vmax.f32 v10, v34;
	v7 =	vmax.f32 v7, v48;
	v17 =	vadd.f32 v50, v49  }
0x119: {  	v51 =	vmin.f32 v10, v36;
	v53 =	vmax.f32 v10, v36;
	v6 =	vadd.f32 v61, v25;
	v52 =	vpop (erf)  }
0x11a: {  	v21, _, _ =	vpop (xrf2);
	v7 =	vmax.f32 v7, v51;
	v57 =	vmin.f32 v53, v39;
	v54 =	vadd.f32 v52, v17  }
0x11b: {  	v8 =	vmax.f32 v53, v39;
	v6 =	vadd.f32 v34, v6;
	v56 =	vmax.f32 v41, v44;
	v55 =	vpop (erf)  }
0x11c: {  	v27, _, _ =	vpop (xrf2);
	v13 =	vmin.f32 v41, v44;
	v58 =	vmin.f32 v56, v47;
	v9 =	vadd.f32 v55, v54  }
0x11d: {  	v6 =	vadd.f32 v36, v6;
	v16 =	vmax.f32 v56, v47;
	v11 =	vmax.f32 v13, v58;
	v59 =	vpop (erf)  }
0x11e: {  	v30, _, _ =	vpop (xrf2);
	v60 =	vmin.f32 v16, v50;
	v61 =	vmax.f32 v16, v50;
	v9 =	vadd.f32 v59, v9  }
0x11f: {  	v6 =	vadd.f32 v39, v6;
	v11 =	vmax.f32 v11, v60;
	v62 =	vmin.f32 v61, v52;
	v63 =	vpop (erf)  }
0x120: {  	v32, _, _ =	vpop (xrf2);
	v13 =	vmax.f32 v61, v52;
	v11 =	vmax.f32 v11, v62;
	v9 =	vadd.f32 v63, v9  }
0x121: {  	v7 =	vmax.f32 v7, v57;
	v36 =	vperm.xlane v30, v2;
	v37, _, _ =	vpop (xrf2);
	(xrf2) =	vadd.scan.msk.f32 $0xffff, v6;
	v16 =	vmin.f32 v13, v55  }
0x122: {  	v40 =	vperm.xlane v37, v2;
	v10 =	vmax.f32 v13, v55;
	v18 =	vmax.f32 v11, v16;
	(xrf2) =	vadd.scan.msk.f32 $0xffff, v9  }
0x123: {  	v13 =	vmin.f32 v10, v59;
	v10 =	vmax.f32 v10, v59;
	v11, v12, _ =	vpop (xrf1);
	(xrf1) =	vsort.dscd.msk.f32 $0xffff, v8, v7  }
0x124: {  	v6 =	vmax.f32 v18, v13;
	v8 =	vperm.xlane v21, v2;
	v20 =	vmin.f32 v10, v63  }
0x125: {  	v19 =	vperm.xlane v11, v1;
	v23 =	vmax.f32 v10, v63;
	v6 =	vmax.f32 v6, v20  }
0x126: {  	v22 =	vperm.xlane v12, v0;
	v24 =	vperm.xlane v11, v0;
	v26, v25, _ =	vpop (xrf1);
	(xrf1) =	vsort.dscd.msk.f32 $0xffff, v23, v6  }
0x127: {  	v10 =	vperm.xlane v32, v2;
	v29 =	vperm.xlane v26, v1  }
0x128: {  	v12 =	vperm.xlane v25, v0;
	v6 =	vperm.xlane v27, v2  }
0x129: {  	v31 =	vperm.xlane v26, v0;
	v3 =	vsel vm8, v3, v8;
	v35, v34, _ =	vpop (xrf1);
	v28 =	vmax.f32 v19, v22  }
0x12a: {  	v4 =	vsel vm8, v4, v24;
	v38 =	vperm.xlane v35, v1;
	v3 =	vsel vm9, v3, v6  }
0x12b: {  	v11 =	vperm.xlane v34, v0;
	v41 =	vperm.xlane v35, v0;
	v39, _, _ =	vpop (xrf2);
	v3 =	vsel vm10, v3, v36  }
0x12c: {  	v5 =	vsel vm8, v5, v28;
	v3 =	vsel vm11, v3, v10;
	v42 =	vperm.xlane v39, v2;
	v43, _, _ =	vpop (xrf2)  }
0x12d: {  	v45, v44, _ =	vpop (xrf1);
	v33 =	vmax.f32 v29, v12;
	v3 =	vsel vm12, v3, v40;
	v46 =	vperm.xlane v43, v2  }
0x12e: {  	v4 =	vsel vm9, v4, v31;
	v47 =	vperm.xlane v45, v1;
	v3 =	vsel vm13, v3, v42  }
0x12f: {  	v48 =	vperm.xlane v44, v0;
	v49 =	vperm.xlane v45, v0;
	v51, v50, _ =	vpop (xrf1);
	v3 =	vsel vm14, v3, v46  }
0x130: {  	v5 =	vsel vm9, v5, v33;
	v6 =	vmax.f32 v38, v11;
	v54 =	vperm.xlane v51, v1  }
0x131: {  	v4 =	vsel vm10, v4, v41;
	v9 =	vperm.xlane v50, v0;
	(erf) = vrcp.f32 v3  }
0x132: {  	v55 =	vperm.xlane v51, v0;
	v5 =	vsel vm10, v5, v6;
	v52 =	vmax.f32 v47, v48;
	v3, v53, _ =	vpop (xrf1)  }
0x133: {  	v4 =	vsel vm11, v4, v49;
	v5 =	vsel vm11, v5, v52;
	v56 =	vperm.xlane v3, v0  }
0x134: {  	v8 =	vmax.f32 v54, v9;
	v3 =	vperm.xlane v3, v1;
	v57 =	vperm.xlane v53, v0;
	v59, v58, _ =	vpop (xrf1)  }
0x135: {  	v4 =	vsel vm12, v4, v55;
	v60 =	vperm.xlane v59, v1;
	v11 =	vperm.xlane v58, v0  }
0x136: {  	v5 =	vsel vm12, v5, v8;
	v61 =	vperm.xlane v59, v0;
	v3 =	vmax.f32 v3, v57  }
0x137: {  	s18 =	sadd.s32 $0x10, s18;
	v4 =	vsel vm13, v4, v56;
	v3 =	vsel vm13, v5, v3;
	v62 =	vmax.f32 v60, v11  }
0x138: {  	p0 =	slt.u32 s18, $0xF0;
	v4 =	vsel vm14, v4, v61;
	v3 =	vsel vm14, v3, v62  }
.Ltmp2:
0x139: {  	v3 =	vsub.f32 v3, v4;
	(pc) =	sbr.rel @p0 .LBB2_3-.Ltmp2, $4  }
0x13a: {  	s20 =	sand.u32 $0x80, s18;
	v63 =	vpop (erf)  }
0x13b: {  	s21 =	sand.u32 $0x70, s18;
	s20 =	sadd.s32 s20, s17;
	v3 =	vmul.f32 v63, v3  }
0x13c: {  	s20 =	sadd.s32 s21, s20  }
0x13d: {  	s19 =	sadd.s32 $0x800, s19;
	[tilespmem:s20+$0x0] =	vst v3  }
0x13e: {  	s18 =	sshll.u32 s16, $0x10;
	p0 =	seq.s32 s16, $0xB  }
0x13f: {  	s19 =	sadd.s32 @!p0 s18, s6  }
0x140: {  	s19 =	sshrl.u32 @!p0 s19, $0x3  }
0x141: {  	s20 =	simm.s32 @!p0 $0x0;
	s19 =	sadd.s32 @!p0 s2, s19  }
0x142: {  	[tilespmem:s20], [sflag:$0x1] =	stream.linear.gather @!p0 [hbm4b:s19+s20], $0x8000, $0x38;
	[tilespmem:$0x11800] =	vst v63  }
0x143: {  	_ =	swait.ge [sflag:s12], $0x8000  }
0x144: {  	[sflag:s12] =	ssyncset.done $0x0  }
0x145: {  	s19 =	simm.s32 $0xFFFFFFF0;
	s20 =	simm.s32 $0x8400;
	[sflag:s12] =	ssyncadd.s32 $0xFFFF8000  }
.LBB2_5:
0x146: {  	v3 =	vld [tilespmem:s20+$0xFFFFFC00]  }
0x147: {  	v4 =	vld [tilespmem:s20+$0xFFFFFC10]  }
0x148: {  	v5 =	vld [tilespmem:s20+$0xFFFFFC20]  }
0x149: {  	v6 =	vld [tilespmem:s20+$0xFFFFFC30]  }
0x14a: {  	v56 =	vld [tilespmem:s20+$0xFFFFFC40]  }
0x14b: {  	v58 =	vld [tilespmem:s20+$0xFFFFFC60]  }
0x14c: {  	v59 =	vld [tilespmem:s20+$0xFFFFFC80]  }
0x14d: {  	v61 =	vld [tilespmem:s20+$0xFFFFFC90]  }
0x14e: {  	v62 =	vld [tilespmem:s20+$0xFFFFFCA0];
	v3 =	vmul.f32 $1.442695020e+00, v3  }
0x14f: {  	v13 =	vld [tilespmem:s20+$0xFFFFFD10];
	v4 =	vmul.f32 $1.442695020e+00, v4  }
0x150: {  	v44 =	vld [tilespmem:s20+$0xFFFFFD40];
	(erf) = vpow2.f32 v3;
	v3 =	vmul.f32 $1.442695020e+00, v5  }
0x151: {  	v55 =	vld [tilespmem:s20+$0xFFFFFD80];
	(erf) = vpow2.f32 v4  }
0x152: {  	v57 =	vmul.f32 $1.442695020e+00, v6;
	(erf) = vpow2.f32 v3;
	v3 =	vld [tilespmem:s20+$0xFFFFFC50]  }
0x153: {  	v49 =	vld [tilespmem:s20+$0xFFFFFD60];
	v60 =	vmul.f32 $1.442695020e+00, v58;
	v6 =	vmul.f32 $1.442695020e+00, v61  }
0x154: {  	v7 =	vld [tilespmem:s20+$0xFFFFFC70];
	v4 =	vmul.f32 $1.442695020e+00, v56;
	(erf) = vpow2.f32 v57  }
0x155: {  	v63 =	vld [tilespmem:s20+$0xFFFFFCB0];
	v18 =	vmul.f32 $1.442695020e+00, v62;
	v40 =	vmul.f32 $1.442695020e+00, v13  }
0x156: {  	v51 =	vld [tilespmem:s20+$0xFFFFFD70];
	v53 =	vmul.f32 $1.442695020e+00, v44;
	(erf) = vpow2.f32 v4  }
0x157: {  	v13 =	vmul.f32 $1.442695020e+00, v55;
	v3 =	vmul.f32 $1.442695020e+00, v3  }
0x158: {  	v5 =	vmul.f32 $1.442695020e+00, v59;
	v57 =	vmul.f32 $1.442695020e+00, v49  }
0x159: {  	v17 =	vld [tilespmem:s20+$0xFFFFFCC0];
	v8 =	vpop (erf);
	(erf) = vpow2.f32 v3;
	v3 =	vmul.f32 $1.442695020e+00, v7  }
0x15a: {  	v20 =	vld [tilespmem:s20+$0xFFFFFCD0];
	v4 =	vmul.f32 $1.442695020e+00, v63;
	v9 =	vpop (erf);
	(erf) = vpow2.f32 v60  }
0x15b: {  	v22 =	vld [tilespmem:s20+$0xFFFFFCE0];
	v60 =	vmul.f32 $1.442695020e+00, v51;
	v10 =	vpop (erf);
	(erf) = vpow2.f32 v3;
	v3 =	vmax.f32 v8, v9  }
0x15c: {  	v63 =	vld [tilespmem:s20+$0xFFFFFDB0];
	v11 =	vmin.f32 v8, v9;
	v8 =	vadd.f32 v9, v8;
	v16 =	vmin.f32 v3, v10  }
0x15d: {  	v25 =	vld [tilespmem:s20+$0xFFFFFCF0];
	v3 =	vmax.f32 v3, v10;
	v12 =	vpop (erf);
	(erf) = vpow2.f32 v5;
	v9 =	vmax.f32 v11, v16  }
0x15e: {  	v8 =	vadd.f32 v10, v8;
	v19 =	vmin.f32 v3, v12;
	(erf) = vpow2.f32 v6;
	v16 =	vld [tilespmem:s20+$0xFFFFFD30]  }
0x15f: {  	v21 =	vpop (erf);
	v3 =	vmax.f32 v3, v12;
	v11 =	vmul.f32 $1.442695020e+00, v17;
	v6 =	vmul.f32 $1.442695020e+00, v20  }
0x160: {  	v7 =	vmax.f32 v9, v19;
	(erf) = vpow2.f32 v18;
	v24 =	vmin.f32 v3, v21  }
0x161: {  	v30 =	vld [tilespmem:s20+$0xFFFFFD00];
	v3 =	vmax.f32 v3, v21;
	v9 =	vmul.f32 $1.442695020e+00, v63;
	v8 =	vadd.f32 v12, v8  }
0x162: {  	v18 =	vld [tilespmem:s20+$0xFFFFFDC0];
	(erf) = vpow2.f32 v4;
	v7 =	vmax.f32 v7, v24;
	v4 =	vmul.f32 $1.442695020e+00, v22  }
0x163: {  	v34 =	vld [tilespmem:s20+$0xFFFFFD20];
	v12 =	vmul.f32 $1.442695020e+00, v25;
	v5 =	vadd.f32 v21, v8;
	v23 =	vpop (erf);
	v48 =	vmul.f32 $1.442695020e+00, v16  }
0x164: {  	v26 =	vmin.f32 v3, v23;
	v27 =	vpop (erf);
	v3 =	vmax.f32 v3, v23;
	(erf) = vpow2.f32 v11  }
0x165: {  	v19 =	vld [tilespmem:s20+$0xFFFFFDD0];
	v5 =	vadd.f32 v23, v5;
	v7 =	vmax.f32 v7, v26;
	v28 =	vmin.f32 v3, v27  }
0x166: {  	v29 =	vpop (erf);
	v3 =	vmax.f32 v3, v27;
	(erf) = vpow2.f32 v6;
	v6 =	vmul.f32 $1.442695020e+00, v30  }
0x167: {  	v30 =	vmul.f32 $1.442695020e+00, v18;
	v7 =	vmax.f32 v7, v28;
	v31 =	vmin.f32 v3, v29  }
0x168: {  	v47 =	vld [tilespmem:s20+$0xFFFFFD50];
	v32 =	vpop (erf);
	v5 =	vadd.f32 v27, v5;
	(erf) = vpow2.f32 v4;
	v4 =	vmul.f32 $1.442695020e+00, v34  }
0x169: {  	v58 =	vld [tilespmem:s20+$0xFFFFFD90];
	v3 =	vmax.f32 v3, v29;
	v7 =	vmax.f32 v7, v31;
	v33 =	vpop (erf);
	(erf) = vpow2.f32 v12  }
0x16a: {  	v27 =	vld [tilespmem:s20+$0xFFFFFDE0];
	v31 =	vmul.f32 $1.442695020e+00, v19;
	v35 =	vpop (erf);
	v36 =	vmax.f32 v32, v33;
	v14 =	vmin.f32 v32, v33  }
0x16b: {  	v28 =	vld [tilespmem:s20+$0xFFFFFDF0];
	v8 =	vadd.f32 v33, v32;
	v5 =	vadd.f32 v29, v5;
	v37 =	vmin.f32 v36, v35  }
0x16c: {  	(xrf1) =	vsort.dscd.msk.f32 $0xffff, v3, v7;
	v15 =	vpop (erf);
	v12 =	vmax.f32 v36, v35;
	(erf) = vpow2.f32 v6;
	v11 =	vmax.f32 v14, v37  }
0x16d: {  	v38 =	vmin.f32 v12, v15;
	v8 =	vadd.f32 v35, v8;
	(erf) = vpow2.f32 v40  }
0x16e: {  	v12 =	vmax.f32 v12, v15;
	v39 =	vmax.f32 v11, v38;
	(erf) = vpow2.f32 v4  }
0x16f: {  	v61 =	vld [tilespmem:s20+$0xFFFFFDA0];
	v4 =	vmul.f32 $1.442695020e+00, v47;
	v33 =	vmul.f32 $1.442695020e+00, v27;
	v42 =	vadd.f32 v15, v8;
	v41 =	vpop (erf)  }
0x170: {  	v35 =	vmul.f32 $1.442695020e+00, v28;
	v15 =	vmul.f32 $1.442695020e+00, v58;
	v43 =	vmin.f32 v12, v41  }
0x171: {  	v45 =	vpop (erf);
	v46 =	vmax.f32 v12, v41;
	v6 =	vadd.f32 v41, v42;
	v8 =	vmax.f32 v39, v43  }
0x172: {  	v12 =	vmin.f32 v46, v45;
	v50 =	vpop (erf);
	v10 =	vmax.f32 v46, v45;
	(erf) = vpow2.f32 v48  }
0x173: {  	v8 =	vmax.f32 v8, v12;
	v6 =	vadd.f32 v45, v6;
	v52 =	vmin.f32 v10, v50  }
0x174: {  	v54 =	vpop (erf);
	v10 =	vmax.f32 v10, v50;
	(erf) = vpow2.f32 v53;
	v12 =	vmul.f32 $1.442695020e+00, v61  }
0x175: {  	v8 =	vmax.f32 v8, v52;
	(erf) = vpow2.f32 v4;
	v6 =	vadd.f32 v50, v6  }
0x176: {  	v21 =	vld [tilespmem:s20+$0xFFFFFE20];
	v56 =	vmin.f32 v10, v54;
	v10 =	vmax.f32 v10, v54;
	v59 =	vpop (erf);
	(erf) = vpow2.f32 v57  }
0x177: {  	v8 =	vmax.f32 v8, v56;
	v62 =	vpop (erf);
	(erf) = vpow2.f32 v60;
	v6 =	vadd.f32 v54, v6  }
0x178: {  	v24 =	vpop (erf);
	v25 =	vmax.f32 v59, v62;
	v17 =	vmin.f32 v59, v62;
	(erf) = vpow2.f32 v13  }
0x179: {  	(xrf1) =	vsort.dscd.msk.f32 $0xffff, v10, v8;
	v11 =	vadd.f32 v62, v59;
	v26 =	vmin.f32 v25, v24;
	(erf) = vpow2.f32 v15  }
0x17a: {  	(xrf2) =	vadd.scan.msk.f32 $0xffff, v5;
	v4 =	vmax.f32 v25, v24;
	v14 =	vmax.f32 v17, v26;
	(erf) = vpow2.f32 v12;
	v62, v61, _ =	vpop (xrf1)  }
0x17b: {  	v11 =	vadd.f32 v24, v11;
	(xrf2) =	vadd.scan.msk.f32 $0xffff, v6;
	v6 =	vmul.f32 $1.442695020e+00, v21;
	v63 =	vperm.xlane v62, v0;
	v20 =	vpop (erf)  }
0x17c: {  	v8 =	vperm.xlane v62, v1;
	(erf) = vpow2.f32 v9;
	v29 =	vmin.f32 v4, v20  }
0x17d: {  	v4 =	vmax.f32 v4, v20;
	v32 =	vpop (erf);
	v11 =	vadd.f32 v20, v11;
	(erf) = vpow2.f32 v30  }
0x17e: {  	v14 =	vmax.f32 v14, v29;
	v34 =	vmin.f32 v4, v32;
	(erf) = vpow2.f32 v31  }
0x17f: {  	v26 =	vld [tilespmem:s20+$0xFFFFFE30];
	v36 =	vpop (erf);
	v4 =	vmax.f32 v4, v32;
	v14 =	vmax.f32 v14, v34;
	(erf) = vpow2.f32 v33  }
0x180: {  	v3 =	vpop (erf);
	v37 =	vmin.f32 v4, v36;
	v4 =	vmax.f32 v4, v36;
	v11 =	vadd.f32 v32, v11  }
0x181: {  	v38 =	vpop (erf);
	v7 =	vmax.f32 v14, v37;
	v39 =	vmin.f32 v4, v3;
	v4 =	vmax.f32 v4, v3  }
0x182: {  	(erf) = vpow2.f32 v35;
	v7 =	vmax.f32 v7, v39;
	v40 =	vmin.f32 v4, v38  }
0x183: {  	v41 =	vpop (erf);
	v4 =	vmax.f32 v4, v38;
	v43 =	vadd.f32 v36, v11;
	v7 =	vmax.f32 v7, v40  }
0x184: {  	v9 =	vperm.xlane v61, v0;
	v13 =	vmul.f32 $1.442695020e+00, v26;
	v42 =	vpop (erf);
	(xrf1) =	vsort.dscd.msk.f32 $0xffff, v4, v7  }
0x185: {  	v44 =	vpop (erf);
	v45 =	vmax.f32 v41, v42;
	v3 =	vadd.f32 v3, v43;
	v59 =	vadd.f32 v42, v41  }
0x186: {  	v47 =	vmin.f32 v41, v42;
	v48 =	vmin.f32 v45, v44;
	v7 =	vmax.f32 v45, v44;
	v46 =	vpop (erf)  }
0x187: {  	v60 =	vld [tilespmem:s20+$0xFFFFFE00];
	v12 =	vmax.f32 v47, v48;
	v3 =	vadd.f32 v38, v3;
	v4 =	vadd.f32 v44, v59;
	v22, v23, _ =	vpop (xrf1)  }
0x188: {  	v36 =	vld [tilespmem:s20+$0xFFFFFE60];
	v50 =	vmin.f32 v7, v46;
	v7 =	vmax.f32 v7, v46;
	v24 =	vperm.xlane v22, v0  }
0x189: {  	v40 =	vld [tilespmem:s20+$0xFFFFFE70];
	v49 =	vpop (erf);
	v25 =	vperm.xlane v22, v1;
	v14 =	vperm.xlane v23, v0;
	v12 =	vmax.f32 v12, v50  }
0x18a: {  	v44 =	vld [tilespmem:s20+$0xFFFFFE80];
	v51 =	vpop (erf);
	v52 =	vmin.f32 v7, v49;
	v7 =	vmax.f32 v7, v49;
	v4 =	vadd.f32 v46, v4  }
0x18b: {  	(xrf2) =	vadd.scan.msk.f32 $0xffff, v3;
	v3 =	vld [tilespmem:s20+$0xFFFFFE10];
	v53 =	vpop (erf);
	v12 =	vmax.f32 v12, v52;
	v54 =	vmin.f32 v7, v51;
	v7 =	vmax.f32 v7, v51  }
0x18c: {  	v28 =	vld [tilespmem:s20+$0xFFFFFE40];
	v55 =	vpop (erf);
	v12 =	vmax.f32 v12, v54;
	v56 =	vmin.f32 v7, v53;
	v7 =	vmax.f32 v7, v53  }
0x18d: {  	v47 =	vld [tilespmem:s20+$0xFFFFFE90];
	v46 =	vmul.f32 $1.442695020e+00, v36;
	v12 =	vmax.f32 v12, v56;
	v57 =	vmin.f32 v7, v55  }
0x18e: {  	v50 =	vld [tilespmem:s20+$0xFFFFFEA0];
	v29 =	vmax.f32 v25, v14;
	v7 =	vmax.f32 v7, v55;
	v58 =	vmax.f32 v12, v57  }
0x18f: {  	v25 =	vld [tilespmem:s20+$0xFFFFFEE0];
	v4 =	vadd.f32 v49, v4;
	v49 =	vmul.f32 $1.442695020e+00, v40;
	(xrf1) =	vsort.dscd.msk.f32 $0xffff, v7, v58;
	v7 =	vmul.f32 $1.442695020e+00, v60  }
0x190: {  	v20, _, _ =	vpop (xrf2);
	v34 =	vld [tilespmem:s20+$0xFFFFFE50];
	v10 =	vmul.f32 $1.442695020e+00, v44;
	v3 =	vmul.f32 $1.442695020e+00, v3  }
0x191: {  	v56 =	vld [tilespmem:s20+$0xFFFFFEB0];
	v12 =	vperm.xlane v20, v2;
	(erf) = vpow2.f32 v7  }
0x192: {  	v62 =	vld [tilespmem:s20+$0xFFFFFEC0];
	v58 =	vmul.f32 $1.442695020e+00, v47;
	(erf) = vpow2.f32 v3  }
0x193: {  	v4 =	vadd.f32 v51, v4;
	v60 =	vmul.f32 $1.442695020e+00, v50;
	(erf) = vpow2.f32 v6  }
0x194: {  	v30, _, _ =	vpop (xrf2);
	v16 =	vmul.f32 $1.442695020e+00, v25;
	v7 =	vmul.f32 $1.442695020e+00, v28  }
0x195: {  	v4 =	vadd.f32 v53, v4;
	v28 =	vld [tilespmem:s20+$0xFFFFFEF0];
	v3 =	vperm.xlane v30, v2;
	(erf) = vpow2.f32 v13  }
0x196: {  	v27 =	vmax.f32 v8, v9;
	v17 =	vmul.f32 $1.442695020e+00, v56;
	v6 =	vmul.f32 $1.442695020e+00, v34;
	v33, v32, _ =	vpop (xrf1)  }
0x197: {  	v4 =	vadd.f32 v55, v4;
	v13 =	vmul.f32 $1.442695020e+00, v62;
	v35 =	vperm.xlane v33, v0  }
0x198: {  	v31 =	vsel vm0, v63, v24;
	v39, _, _ =	vpop (xrf2);
	v37 =	vperm.xlane v33, v1;
	(erf) = vpow2.f32 v7  }
0x199: {  	v21 =	vld [tilespmem:s20+$0xFFFFFED0];
	v5 =	vsel vm0, v27, v29;
	(xrf2) =	vadd.scan.msk.f32 $0xffff, v4;
	v38 =	vperm.xlane v32, v0;
	v11 =	vperm.xlane v39, v2  }
0x19a: {  	v12 =	vsel vm0, v12, v3;
	(erf) = vpow2.f32 v6;
	v15 =	vmul.f32 $1.442695020e+00, v28;
	v48 =	vpop (erf)  }
0x19b: {  	v8 =	vmax.f32 v37, v38;
	v3 =	vsel vm1, v31, v35;
	(erf) = vpow2.f32 v46;
	v51 =	vpop (erf)  }
0x19c: {  	v4 =	vsel vm1, v5, v8;
	v5 =	vsel vm1, v12, v11;
	(erf) = vpow2.f32 v49;
	v52 =	vpop (erf)  }
0x19d: {  	v50 =	vld [tilespmem:s20+$0xFFFFFF60];
	v53 =	vmax.f32 v48, v51;
	v54 =	vmin.f32 v48, v51;
	v8 =	vadd.f32 v51, v48;
	v42, v41, _ =	vpop (xrf1)  }
0x19e: {  	v34 =	vld [tilespmem:s20+$0xFFFFFF10];
	v55 =	vmin.f32 v53, v52;
	v59 =	vpop (erf);
	(erf) = vpow2.f32 v10;
	v10 =	vmul.f32 $1.442695020e+00, v21  }
0x19f: {  	v12 =	vmax.f32 v53, v52;
	v43 =	vperm.xlane v42, v1;
	v45 =	vperm.xlane v41, v0  }
0x1a0: {  	v6 =	vperm.xlane v42, v0;
	v57 =	vmax.f32 v54, v55;
	v8 =	vadd.f32 v52, v8  }
0x1a1: {  	v36 =	vld [tilespmem:s20+$0xFFFFFF20];
	v61 =	vmin.f32 v12, v59;
	(erf) = vpow2.f32 v58;
	v63 =	vpop (erf);
	v20 =	vmax.f32 v12, v59  }
0x1a2: {  	v9 =	vmax.f32 v57, v61;
	(erf) = vpow2.f32 v60;
	v23 =	vmin.f32 v20, v63  }
0x1a3: {  	v31 =	vld [tilespmem:s20+$0xFFFFFF00];
	v22, _, _ =	vpop (xrf2);
	v11 =	vmax.f32 v20, v63;
	v20 =	vmul.f32 $1.442695020e+00, v34;
	v57 =	vmul.f32 $1.442695020e+00, v50  }
0x1a4: {  	v44 =	vld [tilespmem:s20+$0xFFFFFF40];
	v24 =	vpop (erf);
	v7 =	vmax.f32 v43, v45;
	v14 =	vadd.f32 v59, v8;
	v8 =	vperm.xlane v22, v2  }
0x1a5: {  	v41 =	vld [tilespmem:s20+$0xFFFFFF30];
	v9 =	vmax.f32 v9, v23;
	v26 =	vmin.f32 v11, v24;
	(erf) = vpow2.f32 v17  }
0x1a6: {  	v52 =	vld [tilespmem:s20+$0xFFFFFF70];
	v27 =	vpop (erf);
	v11 =	vmax.f32 v11, v24;
	v43 =	vmul.f32 $1.442695020e+00, v36;
	v3 =	vsel vm2, v3, v6  }
0x1a7: {  	v9 =	vmax.f32 v9, v26;
	v29 =	vmin.f32 v11, v27;
	v11 =	vmax.f32 v11, v27  }
0x1a8: {  	v62 =	vld [tilespmem:s20+$0xFFFFFFA0];
	v30 =	vpop (erf);
	(erf) = vpow2.f32 v13;
	v13 =	vmul.f32 $1.442695020e+00, v31;
	v14 =	vadd.f32 v63, v14  }
0x1a9: {  	v4 =	vsel vm2, v4, v7;
	v9 =	vmax.f32 v9, v29;
	v32 =	vmin.f32 v11, v30  }
0x1aa: {  	v11 =	vmax.f32 v11, v30;
	v19 =	vmul.f32 $1.442695020e+00, v41;
	v12 =	vadd.f32 v24, v14;
	v24 =	vld [tilespmem:s20+$0xFFFFFFB0]  }
0x1ab: {  	v5 =	vsel vm2, v5, v8;
	v61 =	vmul.f32 $1.442695020e+00, v52;
	v14 =	vmul.f32 $1.442695020e+00, v44;
	v33 =	vpop (erf)  }
0x1ac: {  	(erf) = vpow2.f32 v10;
	v12 =	vadd.f32 v27, v12;
	v10 =	vmax.f32 v9, v32;
	v35 =	vpop (erf)  }
0x1ad: {  	v47 =	vld [tilespmem:s20+$0xFFFFFF50];
	v32 =	vmul.f32 $1.442695020e+00, v62;
	v37 =	vpop (erf);
	(erf) = vpow2.f32 v16;
	v38 =	vmax.f32 v33, v35  }
0x1ae: {  	v58 =	vld [tilespmem:s20+$0xFFFFFF90];
	v21 =	vmin.f32 v33, v35;
	v9 =	vadd.f32 v35, v33;
	v39 =	vmin.f32 v38, v37  }
0x1af: {  	v33 =	vld [tilespmem:s20+$0xFFFFFFC0];
	(erf) = vpow2.f32 v15;
	v42 =	vpop (erf);
	v16 =	vmax.f32 v38, v37;
	v36 =	vmul.f32 $1.442695020e+00, v24  }
0x1b0: {  	v62 =	vld [tilespmem:s20+$0x70];
	v40 =	vmax.f32 v21, v39;
	v17 =	vadd.f32 v37, v9;
	v22 =	vmin.f32 v16, v42  }
0x1b1: {  	(erf) = vpow2.f32 v13;
	v9 =	vadd.f32 v30, v12;
	v16 =	vmax.f32 v16, v42;
	v37 =	vld [tilespmem:s20+$0xFFFFFFD0]  }
0x1b2: {  	v46 =	vpop (erf);
	v13 =	vmul.f32 $1.442695020e+00, v47;
	v45 =	vmax.f32 v40, v22;
	(erf) = vpow2.f32 v20;
	v40 =	vld [tilespmem:s20+$0xFFFFFFE0]  }
0x1b3: {  	v55 =	vld [tilespmem:s20+$0xFFFFFF80];
	v49 =	vmin.f32 v16, v46;
	v17 =	vadd.f32 v42, v17;
	(erf) = vpow2.f32 v43  }
0x1b4: {  	v16 =	vmax.f32 v16, v46;
	v12 =	vmax.f32 v45, v49;
	v20 =	vmul.f32 $1.442695020e+00, v33  }
0x1b5: {  	v15 =	vadd.f32 v46, v17;
	v48 =	vpop (erf);
	(erf) = vpow2.f32 v19;
	v19 =	vmul.f32 $1.442695020e+00, v58  }
0x1b6: {  	v46 =	vmul.f32 $1.442695020e+00, v37;
	v37 =	vmul.f32 $1.442695020e+00, v62;
	v51 =	vmin.f32 v16, v48  }
0x1b7: {  	v16 =	vmax.f32 v16, v48;
	v15 =	vadd.f32 v48, v15;
	v48 =	vmul.f32 $1.442695020e+00, v40  }
0x1b8: {  	v26 =	vld [tilespmem:s20+$0x30];
	v53 =	vpop (erf);
	v12 =	vmax.f32 v12, v51;
	(erf) = vpow2.f32 v14;
	v14 =	vmul.f32 $1.442695020e+00, v55  }
0x1b9: {  	v54 =	vmin.f32 v16, v53;
	v56 =	vpop (erf);
	v16 =	vmax.f32 v16, v53;
	v15 =	vadd.f32 v53, v15  }
0x1ba: {  	v42 =	vld [tilespmem:s20+$0xFFFFFFF0];
	(erf) = vpow2.f32 v13;
	v12 =	vmax.f32 v12, v54;
	v59 =	vmin.f32 v16, v56;
	v60 =	vpop (erf)  }
0x1bb: {  	v53 =	vld [tilespmem:s20+$0x20];
	v16 =	vmax.f32 v16, v56;
	v12 =	vmax.f32 v12, v59;
	v63 =	vpop (erf);
	(erf) = vpow2.f32 v57  }
0x1bc: {  	v15 =	vadd.f32 v56, v15;
	v57 =	vld [tilespmem:s20+$0x40];
	v28 =	vpop (erf);
	(erf) = vpow2.f32 v61;
	v29 =	vmax.f32 v60, v63  }
0x1bd: {  	v49 =	vld [tilespmem:s20+$0x0];
	v23 =	vmin.f32 v60, v63;
	v21 =	vadd.f32 v63, v60;
	v61 =	vmul.f32 $1.442695020e+00, v26  }
0x1be: {  	v30 =	vmin.f32 v29, v28;
	v13 =	vmax.f32 v29, v28;
	v31 =	vpop (erf);
	(erf) = vpow2.f32 v14  }
0x1bf: {  	v29 =	vld [tilespmem:s20+$0x50];
	v22 =	vmax.f32 v23, v30;
	v18 =	vadd.f32 v28, v21;
	v14 =	vmul.f32 $1.442695020e+00, v42  }
0x1c0: {  	v59 =	vld [tilespmem:s20+$0x60];
	v34 =	vmin.f32 v13, v31;
	v13 =	vmax.f32 v13, v31;
	(erf) = vpow2.f32 v19  }
0x1c1: {  	v18 =	vadd.f32 v31, v18;
	v19 =	vmul.f32 $1.442695020e+00, v53;
	v30 =	vmul.f32 $1.442695020e+00, v57  }
0x1c2: {  	v51 =	vld [tilespmem:s20+$0x10];
	v35 =	vpop (erf);
	(erf) = vpow2.f32 v32;
	v38 =	vmax.f32 v22, v34;
	v22 =	vmul.f32 $1.442695020e+00, v49  }
0x1c3: {  	(xrf1) =	vsort.dscd.msk.f32 $0xffff, v11, v10;
	v39 =	vmin.f32 v13, v35;
	v41 =	vpop (erf);
	v13 =	vmax.f32 v13, v35;
	(erf) = vpow2.f32 v36  }
0x1c4: {  	v18 =	vadd.f32 v35, v18;
	v34 =	vmul.f32 $1.442695020e+00, v29;
	v44 =	vpop (erf);
	(erf) = vpow2.f32 v20  }
0x1c5: {  	(xrf1) =	vsort.dscd.msk.f32 $0xffff, v16, v12;
	v36 =	vmul.f32 $1.442695020e+00, v59;
	v17 =	vmax.f32 v38, v39;
	v43 =	vmin.f32 v13, v41  }
0x1c6: {  	v13 =	vmax.f32 v13, v41;
	v17 =	vmax.f32 v17, v43;
	v18 =	vadd.f32 v41, v18;
	v47 =	vpop (erf)  }
0x1c7: {  	v20 =	vmul.f32 $1.442695020e+00, v51;
	v45 =	vmin.f32 v13, v44;
	v25 =	vpop (erf);
	(erf) = vpow2.f32 v46  }
0x1c8: {  	v13 =	vmax.f32 v13, v44;
	v17 =	vmax.f32 v17, v45;
	v18 =	vadd.f32 v44, v18  }
0x1c9: {  	v50 =	vmin.f32 v13, v47;
	v13 =	vmax.f32 v13, v47;
	v52 =	vpop (erf);
	(erf) = vpow2.f32 v48  }
0x1ca: {  	v17 =	vmax.f32 v17, v50;
	v41 =	vadd.f32 v47, v18;
	v21 =	vadd.f32 v52, v25  }
0x1cb: {  	v54 =	vpop (erf);
	(erf) = vpow2.f32 v14;
	v55 =	vmax.f32 v25, v52;
	v27 =	vmin.f32 v25, v52  }
0x1cc: {  	(xrf2) =	vadd.scan.msk.f32 $0xffff, v9;
	v28 =	vpop (erf);
	v14 =	vmax.f32 v55, v54;
	(erf) = vpow2.f32 v22;
	v21 =	vadd.f32 v54, v21  }
0x1cd: {  	(xrf1) =	vsort.dscd.msk.f32 $0xffff, v13, v17;
	v58 =	vmin.f32 v14, v28;
	v14 =	vmax.f32 v14, v28;
	(erf) = vpow2.f32 v20;
	v60 =	vpop (erf)  }
0x1ce: {  	v56 =	vmin.f32 v55, v54;
	(erf) = vpow2.f32 v19;
	v63 =	vmin.f32 v14, v60  }
0x1cf: {  	(xrf2) =	vadd.scan.msk.f32 $0xffff, v15;
	v25 =	vmax.f32 v27, v56;
	v21 =	vadd.f32 v28, v21;
	(erf) = vpow2.f32 v61  }
0x1d0: {  	v24 =	vmax.f32 v25, v58;
	v32 =	vmax.f32 v14, v60;
	(erf) = vpow2.f32 v30;
	v31 =	vpop (erf)  }
0x1d1: {  	v28 =	vmax.f32 v24, v63;
	v33 =	vadd.f32 v60, v21;
	(erf) = vpow2.f32 v34;
	v63, v62, _ =	vpop (xrf1)  }
0x1d2: {  	v35 =	vmin.f32 v32, v31;
	v38 =	vpop (erf);
	v11 =	vmax.f32 v32, v31;
	(erf) = vpow2.f32 v36  }
0x1d3: {  	v10 =	vadd.f32 v31, v33;
	v24 =	vperm.xlane v63, v0;
	v26 =	vperm.xlane v63, v1  }
0x1d4: {  	v27 =	vperm.xlane v62, v0;
	v31, v32, _ =	vpop (xrf1);
	v19 =	vmax.f32 v28, v35;
	v40 =	vmin.f32 v11, v38  }
0x1d5: {  	v39 =	vpop (erf);
	v11 =	vmax.f32 v11, v38;
	(erf) = vpow2.f32 v37;
	v34 =	vperm.xlane v31, v1  }
0x1d6: {  	v30 =	vld [tilespmem:s20+$0x80];
	v28, _, _ =	vpop (xrf2);
	v37 =	vperm.xlane v31, v0;
	v14 =	vmax.f32 v19, v40;
	v42 =	vmin.f32 v11, v39  }
0x1d7: {  	v43 =	vpop (erf);
	v10 =	vadd.f32 v38, v10;
	v11 =	vmax.f32 v11, v39;
	v6 =	vmax.f32 v26, v27  }
0x1d8: {  	v7 =	vperm.xlane v28, v2;
	v3 =	vsel vm3, v3, v24;
	v44 =	vmax.f32 v14, v42;
	v45 =	vpop (erf)  }
0x1d9: {  	v33 =	vld [tilespmem:s20+$0x90];
	v35, _, _ =	vpop (xrf2);
	v4 =	vsel vm3, v4, v6;
	v3 =	vsel vm4, v3, v37;
	v47 =	vmax.f32 v43, v45  }
0x1da: {  	(xrf2) =	vadd.scan.msk.f32 $0xffff, v41;
	v46 =	vpop (erf);
	v48 =	vadd.f32 v45, v43;
	v14 =	vmin.f32 v43, v45;
	v10 =	vadd.f32 v39, v10  }
0x1db: {  	(xrf1) =	vsort.dscd.msk.f32 $0xffff, v11, v44;
	v5 =	vsel vm3, v5, v7;
	v38, v39, _ =	vpop (xrf1);
	v40 =	vperm.xlane v35, v2;
	v43 =	vmul.f32 $1.442695020e+00, v30  }
0x1dc: {  	v49 =	vpop (erf);
	v50 =	vmin.f32 v47, v46;
	v18 =	vmax.f32 v47, v46;
	v41 =	vperm.xlane v38, v0  }
0x1dd: {  	v14 =	vmax.f32 v14, v50;
	v51 =	vadd.f32 v46, v48;
	v52 =	vmin.f32 v18, v49  }
0x1de: {  	v17 =	vld [tilespmem:s20+$0xF0];
	v53 =	vpop (erf);
	v55 =	vmax.f32 v18, v49;
	v46 =	vmul.f32 $1.442695020e+00, v33;
	v54 =	vmax.f32 v14, v52  }
0x1df: {  	v36 =	vld [tilespmem:s20+$0xA0];
	(xrf2) =	vadd.scan.msk.f32 $0xffff, v10;
	v57 =	vmin.f32 v55, v53;
	v14 =	vmax.f32 v55, v53;
	v56 =	vpop (erf);
	v9 =	vadd.f32 v49, v51  }
0x1e0: {  	v37 =	vld [tilespmem:s20+$0x140];
	v13 =	vmax.f32 v54, v57;
	v58 =	vpop (erf);
	v59 =	vmin.f32 v14, v56;
	v14 =	vmax.f32 v14, v56  }
0x1e1: {  	v44 =	vld [tilespmem:s20+$0xB0];
	v60 =	vpop (erf);
	v13 =	vmax.f32 v13, v59;
	v61 =	vmin.f32 v14, v58;
	v14 =	vmax.f32 v14, v58  }
0x1e2: {  	v49 =	vld [tilespmem:s20+$0xC0];
	v9 =	vadd.f32 v53, v9;
	v22 =	vmax.f32 v13, v61;
	v23 =	vmin.f32 v14, v60  }
0x1e3: {  	(erf) = vpow2.f32 v43;
	v54 =	vld [tilespmem:s20+$0xD0];
	v25 =	vmax.f32 v14, v60;
	v11 =	vmax.f32 v22, v23  }
0x1e4: {  	v48 =	vmul.f32 $1.442695020e+00, v36;
	(erf) = vpow2.f32 v46;
	v59 =	vld [tilespmem:s20+$0xE0];
	v9 =	vadd.f32 v56, v9;
	(xrf1) =	vsort.dscd.msk.f32 $0xffff, v25, v11  }
0x1e5: {  	v42 =	vperm.xlane v38, v1;
	v45 =	vperm.xlane v39, v0;
	v5 =	vsel vm4, v5, v40;
	v47, _, _ =	vpop (xrf2);
	v22 =	vld [tilespmem:s20+$0x100]  }
0x1e6: {  	v50 =	vperm.xlane v47, v2;
	(erf) = vpow2.f32 v48;
	v25 =	vld [tilespmem:s20+$0x110];
	v29 =	vadd.f32 v58, v9  }
0x1e7: {  	v6 =	vmax.f32 v42, v45;
	v13 =	vmul.f32 $1.442695020e+00, v37;
	v11 =	vperm.xlane v32, v0  }
0x1e8: {  	v62 =	vmul.f32 $1.442695020e+00, v49;
	v7 =	vmul.f32 $1.442695020e+00, v54;
	v8 =	vadd.f32 v60, v29  }
0x1e9: {  	v11 =	vmax.f32 v34, v11;
	v24 =	vmul.f32 $1.442695020e+00, v59;
	v56, _, _ =	vpop (xrf2);
	v29 =	vmul.f32 $1.442695020e+00, v17  }
0x1ea: {  	v27 =	vld [tilespmem:s20+$0x120];
	v4 =	vsel vm4, v4, v11;
	v58 =	vperm.xlane v56, v2;
	v11 =	vmul.f32 $1.442695020e+00, v22;
	(xrf2) =	vadd.scan.msk.f32 $0xffff, v8  }
0x1eb: {  	v3 =	vsel vm5, v3, v41;
	v34 =	vld [tilespmem:s20+$0x130];
	v52, v51, _ =	vpop (xrf1);
	v8 =	vmul.f32 $1.442695020e+00, v44;
	v36 =	vmul.f32 $1.442695020e+00, v25  }
0x1ec: {  	v5 =	vsel vm5, v5, v50;
	v23 =	vpop (erf);
	v44 =	vld [tilespmem:s20+$0x170];
	v53 =	vperm.xlane v52, v1;
	v55 =	vperm.xlane v51, v0  }
0x1ed: {  	v49 =	vld [tilespmem:s20+$0x190];
	v4 =	vsel vm5, v4, v6;
	v26 =	vpop (erf);
	v57 =	vperm.xlane v52, v0;
	(erf) = vpow2.f32 v8  }
0x1ee: {  	v19 =	vsel vm6, v5, v58;
	v30 =	vmax.f32 v23, v26;
	(erf) = vpow2.f32 v62;
	v62 =	vld [tilespmem:s20+$0x1C0]  }
0x1ef: {  	v28 =	vpop (erf);
	v31 =	vmin.f32 v23, v26;
	v8 =	vmul.f32 $1.442695020e+00, v27;
	(erf) = vpow2.f32 v7  }
0x1f0: {  	v52 =	vld [tilespmem:s20+$0x1A0];
	v32 =	vmin.f32 v30, v28;
	v12 =	vmul.f32 $1.442695020e+00, v34;
	(erf) = vpow2.f32 v24  }
0x1f1: {  	v59 =	vld [tilespmem:s20+$0x1B0];
	v10 =	vmax.f32 v30, v28;
	v51 =	vmul.f32 $1.442695020e+00, v44;
	(erf) = vpow2.f32 v29  }
0x1f2: {  	v6 =	vmax.f32 v53, v55;
	(erf) = vpow2.f32 v11;
	v11 =	vmul.f32 $1.442695020e+00, v49;
	v61, v60, _ =	vpop (xrf1)  }
0x1f3: {  	v42 =	vld [tilespmem:s20+$0x160];
	v3 =	vsel vm6, v3, v57;
	v14 =	vmul.f32 $1.442695020e+00, v62;
	v63 =	vperm.xlane v61, v1  }
0x1f4: {  	v33 =	vmax.f32 v31, v32;
	v16 =	vperm.xlane v60, v0;
	v18, _, _ =	vpop (xrf2);
	v20 =	vperm.xlane v61, v0  }
0x1f5: {  	v40 =	vld [tilespmem:s20+$0x150];
	v6 =	vsel vm6, v4, v6;
	v61 =	vmul.f32 $1.442695020e+00, v52;
	v21 =	vperm.xlane v18, v2  }
0x1f6: {  	v48 =	vld [tilespmem:s20+$0x180];
	v35 =	vpop (erf);
	(erf) = vpow2.f32 v36;
	v18 =	vmul.f32 $1.442695020e+00, v59;
	v9 =	vmax.f32 v63, v16  }
0x1f7: {  	v4 =	vsel vm7, v3, v20;
	v38 =	vmin.f32 v10, v35;
	v10 =	vmax.f32 v10, v35  }
0x1f8: {  	v39 =	vpop (erf);
	(erf) = vpow2.f32 v8;
	v8 =	vmul.f32 $1.442695020e+00, v42;
	v5 =	vsel vm7, v6, v9  }
0x1f9: {  	v3 =	vsel vm7, v19, v21;
	v6 =	vadd.f32 v26, v23;
	v7 =	vmax.f32 v33, v38  }
0x1fa: {  	v41 =	vmin.f32 v10, v39;
	v43 =	vpop (erf);
	v10 =	vmax.f32 v10, v39;
	(erf) = vpow2.f32 v12  }
0x1fb: {  	v9 =	vmul.f32 $1.442695020e+00, v40;
	v12 =	vmul.f32 $1.442695020e+00, v48;
	v26 =	vld [tilespmem:s20+$0x1E0];
	v6 =	vadd.f32 v28, v6  }
0x1fc: {  	v7 =	vmax.f32 v7, v41;
	v45 =	vmin.f32 v10, v43;
	v46 =	vpop (erf);
	(erf) = vpow2.f32 v13  }
0x1fd: {  	v23 =	vld [tilespmem:s20+$0x1D0];
	v10 =	vmax.f32 v10, v43;
	v50 =	vpop (erf);
	(erf) = vpow2.f32 v9;
	v6 =	vadd.f32 v35, v6  }
0x1fe: {  	v7 =	vmax.f32 v7, v45;
	v47 =	vmin.f32 v10, v46;
	v10 =	vmax.f32 v10, v46  }
0x1ff: {  	v7 =	vmax.f32 v7, v47;
	v54 =	vpop (erf);
	(erf) = vpow2.f32 v8;
	v6 =	vadd.f32 v39, v6  }
0x200: {  	v53 =	vmin.f32 v10, v50;
	v35 =	vmul.f32 $1.442695020e+00, v26;
	v55 =	vpop (erf);
	(erf) = vpow2.f32 v51  }
0x201: {  	v47 =	vld [tilespmem:s20+$0x230];
	v6 =	vadd.f32 v43, v6;
	v57 =	vmax.f32 v54, v55;
	v58 =	vmin.f32 v54, v55  }
0x202: {  	v39 =	vld [tilespmem:s20+$0x210];
	v56 =	vpop (erf);
	v8 =	vadd.f32 v55, v54;
	(erf) = vpow2.f32 v12;
	v12 =	vmul.f32 $1.442695020e+00, v23  }
0x203: {  	v36 =	vld [tilespmem:s20+$0x200];
	v60 =	vmin.f32 v57, v56;
	v63 =	vpop (erf);
	(erf) = vpow2.f32 v11;
	v15 =	vadd.f32 v46, v6  }
0x204: {  	v51 =	vld [tilespmem:s20+$0x240];
	v6 =	vmax.f32 v7, v53;
	v7 =	vmax.f32 v10, v50;
	v16 =	vmax.f32 v58, v60  }
0x205: {  	v10 =	vmax.f32 v57, v56;
	v8 =	vadd.f32 v56, v8;
	v21 =	vpop (erf);
	(erf) = vpow2.f32 v61  }
0x206: {  	v30 =	vld [tilespmem:s20+$0x1F0];
	v22 =	vmin.f32 v10, v63;
	v10 =	vmax.f32 v10, v63;
	v25 =	vpop (erf);
	(erf) = vpow2.f32 v18  }
0x207: {  	v53 =	vld [tilespmem:s20+$0x250];
	v17 =	vmul.f32 $1.442695020e+00, v39;
	v18 =	vmul.f32 $1.442695020e+00, v47;
	v11 =	vmax.f32 v16, v22  }
0x208: {  	v57 =	vld [tilespmem:s20+$0x270];
	v24 =	vmin.f32 v10, v21;
	v8 =	vadd.f32 v63, v8;
	v28 =	vpop (erf);
	(erf) = vpow2.f32 v14  }
0x209: {  	v42 =	vld [tilespmem:s20+$0x220];
	v10 =	vmax.f32 v10, v21;
	v16 =	vmul.f32 $1.442695020e+00, v36;
	v60 =	vmul.f32 $1.442695020e+00, v51  }
0x20a: {  	v11 =	vmax.f32 v11, v24;
	v27 =	vmin.f32 v10, v25;
	v10 =	vmax.f32 v10, v25  }
0x20b: {  	v8 =	vadd.f32 v21, v8;
	v29 =	vmax.f32 v11, v27;
	v31 =	vmin.f32 v10, v28  }
0x20c: {  	v10 =	vmax.f32 v10, v28;
	v11 =	vmul.f32 $1.442695020e+00, v30;
	v9 =	vmax.f32 v29, v31  }
0x20d: {  	v27 =	vld [tilespmem:s20+$0x2A0];
	v62 =	vmul.f32 $1.442695020e+00, v53;
	v22 =	vmul.f32 $1.442695020e+00, v57;
	v32 =	vpop (erf);
	v19 =	vadd.f32 v25, v8  }
0x20e: {  	v55 =	vld [tilespmem:s20+$0x260];
	v8 =	vadd.f32 v50, v15;
	v50 =	vmul.f32 $1.442695020e+00, v42;
	v34 =	vpop (erf);
	(erf) = vpow2.f32 v12  }
0x20f: {  	v33 =	vmin.f32 v10, v32;
	v10 =	vmax.f32 v10, v32;
	v37 =	vadd.f32 v28, v19;
	v38 =	vpop (erf)  }
0x210: {  	v63 =	vld [tilespmem:s20+$0x280];
	v9 =	vmax.f32 v9, v33;
	(erf) = vpow2.f32 v35;
	v41 =	vmax.f32 v34, v38  }
0x211: {  	v40 =	vpop (erf);
	v43 =	vmin.f32 v34, v38;
	v15 =	vadd.f32 v38, v34;
	(erf) = vpow2.f32 v11  }
0x212: {  	v35 =	vmul.f32 $1.442695020e+00, v27;
	v44 =	vmin.f32 v41, v40;
	v12 =	vmax.f32 v41, v40  }
0x213: {  	v42 =	vld [tilespmem:s20+$0x2E0];
	v46 =	vpop (erf);
	(erf) = vpow2.f32 v16;
	v16 =	vmul.f32 $1.442695020e+00, v55;
	v15 =	vadd.f32 v40, v15  }
0x214: {  	v25 =	vld [tilespmem:s20+$0x290];
	v45 =	vmax.f32 v43, v44;
	v48 =	vmin.f32 v12, v46;
	v12 =	vmax.f32 v12, v46  }
0x215: {  	v49 =	vpop (erf);
	(erf) = vpow2.f32 v17;
	v17 =	vmul.f32 $1.442695020e+00, v63;
	v15 =	vadd.f32 v46, v15  }
0x216: {  	v11 =	vmax.f32 v45, v48;
	v52 =	vmin.f32 v12, v49;
	(erf) = vpow2.f32 v50  }
0x217: {  	v12 =	vmax.f32 v12, v49;
	v11 =	vmax.f32 v11, v52;
	v15 =	vadd.f32 v49, v15;
	v54 =	vpop (erf)  }
0x218: {  	v30 =	vld [tilespmem:s20+$0x2B0];
	v49 =	vmul.f32 $1.442695020e+00, v42;
	v56 =	vmin.f32 v12, v54;
	v12 =	vmax.f32 v12, v54  }
0x219: {  	v58 =	vpop (erf);
	v15 =	vadd.f32 v54, v15;
	(erf) = vpow2.f32 v18;
	v18 =	vmul.f32 $1.442695020e+00, v25  }
0x21a: {  	v11 =	vmax.f32 v11, v56;
	v59 =	vmin.f32 v12, v58;
	v12 =	vmax.f32 v12, v58  }
0x21b: {  	v39 =	vld [tilespmem:s20+$0x2D0];
	v24 =	vpop (erf);
	(erf) = vpow2.f32 v60;
	v61 =	vmax.f32 v11, v59;
	v15 =	vadd.f32 v58, v15  }
0x21c: {  	v26 =	vmin.f32 v12, v24;
	(erf) = vpow2.f32 v62;
	v11 =	vadd.f32 v32, v37;
	v37 =	vld [tilespmem:s20+$0x2C0]  }
0x21d: {  	v28 =	vpop (erf);
	v14 =	vmax.f32 v12, v24;
	(erf) = vpow2.f32 v16;
	v16 =	vmul.f32 $1.442695020e+00, v30;
	v30 =	vld [tilespmem:s20+$0x360]  }
0x21e: {  	v58 =	vld [tilespmem:s20+$0x330];
	v13 =	vmax.f32 v61, v26;
	v29 =	vpop (erf);
	v12 =	vadd.f32 v24, v15;
	(erf) = vpow2.f32 v22  }
0x21f: {  	v50 =	vld [tilespmem:s20+$0x300];
	v31 =	vpop (erf);
	v32 =	vmax.f32 v28, v29;
	v33 =	vmin.f32 v28, v29;
	v15 =	vadd.f32 v29, v28  }
0x220: {  	v63 =	vld [tilespmem:s20+$0x350];
	v34 =	vmin.f32 v32, v31;
	(erf) = vpow2.f32 v17;
	v21 =	vmax.f32 v32, v31  }
0x221: {  	v45 =	vld [tilespmem:s20+$0x2F0];
	v17 =	vmul.f32 $1.442695020e+00, v39;
	v19 =	vmax.f32 v33, v34;
	(erf) = vpow2.f32 v18  }
0x222: {  	v61 =	vld [tilespmem:s20+$0x340];
	v15 =	vadd.f32 v31, v15;
	v18 =	vmul.f32 $1.442695020e+00, v37;
	v42 =	vmul.f32 $1.442695020e+00, v30;
	v36 =	vpop (erf)  }
0x223: {  	v34 =	vld [tilespmem:s20+$0x370];
	(erf) = vpow2.f32 v35;
	v35 =	vmul.f32 $1.442695020e+00, v58;
	v38 =	vmin.f32 v21, v36  }
0x224: {  	v40 =	vpop (erf);
	v41 =	vmax.f32 v21, v36;
	v15 =	vadd.f32 v36, v15;
	v21 =	vmul.f32 $1.442695020e+00, v50  }
0x225: {  	v36 =	vld [tilespmem:s20+$0x380];
	v19 =	vmax.f32 v19, v38;
	v44 =	vmin.f32 v41, v40;
	v20 =	vmax.f32 v41, v40  }
0x226: {  	v50 =	vld [tilespmem:s20+$0x3C0];
	v43 =	vpop (erf);
	(erf) = vpow2.f32 v16;
	v16 =	vmul.f32 $1.442695020e+00, v45;
	v15 =	vadd.f32 v40, v15  }
0x227: {  	v55 =	vld [tilespmem:s20+$0x320];
	v38 =	vmul.f32 $1.442695020e+00, v61;
	v41 =	vmul.f32 $1.442695020e+00, v63;
	v19 =	vmax.f32 v19, v44  }
0x228: {  	v52 =	vld [tilespmem:s20+$0x310];
	v46 =	vmin.f32 v20, v43;
	v47 =	vpop (erf);
	v20 =	vmax.f32 v20, v43;
	v44 =	vmul.f32 $1.442695020e+00, v34  }
0x229: {  	v19 =	vmax.f32 v19, v46;
	v48 =	vmin.f32 v20, v47;
	v20 =	vmax.f32 v20, v47  }
0x22a: {  	v39 =	vld [tilespmem:s20+$0x390];
	v22 =	vadd.f32 v43, v15;
	v46 =	vmul.f32 $1.442695020e+00, v36;
	v15 =	vpop (erf);
	(erf) = vpow2.f32 v18  }
0x22b: {  	v19 =	vmax.f32 v19, v48;
	v63 =	vmul.f32 $1.442695020e+00, v50;
	v51 =	vpop (erf);
	(erf) = vpow2.f32 v17  }
0x22c: {  	v22 =	vadd.f32 v47, v22;
	v18 =	vmul.f32 $1.442695020e+00, v55;
	v54 =	vpop (erf);
	(erf) = vpow2.f32 v49  }
0x22d: {  	v53 =	vmin.f32 v20, v15;
	v17 =	vmul.f32 $1.442695020e+00, v52;
	(erf) = vpow2.f32 v16  }
0x22e: {  	v20 =	vmax.f32 v20, v15;
	v19 =	vmax.f32 v19, v53;
	(erf) = vpow2.f32 v21  }
0x22f: {  	v43 =	vld [tilespmem:s20+$0x3A0];
	v49 =	vmul.f32 $1.442695020e+00, v39;
	v15 =	vadd.f32 v15, v22;
	(erf) = vpow2.f32 v17  }
0x230: {  	v56 =	vpop (erf);
	v57 =	vmax.f32 v51, v54;
	v59 =	vmin.f32 v51, v54;
	(erf) = vpow2.f32 v18  }
0x231: {  	v47 =	vld [tilespmem:s20+$0x3B0];
	v23 =	vadd.f32 v54, v51;
	v60 =	vmin.f32 v57, v56;
	(erf) = vpow2.f32 v35  }
0x232: {  	v62 =	vpop (erf);
	v16 =	vmax.f32 v57, v56;
	v25 =	vmax.f32 v59, v60;
	(erf) = vpow2.f32 v38  }
0x233: {  	v23 =	vadd.f32 v56, v23;
	v33 =	vmin.f32 v16, v62;
	v56 =	vld [tilespmem:s20+$0x3D0];
	v37 =	vpop (erf);
	(erf) = vpow2.f32 v41  }
0x234: {  	v53 =	vmul.f32 $1.442695020e+00, v43;
	v24 =	vmax.f32 v25, v33;
	v33 =	vld [tilespmem:s20+$0x3E0];
	v45 =	vpop (erf);
	(erf) = vpow2.f32 v42  }
0x235: {  	v16 =	vmax.f32 v16, v62;
	v23 =	vadd.f32 v62, v23;
	v26 =	vpop (erf);
	(erf) = vpow2.f32 v44  }
0x236: {  	v58 =	vmul.f32 $1.442695020e+00, v47;
	v35 =	vld [tilespmem:s20+$0x3F0];
	v40 =	vmin.f32 v16, v37;
	v28 =	vpop (erf);
	(erf) = vpow2.f32 v46  }
0x237: {  	v16 =	vmax.f32 v16, v37;
	v23 =	vadd.f32 v37, v23;
	v52 =	vpop (erf);
	(erf) = vpow2.f32 v49  }
0x238: {  	v38 =	vmul.f32 $1.442695020e+00, v56;
	v24 =	vmax.f32 v24, v40;
	v48 =	vmin.f32 v16, v45;
	v54 =	vpop (erf)  }
0x239: {  	(xrf1) =	vsort.dscd.msk.f32 $0xffff, v7, v6;
	v16 =	vmax.f32 v16, v45;
	v43 =	vmul.f32 $1.442695020e+00, v33;
	v31 =	vpop (erf);
	(erf) = vpow2.f32 v53  }
0x23a: {  	v24 =	vmax.f32 v24, v48;
	v51 =	vmin.f32 v16, v26;
	v21 =	vadd.f32 v45, v23;
	v59 =	vpop (erf)  }
0x23b: {  	(xrf1) =	vsort.dscd.msk.f32 $0xffff, v10, v9;
	v16 =	vmax.f32 v16, v26;
	v45 =	vmul.f32 $1.442695020e+00, v35;
	(erf) = vpow2.f32 v58;
	v61 =	vpop (erf)  }
0x23c: {  	(xrf2) =	vadd.scan.msk.f32 $0xffff, v8;
	v55 =	vmax.f32 v24, v51;
	v57 =	vmin.f32 v16, v28;
	v16 =	vmax.f32 v16, v28;
	v34 =	vpop (erf)  }
0x23d: {  	(xrf1) =	vsort.dscd.msk.f32 $0xffff, v14, v13;
	v23 =	vmax.f32 v55, v57;
	v21 =	vadd.f32 v26, v21;
	v36 =	vpop (erf);
	(erf) = vpow2.f32 v63  }
0x23e: {  	v60 =	vmax.f32 v52, v54;
	v32 =	vmin.f32 v52, v54;
	v27 =	vadd.f32 v54, v52;
	v39 =	vpop (erf)  }
0x23f: {  	(xrf2) =	vadd.scan.msk.f32 $0xffff, v11;
	v62 =	vmin.f32 v60, v31;
	v29 =	vmax.f32 v60, v31;
	(erf) = vpow2.f32 v38;
	v41 =	vpop (erf)  }
0x240: {  	(xrf2) =	vadd.scan.msk.f32 $0xffff, v12;
	v21 =	vadd.f32 v28, v21;
	v7 =	vmax.f32 v32, v62;
	v37 =	vmin.f32 v29, v59;
	v44 =	vpop (erf)  }
0x241: {  	(xrf1) =	vsort.dscd.msk.f32 $0xffff, v20, v19;
	v40 =	vmax.f32 v29, v59;
	(erf) = vpow2.f32 v43;
	v46 =	vadd.f32 v44, v41  }
0x242: {  	(xrf2) =	vadd.scan.msk.f32 $0xffff, v15;
	v27 =	vadd.f32 v31, v27;
	v7 =	vmax.f32 v7, v37;
	v42 =	vmin.f32 v40, v61;
	v47 =	vpop (erf)  }
0x243: {  	(xrf1) =	vsort.dscd.msk.f32 $0xffff, v16, v23;
	v10 =	vmax.f32 v40, v61;
	(erf) = vpow2.f32 v45;
	v49 =	vadd.f32 v47, v46  }
0x244: {  	(xrf2) =	vadd.scan.msk.f32 $0xffff, v21;
	v25 =	vadd.f32 v59, v27;
	v7 =	vmax.f32 v7, v42;
	v48 =	vmin.f32 v10, v34;
	v50 =	vpop (erf)  }
0x245: {  	v10 =	vmax.f32 v10, v34;
	v7 =	vmax.f32 v7, v48;
	v17 =	vadd.f32 v50, v49  }
0x246: {  	v51 =	vmin.f32 v10, v36;
	v53 =	vmax.f32 v10, v36;
	v6 =	vadd.f32 v61, v25;
	v52 =	vpop (erf)  }
0x247: {  	v21, _, _ =	vpop (xrf2);
	v7 =	vmax.f32 v7, v51;
	v57 =	vmin.f32 v53, v39;
	v54 =	vadd.f32 v52, v17  }
0x248: {  	v8 =	vmax.f32 v53, v39;
	v6 =	vadd.f32 v34, v6;
	v56 =	vmax.f32 v41, v44;
	v55 =	vpop (erf)  }
0x249: {  	v27, _, _ =	vpop (xrf2);
	v13 =	vmin.f32 v41, v44;
	v58 =	vmin.f32 v56, v47;
	v9 =	vadd.f32 v55, v54  }
0x24a: {  	v6 =	vadd.f32 v36, v6;
	v16 =	vmax.f32 v56, v47;
	v11 =	vmax.f32 v13, v58;
	v59 =	vpop (erf)  }
0x24b: {  	v30, _, _ =	vpop (xrf2);
	v60 =	vmin.f32 v16, v50;
	v61 =	vmax.f32 v16, v50;
	v9 =	vadd.f32 v59, v9  }
0x24c: {  	v6 =	vadd.f32 v39, v6;
	v11 =	vmax.f32 v11, v60;
	v62 =	vmin.f32 v61, v52;
	v63 =	vpop (erf)  }
0x24d: {  	v32, _, _ =	vpop (xrf2);
	v13 =	vmax.f32 v61, v52;
	v11 =	vmax.f32 v11, v62;
	v9 =	vadd.f32 v63, v9  }
0x24e: {  	v7 =	vmax.f32 v7, v57;
	v36 =	vperm.xlane v30, v2;
	v37, _, _ =	vpop (xrf2);
	(xrf2) =	vadd.scan.msk.f32 $0xffff, v6;
	v16 =	vmin.f32 v13, v55  }
0x24f: {  	v40 =	vperm.xlane v37, v2;
	v10 =	vmax.f32 v13, v55;
	v18 =	vmax.f32 v11, v16;
	(xrf2) =	vadd.scan.msk.f32 $0xffff, v9  }
0x250: {  	v13 =	vmin.f32 v10, v59;
	v10 =	vmax.f32 v10, v59;
	v11, v12, _ =	vpop (xrf1);
	(xrf1) =	vsort.dscd.msk.f32 $0xffff, v8, v7  }
0x251: {  	v6 =	vmax.f32 v18, v13;
	v8 =	vperm.xlane v21, v2;
	v20 =	vmin.f32 v10, v63  }
0x252: {  	v19 =	vperm.xlane v11, v1;
	v23 =	vmax.f32 v10, v63;
	v6 =	vmax.f32 v6, v20  }
0x253: {  	v22 =	vperm.xlane v12, v0;
	v24 =	vperm.xlane v11, v0;
	v26, v25, _ =	vpop (xrf1);
	(xrf1) =	vsort.dscd.msk.f32 $0xffff, v23, v6  }
0x254: {  	v10 =	vperm.xlane v32, v2;
	v29 =	vperm.xlane v26, v1  }
0x255: {  	v12 =	vperm.xlane v25, v0;
	v6 =	vperm.xlane v27, v2  }
0x256: {  	v31 =	vperm.xlane v26, v0;
	v3 =	vsel vm8, v3, v8;
	v35, v34, _ =	vpop (xrf1);
	v28 =	vmax.f32 v19, v22  }
0x257: {  	v4 =	vsel vm8, v4, v24;
	v38 =	vperm.xlane v35, v1;
	v3 =	vsel vm9, v3, v6  }
0x258: {  	v11 =	vperm.xlane v34, v0;
	v41 =	vperm.xlane v35, v0;
	v39, _, _ =	vpop (xrf2);
	v3 =	vsel vm10, v3, v36  }
0x259: {  	v5 =	vsel vm8, v5, v28;
	v3 =	vsel vm11, v3, v10;
	v42 =	vperm.xlane v39, v2;
	v43, _, _ =	vpop (xrf2)  }
0x25a: {  	v45, v44, _ =	vpop (xrf1);
	v33 =	vmax.f32 v29, v12;
	v3 =	vsel vm12, v3, v40;
	v46 =	vperm.xlane v43, v2  }
0x25b: {  	v4 =	vsel vm9, v4, v31;
	v47 =	vperm.xlane v45, v1;
	v3 =	vsel vm13, v3, v42  }
0x25c: {  	v48 =	vperm.xlane v44, v0;
	v49 =	vperm.xlane v45, v0;
	v51, v50, _ =	vpop (xrf1);
	v3 =	vsel vm14, v3, v46  }
0x25d: {  	v5 =	vsel vm9, v5, v33;
	v6 =	vmax.f32 v38, v11;
	v54 =	vperm.xlane v51, v1  }
0x25e: {  	v4 =	vsel vm10, v4, v41;
	v9 =	vperm.xlane v50, v0;
	(erf) = vrcp.f32 v3  }
0x25f: {  	v55 =	vperm.xlane v51, v0;
	v5 =	vsel vm10, v5, v6;
	v52 =	vmax.f32 v47, v48;
	v3, v53, _ =	vpop (xrf1)  }
0x260: {  	v4 =	vsel vm11, v4, v49;
	v5 =	vsel vm11, v5, v52;
	v56 =	vperm.xlane v3, v0  }
0x261: {  	v8 =	vmax.f32 v54, v9;
	v3 =	vperm.xlane v3, v1;
	v57 =	vperm.xlane v53, v0;
	v59, v58, _ =	vpop (xrf1)  }
0x262: {  	v4 =	vsel vm12, v4, v55;
	v60 =	vperm.xlane v59, v1;
	v11 =	vperm.xlane v58, v0  }
0x263: {  	v5 =	vsel vm12, v5, v8;
	v61 =	vperm.xlane v59, v0;
	v3 =	vmax.f32 v3, v57  }
0x264: {  	s19 =	sadd.s32 $0x10, s19;
	v4 =	vsel vm13, v4, v56;
	v3 =	vsel vm13, v5, v3;
	v62 =	vmax.f32 v60, v11  }
0x265: {  	p1 =	slt.u32 s19, $0xF0;
	v4 =	vsel vm14, v4, v61;
	v3 =	vsel vm14, v3, v62  }
.Ltmp3:
0x266: {  	v3 =	vsub.f32 v3, v4;
	(pc) =	sbr.rel @p1 .LBB2_5-.Ltmp3, $4  }
0x267: {  	s21 =	sand.u32 $0x80, s19;
	v63 =	vpop (erf)  }
0x268: {  	s22 =	sand.u32 $0x70, s19;
	s21 =	sadd.s32 s21, s17;
	v3 =	vmul.f32 v63, v3  }
0x269: {  	s21 =	sadd.s32 s22, s21  }
0x26a: {  	s20 =	sadd.s32 $0x800, s20;
	[tilespmem:s21+$0x100] =	vst v3  }
.Ltmp4:
0x26b: {  	(pc) =	sbr.rel @p0 .LBB2_8-.Ltmp4, $1  }
0x26c: {  	_ =	sdelay $0x3  }
.Ltmp5:
0x26d: {  	(pc) =	sbr.rel .LBB2_2-.Ltmp5, $4  }
0x26e: {  	s17 =	sadd.s32 s18, s7  }
0x26f: {  	s17 =	sshrl.u32 s17, $0x3  }
0x270: {  	s16 =	sadd.s32 $0x1, s16;
	s17 =	sadd.s32 s2, s17  }
0x271: {  	[tilespmem:s10], [sflag:$0x2] =	stream.linear.gather [hbm4b:s17+s3], $0x8000, $0x38;
	[tilespmem:$0x11800] =	vst v63  }
.LBB2_9:
0x272: {  	_ =	sfence.sel $0x180000  }
0x273: {  	[bflag:$0x0] =	sbarrier.arrive $0xFFFF  }
0x274: {  	p0 =	sne.s32 s0, $0x0;
	_ =	strace $0x90000047  }
0x275: {  	s0 =	sadd.s32 @!p0 $0x100000, s1;
	[bflag:$0x2] =	sbarrier.arrive $0xFFFF  }
0x276: {  	[sflag:s0] =	ssyncadd.tile.s32 @!p0 $0x1;
	_ =	shalt  }
.Lfunc_end2:
_tile_overlayer_lowered:
.L_overlay_start_2:
0x277: {  	(tag) =	ssettag $0x2  }
0x278: {  	s0 =	rddreg [dreg:$0x0];
	s2 =	stileid.u32  }
0x279: {  	s1 =	rddreg [dreg:$0x1];
	p0 =	sne.s32 s2, $0x0  }
0x27a: {  	s3 =	rddreg [dreg:$0x2];
	[bflag:$0x3] =	sbarrier.arrive $0xFFFF;
	s2 =	simm.s32 @!p0 $0x1C03  }
0x27b: {  	[timem:s3], [sflag:s2] =	dma.local @!p0 [hbm:s0], s1  }
0x27c: {  	s0 =	simm.s32 @!p0 $0x3  }
0x27d: {  	_ =	swait.ge @!p0 [sflag:s0], s1  }
0x27e: {  	s1 =	ssub.s32 @!p0 $0x0, s1;
	[sflag:s0] =	ssyncset.done @!p0 $0x0  }
0x27f: {  	[sflag:s0] =	ssyncadd.s32 @!p0 s1  }
0x280: {  	[bflag:$0x3] =	sbarrier.arrive $0xFFFF  }
0x281: {  	_ =	shalt  }

</sc_bundles>
